<compile_context>
chip_gen: v7x
topology: tpu7x:2x2x1
jax: 0.10.2.dev20260603
libtpu: 0.0.44.dev20260713+nightly
codegen_flags: <defaults>
</compile_context>

<pallas_src>
import functools

import jax
import jax.numpy as jnp
import numpy as np
from jax import lax
from jax.experimental import pallas as pl
from jax.experimental.pallas import tpu as pltpu
from jax.experimental.pallas import tpu_sc as plsc

N = 10000
E = 320000
D = 128

NC = 2
NS = 16
NW = NC * NS

NP = 10240
RPT = NP // NS
CH = 64
EPW = E // NW
PADW = 240
IBK = 20
NBLK = (EPW + PADW) // (IBK * CH)
NB = 4

DCH = 128
NCH = (EPW + PADW) // DCH
NDS = 4

_MESH = plsc.VectorSubcoreMesh(
    core_axis_name="c", subcore_axis_name="s", num_cores=NC, num_subcores=NS
)


@functools.partial(
    pl.kernel,
    out_type=jax.ShapeDtypeStruct((NC, NP), jnp.float32),
    mesh=_MESH,
    scratch_types=[
        pltpu.VMEM_SHARED((NP,), jnp.float32),
        pltpu.VMEM((NCH, DCH), jnp.int32),
        pltpu.VMEM((DCH,), jnp.float32),
        pltpu.VMEM((RPT,), jnp.float32),
        [pltpu.SemaphoreType.DMA] * NDS,
    ],
)
def _deg_pass(dst_hbm, out_hbm, deg_sh, idx_v, ones_v, zero_v, dsem):
    c = lax.axis_index("c")
    s = lax.axis_index("s")
    w = c * NS + s

    def fill(i, _):
        zero_v[pl.ds(i * 16, 16)] = jnp.zeros((16,), jnp.float32)
        return ()

    lax.fori_loop(0, RPT // 16, fill, ())
    for j in range(DCH // 16):
        ones_v[pl.ds(j * 16, 16)] = jnp.ones((16,), jnp.float32)

    pltpu.sync_copy(dst_hbm.at[w], idx_v)
    pltpu.sync_copy(zero_v, deg_sh.at[pl.ds(s * RPT, RPT)])
    plsc.subcore_barrier()

    def body(t, _):
        for r in range(NDS):
            g = t * NDS + r

            @pl.when(t > 0)
            def _():
                pltpu.make_async_copy(
                    ones_v, deg_sh.at[idx_v.at[0]], dsem[r]).wait()

            pltpu.async_copy(ones_v, deg_sh.at[idx_v.at[g]], dsem[r],
                             add=True)
        return ()

    lax.fori_loop(0, NCH // NDS, body, ())
    for r in range(NDS):
        pltpu.make_async_copy(ones_v, deg_sh.at[idx_v.at[0]], dsem[r]).wait()
    plsc.subcore_barrier()
    pltpu.sync_copy(deg_sh.at[pl.ds(s * RPT, RPT)],
                    out_hbm.at[c, pl.ds(s * RPT, RPT)])


@functools.partial(
    pl.kernel,
    out_type=jax.ShapeDtypeStruct((NC, NP, D), jnp.float32),
    mesh=_MESH,
    scratch_types=[
        pltpu.VMEM_SHARED((NP, D), jnp.float32),
        [pltpu.VMEM((IBK, CH), jnp.int32)] * 2,
        [pltpu.VMEM((IBK, CH), jnp.int32)] * 2,
        [pltpu.VMEM((CH, D), jnp.float32)] * NB,
        pltpu.VMEM((16, D), jnp.float32),
        [pltpu.SemaphoreType.DMA] * NB,
        [pltpu.SemaphoreType.DMA] * NB,
        [pltpu.SemaphoreType.DMA] * 2,
    ],
)
def _edge_pass(hs_hbm, src_hbm, dst_hbm, out_hbm,
               acc_sh, srcb, dstb, rows, zv, gsem, ssem, isem):
    c = lax.axis_index("c")
    s = lax.axis_index("s")
    w = c * NS + s

    def fill(i, _):
        for j in range(D // 16):
            zv[i, pl.ds(j * 16, 16)] = jnp.zeros((16,), jnp.float32)
        return ()

    lax.fori_loop(0, 16, fill, ())

    def zacc(t, _):
        for r in range(NB):
            k = t * NB + r

            @pl.when(t > 0)
            def _():
                pltpu.make_async_copy(
                    zv, acc_sh.at[pl.ds(s * RPT, 16)], gsem[r]).wait()

            pltpu.async_copy(
                zv, acc_sh.at[pl.ds(s * RPT + k * 16, 16)], gsem[r])
        return ()

    lax.fori_loop(0, RPT // 16 // NB, zacc, ())
    for r in range(NB):
        pltpu.make_async_copy(
            zv, acc_sh.at[pl.ds(s * RPT, 16)], gsem[r]).wait()
    plsc.subcore_barrier()

    pltpu.sync_copy(src_hbm.at[w, 0], srcb[0])
    pltpu.sync_copy(dst_hbm.at[w, 0], dstb[0])

    def proc(sb, db):
        for b in range(NB - 1):
            pltpu.async_copy(hs_hbm.at[sb.at[b]], rows[b], gsem[b])

        def grp(t, _):
            scat = [None] * NB
            for b in range(NB):
                j = t * NB + b
                pltpu.make_async_copy(
                    hs_hbm.at[sb.at[j]], rows[b], gsem[b]).wait()
                scat[b] = pltpu.async_copy(
                    rows[b], acc_sh.at[db.at[j]], ssem[b], add=True)
                nb = (b + NB - 1) % NB
                if b == 0:
                    @pl.when(t > 0)
                    def _():
                        pltpu.make_async_copy(
                            rows[nb], acc_sh.at[db.at[0]], ssem[nb]).wait()

                    pltpu.async_copy(
                        hs_hbm.at[sb.at[j + NB - 1]], rows[nb], gsem[nb])
                else:
                    prev = scat[b - 1]

                    @pl.when(t < IBK // NB - 1)
                    def _():
                        prev.wait()
                        pltpu.async_copy(
                            hs_hbm.at[sb.at[j + NB - 1]], rows[nb],
                            gsem[nb])
            return ()

        lax.fori_loop(0, IBK // NB, grp, ())
        for b in range(NB):
            pltpu.make_async_copy(
                rows[b], acc_sh.at[db.at[0]], ssem[b]).wait()

    def pair(u, _):
        for pb in range(2):
            bk = 2 * u + pb
            nxt = pb ^ 1

            @pl.when(bk < NBLK - 1)
            def _():
                pltpu.async_copy(src_hbm.at[w, bk + 1], srcb[nxt], isem[0])
                pltpu.async_copy(dst_hbm.at[w, bk + 1], dstb[nxt], isem[1])

            proc(srcb[pb], dstb[pb])

            @pl.when(bk < NBLK - 1)
            def _():
                pltpu.make_async_copy(
                    src_hbm.at[w, 0], srcb[nxt], isem[0]).wait()
                pltpu.make_async_copy(
                    dst_hbm.at[w, 0], dstb[nxt], isem[1]).wait()
        return ()

    lax.fori_loop(0, NBLK // 2, pair, ())
    plsc.subcore_barrier()
    pltpu.sync_copy(acc_sh.at[pl.ds(s * RPT, RPT)],
                    out_hbm.at[c, pl.ds(s * RPT, RPT)])


RB = 2560


def _dinv(d0, d1):
    return lax.rsqrt(d0 + d1 + 1.0)


def _prep_body(x_ref, w_ref, d0_ref, d1_ref, o_ref):
    dinv = _dinv(d0_ref[...], d1_ref[...])
    o_ref[...] = jnp.dot(x_ref[...], w_ref[...],
                         preferred_element_type=jnp.float32) * dinv


def _mid_body(a0_ref, a1_ref, hs_ref, d0_ref, d1_ref, b_ref, w_ref, o_ref):
    dinv = _dinv(d0_ref[...], d1_ref[...])
    t = (a0_ref[...] + a1_ref[...] + hs_ref[...]) * dinv + b_ref[...]
    x2 = jnp.maximum(t, 0.0)
    o_ref[...] = jnp.dot(x2, w_ref[...],
                         preferred_element_type=jnp.float32) * dinv


def _final_body(a0_ref, a1_ref, hs_ref, d0_ref, d1_ref, b_ref, o_ref):
    dinv = _dinv(d0_ref[...], d1_ref[...])
    t = (a0_ref[...] + a1_ref[...] + hs_ref[...]) * dinv + b_ref[...]
    o_ref[...] = jnp.maximum(t, 0.0)


_row_spec = pl.BlockSpec((RB, D), lambda i: (i, 0))
_col_spec = pl.BlockSpec((RB, 1), lambda i: (i, 0))
_mat_spec = pl.BlockSpec((D, D), lambda i: (0, 0))
_bias_spec = pl.BlockSpec((1, D), lambda i: (0, 0))
_out_row = jax.ShapeDtypeStruct((NP, D), jnp.float32)

_prep = pl.pallas_call(
    _prep_body,
    grid=(NP // RB,),
    in_specs=[_row_spec, _mat_spec, _col_spec, _col_spec],
    out_specs=_row_spec,
    out_shape=_out_row,
)

_mid = pl.pallas_call(
    _mid_body,
    grid=(NP // RB,),
    in_specs=[_row_spec, _row_spec, _row_spec, _col_spec, _col_spec,
              _bias_spec, _mat_spec],
    out_specs=_row_spec,
    out_shape=_out_row,
)

_final = pl.pallas_call(
    _final_body,
    grid=(NP // RB,),
    in_specs=[_row_spec, _row_spec, _row_spec, _col_spec, _col_spec,
              _bias_spec],
    out_specs=_row_spec,
    out_shape=_out_row,
)

_PAD_SRC = np.asarray(
    (np.arange(NW * PADW, dtype=np.int64) * 41) % N, np.int32
).reshape(NW, PADW)
_PAD_DST = np.asarray(
    N + (np.arange(NW * PADW, dtype=np.int64) * 7) % (NP - N), np.int32
).reshape(NW, PADW)


def kernel(x, edge_index, W1, b1, W2, b2):
    src_p = jnp.concatenate(
        [edge_index[0].reshape(NW, EPW), jnp.asarray(_PAD_SRC)], axis=1)
    dst_p = jnp.concatenate(
        [edge_index[1].reshape(NW, EPW), jnp.asarray(_PAD_DST)], axis=1)
    src_r = src_p.reshape(NW, NBLK, IBK, CH)
    dst_r = dst_p.reshape(NW, NBLK, IBK, CH)
    dst_deg = dst_p.reshape(NW, NCH, DCH)
    x_pad = jnp.concatenate(
        [x, jnp.zeros((NP - N, D), jnp.float32)], axis=0)

    degp = _deg_pass(dst_deg)
    d0 = degp[0].reshape(NP, 1)
    d1 = degp[1].reshape(NP, 1)

    hs1 = _prep(x_pad, W1, d0, d1)
    acc1 = _edge_pass(hs1, src_r, dst_r)
    hs2 = _mid(acc1[0], acc1[1], hs1, d0, d1, b1.reshape(1, D), W2)
    acc2 = _edge_pass(hs2, src_r, dst_r)
    out = _final(acc2[0], acc2[1], hs2, d0, d1, b2.reshape(1, D))
    return out[:N]

# --- scband reference (transcript-rebuilt; emitter-appended) ---
"""Pipeline reference for scband-gnnauto-model-46849503264901 (READ-ONLY COPY).

The authoritative reference and input builder live on the scoring server;
editing this copy changes nothing except your own understanding.
"""

import jax, jax.numpy as jnp
import numpy as np

N = 10000
E = 320000
D = 128


def setup_inputs(seed: int = 0) -> dict:
    key = jax.random.key(seed)
    k1, k2, k3, k4 = jax.random.split(key, 4)
    x = jax.random.normal(k1, (N, D), dtype=jnp.float32)
    edge_index = jax.random.randint(k2, (2, E), 0, N, dtype=jnp.int32)
    W1 = jax.random.normal(k3, (D, D), dtype=jnp.float32) * (1.0 / np.sqrt(D))
    b1 = jnp.zeros((D,), dtype=jnp.float32)
    W2 = jax.random.normal(k4, (D, D), dtype=jnp.float32) * (1.0 / np.sqrt(D))
    b2 = jnp.zeros((D,), dtype=jnp.float32)
    return {"x": x, "edge_index": edge_index, "W1": W1, "b1": b1, "W2": W2, "b2": b2}


def gcn_conv(x, edge_index, W, b):
    # Faithful GCNConv: add self-loops, symmetric degree normalization,
    # linear transform, scatter-add aggregation, bias.
    n = x.shape[0]
    loop = jnp.arange(n, dtype=edge_index.dtype)
    src = jnp.concatenate([edge_index[0], loop])
    dst = jnp.concatenate([edge_index[1], loop])
    deg = jax.ops.segment_sum(jnp.ones_like(src, dtype=x.dtype), dst, num_segments=n)
    dinv = jnp.where(deg > 0, deg ** -0.5, 0.0)
    norm = dinv[src] * dinv[dst]
    h = x @ W
    msg = h[src] * norm[:, None]
    out = jax.ops.segment_sum(msg, dst, num_segments=n)
    return out + b


def reference(x, edge_index, W1, b1, W2, b2):
    h = jax.nn.relu(gcn_conv(x, edge_index, W1, b1))
    h = jax.nn.relu(gcn_conv(h, edge_index, W2, b2))
    return h

if __name__ == "__main__":
    import jax
    _d = setup_inputs()
    print(jax.jit(kernel)(*tuple(_d.values())))

</pallas_src>

<mosaic_0001>
#map = affine_map<(d0, d1) -> (0, 0)>
#map1 = affine_map<(d0, d1) -> (0, 0, 0, 0)>
#map2 = affine_map<(d0, d1) -> (0, 0, 0)>
module attributes {stable_mosaic.version = 14 : i64} {
  func.func @_edge_pass(%arg0: i32, %arg1: i32, %arg2: memref<10240x128xf32, #tpu.memory_space<hbm>>, %arg3: memref<32x8x20x64xi32, #tpu.memory_space<hbm>>, %arg4: memref<32x8x20x64xi32, #tpu.memory_space<hbm>>, %arg5: memref<2x10240x128xf32, #tpu.memory_space<hbm>>, %arg6: memref<10240x128xf32, #tpu.memory_space<vmem_shared>>, %arg7: memref<20x64xi32, #tpu.memory_space<vmem>>, %arg8: memref<20x64xi32, #tpu.memory_space<vmem>>, %arg9: memref<20x64xi32, #tpu.memory_space<vmem>>, %arg10: memref<20x64xi32, #tpu.memory_space<vmem>>, %arg11: memref<64x128xf32, #tpu.memory_space<vmem>>, %arg12: memref<64x128xf32, #tpu.memory_space<vmem>>, %arg13: memref<64x128xf32, #tpu.memory_space<vmem>>, %arg14: memref<64x128xf32, #tpu.memory_space<vmem>>, %arg15: memref<16x128xf32, #tpu.memory_space<vmem>>, %arg16: memref<!tpu.dma_semaphore, #tpu.memory_space<semaphore_mem>>, %arg17: memref<!tpu.dma_semaphore, #tpu.memory_space<semaphore_mem>>, %arg18: memref<!tpu.dma_semaphore, #tpu.memory_space<semaphore_mem>>, %arg19: memref<!tpu.dma_semaphore, #tpu.memory_space<semaphore_mem>>, %arg20: memref<!tpu.dma_semaphore, #tpu.memory_space<semaphore_mem>>, %arg21: memref<!tpu.dma_semaphore, #tpu.memory_space<semaphore_mem>>, %arg22: memref<!tpu.dma_semaphore, #tpu.memory_space<semaphore_mem>>, %arg23: memref<!tpu.dma_semaphore, #tpu.memory_space<semaphore_mem>>, %arg24: memref<!tpu.dma_semaphore, #tpu.memory_space<semaphore_mem>>, %arg25: memref<!tpu.dma_semaphore, #tpu.memory_space<semaphore_mem>>) attributes {dimension_semantics = [#tpu.dimension_semantics<core_parallel>, #tpu.dimension_semantics<subcore_parallel>], iteration_bounds = array<i64: 2, 16>, scalar_prefetch = 0 : i64, scratch_operands = 20 : i64, tpu.core_type = #tpu.core_type<sc_vector_subcore>, window_params = [{transform_indices = #map}, {transform_indices = #map1}, {transform_indices = #map1}, {transform_indices = #map2}]} {
    %mul3A = arith.constant 16 : i32
    %mul3A_0 = arith.muli %arg0, %mul3A : i32
    %add3A = arith.addi %mul3A_0, %arg1 : i32
    %scan3A = arith.constant 0 : i32
    %scan3A_1 = arith.constant 16 : i32
    %scan3A_2 = arith.addi %scan3A, %scan3A_1 : i32
    %scan3A_3 = arith.constant 1 : i32
    scf.for %scan3A_44 = %scan3A to %scan3A_2 step %scan3A_3  : i32 {
      %broadcast_in_dim3A = arith.constant 0.000000e+00 : f32
      %broadcast_in_dim3A_45 = vector.broadcast %broadcast_in_dim3A : f32 to vector<16xf32>
      %swap3A = arith.index_cast %scan3A_44 : i32 to index
      %swap3A_46 = arith.constant 0 : index
      %swap3A_47 = tpu.vector_load %arg15[%swap3A, %swap3A_46] {strides = array<i32>} : memref<16x128xf32, #tpu.memory_space<vmem>>, vector<1x16xf32>,
      %swap3A_48 = vector.shape_cast %swap3A_47 : vector<1x16xf32> to vector<16xf32>
      %swap3A_49 = vector.shape_cast %broadcast_in_dim3A_45 : vector<16xf32> to vector<1x16xf32>
      tpu.vector_store %arg15[%swap3A, %swap3A_46], %swap3A_49 {strides = array<i32>} : memref<16x128xf32, #tpu.memory_space<vmem>>, vector<1x16xf32>,
      %broadcast_in_dim3A_50 = arith.constant 0.000000e+00 : f32
      %broadcast_in_dim3A_51 = vector.broadcast %broadcast_in_dim3A_50 : f32 to vector<16xf32>
      %swap3A_52 = arith.index_cast %scan3A_44 : i32 to index
      %swap3A_53 = arith.constant 16 : index
      %swap3A_54 = tpu.vector_load %arg15[%swap3A_52, %swap3A_53] {strides = array<i32>} : memref<16x128xf32, #tpu.memory_space<vmem>>, vector<1x16xf32>,
      %swap3A_55 = vector.shape_cast %swap3A_54 : vector<1x16xf32> to vector<16xf32>
      %swap3A_56 = vector.shape_cast %broadcast_in_dim3A_51 : vector<16xf32> to vector<1x16xf32>
      tpu.vector_store %arg15[%swap3A_52, %swap3A_53], %swap3A_56 {strides = array<i32>} : memref<16x128xf32, #tpu.memory_space<vmem>>, vector<1x16xf32>,
      %broadcast_in_dim3A_57 = arith.constant 0.000000e+00 : f32
      %broadcast_in_dim3A_58 = vector.broadcast %broadcast_in_dim3A_57 : f32 to vector<16xf32>
      %swap3A_59 = arith.index_cast %scan3A_44 : i32 to index
      %swap3A_60 = arith.constant 32 : index
      %swap3A_61 = tpu.vector_load %arg15[%swap3A_59, %swap3A_60] {strides = array<i32>} : memref<16x128xf32, #tpu.memory_space<vmem>>, vector<1x16xf32>,
      %swap3A_62 = vector.shape_cast %swap3A_61 : vector<1x16xf32> to vector<16xf32>
      %swap3A_63 = vector.shape_cast %broadcast_in_dim3A_58 : vector<16xf32> to vector<1x16xf32>
      tpu.vector_store %arg15[%swap3A_59, %swap3A_60], %swap3A_63 {strides = array<i32>} : memref<16x128xf32, #tpu.memory_space<vmem>>, vector<1x16xf32>,
      %broadcast_in_dim3A_64 = arith.constant 0.000000e+00 : f32
      %broadcast_in_dim3A_65 = vector.broadcast %broadcast_in_dim3A_64 : f32 to vector<16xf32>
      %swap3A_66 = arith.index_cast %scan3A_44 : i32 to index
      %swap3A_67 = arith.constant 48 : index
      %swap3A_68 = tpu.vector_load %arg15[%swap3A_66, %swap3A_67] {strides = array<i32>} : memref<16x128xf32, #tpu.memory_space<vmem>>, vector<1x16xf32>,
      %swap3A_69 = vector.shape_cast %swap3A_68 : vector<1x16xf32> to vector<16xf32>
      %swap3A_70 = vector.shape_cast %broadcast_in_dim3A_65 : vector<16xf32> to vector<1x16xf32>
      tpu.vector_store %arg15[%swap3A_66, %swap3A_67], %swap3A_70 {strides = array<i32>} : memref<16x128xf32, #tpu.memory_space<vmem>>, vector<1x16xf32>,
      %broadcast_in_dim3A_71 = arith.constant 0.000000e+00 : f32
      %broadcast_in_dim3A_72 = vector.broadcast %broadcast_in_dim3A_71 : f32 to vector<16xf32>
      %swap3A_73 = arith.index_cast %scan3A_44 : i32 to index
      %swap3A_74 = arith.constant 64 : index
      %swap3A_75 = tpu.vector_load %arg15[%swap3A_73, %swap3A_74] {strides = array<i32>} : memref<16x128xf32, #tpu.memory_space<vmem>>, vector<1x16xf32>,
      %swap3A_76 = vector.shape_cast %swap3A_75 : vector<1x16xf32> to vector<16xf32>
      %swap3A_77 = vector.shape_cast %broadcast_in_dim3A_72 : vector<16xf32> to vector<1x16xf32>
      tpu.vector_store %arg15[%swap3A_73, %swap3A_74], %swap3A_77 {strides = array<i32>} : memref<16x128xf32, #tpu.memory_space<vmem>>, vector<1x16xf32>,
      %broadcast_in_dim3A_78 = arith.constant 0.000000e+00 : f32
      %broadcast_in_dim3A_79 = vector.broadcast %broadcast_in_dim3A_78 : f32 to vector<16xf32>
      %swap3A_80 = arith.index_cast %scan3A_44 : i32 to index
      %swap3A_81 = arith.constant 80 : index
      %swap3A_82 = tpu.vector_load %arg15[%swap3A_80, %swap3A_81] {strides = array<i32>} : memref<16x128xf32, #tpu.memory_space<vmem>>, vector<1x16xf32>,
      %swap3A_83 = vector.shape_cast %swap3A_82 : vector<1x16xf32> to vector<16xf32>
      %swap3A_84 = vector.shape_cast %broadcast_in_dim3A_79 : vector<16xf32> to vector<1x16xf32>
      tpu.vector_store %arg15[%swap3A_80, %swap3A_81], %swap3A_84 {strides = array<i32>} : memref<16x128xf32, #tpu.memory_space<vmem>>, vector<1x16xf32>,
      %broadcast_in_dim3A_85 = arith.constant 0.000000e+00 : f32
      %broadcast_in_dim3A_86 = vector.broadcast %broadcast_in_dim3A_85 : f32 to vector<16xf32>
      %swap3A_87 = arith.index_cast %scan3A_44 : i32 to index
      %swap3A_88 = arith.constant 96 : index
      %swap3A_89 = tpu.vector_load %arg15[%swap3A_87, %swap3A_88] {strides = array<i32>} : memref<16x128xf32, #tpu.memory_space<vmem>>, vector<1x16xf32>,
      %swap3A_90 = vector.shape_cast %swap3A_89 : vector<1x16xf32> to vector<16xf32>
      %swap3A_91 = vector.shape_cast %broadcast_in_dim3A_86 : vector<16xf32> to vector<1x16xf32>
      tpu.vector_store %arg15[%swap3A_87, %swap3A_88], %swap3A_91 {strides = array<i32>} : memref<16x128xf32, #tpu.memory_space<vmem>>, vector<1x16xf32>,
      %broadcast_in_dim3A_92 = arith.constant 0.000000e+00 : f32
      %broadcast_in_dim3A_93 = vector.broadcast %broadcast_in_dim3A_92 : f32 to vector<16xf32>
      %swap3A_94 = arith.index_cast %scan3A_44 : i32 to index
      %swap3A_95 = arith.constant 112 : index
      %swap3A_96 = tpu.vector_load %arg15[%swap3A_94, %swap3A_95] {strides = array<i32>} : memref<16x128xf32, #tpu.memory_space<vmem>>, vector<1x16xf32>,
      %swap3A_97 = vector.shape_cast %swap3A_96 : vector<1x16xf32> to vector<16xf32>
      %swap3A_98 = vector.shape_cast %broadcast_in_dim3A_93 : vector<16xf32> to vector<1x16xf32>
      tpu.vector_store %arg15[%swap3A_94, %swap3A_95], %swap3A_98 {strides = array<i32>} : memref<16x128xf32, #tpu.memory_space<vmem>>, vector<1x16xf32>,
    }
    %scan3A_4 = arith.constant 16 : i32
    %scan3A_5 = arith.constant 0 : i32
    %scan3A_6 = arith.constant 10 : i32
    %scan3A_7 = arith.addi %scan3A_5, %scan3A_6 : i32
    %scan3A_8 = arith.constant 1 : i32
    scf.for %scan3A_44 = %scan3A_5 to %scan3A_7 step %scan3A_8  : i32 {
      %mul3A_45 = arith.constant 4 : i32
      %mul3A_46 = arith.muli %scan3A_44, %mul3A_45 : i32
      %add3A_47 = arith.constant 0 : i32
      %add3A_48 = arith.addi %mul3A_46, %add3A_47 : i32
      %gt3A = arith.constant 0 : i32
      %gt3A_49 = arith.cmpi sgt, %scan3A_44, %gt3A : i32
      %convert_element_type3A = arith.extui %gt3A_49 : i1 to i32
      %cond3A = arith.constant 0 : i32
      %cond3A_50 = arith.cmpi ne, %convert_element_type3A, %cond3A : i32
      scf.if %cond3A_50 {
        %mul3A_113 = arith.constant 640 : i32
        %mul3A_114 = arith.muli %arg1, %mul3A_113 : i32
        %dma_wait3A_115 = arith.constant 0 : i32
        %dma_wait3A_116 = tpu.memref_slice %arg6[%mul3A_114, %dma_wait3A_115] : memref<10240x128xf32, #tpu.memory_space<vmem_shared>> -> memref<16x128xf32, #tpu.memory_space<vmem_shared>>
        %dma_wait3A_117 = arith.constant 0 : i32
        %dma_wait3A_118 = tpu.memref_slice %arg6[%mul3A_114, %dma_wait3A_117] : memref<10240x128xf32, #tpu.memory_space<vmem_shared>> -> memref<16x128xf32, #tpu.memory_space<vmem_shared>>
        tpu.wait_dma2 semaphore(%arg16 : memref<!tpu.dma_semaphore, #tpu.memory_space<semaphore_mem>>) src(%arg15 : memref<16x128xf32, #tpu.memory_space<vmem>>) dst(%dma_wait3A_118 : memref<16x128xf32, #tpu.memory_space<vmem_shared>>)
      } else {
      }
      %mul3A_51 = arith.constant 640 : i32
      %mul3A_52 = arith.muli %arg1, %mul3A_51 : i32
      %mul3A_53 = arith.constant 16 : i32
      %mul3A_54 = arith.muli %add3A_48, %mul3A_53 : i32
      %add3A_55 = arith.addi %mul3A_52, %mul3A_54 : i32
      %dma_start3A = arith.constant 0 : i32
      %dma_start3A_56 = tpu.memref_slice %arg6[%add3A_55, %dma_start3A] : memref<10240x128xf32, #tpu.memory_space<vmem_shared>> -> memref<16x128xf32, #tpu.memory_space<vmem_shared>>
      %dma_start3A_57 = arith.constant 0 : i32
      %dma_start3A_58 = tpu.memref_slice %arg6[%add3A_55, %dma_start3A_57] : memref<10240x128xf32, #tpu.memory_space<vmem_shared>> -> memref<16x128xf32, #tpu.memory_space<vmem_shared>>
      tpu.enqueue_dma source(%arg15 : memref<16x128xf32, #tpu.memory_space<vmem>>) target(%dma_start3A_58 : memref<16x128xf32, #tpu.memory_space<vmem_shared>>) target_semaphore(%arg16 : memref<!tpu.dma_semaphore, #tpu.memory_space<semaphore_mem>>)
      %mul3A_59 = arith.constant 4 : i32
      %mul3A_60 = arith.muli %scan3A_44, %mul3A_59 : i32
      %add3A_61 = arith.constant 1 : i32
      %add3A_62 = arith.addi %mul3A_60, %add3A_61 : i32
      %gt3A_63 = arith.constant 0 : i32
      %gt3A_64 = arith.cmpi sgt, %scan3A_44, %gt3A_63 : i32
      %convert_element_type3A_65 = arith.extui %gt3A_64 : i1 to i32
      %cond3A_66 = arith.constant 0 : i32
      %cond3A_67 = arith.cmpi ne, %convert_element_type3A_65, %cond3A_66 : i32
      scf.if %cond3A_67 {
        %mul3A_113 = arith.constant 640 : i32
        %mul3A_114 = arith.muli %arg1, %mul3A_113 : i32
        %dma_wait3A_115 = arith.constant 0 : i32
        %dma_wait3A_116 = tpu.memref_slice %arg6[%mul3A_114, %dma_wait3A_115] : memref<10240x128xf32, #tpu.memory_space<vmem_shared>> -> memref<16x128xf32, #tpu.memory_space<vmem_shared>>
        %dma_wait3A_117 = arith.constant 0 : i32
        %dma_wait3A_118 = tpu.memref_slice %arg6[%mul3A_114, %dma_wait3A_117] : memref<10240x128xf32, #tpu.memory_space<vmem_shared>> -> memref<16x128xf32, #tpu.memory_space<vmem_shared>>
        tpu.wait_dma2 semaphore(%arg17 : memref<!tpu.dma_semaphore, #tpu.memory_space<semaphore_mem>>) src(%arg15 : memref<16x128xf32, #tpu.memory_space<vmem>>) dst(%dma_wait3A_118 : memref<16x128xf32, #tpu.memory_space<vmem_shared>>)
      } else {
      }
      %mul3A_68 = arith.constant 640 : i32
      %mul3A_69 = arith.muli %arg1, %mul3A_68 : i32
      %mul3A_70 = arith.constant 16 : i32
      %mul3A_71 = arith.muli %add3A_62, %mul3A_70 : i32
      %add3A_72 = arith.addi %mul3A_69, %mul3A_71 : i32
      %dma_start3A_73 = arith.constant 0 : i32
      %dma_start3A_74 = tpu.memref_slice %arg6[%add3A_72, %dma_start3A_73] : memref<10240x128xf32, #tpu.memory_space<vmem_shared>> -> memref<16x128xf32, #tpu.memory_space<vmem_shared>>
      %dma_start3A_75 = arith.constant 0 : i32
      %dma_start3A_76 = tpu.memref_slice %arg6[%add3A_72, %dma_start3A_75] : memref<10240x128xf32, #tpu.memory_space<vmem_shared>> -> memref<16x128xf32, #tpu.memory_space<vmem_shared>>
      tpu.enqueue_dma source(%arg15 : memref<16x128xf32, #tpu.memory_space<vmem>>) target(%dma_start3A_76 : memref<16x128xf32, #tpu.memory_space<vmem_shared>>) target_semaphore(%arg17 : memref<!tpu.dma_semaphore, #tpu.memory_space<semaphore_mem>>)
      %mul3A_77 = arith.constant 4 : i32
      %mul3A_78 = arith.muli %scan3A_44, %mul3A_77 : i32
      %add3A_79 = arith.constant 2 : i32
      %add3A_80 = arith.addi %mul3A_78, %add3A_79 : i32
      %gt3A_81 = arith.constant 0 : i32
      %gt3A_82 = arith.cmpi sgt, %scan3A_44, %gt3A_81 : i32
      %convert_element_type3A_83 = arith.extui %gt3A_82 : i1 to i32
      %cond3A_84 = arith.constant 0 : i32
      %cond3A_85 = arith.cmpi ne, %convert_element_type3A_83, %cond3A_84 : i32
      scf.if %cond3A_85 {
        %mul3A_113 = arith.constant 640 : i32
        %mul3A_114 = arith.muli %arg1, %mul3A_113 : i32
        %dma_wait3A_115 = arith.constant 0 : i32
        %dma_wait3A_116 = tpu.memref_slice %arg6[%mul3A_114, %dma_wait3A_115] : memref<10240x128xf32, #tpu.memory_space<vmem_shared>> -> memref<16x128xf32, #tpu.memory_space<vmem_shared>>
        %dma_wait3A_117 = arith.constant 0 : i32
        %dma_wait3A_118 = tpu.memref_slice %arg6[%mul3A_114, %dma_wait3A_117] : memref<10240x128xf32, #tpu.memory_space<vmem_shared>> -> memref<16x128xf32, #tpu.memory_space<vmem_shared>>
        tpu.wait_dma2 semaphore(%arg18 : memref<!tpu.dma_semaphore, #tpu.memory_space<semaphore_mem>>) src(%arg15 : memref<16x128xf32, #tpu.memory_space<vmem>>) dst(%dma_wait3A_118 : memref<16x128xf32, #tpu.memory_space<vmem_shared>>)
      } else {
      }
      %mul3A_86 = arith.constant 640 : i32
      %mul3A_87 = arith.muli %arg1, %mul3A_86 : i32
      %mul3A_88 = arith.constant 16 : i32
      %mul3A_89 = arith.muli %add3A_80, %mul3A_88 : i32
      %add3A_90 = arith.addi %mul3A_87, %mul3A_89 : i32
      %dma_start3A_91 = arith.constant 0 : i32
      %dma_start3A_92 = tpu.memref_slice %arg6[%add3A_90, %dma_start3A_91] : memref<10240x128xf32, #tpu.memory_space<vmem_shared>> -> memref<16x128xf32, #tpu.memory_space<vmem_shared>>
      %dma_start3A_93 = arith.constant 0 : i32
      %dma_start3A_94 = tpu.memref_slice %arg6[%add3A_90, %dma_start3A_93] : memref<10240x128xf32, #tpu.memory_space<vmem_shared>> -> memref<16x128xf32, #tpu.memory_space<vmem_shared>>
      tpu.enqueue_dma source(%arg15 : memref<16x128xf32, #tpu.memory_space<vmem>>) target(%dma_start3A_94 : memref<16x128xf32, #tpu.memory_space<vmem_shared>>) target_semaphore(%arg18 : memref<!tpu.dma_semaphore, #tpu.memory_space<semaphore_mem>>)
      %mul3A_95 = arith.constant 4 : i32
      %mul3A_96 = arith.muli %scan3A_44, %mul3A_95 : i32
      %add3A_97 = arith.constant 3 : i32
      %add3A_98 = arith.addi %mul3A_96, %add3A_97 : i32
      %gt3A_99 = arith.constant 0 : i32
      %gt3A_100 = arith.cmpi sgt, %scan3A_44, %gt3A_99 : i32
      %convert_element_type3A_101 = arith.extui %gt3A_100 : i1 to i32
      %cond3A_102 = arith.constant 0 : i32
      %cond3A_103 = arith.cmpi ne, %convert_element_type3A_101, %cond3A_102 : i32
      scf.if %cond3A_103 {
        %mul3A_113 = arith.constant 640 : i32
        %mul3A_114 = arith.muli %arg1, %mul3A_113 : i32
        %dma_wait3A_115 = arith.constant 0 : i32
        %dma_wait3A_116 = tpu.memref_slice %arg6[%mul3A_114, %dma_wait3A_115] : memref<10240x128xf32, #tpu.memory_space<vmem_shared>> -> memref<16x128xf32, #tpu.memory_space<vmem_shared>>
        %dma_wait3A_117 = arith.constant 0 : i32
        %dma_wait3A_118 = tpu.memref_slice %arg6[%mul3A_114, %dma_wait3A_117] : memref<10240x128xf32, #tpu.memory_space<vmem_shared>> -> memref<16x128xf32, #tpu.memory_space<vmem_shared>>
        tpu.wait_dma2 semaphore(%arg19 : memref<!tpu.dma_semaphore, #tpu.memory_space<semaphore_mem>>) src(%arg15 : memref<16x128xf32, #tpu.memory_space<vmem>>) dst(%dma_wait3A_118 : memref<16x128xf32, #tpu.memory_space<vmem_shared>>)
      } else {
      }
      %mul3A_104 = arith.constant 640 : i32
      %mul3A_105 = arith.muli %arg1, %mul3A_104 : i32
      %mul3A_106 = arith.constant 16 : i32
      %mul3A_107 = arith.muli %add3A_98, %mul3A_106 : i32
      %add3A_108 = arith.addi %mul3A_105, %mul3A_107 : i32
      %dma_start3A_109 = arith.constant 0 : i32
      %dma_start3A_110 = tpu.memref_slice %arg6[%add3A_108, %dma_start3A_109] : memref<10240x128xf32, #tpu.memory_space<vmem_shared>> -> memref<16x128xf32, #tpu.memory_space<vmem_shared>>
      %dma_start3A_111 = arith.constant 0 : i32
      %dma_start3A_112 = tpu.memref_slice %arg6[%add3A_108, %dma_start3A_111] : memref<10240x128xf32, #tpu.memory_space<vmem_shared>> -> memref<16x128xf32, #tpu.memory_space<vmem_shared>>
      tpu.enqueue_dma source(%arg15 : memref<16x128xf32, #tpu.memory_space<vmem>>) target(%dma_start3A_112 : memref<16x128xf32, #tpu.memory_space<vmem_shared>>) target_semaphore(%arg19 : memref<!tpu.dma_semaphore, #tpu.memory_space<semaphore_mem>>)
    }
    %scan3A_9 = arith.constant 10 : i32
    %mul3A_10 = arith.constant 640 : i32
    %mul3A_11 = arith.muli %arg1, %mul3A_10 : i32
    %dma_wait3A = arith.constant 0 : i32
    %dma_wait3A_12 = tpu.memref_slice %arg6[%mul3A_11, %dma_wait3A] : memref<10240x128xf32, #tpu.memory_space<vmem_shared>> -> memref<16x128xf32, #tpu.memory_space<vmem_shared>>
    %dma_wait3A_13 = arith.constant 0 : i32
    %dma_wait3A_14 = tpu.memref_slice %arg6[%mul3A_11, %dma_wait3A_13] : memref<10240x128xf32, #tpu.memory_space<vmem_shared>> -> memref<16x128xf32, #tpu.memory_space<vmem_shared>>
    tpu.wait_dma2 semaphore(%arg16 : memref<!tpu.dma_semaphore, #tpu.memory_space<semaphore_mem>>) src(%arg15 : memref<16x128xf32, #tpu.memory_space<vmem>>) dst(%dma_wait3A_14 : memref<16x128xf32, #tpu.memory_space<vmem_shared>>)
    %mul3A_15 = arith.constant 640 : i32
    %mul3A_16 = arith.muli %arg1, %mul3A_15 : i32
    %dma_wait3A_17 = arith.constant 0 : i32
    %dma_wait3A_18 = tpu.memref_slice %arg6[%mul3A_16, %dma_wait3A_17] : memref<10240x128xf32, #tpu.memory_space<vmem_shared>> -> memref<16x128xf32, #tpu.memory_space<vmem_shared>>
    %dma_wait3A_19 = arith.constant 0 : i32
    %dma_wait3A_20 = tpu.memref_slice %arg6[%mul3A_16, %dma_wait3A_19] : memref<10240x128xf32, #tpu.memory_space<vmem_shared>> -> memref<16x128xf32, #tpu.memory_space<vmem_shared>>
    tpu.wait_dma2 semaphore(%arg17 : memref<!tpu.dma_semaphore, #tpu.memory_space<semaphore_mem>>) src(%arg15 : memref<16x128xf32, #tpu.memory_space<vmem>>) dst(%dma_wait3A_20 : memref<16x128xf32, #tpu.memory_space<vmem_shared>>)
    %mul3A_21 = arith.constant 640 : i32
    %mul3A_22 = arith.muli %arg1, %mul3A_21 : i32
    %dma_wait3A_23 = arith.constant 0 : i32
    %dma_wait3A_24 = tpu.memref_slice %arg6[%mul3A_22, %dma_wait3A_23] : memref<10240x128xf32, #tpu.memory_space<vmem_shared>> -> memref<16x128xf32, #tpu.memory_space<vmem_shared>>
    %dma_wait3A_25 = arith.constant 0 : i32
    %dma_wait3A_26 = tpu.memref_slice %arg6[%mul3A_22, %dma_wait3A_25] : memref<10240x128xf32, #tpu.memory_space<vmem_shared>> -> memref<16x128xf32, #tpu.memory_space<vmem_shared>>
    tpu.wait_dma2 semaphore(%arg18 : memref<!tpu.dma_semaphore, #tpu.memory_space<semaphore_mem>>) src(%arg15 : memref<16x128xf32, #tpu.memory_space<vmem>>) dst(%dma_wait3A_26 : memref<16x128xf32, #tpu.memory_space<vmem_shared>>)
    %mul3A_27 = arith.constant 640 : i32
    %mul3A_28 = arith.muli %arg1, %mul3A_27 : i32
    %dma_wait3A_29 = arith.constant 0 : i32
    %dma_wait3A_30 = tpu.memref_slice %arg6[%mul3A_28, %dma_wait3A_29] : memref<10240x128xf32, #tpu.memory_space<vmem_shared>> -> memref<16x128xf32, #tpu.memory_space<vmem_shared>>
    %dma_wait3A_31 = arith.constant 0 : i32
    %dma_wait3A_32 = tpu.memref_slice %arg6[%mul3A_28, %dma_wait3A_31] : memref<10240x128xf32, #tpu.memory_space<vmem_shared>> -> memref<16x128xf32, #tpu.memory_space<vmem_shared>>
    tpu.wait_dma2 semaphore(%arg19 : memref<!tpu.dma_semaphore, #tpu.memory_space<semaphore_mem>>) src(%arg15 : memref<16x128xf32, #tpu.memory_space<vmem>>) dst(%dma_wait3A_32 : memref<16x128xf32, #tpu.memory_space<vmem_shared>>)
    %barrier3A = arith.constant 0 : index
    tpu.barrier barrier_id(%barrier3A)
    %run_scoped3A = arith.constant 0 : i32
    "tpu.region"() ({
      %run_scoped3A_44 = tpu.sem_alloc : memref<!tpu.dma_semaphore, #tpu.memory_space<semaphore_mem>>
      %dma_start3A = arith.constant 0 : i32
      %dma_start3A_45 = arith.constant 0 : i32
      %dma_start3A_46 = tpu.memref_slice %arg3[%add3A, %run_scoped3A, %dma_start3A, %dma_start3A_45] : memref<32x8x20x64xi32, #tpu.memory_space<hbm>> -> memref<1x1x20x64xi32, #tpu.memory_space<hbm>>
      %dma_start3A_47 = tpu.memref_squeeze %dma_start3A_46 : memref<1x1x20x64xi32, #tpu.memory_space<hbm>> -> memref<20x64xi32, #tpu.memory_space<hbm>>
      %dma_start3A_48 = arith.constant 0 : i32
      %dma_start3A_49 = arith.constant 0 : i32
      %dma_start3A_50 = tpu.memref_slice %arg3[%add3A, %run_scoped3A, %dma_start3A_48, %dma_start3A_49] : memref<32x8x20x64xi32, #tpu.memory_space<hbm>> -> memref<1x1x20x64xi32, #tpu.memory_space<hbm>>
      %dma_start3A_51 = tpu.memref_squeeze %dma_start3A_50 : memref<1x1x20x64xi32, #tpu.memory_space<hbm>> -> memref<20x64xi32, #tpu.memory_space<hbm>>
      tpu.enqueue_dma source(%dma_start3A_51 : memref<20x64xi32, #tpu.memory_space<hbm>>) target(%arg7 : memref<20x64xi32, #tpu.memory_space<vmem>>) target_semaphore(%run_scoped3A_44 : memref<!tpu.dma_semaphore, #tpu.memory_space<semaphore_mem>>)
      %dma_wait3A_52 = arith.constant 0 : i32
      %dma_wait3A_53 = arith.constant 0 : i32
      %dma_wait3A_54 = tpu.memref_slice %arg3[%add3A, %run_scoped3A, %dma_wait3A_52, %dma_wait3A_53] : memref<32x8x20x64xi32, #tpu.memory_space<hbm>> -> memref<1x1x20x64xi32, #tpu.memory_space<hbm>>
      %dma_wait3A_55 = tpu.memref_squeeze %dma_wait3A_54 : memref<1x1x20x64xi32, #tpu.memory_space<hbm>> -> memref<20x64xi32, #tpu.memory_space<hbm>>
      %dma_wait3A_56 = arith.constant 0 : i32
      %dma_wait3A_57 = arith.constant 0 : i32
      %dma_wait3A_58 = tpu.memref_slice %arg3[%add3A, %run_scoped3A, %dma_wait3A_56, %dma_wait3A_57] : memref<32x8x20x64xi32, #tpu.memory_space<hbm>> -> memref<1x1x20x64xi32, #tpu.memory_space<hbm>>
      %dma_wait3A_59 = tpu.memref_squeeze %dma_wait3A_58 : memref<1x1x20x64xi32, #tpu.memory_space<hbm>> -> memref<20x64xi32, #tpu.memory_space<hbm>>
      tpu.wait_dma2 semaphore(%run_scoped3A_44 : memref<!tpu.dma_semaphore, #tpu.memory_space<semaphore_mem>>) src(%dma_wait3A_59 : memref<20x64xi32, #tpu.memory_space<hbm>>) dst(%arg7 : memref<20x64xi32, #tpu.memory_space<vmem>>)
      tpu.yield
    }) : () -> ()
    %run_scoped3A_33 = arith.constant 0 : i32
    "tpu.region"() ({
      %run_scoped3A_44 = tpu.sem_alloc : memref<!tpu.dma_semaphore, #tpu.memory_space<semaphore_mem>>
      %dma_start3A = arith.constant 0 : i32
      %dma_start3A_45 = arith.constant 0 : i32
      %dma_start3A_46 = tpu.memref_slice %arg4[%add3A, %run_scoped3A_33, %dma_start3A, %dma_start3A_45] : memref<32x8x20x64xi32, #tpu.memory_space<hbm>> -> memref<1x1x20x64xi32, #tpu.memory_space<hbm>>
      %dma_start3A_47 = tpu.memref_squeeze %dma_start3A_46 : memref<1x1x20x64xi32, #tpu.memory_space<hbm>> -> memref<20x64xi32, #tpu.memory_space<hbm>>
      %dma_start3A_48 = arith.constant 0 : i32
      %dma_start3A_49 = arith.constant 0 : i32
      %dma_start3A_50 = tpu.memref_slice %arg4[%add3A, %run_scoped3A_33, %dma_start3A_48, %dma_start3A_49] : memref<32x8x20x64xi32, #tpu.memory_space<hbm>> -> memref<1x1x20x64xi32, #tpu.memory_space<hbm>>
      %dma_start3A_51 = tpu.memref_squeeze %dma_start3A_50 : memref<1x1x20x64xi32, #tpu.memory_space<hbm>> -> memref<20x64xi32, #tpu.memory_space<hbm>>
      tpu.enqueue_dma source(%dma_start3A_51 : memref<20x64xi32, #tpu.memory_space<hbm>>) target(%arg9 : memref<20x64xi32, #tpu.memory_space<vmem>>) target_semaphore(%run_scoped3A_44 : memref<!tpu.dma_semaphore, #tpu.memory_space<semaphore_mem>>)
      %dma_wait3A_52 = arith.constant 0 : i32
      %dma_wait3A_53 = arith.constant 0 : i32
      %dma_wait3A_54 = tpu.memref_slice %arg4[%add3A, %run_scoped3A_33, %dma_wait3A_52, %dma_wait3A_53] : memref<32x8x20x64xi32, #tpu.memory_space<hbm>> -> memref<1x1x20x64xi32, #tpu.memory_space<hbm>>
      %dma_wait3A_55 = tpu.memref_squeeze %dma_wait3A_54 : memref<1x1x20x64xi32, #tpu.memory_space<hbm>> -> memref<20x64xi32, #tpu.memory_space<hbm>>
      %dma_wait3A_56 = arith.constant 0 : i32
      %dma_wait3A_57 = arith.constant 0 : i32
      %dma_wait3A_58 = tpu.memref_slice %arg4[%add3A, %run_scoped3A_33, %dma_wait3A_56, %dma_wait3A_57] : memref<32x8x20x64xi32, #tpu.memory_space<hbm>> -> memref<1x1x20x64xi32, #tpu.memory_space<hbm>>
      %dma_wait3A_59 = tpu.memref_squeeze %dma_wait3A_58 : memref<1x1x20x64xi32, #tpu.memory_space<hbm>> -> memref<20x64xi32, #tpu.memory_space<hbm>>
      tpu.wait_dma2 semaphore(%run_scoped3A_44 : memref<!tpu.dma_semaphore, #tpu.memory_space<semaphore_mem>>) src(%dma_wait3A_59 : memref<20x64xi32, #tpu.memory_space<hbm>>) dst(%arg9 : memref<20x64xi32, #tpu.memory_space<vmem>>)
      tpu.yield
    }) : () -> ()
    %scan3A_34 = arith.constant 0 : i32
    %scan3A_35 = arith.constant 4 : i32
    %scan3A_36 = arith.addi %scan3A_34, %scan3A_35 : i32
    %scan3A_37 = arith.constant 1 : i32
    scf.for %scan3A_44 = %scan3A_34 to %scan3A_36 step %scan3A_37  : i32 {
      %mul3A_45 = arith.constant 2 : i32
      %mul3A_46 = arith.muli %mul3A_45, %scan3A_44 : i32
      %add3A_47 = arith.constant 0 : i32
      %add3A_48 = arith.addi %mul3A_46, %add3A_47 : i32
      %lt3A = arith.constant 7 : i32
      %lt3A_49 = arith.cmpi slt, %add3A_48, %lt3A : i32
      %convert_element_type3A = arith.extui %lt3A_49 : i1 to i32
      %cond3A = arith.constant 0 : i32
      %cond3A_50 = arith.cmpi ne, %convert_element_type3A, %cond3A : i32
      scf.if %cond3A_50 {
        %add3A_177 = arith.constant 1 : i32
        %add3A_178 = arith.addi %add3A_48, %add3A_177 : i32
        %dma_start3A_179 = arith.constant 0 : i32
        %dma_start3A_180 = arith.constant 0 : i32
        %dma_start3A_181 = tpu.memref_slice %arg3[%add3A, %add3A_178, %dma_start3A_179, %dma_start3A_180] : memref<32x8x20x64xi32, #tpu.memory_space<hbm>> -> memref<1x1x20x64xi32, #tpu.memory_space<hbm>>
        %dma_start3A_182 = tpu.memref_squeeze %dma_start3A_181 : memref<1x1x20x64xi32, #tpu.memory_space<hbm>> -> memref<20x64xi32, #tpu.memory_space<hbm>>
        %dma_start3A_183 = arith.constant 0 : i32
        %dma_start3A_184 = arith.constant 0 : i32
        %dma_start3A_185 = tpu.memref_slice %arg3[%add3A, %add3A_178, %dma_start3A_183, %dma_start3A_184] : memref<32x8x20x64xi32, #tpu.memory_space<hbm>> -> memref<1x1x20x64xi32, #tpu.memory_space<hbm>>
        %dma_start3A_186 = tpu.memref_squeeze %dma_start3A_185 : memref<1x1x20x64xi32, #tpu.memory_space<hbm>> -> memref<20x64xi32, #tpu.memory_space<hbm>>
        tpu.enqueue_dma source(%dma_start3A_186 : memref<20x64xi32, #tpu.memory_space<hbm>>) target(%arg8 : memref<20x64xi32, #tpu.memory_space<vmem>>) target_semaphore(%arg24 : memref<!tpu.dma_semaphore, #tpu.memory_space<semaphore_mem>>)
        %add3A_187 = arith.constant 1 : i32
        %add3A_188 = arith.addi %add3A_48, %add3A_187 : i32
        %dma_start3A_189 = arith.constant 0 : i32
        %dma_start3A_190 = arith.constant 0 : i32
        %dma_start3A_191 = tpu.memref_slice %arg4[%add3A, %add3A_188, %dma_start3A_189, %dma_start3A_190] : memref<32x8x20x64xi32, #tpu.memory_space<hbm>> -> memref<1x1x20x64xi32, #tpu.memory_space<hbm>>
        %dma_start3A_192 = tpu.memref_squeeze %dma_start3A_191 : memref<1x1x20x64xi32, #tpu.memory_space<hbm>> -> memref<20x64xi32, #tpu.memory_space<hbm>>
        %dma_start3A_193 = arith.constant 0 : i32
        %dma_start3A_194 = arith.constant 0 : i32
        %dma_start3A_195 = tpu.memref_slice %arg4[%add3A, %add3A_188, %dma_start3A_193, %dma_start3A_194] : memref<32x8x20x64xi32, #tpu.memory_space<hbm>> -> memref<1x1x20x64xi32, #tpu.memory_space<hbm>>
        %dma_start3A_196 = tpu.memref_squeeze %dma_start3A_195 : memref<1x1x20x64xi32, #tpu.memory_space<hbm>> -> memref<20x64xi32, #tpu.memory_space<hbm>>
        tpu.enqueue_dma source(%dma_start3A_196 : memref<20x64xi32, #tpu.memory_space<hbm>>) target(%arg10 : memref<20x64xi32, #tpu.memory_space<vmem>>) target_semaphore(%arg25 : memref<!tpu.dma_semaphore, #tpu.memory_space<semaphore_mem>>)
      } else {
      }
      %dma_start3A = arith.constant 0 : i32
      %dma_start3A_51 = arith.constant 0 : i32
      %dma_start3A_52 = tpu.memref_slice %arg7[%dma_start3A, %dma_start3A_51] : memref<20x64xi32, #tpu.memory_space<vmem>> -> memref<1x64xi32, #tpu.memory_space<vmem>>
      %dma_start3A_53 = tpu.memref_squeeze %dma_start3A_52 : memref<1x64xi32, #tpu.memory_space<vmem>> -> memref<64xi32, #tpu.memory_space<vmem>>
      %dma_start3A_54 = arith.constant 0 : i32
      %dma_start3A_55 = arith.constant 0 : i32
      %dma_start3A_56 = tpu.memref_slice %arg2[%dma_start3A_54, %dma_start3A_55] : memref<10240x128xf32, #tpu.memory_space<hbm>> -> memref<10240x128xf32, #tpu.memory_space<hbm>>
      tpu.enqueue_indirect_dma source(%dma_start3A_56 : memref<10240x128xf32, #tpu.memory_space<hbm>>) target(%arg11 : memref<64x128xf32, #tpu.memory_space<vmem>>) offsets(%dma_start3A_53 : memref<64xi32, #tpu.memory_space<vmem>>) semaphore(%arg16 : memref<!tpu.dma_semaphore, #tpu.memory_space<semaphore_mem>>)
      %dma_start3A_57 = arith.constant 1 : i32
      %dma_start3A_58 = arith.constant 0 : i32
      %dma_start3A_59 = tpu.memref_slice %arg7[%dma_start3A_57, %dma_start3A_58] : memref<20x64xi32, #tpu.memory_space<vmem>> -> memref<1x64xi32, #tpu.memory_space<vmem>>
      %dma_start3A_60 = tpu.memref_squeeze %dma_start3A_59 : memref<1x64xi32, #tpu.memory_space<vmem>> -> memref<64xi32, #tpu.memory_space<vmem>>
      %dma_start3A_61 = arith.constant 0 : i32
      %dma_start3A_62 = arith.constant 0 : i32
      %dma_start3A_63 = tpu.memref_slice %arg2[%dma_start3A_61, %dma_start3A_62] : memref<10240x128xf32, #tpu.memory_space<hbm>> -> memref<10240x128xf32, #tpu.memory_space<hbm>>
      tpu.enqueue_indirect_dma source(%dma_start3A_63 : memref<10240x128xf32, #tpu.memory_space<hbm>>) target(%arg12 : memref<64x128xf32, #tpu.memory_space<vmem>>) offsets(%dma_start3A_60 : memref<64xi32, #tpu.memory_space<vmem>>) semaphore(%arg17 : memref<!tpu.dma_semaphore, #tpu.memory_space<semaphore_mem>>)
      %dma_start3A_64 = arith.constant 2 : i32
      %dma_start3A_65 = arith.constant 0 : i32
      %dma_start3A_66 = tpu.memref_slice %arg7[%dma_start3A_64, %dma_start3A_65] : memref<20x64xi32, #tpu.memory_space<vmem>> -> memref<1x64xi32, #tpu.memory_space<vmem>>
      %dma_start3A_67 = tpu.memref_squeeze %dma_start3A_66 : memref<1x64xi32, #tpu.memory_space<vmem>> -> memref<64xi32, #tpu.memory_space<vmem>>
      %dma_start3A_68 = arith.constant 0 : i32
      %dma_start3A_69 = arith.constant 0 : i32
      %dma_start3A_70 = tpu.memref_slice %arg2[%dma_start3A_68, %dma_start3A_69] : memref<10240x128xf32, #tpu.memory_space<hbm>> -> memref<10240x128xf32, #tpu.memory_space<hbm>>
      tpu.enqueue_indirect_dma source(%dma_start3A_70 : memref<10240x128xf32, #tpu.memory_space<hbm>>) target(%arg13 : memref<64x128xf32, #tpu.memory_space<vmem>>) offsets(%dma_start3A_67 : memref<64xi32, #tpu.memory_space<vmem>>) semaphore(%arg18 : memref<!tpu.dma_semaphore, #tpu.memory_space<semaphore_mem>>)
      %scan3A_71 = arith.constant 0 : i32
      %scan3A_72 = arith.constant 5 : i32
      %scan3A_73 = arith.addi %scan3A_71, %scan3A_72 : i32
      %scan3A_74 = arith.constant 1 : i32
      scf.for %scan3A_177 = %scan3A_71 to %scan3A_73 step %scan3A_74  : i32 {
        %mul3A_178 = arith.constant 4 : i32
        %mul3A_179 = arith.muli %scan3A_177, %mul3A_178 : i32
        %add3A_180 = arith.constant 0 : i32
        %add3A_181 = arith.addi %mul3A_179, %add3A_180 : i32
        %dma_wait3A_182 = arith.constant 0 : i32
        %dma_wait3A_183 = tpu.memref_slice %arg7[%add3A_181, %dma_wait3A_182] : memref<20x64xi32, #tpu.memory_space<vmem>> -> memref<1x64xi32, #tpu.memory_space<vmem>>
        %dma_wait3A_184 = tpu.memref_squeeze %dma_wait3A_183 : memref<1x64xi32, #tpu.memory_space<vmem>> -> memref<64xi32, #tpu.memory_space<vmem>>
        %dma_wait3A_185 = arith.constant 0 : i32
        %dma_wait3A_186 = arith.constant 0 : i32
        %dma_wait3A_187 = tpu.memref_slice %arg2[%dma_wait3A_185, %dma_wait3A_186] : memref<10240x128xf32, #tpu.memory_space<hbm>> -> memref<10240x128xf32, #tpu.memory_space<hbm>>
        tpu.wait_indirect_dma semaphore(%arg16 : memref<!tpu.dma_semaphore, #tpu.memory_space<semaphore_mem>>) src(%dma_wait3A_187 : memref<10240x128xf32, #tpu.memory_space<hbm>>) dst(%arg11 : memref<64x128xf32, #tpu.memory_space<vmem>>)
        %dma_start3A_188 = arith.constant 0 : i32
        %dma_start3A_189 = tpu.memref_slice %arg9[%add3A_181, %dma_start3A_188] : memref<20x64xi32, #tpu.memory_space<vmem>> -> memref<1x64xi32, #tpu.memory_space<vmem>>
        %dma_start3A_190 = tpu.memref_squeeze %dma_start3A_189 : memref<1x64xi32, #tpu.memory_space<vmem>> -> memref<64xi32, #tpu.memory_space<vmem>>
        %dma_start3A_191 = arith.constant 0 : i32
        %dma_start3A_192 = arith.constant 0 : i32
        %dma_start3A_193 = tpu.memref_slice %arg6[%dma_start3A_191, %dma_start3A_192] : memref<10240x128xf32, #tpu.memory_space<vmem_shared>> -> memref<10240x128xf32, #tpu.memory_space<vmem_shared>>
        tpu.enqueue_indirect_dma source(%arg11 : memref<64x128xf32, #tpu.memory_space<vmem>>) target(%dma_start3A_193 : memref<10240x128xf32, #tpu.memory_space<vmem_shared>>) offsets(%dma_start3A_190 : memref<64xi32, #tpu.memory_space<vmem>>) semaphore(%arg20 : memref<!tpu.dma_semaphore, #tpu.memory_space<semaphore_mem>>) {add = true}
        %gt3A = arith.constant 0 : i32
        %gt3A_194 = arith.cmpi sgt, %scan3A_177, %gt3A : i32
        %convert_element_type3A_195 = arith.extui %gt3A_194 : i1 to i32
        %cond3A_196 = arith.constant 0 : i32
        %cond3A_197 = arith.cmpi ne, %convert_element_type3A_195, %cond3A_196 : i32
        scf.if %cond3A_197 {
          %dma_wait3A_270 = arith.constant 0 : i32
          %dma_wait3A_271 = arith.constant 0 : i32
          %dma_wait3A_272 = tpu.memref_slice %arg9[%dma_wait3A_270, %dma_wait3A_271] : memref<20x64xi32, #tpu.memory_space<vmem>> -> memref<1x64xi32, #tpu.memory_space<vmem>>
          %dma_wait3A_273 = tpu.memref_squeeze %dma_wait3A_272 : memref<1x64xi32, #tpu.memory_space<vmem>> -> memref<64xi32, #tpu.memory_space<vmem>>
          %dma_wait3A_274 = arith.constant 0 : i32
          %dma_wait3A_275 = arith.constant 0 : i32
          %dma_wait3A_276 = tpu.memref_slice %arg6[%dma_wait3A_274, %dma_wait3A_275] : memref<10240x128xf32, #tpu.memory_space<vmem_shared>> -> memref<10240x128xf32, #tpu.memory_space<vmem_shared>>
          tpu.wait_indirect_dma semaphore(%arg23 : memref<!tpu.dma_semaphore, #tpu.memory_space<semaphore_mem>>) src(%arg14 : memref<64x128xf32, #tpu.memory_space<vmem>>) dst(%dma_wait3A_276 : memref<10240x128xf32, #tpu.memory_space<vmem_shared>>)
        } else {
        }
        %add3A_198 = arith.constant 4 : i32
        %add3A_199 = arith.addi %add3A_181, %add3A_198 : i32
        %sub3A = arith.constant 1 : i32
        %sub3A_200 = arith.subi %add3A_199, %sub3A : i32
        %dma_start3A_201 = arith.constant 0 : i32
        %dma_start3A_202 = tpu.memref_slice %arg7[%sub3A_200, %dma_start3A_201] : memref<20x64xi32, #tpu.memory_space<vmem>> -> memref<1x64xi32, #tpu.memory_space<vmem>>
        %dma_start3A_203 = tpu.memref_squeeze %dma_start3A_202 : memref<1x64xi32, #tpu.memory_space<vmem>> -> memref<64xi32, #tpu.memory_space<vmem>>
        %dma_start3A_204 = arith.constant 0 : i32
        %dma_start3A_205 = arith.constant 0 : i32
        %dma_start3A_206 = tpu.memref_slice %arg2[%dma_start3A_204, %dma_start3A_205] : memref<10240x128xf32, #tpu.memory_space<hbm>> -> memref<10240x128xf32, #tpu.memory_space<hbm>>
        tpu.enqueue_indirect_dma source(%dma_start3A_206 : memref<10240x128xf32, #tpu.memory_space<hbm>>) target(%arg14 : memref<64x128xf32, #tpu.memory_space<vmem>>) offsets(%dma_start3A_203 : memref<64xi32, #tpu.memory_space<vmem>>) semaphore(%arg19 : memref<!tpu.dma_semaphore, #tpu.memory_space<semaphore_mem>>)
        %mul3A_207 = arith.constant 4 : i32
        %mul3A_208 = arith.muli %scan3A_177, %mul3A_207 : i32
        %add3A_209 = arith.constant 1 : i32
        %add3A_210 = arith.addi %mul3A_208, %add3A_209 : i32
        %dma_wait3A_211 = arith.constant 0 : i32
        %dma_wait3A_212 = tpu.memref_slice %arg7[%add3A_210, %dma_wait3A_211] : memref<20x64xi32, #tpu.memory_space<vmem>> -> memref<1x64xi32, #tpu.memory_space<vmem>>
        %dma_wait3A_213 = tpu.memref_squeeze %dma_wait3A_212 : memref<1x64xi32, #tpu.memory_space<vmem>> -> memref<64xi32, #tpu.memory_space<vmem>>
        %dma_wait3A_214 = arith.constant 0 : i32
        %dma_wait3A_215 = arith.constant 0 : i32
        %dma_wait3A_216 = tpu.memref_slice %arg2[%dma_wait3A_214, %dma_wait3A_215] : memref<10240x128xf32, #tpu.memory_space<hbm>> -> memref<10240x128xf32, #tpu.memory_space<hbm>>
        tpu.wait_indirect_dma semaphore(%arg17 : memref<!tpu.dma_semaphore, #tpu.memory_space<semaphore_mem>>) src(%dma_wait3A_216 : memref<10240x128xf32, #tpu.memory_space<hbm>>) dst(%arg12 : memref<64x128xf32, #tpu.memory_space<vmem>>)
        %dma_start3A_217 = arith.constant 0 : i32
        %dma_start3A_218 = tpu.memref_slice %arg9[%add3A_210, %dma_start3A_217] : memref<20x64xi32, #tpu.memory_space<vmem>> -> memref<1x64xi32, #tpu.memory_space<vmem>>
        %dma_start3A_219 = tpu.memref_squeeze %dma_start3A_218 : memref<1x64xi32, #tpu.memory_space<vmem>> -> memref<64xi32, #tpu.memory_space<vmem>>
        %dma_start3A_220 = arith.constant 0 : i32
        %dma_start3A_221 = arith.constant 0 : i32
        %dma_start3A_222 = tpu.memref_slice %arg6[%dma_start3A_220, %dma_start3A_221] : memref<10240x128xf32, #tpu.memory_space<vmem_shared>> -> memref<10240x128xf32, #tpu.memory_space<vmem_shared>>
        tpu.enqueue_indirect_dma source(%arg12 : memref<64x128xf32, #tpu.memory_space<vmem>>) target(%dma_start3A_222 : memref<10240x128xf32, #tpu.memory_space<vmem_shared>>) offsets(%dma_start3A_219 : memref<64xi32, #tpu.memory_space<vmem>>) semaphore(%arg21 : memref<!tpu.dma_semaphore, #tpu.memory_space<semaphore_mem>>) {add = true}
        %lt3A_223 = arith.constant 4 : i32
        %lt3A_224 = arith.cmpi slt, %scan3A_177, %lt3A_223 : i32
        %convert_element_type3A_225 = arith.extui %lt3A_224 : i1 to i32
        %cond3A_226 = arith.constant 0 : i32
        %cond3A_227 = arith.cmpi ne, %convert_element_type3A_225, %cond3A_226 : i32
        scf.if %cond3A_227 {
          %dma_wait3A_270 = arith.constant 0 : i32
          %dma_wait3A_271 = tpu.memref_slice %arg9[%add3A_181, %dma_wait3A_270] : memref<20x64xi32, #tpu.memory_space<vmem>> -> memref<1x64xi32, #tpu.memory_space<vmem>>
          %dma_wait3A_272 = tpu.memref_squeeze %dma_wait3A_271 : memref<1x64xi32, #tpu.memory_space<vmem>> -> memref<64xi32, #tpu.memory_space<vmem>>
          %dma_wait3A_273 = arith.constant 0 : i32
          %dma_wait3A_274 = arith.constant 0 : i32
          %dma_wait3A_275 = tpu.memref_slice %arg6[%dma_wait3A_273, %dma_wait3A_274] : memref<10240x128xf32, #tpu.memory_space<vmem_shared>> -> memref<10240x128xf32, #tpu.memory_space<vmem_shared>>
          tpu.wait_indirect_dma semaphore(%arg20 : memref<!tpu.dma_semaphore, #tpu.memory_space<semaphore_mem>>) src(%arg11 : memref<64x128xf32, #tpu.memory_space<vmem>>) dst(%dma_wait3A_275 : memref<10240x128xf32, #tpu.memory_space<vmem_shared>>)
          %add3A_276 = arith.constant 4 : i32
          %add3A_277 = arith.addi %add3A_210, %add3A_276 : i32
          %sub3A_278 = arith.constant 1 : i32
          %sub3A_279 = arith.subi %add3A_277, %sub3A_278 : i32
          %dma_start3A_280 = arith.constant 0 : i32
          %dma_start3A_281 = tpu.memref_slice %arg7[%sub3A_279, %dma_start3A_280] : memref<20x64xi32, #tpu.memory_space<vmem>> -> memref<1x64xi32, #tpu.memory_space<vmem>>
          %dma_start3A_282 = tpu.memref_squeeze %dma_start3A_281 : memref<1x64xi32, #tpu.memory_space<vmem>> -> memref<64xi32, #tpu.memory_space<vmem>>
          %dma_start3A_283 = arith.constant 0 : i32
          %dma_start3A_284 = arith.constant 0 : i32
          %dma_start3A_285 = tpu.memref_slice %arg2[%dma_start3A_283, %dma_start3A_284] : memref<10240x128xf32, #tpu.memory_space<hbm>> -> memref<10240x128xf32, #tpu.memory_space<hbm>>
          tpu.enqueue_indirect_dma source(%dma_start3A_285 : memref<10240x128xf32, #tpu.memory_space<hbm>>) target(%arg11 : memref<64x128xf32, #tpu.memory_space<vmem>>) offsets(%dma_start3A_282 : memref<64xi32, #tpu.memory_space<vmem>>) semaphore(%arg16 : memref<!tpu.dma_semaphore, #tpu.memory_space<semaphore_mem>>)
        } else {
        }
        %mul3A_228 = arith.constant 4 : i32
        %mul3A_229 = arith.muli %scan3A_177, %mul3A_228 : i32
        %add3A_230 = arith.constant 2 : i32
        %add3A_231 = arith.addi %mul3A_229, %add3A_230 : i32
        %dma_wait3A_232 = arith.constant 0 : i32
        %dma_wait3A_233 = tpu.memref_slice %arg7[%add3A_231, %dma_wait3A_232] : memref<20x64xi32, #tpu.memory_space<vmem>> -> memref<1x64xi32, #tpu.memory_space<vmem>>
        %dma_wait3A_234 = tpu.memref_squeeze %dma_wait3A_233 : memref<1x64xi32, #tpu.memory_space<vmem>> -> memref<64xi32, #tpu.memory_space<vmem>>
        %dma_wait3A_235 = arith.constant 0 : i32
        %dma_wait3A_236 = arith.constant 0 : i32
        %dma_wait3A_237 = tpu.memref_slice %arg2[%dma_wait3A_235, %dma_wait3A_236] : memref<10240x128xf32, #tpu.memory_space<hbm>> -> memref<10240x128xf32, #tpu.memory_space<hbm>>
        tpu.wait_indirect_dma semaphore(%arg18 : memref<!tpu.dma_semaphore, #tpu.memory_space<semaphore_mem>>) src(%dma_wait3A_237 : memref<10240x128xf32, #tpu.memory_space<hbm>>) dst(%arg13 : memref<64x128xf32, #tpu.memory_space<vmem>>)
        %dma_start3A_238 = arith.constant 0 : i32
        %dma_start3A_239 = tpu.memref_slice %arg9[%add3A_231, %dma_start3A_238] : memref<20x64xi32, #tpu.memory_space<vmem>> -> memref<1x64xi32, #tpu.memory_space<vmem>>
        %dma_start3A_240 = tpu.memref_squeeze %dma_start3A_239 : memref<1x64xi32, #tpu.memory_space<vmem>> -> memref<64xi32, #tpu.memory_space<vmem>>
        %dma_start3A_241 = arith.constant 0 : i32
        %dma_start3A_242 = arith.constant 0 : i32
        %dma_start3A_243 = tpu.memref_slice %arg6[%dma_start3A_241, %dma_start3A_242] : memref<10240x128xf32, #tpu.memory_space<vmem_shared>> -> memref<10240x128xf32, #tpu.memory_space<vmem_shared>>
        tpu.enqueue_indirect_dma source(%arg13 : memref<64x128xf32, #tpu.memory_space<vmem>>) target(%dma_start3A_243 : memref<10240x128xf32, #tpu.memory_space<vmem_shared>>) offsets(%dma_start3A_240 : memref<64xi32, #tpu.memory_space<vmem>>) semaphore(%arg22 : memref<!tpu.dma_semaphore, #tpu.memory_space<semaphore_mem>>) {add = true}
        %lt3A_244 = arith.constant 4 : i32
        %lt3A_245 = arith.cmpi slt, %scan3A_177, %lt3A_244 : i32
        %convert_element_type3A_246 = arith.extui %lt3A_245 : i1 to i32
        %cond3A_247 = arith.constant 0 : i32
        %cond3A_248 = arith.cmpi ne, %convert_element_type3A_246, %cond3A_247 : i32
        scf.if %cond3A_248 {
          %dma_wait3A_270 = arith.constant 0 : i32
          %dma_wait3A_271 = tpu.memref_slice %arg9[%add3A_210, %dma_wait3A_270] : memref<20x64xi32, #tpu.memory_space<vmem>> -> memref<1x64xi32, #tpu.memory_space<vmem>>
          %dma_wait3A_272 = tpu.memref_squeeze %dma_wait3A_271 : memref<1x64xi32, #tpu.memory_space<vmem>> -> memref<64xi32, #tpu.memory_space<vmem>>
          %dma_wait3A_273 = arith.constant 0 : i32
          %dma_wait3A_274 = arith.constant 0 : i32
          %dma_wait3A_275 = tpu.memref_slice %arg6[%dma_wait3A_273, %dma_wait3A_274] : memref<10240x128xf32, #tpu.memory_space<vmem_shared>> -> memref<10240x128xf32, #tpu.memory_space<vmem_shared>>
          tpu.wait_indirect_dma semaphore(%arg21 : memref<!tpu.dma_semaphore, #tpu.memory_space<semaphore_mem>>) src(%arg12 : memref<64x128xf32, #tpu.memory_space<vmem>>) dst(%dma_wait3A_275 : memref<10240x128xf32, #tpu.memory_space<vmem_shared>>)
          %add3A_276 = arith.constant 4 : i32
          %add3A_277 = arith.addi %add3A_231, %add3A_276 : i32
          %sub3A_278 = arith.constant 1 : i32
          %sub3A_279 = arith.subi %add3A_277, %sub3A_278 : i32
          %dma_start3A_280 = arith.constant 0 : i32
          %dma_start3A_281 = tpu.memref_slice %arg7[%sub3A_279, %dma_start3A_280] : memref<20x64xi32, #tpu.memory_space<vmem>> -> memref<1x64xi32, #tpu.memory_space<vmem>>
          %dma_start3A_282 = tpu.memref_squeeze %dma_start3A_281 : memref<1x64xi32, #tpu.memory_space<vmem>> -> memref<64xi32, #tpu.memory_space<vmem>>
          %dma_start3A_283 = arith.constant 0 : i32
          %dma_start3A_284 = arith.constant 0 : i32
          %dma_start3A_285 = tpu.memref_slice %arg2[%dma_start3A_283, %dma_start3A_284] : memref<10240x128xf32, #tpu.memory_space<hbm>> -> memref<10240x128xf32, #tpu.memory_space<hbm>>
          tpu.enqueue_indirect_dma source(%dma_start3A_285 : memref<10240x128xf32, #tpu.memory_space<hbm>>) target(%arg12 : memref<64x128xf32, #tpu.memory_space<vmem>>) offsets(%dma_start3A_282 : memref<64xi32, #tpu.memory_space<vmem>>) semaphore(%arg17 : memref<!tpu.dma_semaphore, #tpu.memory_space<semaphore_mem>>)
        } else {
        }
        %mul3A_249 = arith.constant 4 : i32
        %mul3A_250 = arith.muli %scan3A_177, %mul3A_249 : i32
        %add3A_251 = arith.constant 3 : i32
        %add3A_252 = arith.addi %mul3A_250, %add3A_251 : i32
        %dma_wait3A_253 = arith.constant 0 : i32
        %dma_wait3A_254 = tpu.memref_slice %arg7[%add3A_252, %dma_wait3A_253] : memref<20x64xi32, #tpu.memory_space<vmem>> -> memref<1x64xi32, #tpu.memory_space<vmem>>
        %dma_wait3A_255 = tpu.memref_squeeze %dma_wait3A_254 : memref<1x64xi32, #tpu.memory_space<vmem>> -> memref<64xi32, #tpu.memory_space<vmem>>
        %dma_wait3A_256 = arith.constant 0 : i32
        %dma_wait3A_257 = arith.constant 0 : i32
        %dma_wait3A_258 = tpu.memref_slice %arg2[%dma_wait3A_256, %dma_wait3A_257] : memref<10240x128xf32, #tpu.memory_space<hbm>> -> memref<10240x128xf32, #tpu.memory_space<hbm>>
        tpu.wait_indirect_dma semaphore(%arg19 : memref<!tpu.dma_semaphore, #tpu.memory_space<semaphore_mem>>) src(%dma_wait3A_258 : memref<10240x128xf32, #tpu.memory_space<hbm>>) dst(%arg14 : memref<64x128xf32, #tpu.memory_space<vmem>>)
        %dma_start3A_259 = arith.constant 0 : i32
        %dma_start3A_260 = tpu.memref_slice %arg9[%add3A_252, %dma_start3A_259] : memref<20x64xi32, #tpu.memory_space<vmem>> -> memref<1x64xi32, #tpu.memory_space<vmem>>
        %dma_start3A_261 = tpu.memref_squeeze %dma_start3A_260 : memref<1x64xi32, #tpu.memory_space<vmem>> -> memref<64xi32, #tpu.memory_space<vmem>>
        %dma_start3A_262 = arith.constant 0 : i32
        %dma_start3A_263 = arith.constant 0 : i32
        %dma_start3A_264 = tpu.memref_slice %arg6[%dma_start3A_262, %dma_start3A_263] : memref<10240x128xf32, #tpu.memory_space<vmem_shared>> -> memref<10240x128xf32, #tpu.memory_space<vmem_shared>>
        tpu.enqueue_indirect_dma source(%arg14 : memref<64x128xf32, #tpu.memory_space<vmem>>) target(%dma_start3A_264 : memref<10240x128xf32, #tpu.memory_space<vmem_shared>>) offsets(%dma_start3A_261 : memref<64xi32, #tpu.memory_space<vmem>>) semaphore(%arg23 : memref<!tpu.dma_semaphore, #tpu.memory_space<semaphore_mem>>) {add = true}
        %lt3A_265 = arith.constant 4 : i32
        %lt3A_266 = arith.cmpi slt, %scan3A_177, %lt3A_265 : i32
        %convert_element_type3A_267 = arith.extui %lt3A_266 : i1 to i32
        %cond3A_268 = arith.constant 0 : i32
        %cond3A_269 = arith.cmpi ne, %convert_element_type3A_267, %cond3A_268 : i32
        scf.if %cond3A_269 {
          %dma_wait3A_270 = arith.constant 0 : i32
          %dma_wait3A_271 = tpu.memref_slice %arg9[%add3A_231, %dma_wait3A_270] : memref<20x64xi32, #tpu.memory_space<vmem>> -> memref<1x64xi32, #tpu.memory_space<vmem>>
          %dma_wait3A_272 = tpu.memref_squeeze %dma_wait3A_271 : memref<1x64xi32, #tpu.memory_space<vmem>> -> memref<64xi32, #tpu.memory_space<vmem>>
          %dma_wait3A_273 = arith.constant 0 : i32
          %dma_wait3A_274 = arith.constant 0 : i32
          %dma_wait3A_275 = tpu.memref_slice %arg6[%dma_wait3A_273, %dma_wait3A_274] : memref<10240x128xf32, #tpu.memory_space<vmem_shared>> -> memref<10240x128xf32, #tpu.memory_space<vmem_shared>>
          tpu.wait_indirect_dma semaphore(%arg22 : memref<!tpu.dma_semaphore, #tpu.memory_space<semaphore_mem>>) src(%arg13 : memref<64x128xf32, #tpu.memory_space<vmem>>) dst(%dma_wait3A_275 : memref<10240x128xf32, #tpu.memory_space<vmem_shared>>)
          %add3A_276 = arith.constant 4 : i32
          %add3A_277 = arith.addi %add3A_252, %add3A_276 : i32
          %sub3A_278 = arith.constant 1 : i32
          %sub3A_279 = arith.subi %add3A_277, %sub3A_278 : i32
          %dma_start3A_280 = arith.constant 0 : i32
          %dma_start3A_281 = tpu.memref_slice %arg7[%sub3A_279, %dma_start3A_280] : memref<20x64xi32, #tpu.memory_space<vmem>> -> memref<1x64xi32, #tpu.memory_space<vmem>>
          %dma_start3A_282 = tpu.memref_squeeze %dma_start3A_281 : memref<1x64xi32, #tpu.memory_space<vmem>> -> memref<64xi32, #tpu.memory_space<vmem>>
          %dma_start3A_283 = arith.constant 0 : i32
          %dma_start3A_284 = arith.constant 0 : i32
          %dma_start3A_285 = tpu.memref_slice %arg2[%dma_start3A_283, %dma_start3A_284] : memref<10240x128xf32, #tpu.memory_space<hbm>> -> memref<10240x128xf32, #tpu.memory_space<hbm>>
          tpu.enqueue_indirect_dma source(%dma_start3A_285 : memref<10240x128xf32, #tpu.memory_space<hbm>>) target(%arg13 : memref<64x128xf32, #tpu.memory_space<vmem>>) offsets(%dma_start3A_282 : memref<64xi32, #tpu.memory_space<vmem>>) semaphore(%arg18 : memref<!tpu.dma_semaphore, #tpu.memory_space<semaphore_mem>>)
        } else {
        }
      }
      %scan3A_75 = arith.constant 5 : i32
      %dma_wait3A_76 = arith.constant 0 : i32
      %dma_wait3A_77 = arith.constant 0 : i32
      %dma_wait3A_78 = tpu.memref_slice %arg9[%dma_wait3A_76, %dma_wait3A_77] : memref<20x64xi32, #tpu.memory_space<vmem>> -> memref<1x64xi32, #tpu.memory_space<vmem>>
      %dma_wait3A_79 = tpu.memref_squeeze %dma_wait3A_78 : memref<1x64xi32, #tpu.memory_space<vmem>> -> memref<64xi32, #tpu.memory_space<vmem>>
      %dma_wait3A_80 = arith.constant 0 : i32
      %dma_wait3A_81 = arith.constant 0 : i32
      %dma_wait3A_82 = tpu.memref_slice %arg6[%dma_wait3A_80, %dma_wait3A_81] : memref<10240x128xf32, #tpu.memory_space<vmem_shared>> -> memref<10240x128xf32, #tpu.memory_space<vmem_shared>>
      tpu.wait_indirect_dma semaphore(%arg20 : memref<!tpu.dma_semaphore, #tpu.memory_space<semaphore_mem>>) src(%arg11 : memref<64x128xf32, #tpu.memory_space<vmem>>) dst(%dma_wait3A_82 : memref<10240x128xf32, #tpu.memory_space<vmem_shared>>)
      %dma_wait3A_83 = arith.constant 0 : i32
      %dma_wait3A_84 = arith.constant 0 : i32
      %dma_wait3A_85 = tpu.memref_slice %arg9[%dma_wait3A_83, %dma_wait3A_84] : memref<20x64xi32, #tpu.memory_space<vmem>> -> memref<1x64xi32, #tpu.memory_space<vmem>>
      %dma_wait3A_86 = tpu.memref_squeeze %dma_wait3A_85 : memref<1x64xi32, #tpu.memory_space<vmem>> -> memref<64xi32, #tpu.memory_space<vmem>>
      %dma_wait3A_87 = arith.constant 0 : i32
      %dma_wait3A_88 = arith.constant 0 : i32
      %dma_wait3A_89 = tpu.memref_slice %arg6[%dma_wait3A_87, %dma_wait3A_88] : memref<10240x128xf32, #tpu.memory_space<vmem_shared>> -> memref<10240x128xf32, #tpu.memory_space<vmem_shared>>
      tpu.wait_indirect_dma semaphore(%arg21 : memref<!tpu.dma_semaphore, #tpu.memory_space<semaphore_mem>>) src(%arg12 : memref<64x128xf32, #tpu.memory_space<vmem>>) dst(%dma_wait3A_89 : memref<10240x128xf32, #tpu.memory_space<vmem_shared>>)
      %dma_wait3A_90 = arith.constant 0 : i32
      %dma_wait3A_91 = arith.constant 0 : i32
      %dma_wait3A_92 = tpu.memref_slice %arg9[%dma_wait3A_90, %dma_wait3A_91] : memref<20x64xi32, #tpu.memory_space<vmem>> -> memref<1x64xi32, #tpu.memory_space<vmem>>
      %dma_wait3A_93 = tpu.memref_squeeze %dma_wait3A_92 : memref<1x64xi32, #tpu.memory_space<vmem>> -> memref<64xi32, #tpu.memory_space<vmem>>
      %dma_wait3A_94 = arith.constant 0 : i32
      %dma_wait3A_95 = arith.constant 0 : i32
      %dma_wait3A_96 = tpu.memref_slice %arg6[%dma_wait3A_94, %dma_wait3A_95] : memref<10240x128xf32, #tpu.memory_space<vmem_shared>> -> memref<10240x128xf32, #tpu.memory_space<vmem_shared>>
      tpu.wait_indirect_dma semaphore(%arg22 : memref<!tpu.dma_semaphore, #tpu.memory_space<semaphore_mem>>) src(%arg13 : memref<64x128xf32, #tpu.memory_space<vmem>>) dst(%dma_wait3A_96 : memref<10240x128xf32, #tpu.memory_space<vmem_shared>>)
      %dma_wait3A_97 = arith.constant 0 : i32
      %dma_wait3A_98 = arith.constant 0 : i32
      %dma_wait3A_99 = tpu.memref_slice %arg9[%dma_wait3A_97, %dma_wait3A_98] : memref<20x64xi32, #tpu.memory_space<vmem>> -> memref<1x64xi32, #tpu.memory_space<vmem>>
      %dma_wait3A_100 = tpu.memref_squeeze %dma_wait3A_99 : memref<1x64xi32, #tpu.memory_space<vmem>> -> memref<64xi32, #tpu.memory_space<vmem>>
      %dma_wait3A_101 = arith.constant 0 : i32
      %dma_wait3A_102 = arith.constant 0 : i32
      %dma_wait3A_103 = tpu.memref_slice %arg6[%dma_wait3A_101, %dma_wait3A_102] : memref<10240x128xf32, #tpu.memory_space<vmem_shared>> -> memref<10240x128xf32, #tpu.memory_space<vmem_shared>>
      tpu.wait_indirect_dma semaphore(%arg23 : memref<!tpu.dma_semaphore, #tpu.memory_space<semaphore_mem>>) src(%arg14 : memref<64x128xf32, #tpu.memory_space<vmem>>) dst(%dma_wait3A_103 : memref<10240x128xf32, #tpu.memory_space<vmem_shared>>)
      %lt3A_104 = arith.constant 7 : i32
      %lt3A_105 = arith.cmpi slt, %add3A_48, %lt3A_104 : i32
      %convert_element_type3A_106 = arith.extui %lt3A_105 : i1 to i32
      %cond3A_107 = arith.constant 0 : i32
      %cond3A_108 = arith.cmpi ne, %convert_element_type3A_106, %cond3A_107 : i32
      scf.if %cond3A_108 {
        %dma_wait3A_177 = arith.constant 0 : i32
        %dma_wait3A_178 = arith.constant 0 : i32
        %dma_wait3A_179 = arith.constant 0 : i32
        %dma_wait3A_180 = tpu.memref_slice %arg3[%add3A, %dma_wait3A_177, %dma_wait3A_178, %dma_wait3A_179] : memref<32x8x20x64xi32, #tpu.memory_space<hbm>> -> memref<1x1x20x64xi32, #tpu.memory_space<hbm>>
        %dma_wait3A_181 = tpu.memref_squeeze %dma_wait3A_180 : memref<1x1x20x64xi32, #tpu.memory_space<hbm>> -> memref<20x64xi32, #tpu.memory_space<hbm>>
        %dma_wait3A_182 = arith.constant 0 : i32
        %dma_wait3A_183 = arith.constant 0 : i32
        %dma_wait3A_184 = tpu.memref_slice %arg3[%add3A, %dma_wait3A_177, %dma_wait3A_182, %dma_wait3A_183] : memref<32x8x20x64xi32, #tpu.memory_space<hbm>> -> memref<1x1x20x64xi32, #tpu.memory_space<hbm>>
        %dma_wait3A_185 = tpu.memref_squeeze %dma_wait3A_184 : memref<1x1x20x64xi32, #tpu.memory_space<hbm>> -> memref<20x64xi32, #tpu.memory_space<hbm>>
        tpu.wait_dma2 semaphore(%arg24 : memref<!tpu.dma_semaphore, #tpu.memory_space<semaphore_mem>>) src(%dma_wait3A_185 : memref<20x64xi32, #tpu.memory_space<hbm>>) dst(%arg8 : memref<20x64xi32, #tpu.memory_space<vmem>>)
        %dma_wait3A_186 = arith.constant 0 : i32
        %dma_wait3A_187 = arith.constant 0 : i32
        %dma_wait3A_188 = arith.constant 0 : i32
        %dma_wait3A_189 = tpu.memref_slice %arg4[%add3A, %dma_wait3A_186, %dma_wait3A_187, %dma_wait3A_188] : memref<32x8x20x64xi32, #tpu.memory_space<hbm>> -> memref<1x1x20x64xi32, #tpu.memory_space<hbm>>
        %dma_wait3A_190 = tpu.memref_squeeze %dma_wait3A_189 : memref<1x1x20x64xi32, #tpu.memory_space<hbm>> -> memref<20x64xi32, #tpu.memory_space<hbm>>
        %dma_wait3A_191 = arith.constant 0 : i32
        %dma_wait3A_192 = arith.constant 0 : i32
        %dma_wait3A_193 = tpu.memref_slice %arg4[%add3A, %dma_wait3A_186, %dma_wait3A_191, %dma_wait3A_192] : memref<32x8x20x64xi32, #tpu.memory_space<hbm>> -> memref<1x1x20x64xi32, #tpu.memory_space<hbm>>
        %dma_wait3A_194 = tpu.memref_squeeze %dma_wait3A_193 : memref<1x1x20x64xi32, #tpu.memory_space<hbm>> -> memref<20x64xi32, #tpu.memory_space<hbm>>
        tpu.wait_dma2 semaphore(%arg25 : memref<!tpu.dma_semaphore, #tpu.memory_space<semaphore_mem>>) src(%dma_wait3A_194 : memref<20x64xi32, #tpu.memory_space<hbm>>) dst(%arg10 : memref<20x64xi32, #tpu.memory_space<vmem>>)
      } else {
      }
      %mul3A_109 = arith.constant 2 : i32
      %mul3A_110 = arith.muli %mul3A_109, %scan3A_44 : i32
      %add3A_111 = arith.constant 1 : i32
      %add3A_112 = arith.addi %mul3A_110, %add3A_111 : i32
      %lt3A_113 = arith.constant 7 : i32
      %lt3A_114 = arith.cmpi slt, %add3A_112, %lt3A_113 : i32
      %convert_element_type3A_115 = arith.extui %lt3A_114 : i1 to i32
      %cond3A_116 = arith.constant 0 : i32
      %cond3A_117 = arith.cmpi ne, %convert_element_type3A_115, %cond3A_116 : i32
      scf.if %cond3A_117 {
        %add3A_177 = arith.constant 1 : i32
        %add3A_178 = arith.addi %add3A_112, %add3A_177 : i32
        %dma_start3A_179 = arith.constant 0 : i32
        %dma_start3A_180 = arith.constant 0 : i32
        %dma_start3A_181 = tpu.memref_slice %arg3[%add3A, %add3A_178, %dma_start3A_179, %dma_start3A_180] : memref<32x8x20x64xi32, #tpu.memory_space<hbm>> -> memref<1x1x20x64xi32, #tpu.memory_space<hbm>>
        %dma_start3A_182 = tpu.memref_squeeze %dma_start3A_181 : memref<1x1x20x64xi32, #tpu.memory_space<hbm>> -> memref<20x64xi32, #tpu.memory_space<hbm>>
        %dma_start3A_183 = arith.constant 0 : i32
        %dma_start3A_184 = arith.constant 0 : i32
        %dma_start3A_185 = tpu.memref_slice %arg3[%add3A, %add3A_178, %dma_start3A_183, %dma_start3A_184] : memref<32x8x20x64xi32, #tpu.memory_space<hbm>> -> memref<1x1x20x64xi32, #tpu.memory_space<hbm>>
        %dma_start3A_186 = tpu.memref_squeeze %dma_start3A_185 : memref<1x1x20x64xi32, #tpu.memory_space<hbm>> -> memref<20x64xi32, #tpu.memory_space<hbm>>
        tpu.enqueue_dma source(%dma_start3A_186 : memref<20x64xi32, #tpu.memory_space<hbm>>) target(%arg7 : memref<20x64xi32, #tpu.memory_space<vmem>>) target_semaphore(%arg24 : memref<!tpu.dma_semaphore, #tpu.memory_space<semaphore_mem>>)
        %add3A_187 = arith.constant 1 : i32
        %add3A_188 = arith.addi %add3A_112, %add3A_187 : i32
        %dma_start3A_189 = arith.constant 0 : i32
        %dma_start3A_190 = arith.constant 0 : i32
        %dma_start3A_191 = tpu.memref_slice %arg4[%add3A, %add3A_188, %dma_start3A_189, %dma_start3A_190] : memref<32x8x20x64xi32, #tpu.memory_space<hbm>> -> memref<1x1x20x64xi32, #tpu.memory_space<hbm>>
        %dma_start3A_192 = tpu.memref_squeeze %dma_start3A_191 : memref<1x1x20x64xi32, #tpu.memory_space<hbm>> -> memref<20x64xi32, #tpu.memory_space<hbm>>
        %dma_start3A_193 = arith.constant 0 : i32
        %dma_start3A_194 = arith.constant 0 : i32
        %dma_start3A_195 = tpu.memref_slice %arg4[%add3A, %add3A_188, %dma_start3A_193, %dma_start3A_194] : memref<32x8x20x64xi32, #tpu.memory_space<hbm>> -> memref<1x1x20x64xi32, #tpu.memory_space<hbm>>
        %dma_start3A_196 = tpu.memref_squeeze %dma_start3A_195 : memref<1x1x20x64xi32, #tpu.memory_space<hbm>> -> memref<20x64xi32, #tpu.memory_space<hbm>>
        tpu.enqueue_dma source(%dma_start3A_196 : memref<20x64xi32, #tpu.memory_space<hbm>>) target(%arg9 : memref<20x64xi32, #tpu.memory_space<vmem>>) target_semaphore(%arg25 : memref<!tpu.dma_semaphore, #tpu.memory_space<semaphore_mem>>)
      } else {
      }
      %dma_start3A_118 = arith.constant 0 : i32
      %dma_start3A_119 = arith.constant 0 : i32
      %dma_start3A_120 = tpu.memref_slice %arg8[%dma_start3A_118, %dma_start3A_119] : memref<20x64xi32, #tpu.memory_space<vmem>> -> memref<1x64xi32, #tpu.memory_space<vmem>>
      %dma_start3A_121 = tpu.memref_squeeze %dma_start3A_120 : memref<1x64xi32, #tpu.memory_space<vmem>> -> memref<64xi32, #tpu.memory_space<vmem>>
      %dma_start3A_122 = arith.constant 0 : i32
      %dma_start3A_123 = arith.constant 0 : i32
      %dma_start3A_124 = tpu.memref_slice %arg2[%dma_start3A_122, %dma_start3A_123] : memref<10240x128xf32, #tpu.memory_space<hbm>> -> memref<10240x128xf32, #tpu.memory_space<hbm>>
      tpu.enqueue_indirect_dma source(%dma_start3A_124 : memref<10240x128xf32, #tpu.memory_space<hbm>>) target(%arg11 : memref<64x128xf32, #tpu.memory_space<vmem>>) offsets(%dma_start3A_121 : memref<64xi32, #tpu.memory_space<vmem>>) semaphore(%arg16 : memref<!tpu.dma_semaphore, #tpu.memory_space<semaphore_mem>>)
      %dma_start3A_125 = arith.constant 1 : i32
      %dma_start3A_126 = arith.constant 0 : i32
      %dma_start3A_127 = tpu.memref_slice %arg8[%dma_start3A_125, %dma_start3A_126] : memref<20x64xi32, #tpu.memory_space<vmem>> -> memref<1x64xi32, #tpu.memory_space<vmem>>
      %dma_start3A_128 = tpu.memref_squeeze %dma_start3A_127 : memref<1x64xi32, #tpu.memory_space<vmem>> -> memref<64xi32, #tpu.memory_space<vmem>>
      %dma_start3A_129 = arith.constant 0 : i32
      %dma_start3A_130 = arith.constant 0 : i32
      %dma_start3A_131 = tpu.memref_slice %arg2[%dma_start3A_129, %dma_start3A_130] : memref<10240x128xf32, #tpu.memory_space<hbm>> -> memref<10240x128xf32, #tpu.memory_space<hbm>>
      tpu.enqueue_indirect_dma source(%dma_start3A_131 : memref<10240x128xf32, #tpu.memory_space<hbm>>) target(%arg12 : memref<64x128xf32, #tpu.memory_space<vmem>>) offsets(%dma_start3A_128 : memref<64xi32, #tpu.memory_space<vmem>>) semaphore(%arg17 : memref<!tpu.dma_semaphore, #tpu.memory_space<semaphore_mem>>)
      %dma_start3A_132 = arith.constant 2 : i32
      %dma_start3A_133 = arith.constant 0 : i32
      %dma_start3A_134 = tpu.memref_slice %arg8[%dma_start3A_132, %dma_start3A_133] : memref<20x64xi32, #tpu.memory_space<vmem>> -> memref<1x64xi32, #tpu.memory_space<vmem>>
      %dma_start3A_135 = tpu.memref_squeeze %dma_start3A_134 : memref<1x64xi32, #tpu.memory_space<vmem>> -> memref<64xi32, #tpu.memory_space<vmem>>
      %dma_start3A_136 = arith.constant 0 : i32
      %dma_start3A_137 = arith.constant 0 : i32
      %dma_start3A_138 = tpu.memref_slice %arg2[%dma_start3A_136, %dma_start3A_137] : memref<10240x128xf32, #tpu.memory_space<hbm>> -> memref<10240x128xf32, #tpu.memory_space<hbm>>
      tpu.enqueue_indirect_dma source(%dma_start3A_138 : memref<10240x128xf32, #tpu.memory_space<hbm>>) target(%arg13 : memref<64x128xf32, #tpu.memory_space<vmem>>) offsets(%dma_start3A_135 : memref<64xi32, #tpu.memory_space<vmem>>) semaphore(%arg18 : memref<!tpu.dma_semaphore, #tpu.memory_space<semaphore_mem>>)
      %scan3A_139 = arith.constant 0 : i32
      %scan3A_140 = arith.constant 5 : i32
      %scan3A_141 = arith.addi %scan3A_139, %scan3A_140 : i32
      %scan3A_142 = arith.constant 1 : i32
      scf.for %scan3A_177 = %scan3A_139 to %scan3A_141 step %scan3A_142  : i32 {
        %mul3A_178 = arith.constant 4 : i32
        %mul3A_179 = arith.muli %scan3A_177, %mul3A_178 : i32
        %add3A_180 = arith.constant 0 : i32
        %add3A_181 = arith.addi %mul3A_179, %add3A_180 : i32
        %dma_wait3A_182 = arith.constant 0 : i32
        %dma_wait3A_183 = tpu.memref_slice %arg8[%add3A_181, %dma_wait3A_182] : memref<20x64xi32, #tpu.memory_space<vmem>> -> memref<1x64xi32, #tpu.memory_space<vmem>>
        %dma_wait3A_184 = tpu.memref_squeeze %dma_wait3A_183 : memref<1x64xi32, #tpu.memory_space<vmem>> -> memref<64xi32, #tpu.memory_space<vmem>>
        %dma_wait3A_185 = arith.constant 0 : i32
        %dma_wait3A_186 = arith.constant 0 : i32
        %dma_wait3A_187 = tpu.memref_slice %arg2[%dma_wait3A_185, %dma_wait3A_186] : memref<10240x128xf32, #tpu.memory_space<hbm>> -> memref<10240x128xf32, #tpu.memory_space<hbm>>
        tpu.wait_indirect_dma semaphore(%arg16 : memref<!tpu.dma_semaphore, #tpu.memory_space<semaphore_mem>>) src(%dma_wait3A_187 : memref<10240x128xf32, #tpu.memory_space<hbm>>) dst(%arg11 : memref<64x128xf32, #tpu.memory_space<vmem>>)
        %dma_start3A_188 = arith.constant 0 : i32
        %dma_start3A_189 = tpu.memref_slice %arg10[%add3A_181, %dma_start3A_188] : memref<20x64xi32, #tpu.memory_space<vmem>> -> memref<1x64xi32, #tpu.memory_space<vmem>>
        %dma_start3A_190 = tpu.memref_squeeze %dma_start3A_189 : memref<1x64xi32, #tpu.memory_space<vmem>> -> memref<64xi32, #tpu.memory_space<vmem>>
        %dma_start3A_191 = arith.constant 0 : i32
        %dma_start3A_192 = arith.constant 0 : i32
        %dma_start3A_193 = tpu.memref_slice %arg6[%dma_start3A_191, %dma_start3A_192] : memref<10240x128xf32, #tpu.memory_space<vmem_shared>> -> memref<10240x128xf32, #tpu.memory_space<vmem_shared>>
        tpu.enqueue_indirect_dma source(%arg11 : memref<64x128xf32, #tpu.memory_space<vmem>>) target(%dma_start3A_193 : memref<10240x128xf32, #tpu.memory_space<vmem_shared>>) offsets(%dma_start3A_190 : memref<64xi32, #tpu.memory_space<vmem>>) semaphore(%arg20 : memref<!tpu.dma_semaphore, #tpu.memory_space<semaphore_mem>>) {add = true}
        %gt3A = arith.constant 0 : i32
        %gt3A_194 = arith.cmpi sgt, %scan3A_177, %gt3A : i32
        %convert_element_type3A_195 = arith.extui %gt3A_194 : i1 to i32
        %cond3A_196 = arith.constant 0 : i32
        %cond3A_197 = arith.cmpi ne, %convert_element_type3A_195, %cond3A_196 : i32
        scf.if %cond3A_197 {
          %dma_wait3A_270 = arith.constant 0 : i32
          %dma_wait3A_271 = arith.constant 0 : i32
          %dma_wait3A_272 = tpu.memref_slice %arg10[%dma_wait3A_270, %dma_wait3A_271] : memref<20x64xi32, #tpu.memory_space<vmem>> -> memref<1x64xi32, #tpu.memory_space<vmem>>
          %dma_wait3A_273 = tpu.memref_squeeze %dma_wait3A_272 : memref<1x64xi32, #tpu.memory_space<vmem>> -> memref<64xi32, #tpu.memory_space<vmem>>
          %dma_wait3A_274 = arith.constant 0 : i32
          %dma_wait3A_275 = arith.constant 0 : i32
          %dma_wait3A_276 = tpu.memref_slice %arg6[%dma_wait3A_274, %dma_wait3A_275] : memref<10240x128xf32, #tpu.memory_space<vmem_shared>> -> memref<10240x128xf32, #tpu.memory_space<vmem_shared>>
          tpu.wait_indirect_dma semaphore(%arg23 : memref<!tpu.dma_semaphore, #tpu.memory_space<semaphore_mem>>) src(%arg14 : memref<64x128xf32, #tpu.memory_space<vmem>>) dst(%dma_wait3A_276 : memref<10240x128xf32, #tpu.memory_space<vmem_shared>>)
        } else {
        }
        %add3A_198 = arith.constant 4 : i32
        %add3A_199 = arith.addi %add3A_181, %add3A_198 : i32
        %sub3A = arith.constant 1 : i32
        %sub3A_200 = arith.subi %add3A_199, %sub3A : i32
        %dma_start3A_201 = arith.constant 0 : i32
        %dma_start3A_202 = tpu.memref_slice %arg8[%sub3A_200, %dma_start3A_201] : memref<20x64xi32, #tpu.memory_space<vmem>> -> memref<1x64xi32, #tpu.memory_space<vmem>>
        %dma_start3A_203 = tpu.memref_squeeze %dma_start3A_202 : memref<1x64xi32, #tpu.memory_space<vmem>> -> memref<64xi32, #tpu.memory_space<vmem>>
        %dma_start3A_204 = arith.constant 0 : i32
        %dma_start3A_205 = arith.constant 0 : i32
        %dma_start3A_206 = tpu.memref_slice %arg2[%dma_start3A_204, %dma_start3A_205] : memref<10240x128xf32, #tpu.memory_space<hbm>> -> memref<10240x128xf32, #tpu.memory_space<hbm>>
        tpu.enqueue_indirect_dma source(%dma_start3A_206 : memref<10240x128xf32, #tpu.memory_space<hbm>>) target(%arg14 : memref<64x128xf32, #tpu.memory_space<vmem>>) offsets(%dma_start3A_203 : memref<64xi32, #tpu.memory_space<vmem>>) semaphore(%arg19 : memref<!tpu.dma_semaphore, #tpu.memory_space<semaphore_mem>>)
        %mul3A_207 = arith.constant 4 : i32
        %mul3A_208 = arith.muli %scan3A_177, %mul3A_207 : i32
        %add3A_209 = arith.constant 1 : i32
        %add3A_210 = arith.addi %mul3A_208, %add3A_209 : i32
        %dma_wait3A_211 = arith.constant 0 : i32
        %dma_wait3A_212 = tpu.memref_slice %arg8[%add3A_210, %dma_wait3A_211] : memref<20x64xi32, #tpu.memory_space<vmem>> -> memref<1x64xi32, #tpu.memory_space<vmem>>
        %dma_wait3A_213 = tpu.memref_squeeze %dma_wait3A_212 : memref<1x64xi32, #tpu.memory_space<vmem>> -> memref<64xi32, #tpu.memory_space<vmem>>
        %dma_wait3A_214 = arith.constant 0 : i32
        %dma_wait3A_215 = arith.constant 0 : i32
        %dma_wait3A_216 = tpu.memref_slice %arg2[%dma_wait3A_214, %dma_wait3A_215] : memref<10240x128xf32, #tpu.memory_space<hbm>> -> memref<10240x128xf32, #tpu.memory_space<hbm>>
        tpu.wait_indirect_dma semaphore(%arg17 : memref<!tpu.dma_semaphore, #tpu.memory_space<semaphore_mem>>) src(%dma_wait3A_216 : memref<10240x128xf32, #tpu.memory_space<hbm>>) dst(%arg12 : memref<64x128xf32, #tpu.memory_space<vmem>>)
        %dma_start3A_217 = arith.constant 0 : i32
        %dma_start3A_218 = tpu.memref_slice %arg10[%add3A_210, %dma_start3A_217] : memref<20x64xi32, #tpu.memory_space<vmem>> -> memref<1x64xi32, #tpu.memory_space<vmem>>
        %dma_start3A_219 = tpu.memref_squeeze %dma_start3A_218 : memref<1x64xi32, #tpu.memory_space<vmem>> -> memref<64xi32, #tpu.memory_space<vmem>>
        %dma_start3A_220 = arith.constant 0 : i32
        %dma_start3A_221 = arith.constant 0 : i32
        %dma_start3A_222 = tpu.memref_slice %arg6[%dma_start3A_220, %dma_start3A_221] : memref<10240x128xf32, #tpu.memory_space<vmem_shared>> -> memref<10240x128xf32, #tpu.memory_space<vmem_shared>>
        tpu.enqueue_indirect_dma source(%arg12 : memref<64x128xf32, #tpu.memory_space<vmem>>) target(%dma_start3A_222 : memref<10240x128xf32, #tpu.memory_space<vmem_shared>>) offsets(%dma_start3A_219 : memref<64xi32, #tpu.memory_space<vmem>>) semaphore(%arg21 : memref<!tpu.dma_semaphore, #tpu.memory_space<semaphore_mem>>) {add = true}
        %lt3A_223 = arith.constant 4 : i32
        %lt3A_224 = arith.cmpi slt, %scan3A_177, %lt3A_223 : i32
        %convert_element_type3A_225 = arith.extui %lt3A_224 : i1 to i32
        %cond3A_226 = arith.constant 0 : i32
        %cond3A_227 = arith.cmpi ne, %convert_element_type3A_225, %cond3A_226 : i32
        scf.if %cond3A_227 {
          %dma_wait3A_270 = arith.constant 0 : i32
          %dma_wait3A_271 = tpu.memref_slice %arg10[%add3A_181, %dma_wait3A_270] : memref<20x64xi32, #tpu.memory_space<vmem>> -> memref<1x64xi32, #tpu.memory_space<vmem>>
          %dma_wait3A_272 = tpu.memref_squeeze %dma_wait3A_271 : memref<1x64xi32, #tpu.memory_space<vmem>> -> memref<64xi32, #tpu.memory_space<vmem>>
          %dma_wait3A_273 = arith.constant 0 : i32
          %dma_wait3A_274 = arith.constant 0 : i32
          %dma_wait3A_275 = tpu.memref_slice %arg6[%dma_wait3A_273, %dma_wait3A_274] : memref<10240x128xf32, #tpu.memory_space<vmem_shared>> -> memref<10240x128xf32, #tpu.memory_space<vmem_shared>>
          tpu.wait_indirect_dma semaphore(%arg20 : memref<!tpu.dma_semaphore, #tpu.memory_space<semaphore_mem>>) src(%arg11 : memref<64x128xf32, #tpu.memory_space<vmem>>) dst(%dma_wait3A_275 : memref<10240x128xf32, #tpu.memory_space<vmem_shared>>)
          %add3A_276 = arith.constant 4 : i32
          %add3A_277 = arith.addi %add3A_210, %add3A_276 : i32
          %sub3A_278 = arith.constant 1 : i32
          %sub3A_279 = arith.subi %add3A_277, %sub3A_278 : i32
          %dma_start3A_280 = arith.constant 0 : i32
          %dma_start3A_281 = tpu.memref_slice %arg8[%sub3A_279, %dma_start3A_280] : memref<20x64xi32, #tpu.memory_space<vmem>> -> memref<1x64xi32, #tpu.memory_space<vmem>>
          %dma_start3A_282 = tpu.memref_squeeze %dma_start3A_281 : memref<1x64xi32, #tpu.memory_space<vmem>> -> memref<64xi32, #tpu.memory_space<vmem>>
          %dma_start3A_283 = arith.constant 0 : i32
          %dma_start3A_284 = arith.constant 0 : i32
          %dma_start3A_285 = tpu.memref_slice %arg2[%dma_start3A_283, %dma_start3A_284] : memref<10240x128xf32, #tpu.memory_space<hbm>> -> memref<10240x128xf32, #tpu.memory_space<hbm>>
          tpu.enqueue_indirect_dma source(%dma_start3A_285 : memref<10240x128xf32, #tpu.memory_space<hbm>>) target(%arg11 : memref<64x128xf32, #tpu.memory_space<vmem>>) offsets(%dma_start3A_282 : memref<64xi32, #tpu.memory_space<vmem>>) semaphore(%arg16 : memref<!tpu.dma_semaphore, #tpu.memory_space<semaphore_mem>>)
        } else {
        }
        %mul3A_228 = arith.constant 4 : i32
        %mul3A_229 = arith.muli %scan3A_177, %mul3A_228 : i32
        %add3A_230 = arith.constant 2 : i32
        %add3A_231 = arith.addi %mul3A_229, %add3A_230 : i32
        %dma_wait3A_232 = arith.constant 0 : i32
        %dma_wait3A_233 = tpu.memref_slice %arg8[%add3A_231, %dma_wait3A_232] : memref<20x64xi32, #tpu.memory_space<vmem>> -> memref<1x64xi32, #tpu.memory_space<vmem>>
        %dma_wait3A_234 = tpu.memref_squeeze %dma_wait3A_233 : memref<1x64xi32, #tpu.memory_space<vmem>> -> memref<64xi32, #tpu.memory_space<vmem>>
        %dma_wait3A_235 = arith.constant 0 : i32
        %dma_wait3A_236 = arith.constant 0 : i32
        %dma_wait3A_237 = tpu.memref_slice %arg2[%dma_wait3A_235, %dma_wait3A_236] : memref<10240x128xf32, #tpu.memory_space<hbm>> -> memref<10240x128xf32, #tpu.memory_space<hbm>>
        tpu.wait_indirect_dma semaphore(%arg18 : memref<!tpu.dma_semaphore, #tpu.memory_space<semaphore_mem>>) src(%dma_wait3A_237 : memref<10240x128xf32, #tpu.memory_space<hbm>>) dst(%arg13 : memref<64x128xf32, #tpu.memory_space<vmem>>)
        %dma_start3A_238 = arith.constant 0 : i32
        %dma_start3A_239 = tpu.memref_slice %arg10[%add3A_231, %dma_start3A_238] : memref<20x64xi32, #tpu.memory_space<vmem>> -> memref<1x64xi32, #tpu.memory_space<vmem>>
        %dma_start3A_240 = tpu.memref_squeeze %dma_start3A_239 : memref<1x64xi32, #tpu.memory_space<vmem>> -> memref<64xi32, #tpu.memory_space<vmem>>
        %dma_start3A_241 = arith.constant 0 : i32
        %dma_start3A_242 = arith.constant 0 : i32
        %dma_start3A_243 = tpu.memref_slice %arg6[%dma_start3A_241, %dma_start3A_242] : memref<10240x128xf32, #tpu.memory_space<vmem_shared>> -> memref<10240x128xf32, #tpu.memory_space<vmem_shared>>
        tpu.enqueue_indirect_dma source(%arg13 : memref<64x128xf32, #tpu.memory_space<vmem>>) target(%dma_start3A_243 : memref<10240x128xf32, #tpu.memory_space<vmem_shared>>) offsets(%dma_start3A_240 : memref<64xi32, #tpu.memory_space<vmem>>) semaphore(%arg22 : memref<!tpu.dma_semaphore, #tpu.memory_space<semaphore_mem>>) {add = true}
        %lt3A_244 = arith.constant 4 : i32
        %lt3A_245 = arith.cmpi slt, %scan3A_177, %lt3A_244 : i32
        %convert_element_type3A_246 = arith.extui %lt3A_245 : i1 to i32
        %cond3A_247 = arith.constant 0 : i32
        %cond3A_248 = arith.cmpi ne, %convert_element_type3A_246, %cond3A_247 : i32
        scf.if %cond3A_248 {
          %dma_wait3A_270 = arith.constant 0 : i32
          %dma_wait3A_271 = tpu.memref_slice %arg10[%add3A_210, %dma_wait3A_270] : memref<20x64xi32, #tpu.memory_space<vmem>> -> memref<1x64xi32, #tpu.memory_space<vmem>>
          %dma_wait3A_272 = tpu.memref_squeeze %dma_wait3A_271 : memref<1x64xi32, #tpu.memory_space<vmem>> -> memref<64xi32, #tpu.memory_space<vmem>>
          %dma_wait3A_273 = arith.constant 0 : i32
          %dma_wait3A_274 = arith.constant 0 : i32
          %dma_wait3A_275 = tpu.memref_slice %arg6[%dma_wait3A_273, %dma_wait3A_274] : memref<10240x128xf32, #tpu.memory_space<vmem_shared>> -> memref<10240x128xf32, #tpu.memory_space<vmem_shared>>
          tpu.wait_indirect_dma semaphore(%arg21 : memref<!tpu.dma_semaphore, #tpu.memory_space<semaphore_mem>>) src(%arg12 : memref<64x128xf32, #tpu.memory_space<vmem>>) dst(%dma_wait3A_275 : memref<10240x128xf32, #tpu.memory_space<vmem_shared>>)
          %add3A_276 = arith.constant 4 : i32
          %add3A_277 = arith.addi %add3A_231, %add3A_276 : i32
          %sub3A_278 = arith.constant 1 : i32
          %sub3A_279 = arith.subi %add3A_277, %sub3A_278 : i32
          %dma_start3A_280 = arith.constant 0 : i32
          %dma_start3A_281 = tpu.memref_slice %arg8[%sub3A_279, %dma_start3A_280] : memref<20x64xi32, #tpu.memory_space<vmem>> -> memref<1x64xi32, #tpu.memory_space<vmem>>
          %dma_start3A_282 = tpu.memref_squeeze %dma_start3A_281 : memref<1x64xi32, #tpu.memory_space<vmem>> -> memref<64xi32, #tpu.memory_space<vmem>>
          %dma_start3A_283 = arith.constant 0 : i32
          %dma_start3A_284 = arith.constant 0 : i32
          %dma_start3A_285 = tpu.memref_slice %arg2[%dma_start3A_283, %dma_start3A_284] : memref<10240x128xf32, #tpu.memory_space<hbm>> -> memref<10240x128xf32, #tpu.memory_space<hbm>>
          tpu.enqueue_indirect_dma source(%dma_start3A_285 : memref<10240x128xf32, #tpu.memory_space<hbm>>) target(%arg12 : memref<64x128xf32, #tpu.memory_space<vmem>>) offsets(%dma_start3A_282 : memref<64xi32, #tpu.memory_space<vmem>>) semaphore(%arg17 : memref<!tpu.dma_semaphore, #tpu.memory_space<semaphore_mem>>)
        } else {
        }
        %mul3A_249 = arith.constant 4 : i32
        %mul3A_250 = arith.muli %scan3A_177, %mul3A_249 : i32
        %add3A_251 = arith.constant 3 : i32
        %add3A_252 = arith.addi %mul3A_250, %add3A_251 : i32
        %dma_wait3A_253 = arith.constant 0 : i32
        %dma_wait3A_254 = tpu.memref_slice %arg8[%add3A_252, %dma_wait3A_253] : memref<20x64xi32, #tpu.memory_space<vmem>> -> memref<1x64xi32, #tpu.memory_space<vmem>>
        %dma_wait3A_255 = tpu.memref_squeeze %dma_wait3A_254 : memref<1x64xi32, #tpu.memory_space<vmem>> -> memref<64xi32, #tpu.memory_space<vmem>>
        %dma_wait3A_256 = arith.constant 0 : i32
        %dma_wait3A_257 = arith.constant 0 : i32
        %dma_wait3A_258 = tpu.memref_slice %arg2[%dma_wait3A_256, %dma_wait3A_257] : memref<10240x128xf32, #tpu.memory_space<hbm>> -> memref<10240x128xf32, #tpu.memory_space<hbm>>
        tpu.wait_indirect_dma semaphore(%arg19 : memref<!tpu.dma_semaphore, #tpu.memory_space<semaphore_mem>>) src(%dma_wait3A_258 : memref<10240x128xf32, #tpu.memory_space<hbm>>) dst(%arg14 : memref<64x128xf32, #tpu.memory_space<vmem>>)
        %dma_start3A_259 = arith.constant 0 : i32
        %dma_start3A_260 = tpu.memref_slice %arg10[%add3A_252, %dma_start3A_259] : memref<20x64xi32, #tpu.memory_space<vmem>> -> memref<1x64xi32, #tpu.memory_space<vmem>>
        %dma_start3A_261 = tpu.memref_squeeze %dma_start3A_260 : memref<1x64xi32, #tpu.memory_space<vmem>> -> memref<64xi32, #tpu.memory_space<vmem>>
        %dma_start3A_262 = arith.constant 0 : i32
        %dma_start3A_263 = arith.constant 0 : i32
        %dma_start3A_264 = tpu.memref_slice %arg6[%dma_start3A_262, %dma_start3A_263] : memref<10240x128xf32, #tpu.memory_space<vmem_shared>> -> memref<10240x128xf32, #tpu.memory_space<vmem_shared>>
        tpu.enqueue_indirect_dma source(%arg14 : memref<64x128xf32, #tpu.memory_space<vmem>>) target(%dma_start3A_264 : memref<10240x128xf32, #tpu.memory_space<vmem_shared>>) offsets(%dma_start3A_261 : memref<64xi32, #tpu.memory_space<vmem>>) semaphore(%arg23 : memref<!tpu.dma_semaphore, #tpu.memory_space<semaphore_mem>>) {add = true}
        %lt3A_265 = arith.constant 4 : i32
        %lt3A_266 = arith.cmpi slt, %scan3A_177, %lt3A_265 : i32
        %convert_element_type3A_267 = arith.extui %lt3A_266 : i1 to i32
        %cond3A_268 = arith.constant 0 : i32
        %cond3A_269 = arith.cmpi ne, %convert_element_type3A_267, %cond3A_268 : i32
        scf.if %cond3A_269 {
          %dma_wait3A_270 = arith.constant 0 : i32
          %dma_wait3A_271 = tpu.memref_slice %arg10[%add3A_231, %dma_wait3A_270] : memref<20x64xi32, #tpu.memory_space<vmem>> -> memref<1x64xi32, #tpu.memory_space<vmem>>
          %dma_wait3A_272 = tpu.memref_squeeze %dma_wait3A_271 : memref<1x64xi32, #tpu.memory_space<vmem>> -> memref<64xi32, #tpu.memory_space<vmem>>
          %dma_wait3A_273 = arith.constant 0 : i32
          %dma_wait3A_274 = arith.constant 0 : i32
          %dma_wait3A_275 = tpu.memref_slice %arg6[%dma_wait3A_273, %dma_wait3A_274] : memref<10240x128xf32, #tpu.memory_space<vmem_shared>> -> memref<10240x128xf32, #tpu.memory_space<vmem_shared>>
          tpu.wait_indirect_dma semaphore(%arg22 : memref<!tpu.dma_semaphore, #tpu.memory_space<semaphore_mem>>) src(%arg13 : memref<64x128xf32, #tpu.memory_space<vmem>>) dst(%dma_wait3A_275 : memref<10240x128xf32, #tpu.memory_space<vmem_shared>>)
          %add3A_276 = arith.constant 4 : i32
          %add3A_277 = arith.addi %add3A_252, %add3A_276 : i32
          %sub3A_278 = arith.constant 1 : i32
          %sub3A_279 = arith.subi %add3A_277, %sub3A_278 : i32
          %dma_start3A_280 = arith.constant 0 : i32
          %dma_start3A_281 = tpu.memref_slice %arg8[%sub3A_279, %dma_start3A_280] : memref<20x64xi32, #tpu.memory_space<vmem>> -> memref<1x64xi32, #tpu.memory_space<vmem>>
          %dma_start3A_282 = tpu.memref_squeeze %dma_start3A_281 : memref<1x64xi32, #tpu.memory_space<vmem>> -> memref<64xi32, #tpu.memory_space<vmem>>
          %dma_start3A_283 = arith.constant 0 : i32
          %dma_start3A_284 = arith.constant 0 : i32
          %dma_start3A_285 = tpu.memref_slice %arg2[%dma_start3A_283, %dma_start3A_284] : memref<10240x128xf32, #tpu.memory_space<hbm>> -> memref<10240x128xf32, #tpu.memory_space<hbm>>
          tpu.enqueue_indirect_dma source(%dma_start3A_285 : memref<10240x128xf32, #tpu.memory_space<hbm>>) target(%arg13 : memref<64x128xf32, #tpu.memory_space<vmem>>) offsets(%dma_start3A_282 : memref<64xi32, #tpu.memory_space<vmem>>) semaphore(%arg18 : memref<!tpu.dma_semaphore, #tpu.memory_space<semaphore_mem>>)
        } else {
        }
      }
      %scan3A_143 = arith.constant 5 : i32
      %dma_wait3A_144 = arith.constant 0 : i32
      %dma_wait3A_145 = arith.constant 0 : i32
      %dma_wait3A_146 = tpu.memref_slice %arg10[%dma_wait3A_144, %dma_wait3A_145] : memref<20x64xi32, #tpu.memory_space<vmem>> -> memref<1x64xi32, #tpu.memory_space<vmem>>
      %dma_wait3A_147 = tpu.memref_squeeze %dma_wait3A_146 : memref<1x64xi32, #tpu.memory_space<vmem>> -> memref<64xi32, #tpu.memory_space<vmem>>
      %dma_wait3A_148 = arith.constant 0 : i32
      %dma_wait3A_149 = arith.constant 0 : i32
      %dma_wait3A_150 = tpu.memref_slice %arg6[%dma_wait3A_148, %dma_wait3A_149] : memref<10240x128xf32, #tpu.memory_space<vmem_shared>> -> memref<10240x128xf32, #tpu.memory_space<vmem_shared>>
      tpu.wait_indirect_dma semaphore(%arg20 : memref<!tpu.dma_semaphore, #tpu.memory_space<semaphore_mem>>) src(%arg11 : memref<64x128xf32, #tpu.memory_space<vmem>>) dst(%dma_wait3A_150 : memref<10240x128xf32, #tpu.memory_space<vmem_shared>>)
      %dma_wait3A_151 = arith.constant 0 : i32
      %dma_wait3A_152 = arith.constant 0 : i32
      %dma_wait3A_153 = tpu.memref_slice %arg10[%dma_wait3A_151, %dma_wait3A_152] : memref<20x64xi32, #tpu.memory_space<vmem>> -> memref<1x64xi32, #tpu.memory_space<vmem>>
      %dma_wait3A_154 = tpu.memref_squeeze %dma_wait3A_153 : memref<1x64xi32, #tpu.memory_space<vmem>> -> memref<64xi32, #tpu.memory_space<vmem>>
      %dma_wait3A_155 = arith.constant 0 : i32
      %dma_wait3A_156 = arith.constant 0 : i32
      %dma_wait3A_157 = tpu.memref_slice %arg6[%dma_wait3A_155, %dma_wait3A_156] : memref<10240x128xf32, #tpu.memory_space<vmem_shared>> -> memref<10240x128xf32, #tpu.memory_space<vmem_shared>>
      tpu.wait_indirect_dma semaphore(%arg21 : memref<!tpu.dma_semaphore, #tpu.memory_space<semaphore_mem>>) src(%arg12 : memref<64x128xf32, #tpu.memory_space<vmem>>) dst(%dma_wait3A_157 : memref<10240x128xf32, #tpu.memory_space<vmem_shared>>)
      %dma_wait3A_158 = arith.constant 0 : i32
      %dma_wait3A_159 = arith.constant 0 : i32
      %dma_wait3A_160 = tpu.memref_slice %arg10[%dma_wait3A_158, %dma_wait3A_159] : memref<20x64xi32, #tpu.memory_space<vmem>> -> memref<1x64xi32, #tpu.memory_space<vmem>>
      %dma_wait3A_161 = tpu.memref_squeeze %dma_wait3A_160 : memref<1x64xi32, #tpu.memory_space<vmem>> -> memref<64xi32, #tpu.memory_space<vmem>>
      %dma_wait3A_162 = arith.constant 0 : i32
      %dma_wait3A_163 = arith.constant 0 : i32
      %dma_wait3A_164 = tpu.memref_slice %arg6[%dma_wait3A_162, %dma_wait3A_163] : memref<10240x128xf32, #tpu.memory_space<vmem_shared>> -> memref<10240x128xf32, #tpu.memory_space<vmem_shared>>
      tpu.wait_indirect_dma semaphore(%arg22 : memref<!tpu.dma_semaphore, #tpu.memory_space<semaphore_mem>>) src(%arg13 : memref<64x128xf32, #tpu.memory_space<vmem>>) dst(%dma_wait3A_164 : memref<10240x128xf32, #tpu.memory_space<vmem_shared>>)
      %dma_wait3A_165 = arith.constant 0 : i32
      %dma_wait3A_166 = arith.constant 0 : i32
      %dma_wait3A_167 = tpu.memref_slice %arg10[%dma_wait3A_165, %dma_wait3A_166] : memref<20x64xi32, #tpu.memory_space<vmem>> -> memref<1x64xi32, #tpu.memory_space<vmem>>
      %dma_wait3A_168 = tpu.memref_squeeze %dma_wait3A_167 : memref<1x64xi32, #tpu.memory_space<vmem>> -> memref<64xi32, #tpu.memory_space<vmem>>
      %dma_wait3A_169 = arith.constant 0 : i32
      %dma_wait3A_170 = arith.constant 0 : i32
      %dma_wait3A_171 = tpu.memref_slice %arg6[%dma_wait3A_169, %dma_wait3A_170] : memref<10240x128xf32, #tpu.memory_space<vmem_shared>> -> memref<10240x128xf32, #tpu.memory_space<vmem_shared>>
      tpu.wait_indirect_dma semaphore(%arg23 : memref<!tpu.dma_semaphore, #tpu.memory_space<semaphore_mem>>) src(%arg14 : memref<64x128xf32, #tpu.memory_space<vmem>>) dst(%dma_wait3A_171 : memref<10240x128xf32, #tpu.memory_space<vmem_shared>>)
      %lt3A_172 = arith.constant 7 : i32
      %lt3A_173 = arith.cmpi slt, %add3A_112, %lt3A_172 : i32
      %convert_element_type3A_174 = arith.extui %lt3A_173 : i1 to i32
      %cond3A_175 = arith.constant 0 : i32
      %cond3A_176 = arith.cmpi ne, %convert_element_type3A_174, %cond3A_175 : i32
      scf.if %cond3A_176 {
        %dma_wait3A_177 = arith.constant 0 : i32
        %dma_wait3A_178 = arith.constant 0 : i32
        %dma_wait3A_179 = arith.constant 0 : i32
        %dma_wait3A_180 = tpu.memref_slice %arg3[%add3A, %dma_wait3A_177, %dma_wait3A_178, %dma_wait3A_179] : memref<32x8x20x64xi32, #tpu.memory_space<hbm>> -> memref<1x1x20x64xi32, #tpu.memory_space<hbm>>
        %dma_wait3A_181 = tpu.memref_squeeze %dma_wait3A_180 : memref<1x1x20x64xi32, #tpu.memory_space<hbm>> -> memref<20x64xi32, #tpu.memory_space<hbm>>
        %dma_wait3A_182 = arith.constant 0 : i32
        %dma_wait3A_183 = arith.constant 0 : i32
        %dma_wait3A_184 = tpu.memref_slice %arg3[%add3A, %dma_wait3A_177, %dma_wait3A_182, %dma_wait3A_183] : memref<32x8x20x64xi32, #tpu.memory_space<hbm>> -> memref<1x1x20x64xi32, #tpu.memory_space<hbm>>
        %dma_wait3A_185 = tpu.memref_squeeze %dma_wait3A_184 : memref<1x1x20x64xi32, #tpu.memory_space<hbm>> -> memref<20x64xi32, #tpu.memory_space<hbm>>
        tpu.wait_dma2 semaphore(%arg24 : memref<!tpu.dma_semaphore, #tpu.memory_space<semaphore_mem>>) src(%dma_wait3A_185 : memref<20x64xi32, #tpu.memory_space<hbm>>) dst(%arg7 : memref<20x64xi32, #tpu.memory_space<vmem>>)
        %dma_wait3A_186 = arith.constant 0 : i32
        %dma_wait3A_187 = arith.constant 0 : i32
        %dma_wait3A_188 = arith.constant 0 : i32
        %dma_wait3A_189 = tpu.memref_slice %arg4[%add3A, %dma_wait3A_186, %dma_wait3A_187, %dma_wait3A_188] : memref<32x8x20x64xi32, #tpu.memory_space<hbm>> -> memref<1x1x20x64xi32, #tpu.memory_space<hbm>>
        %dma_wait3A_190 = tpu.memref_squeeze %dma_wait3A_189 : memref<1x1x20x64xi32, #tpu.memory_space<hbm>> -> memref<20x64xi32, #tpu.memory_space<hbm>>
        %dma_wait3A_191 = arith.constant 0 : i32
        %dma_wait3A_192 = arith.constant 0 : i32
        %dma_wait3A_193 = tpu.memref_slice %arg4[%add3A, %dma_wait3A_186, %dma_wait3A_191, %dma_wait3A_192] : memref<32x8x20x64xi32, #tpu.memory_space<hbm>> -> memref<1x1x20x64xi32, #tpu.memory_space<hbm>>
        %dma_wait3A_194 = tpu.memref_squeeze %dma_wait3A_193 : memref<1x1x20x64xi32, #tpu.memory_space<hbm>> -> memref<20x64xi32, #tpu.memory_space<hbm>>
        tpu.wait_dma2 semaphore(%arg25 : memref<!tpu.dma_semaphore, #tpu.memory_space<semaphore_mem>>) src(%dma_wait3A_194 : memref<20x64xi32, #tpu.memory_space<hbm>>) dst(%arg9 : memref<20x64xi32, #tpu.memory_space<vmem>>)
      } else {
      }
    }
    %scan3A_38 = arith.constant 4 : i32
    %barrier3A_39 = arith.constant 0 : index
    tpu.barrier barrier_id(%barrier3A_39)
    %mul3A_40 = arith.constant 640 : i32
    %mul3A_41 = arith.muli %arg1, %mul3A_40 : i32
    %mul3A_42 = arith.constant 640 : i32
    %mul3A_43 = arith.muli %arg1, %mul3A_42 : i32
    "tpu.region"() ({
      %run_scoped3A_44 = tpu.sem_alloc : memref<!tpu.dma_semaphore, #tpu.memory_space<semaphore_mem>>
      %dma_start3A = arith.constant 0 : i32
      %dma_start3A_45 = tpu.memref_slice %arg5[%arg0, %mul3A_43, %dma_start3A] : memref<2x10240x128xf32, #tpu.memory_space<hbm>> -> memref<1x640x128xf32, #tpu.memory_space<hbm>>
      %dma_start3A_46 = tpu.memref_squeeze %dma_start3A_45 : memref<1x640x128xf32, #tpu.memory_space<hbm>> -> memref<640x128xf32, #tpu.memory_space<hbm>>
      %dma_start3A_47 = arith.constant 0 : i32
      %dma_start3A_48 = tpu.memref_slice %arg6[%mul3A_41, %dma_start3A_47] : memref<10240x128xf32, #tpu.memory_space<vmem_shared>> -> memref<640x128xf32, #tpu.memory_space<vmem_shared>>
      tpu.enqueue_dma source(%dma_start3A_48 : memref<640x128xf32, #tpu.memory_space<vmem_shared>>) target(%dma_start3A_46 : memref<640x128xf32, #tpu.memory_space<hbm>>) target_semaphore(%run_scoped3A_44 : memref<!tpu.dma_semaphore, #tpu.memory_space<semaphore_mem>>)
      %dma_wait3A_49 = arith.constant 0 : i32
      %dma_wait3A_50 = tpu.memref_slice %arg5[%arg0, %mul3A_43, %dma_wait3A_49] : memref<2x10240x128xf32, #tpu.memory_space<hbm>> -> memref<1x640x128xf32, #tpu.memory_space<hbm>>
      %dma_wait3A_51 = tpu.memref_squeeze %dma_wait3A_50 : memref<1x640x128xf32, #tpu.memory_space<hbm>> -> memref<640x128xf32, #tpu.memory_space<hbm>>
      %dma_wait3A_52 = arith.constant 0 : i32
      %dma_wait3A_53 = tpu.memref_slice %arg6[%mul3A_41, %dma_wait3A_52] : memref<10240x128xf32, #tpu.memory_space<vmem_shared>> -> memref<640x128xf32, #tpu.memory_space<vmem_shared>>
      tpu.wait_dma2 semaphore(%run_scoped3A_44 : memref<!tpu.dma_semaphore, #tpu.memory_space<semaphore_mem>>) src(%dma_wait3A_53 : memref<640x128xf32, #tpu.memory_space<vmem_shared>>) dst(%dma_wait3A_51 : memref<640x128xf32, #tpu.memory_space<hbm>>)
      tpu.yield
    }) : () -> ()
    return
  }
}

#map = affine_map<(d0, d1) -> (0, 0)>
#map1 = affine_map<(d0, d1) -> (0, 0, 0, 0)>
#map2 = affine_map<(d0, d1) -> (0, 0, 0)>
module attributes {stable_mosaic.version = 14 : i64} {
  func.func @_edge_pass(%arg0: i32, %arg1: i32, %arg2: memref<10240x128xf32, #tpu.memory_space<hbm>>, %arg3: memref<32x8x20x64xi32, #tpu.memory_space<hbm>>, %arg4: memref<32x8x20x64xi32, #tpu.memory_space<hbm>>, %arg5: memref<2x10240x128xf32, #tpu.memory_space<hbm>>, %arg6: memref<10240x128xf32, #tpu.memory_space<vmem_shared>>, %arg7: memref<20x64xi32, #tpu.memory_space<vmem>>, %arg8: memref<20x64xi32, #tpu.memory_space<vmem>>, %arg9: memref<20x64xi32, #tpu.memory_space<vmem>>, %arg10: memref<20x64xi32, #tpu.memory_space<vmem>>, %arg11: memref<64x128xf32, #tpu.memory_space<vmem>>, %arg12: memref<64x128xf32, #tpu.memory_space<vmem>>, %arg13: memref<64x128xf32, #tpu.memory_space<vmem>>, %arg14: memref<64x128xf32, #tpu.memory_space<vmem>>, %arg15: memref<16x128xf32, #tpu.memory_space<vmem>>, %arg16: memref<!tpu.dma_semaphore, #tpu.memory_space<semaphore_mem>>, %arg17: memref<!tpu.dma_semaphore, #tpu.memory_space<semaphore_mem>>, %arg18: memref<!tpu.dma_semaphore, #tpu.memory_space<semaphore_mem>>, %arg19: memref<!tpu.dma_semaphore, #tpu.memory_space<semaphore_mem>>, %arg20: memref<!tpu.dma_semaphore, #tpu.memory_space<semaphore_mem>>, %arg21: memref<!tpu.dma_semaphore, #tpu.memory_space<semaphore_mem>>, %arg22: memref<!tpu.dma_semaphore, #tpu.memory_space<semaphore_mem>>, %arg23: memref<!tpu.dma_semaphore, #tpu.memory_space<semaphore_mem>>, %arg24: memref<!tpu.dma_semaphore, #tpu.memory_space<semaphore_mem>>, %arg25: memref<!tpu.dma_semaphore, #tpu.memory_space<semaphore_mem>>) attributes {dimension_semantics = [#tpu.dimension_semantics<core_parallel>, #tpu.dimension_semantics<subcore_parallel>], iteration_bounds = array<i64: 2, 16>, scalar_prefetch = 0 : i64, scratch_operands = 20 : i64, tpu.core_type = #tpu.core_type<sc_vector_subcore>, window_params = [{transform_indices = #map}, {transform_indices = #map1}, {transform_indices = #map1}, {transform_indices = #map2}]} {
    %mul3A = arith.constant 16 : i32
    %mul3A_0 = arith.muli %arg0, %mul3A : i32
    %add3A = arith.addi %mul3A_0, %arg1 : i32
    %scan3A = arith.constant 0 : i32
    %scan3A_1 = arith.constant 16 : i32
    %scan3A_2 = arith.addi %scan3A, %scan3A_1 : i32
    %scan3A_3 = arith.constant 1 : i32
    scf.for %scan3A_44 = %scan3A to %scan3A_2 step %scan3A_3  : i32 {
      %broadcast_in_dim3A = arith.constant 0.000000e+00 : f32
      %broadcast_in_dim3A_45 = vector.broadcast %broadcast_in_dim3A : f32 to vector<16xf32>
      %swap3A = arith.index_cast %scan3A_44 : i32 to index
      %swap3A_46 = arith.constant 0 : index
      %swap3A_47 = tpu.vector_load %arg15[%swap3A, %swap3A_46] {strides = array<i32>} : memref<16x128xf32, #tpu.memory_space<vmem>>, vector<1x16xf32>,
      %swap3A_48 = vector.shape_cast %swap3A_47 : vector<1x16xf32> to vector<16xf32>
      %swap3A_49 = vector.shape_cast %broadcast_in_dim3A_45 : vector<16xf32> to vector<1x16xf32>
      tpu.vector_store %arg15[%swap3A, %swap3A_46], %swap3A_49 {strides = array<i32>} : memref<16x128xf32, #tpu.memory_space<vmem>>, vector<1x16xf32>,
      %broadcast_in_dim3A_50 = arith.constant 0.000000e+00 : f32
      %broadcast_in_dim3A_51 = vector.broadcast %broadcast_in_dim3A_50 : f32 to vector<16xf32>
      %swap3A_52 = arith.index_cast %scan3A_44 : i32 to index
      %swap3A_53 = arith.constant 16 : index
      %swap3A_54 = tpu.vector_load %arg15[%swap3A_52, %swap3A_53] {strides = array<i32>} : memref<16x128xf32, #tpu.memory_space<vmem>>, vector<1x16xf32>,
      %swap3A_55 = vector.shape_cast %swap3A_54 : vector<1x16xf32> to vector<16xf32>
      %swap3A_56 = vector.shape_cast %broadcast_in_dim3A_51 : vector<16xf32> to vector<1x16xf32>
      tpu.vector_store %arg15[%swap3A_52, %swap3A_53], %swap3A_56 {strides = array<i32>} : memref<16x128xf32, #tpu.memory_space<vmem>>, vector<1x16xf32>,
      %broadcast_in_dim3A_57 = arith.constant 0.000000e+00 : f32
      %broadcast_in_dim3A_58 = vector.broadcast %broadcast_in_dim3A_57 : f32 to vector<16xf32>
      %swap3A_59 = arith.index_cast %scan3A_44 : i32 to index
      %swap3A_60 = arith.constant 32 : index
      %swap3A_61 = tpu.vector_load %arg15[%swap3A_59, %swap3A_60] {strides = array<i32>} : memref<16x128xf32, #tpu.memory_space<vmem>>, vector<1x16xf32>,
      %swap3A_62 = vector.shape_cast %swap3A_61 : vector<1x16xf32> to vector<16xf32>
      %swap3A_63 = vector.shape_cast %broadcast_in_dim3A_58 : vector<16xf32> to vector<1x16xf32>
      tpu.vector_store %arg15[%swap3A_59, %swap3A_60], %swap3A_63 {strides = array<i32>} : memref<16x128xf32, #tpu.memory_space<vmem>>, vector<1x16xf32>,
      %broadcast_in_dim3A_64 = arith.constant 0.000000e+00 : f32
      %broadcast_in_dim3A_65 = vector.broadcast %broadcast_in_dim3A_64 : f32 to vector<16xf32>
      %swap3A_66 = arith.index_cast %scan3A_44 : i32 to index
      %swap3A_67 = arith.constant 48 : index
      %swap3A_68 = tpu.vector_load %arg15[%swap3A_66, %swap3A_67] {strides = array<i32>} : memref<16x128xf32, #tpu.memory_space<vmem>>, vector<1x16xf32>,
      %swap3A_69 = vector.shape_cast %swap3A_68 : vector<1x16xf32> to vector<16xf32>
      %swap3A_70 = vector.shape_cast %broadcast_in_dim3A_65 : vector<16xf32> to vector<1x16xf32>
      tpu.vector_store %arg15[%swap3A_66, %swap3A_67], %swap3A_70 {strides = array<i32>} : memref<16x128xf32, #tpu.memory_space<vmem>>, vector<1x16xf32>,
      %broadcast_in_dim3A_71 = arith.constant 0.000000e+00 : f32
      %broadcast_in_dim3A_72 = vector.broadcast %broadcast_in_dim3A_71 : f32 to vector<16xf32>
      %swap3A_73 = arith.index_cast %scan3A_44 : i32 to index
      %swap3A_74 = arith.constant 64 : index
      %swap3A_75 = tpu.vector_load %arg15[%swap3A_73, %swap3A_74] {strides = array<i32>} : memref<16x128xf32, #tpu.memory_space<vmem>>, vector<1x16xf32>,
      %swap3A_76 = vector.shape_cast %swap3A_75 : vector<1x16xf32> to vector<16xf32>
      %swap3A_77 = vector.shape_cast %broadcast_in_dim3A_72 : vector<16xf32> to vector<1x16xf32>
      tpu.vector_store %arg15[%swap3A_73, %swap3A_74], %swap3A_77 {strides = array<i32>} : memref<16x128xf32, #tpu.memory_space<vmem>>, vector<1x16xf32>,
      %broadcast_in_dim3A_78 = arith.constant 0.000000e+00 : f32
      %broadcast_in_dim3A_79 = vector.broadcast %broadcast_in_dim3A_78 : f32 to vector<16xf32>
      %swap3A_80 = arith.index_cast %scan3A_44 : i32 to index
      %swap3A_81 = arith.constant 80 : index
      %swap3A_82 = tpu.vector_load %arg15[%swap3A_80, %swap3A_81] {strides = array<i32>} : memref<16x128xf32, #tpu.memory_space<vmem>>, vector<1x16xf32>,
      %swap3A_83 = vector.shape_cast %swap3A_82 : vector<1x16xf32> to vector<16xf32>
      %swap3A_84 = vector.shape_cast %broadcast_in_dim3A_79 : vector<16xf32> to vector<1x16xf32>
      tpu.vector_store %arg15[%swap3A_80, %swap3A_81], %swap3A_84 {strides = array<i32>} : memref<16x128xf32, #tpu.memory_space<vmem>>, vector<1x16xf32>,
      %broadcast_in_dim3A_85 = arith.constant 0.000000e+00 : f32
      %broadcast_in_dim3A_86 = vector.broadcast %broadcast_in_dim3A_85 : f32 to vector<16xf32>
      %swap3A_87 = arith.index_cast %scan3A_44 : i32 to index
      %swap3A_88 = arith.constant 96 : index
      %swap3A_89 = tpu.vector_load %arg15[%swap3A_87, %swap3A_88] {strides = array<i32>} : memref<16x128xf32, #tpu.memory_space<vmem>>, vector<1x16xf32>,
      %swap3A_90 = vector.shape_cast %swap3A_89 : vector<1x16xf32> to vector<16xf32>
      %swap3A_91 = vector.shape_cast %broadcast_in_dim3A_86 : vector<16xf32> to vector<1x16xf32>
      tpu.vector_store %arg15[%swap3A_87, %swap3A_88], %swap3A_91 {strides = array<i32>} : memref<16x128xf32, #tpu.memory_space<vmem>>, vector<1x16xf32>,
      %broadcast_in_dim3A_92 = arith.constant 0.000000e+00 : f32
      %broadcast_in_dim3A_93 = vector.broadcast %broadcast_in_dim3A_92 : f32 to vector<16xf32>
      %swap3A_94 = arith.index_cast %scan3A_44 : i32 to index
      %swap3A_95 = arith.constant 112 : index
      %swap3A_96 = tpu.vector_load %arg15[%swap3A_94, %swap3A_95] {strides = array<i32>} : memref<16x128xf32, #tpu.memory_space<vmem>>, vector<1x16xf32>,
      %swap3A_97 = vector.shape_cast %swap3A_96 : vector<1x16xf32> to vector<16xf32>
      %swap3A_98 = vector.shape_cast %broadcast_in_dim3A_93 : vector<16xf32> to vector<1x16xf32>
      tpu.vector_store %arg15[%swap3A_94, %swap3A_95], %swap3A_98 {strides = array<i32>} : memref<16x128xf32, #tpu.memory_space<vmem>>, vector<1x16xf32>,
    }
    %scan3A_4 = arith.constant 16 : i32
    %scan3A_5 = arith.constant 0 : i32
    %scan3A_6 = arith.constant 10 : i32
    %scan3A_7 = arith.addi %scan3A_5, %scan3A_6 : i32
    %scan3A_8 = arith.constant 1 : i32
    scf.for %scan3A_44 = %scan3A_5 to %scan3A_7 step %scan3A_8  : i32 {
      %mul3A_45 = arith.constant 4 : i32
      %mul3A_46 = arith.muli %scan3A_44, %mul3A_45 : i32
      %add3A_47 = arith.constant 0 : i32
      %add3A_48 = arith.addi %mul3A_46, %add3A_47 : i32
      %gt3A = arith.constant 0 : i32
      %gt3A_49 = arith.cmpi sgt, %scan3A_44, %gt3A : i32
      %convert_element_type3A = arith.extui %gt3A_49 : i1 to i32
      %cond3A = arith.constant 0 : i32
      %cond3A_50 = arith.cmpi ne, %convert_element_type3A, %cond3A : i32
      scf.if %cond3A_50 {
        %mul3A_113 = arith.constant 640 : i32
        %mul3A_114 = arith.muli %arg1, %mul3A_113 : i32
        %dma_wait3A_115 = arith.constant 0 : i32
        %dma_wait3A_116 = tpu.memref_slice %arg6[%mul3A_114, %dma_wait3A_115] : memref<10240x128xf32, #tpu.memory_space<vmem_shared>> -> memref<16x128xf32, #tpu.memory_space<vmem_shared>>
        %dma_wait3A_117 = arith.constant 0 : i32
        %dma_wait3A_118 = tpu.memref_slice %arg6[%mul3A_114, %dma_wait3A_117] : memref<10240x128xf32, #tpu.memory_space<vmem_shared>> -> memref<16x128xf32, #tpu.memory_space<vmem_shared>>
        tpu.wait_dma2 semaphore(%arg16 : memref<!tpu.dma_semaphore, #tpu.memory_space<semaphore_mem>>) src(%arg15 : memref<16x128xf32, #tpu.memory_space<vmem>>) dst(%dma_wait3A_118 : memref<16x128xf32, #tpu.memory_space<vmem_shared>>)
      } else {
      }
      %mul3A_51 = arith.constant 640 : i32
      %mul3A_52 = arith.muli %arg1, %mul3A_51 : i32
      %mul3A_53 = arith.constant 16 : i32
      %mul3A_54 = arith.muli %add3A_48, %mul3A_53 : i32
      %add3A_55 = arith.addi %mul3A_52, %mul3A_54 : i32
      %dma_start3A = arith.constant 0 : i32
      %dma_start3A_56 = tpu.memref_slice %arg6[%add3A_55, %dma_start3A] : memref<10240x128xf32, #tpu.memory_space<vmem_shared>> -> memref<16x128xf32, #tpu.memory_space<vmem_shared>>
      %dma_start3A_57 = arith.constant 0 : i32
      %dma_start3A_58 = tpu.memref_slice %arg6[%add3A_55, %dma_start3A_57] : memref<10240x128xf32, #tpu.memory_space<vmem_shared>> -> memref<16x128xf32, #tpu.memory_space<vmem_shared>>
      tpu.enqueue_dma source(%arg15 : memref<16x128xf32, #tpu.memory_space<vmem>>) target(%dma_start3A_58 : memref<16x128xf32, #tpu.memory_space<vmem_shared>>) target_semaphore(%arg16 : memref<!tpu.dma_semaphore, #tpu.memory_space<semaphore_mem>>)
      %mul3A_59 = arith.constant 4 : i32
      %mul3A_60 = arith.muli %scan3A_44, %mul3A_59 : i32
      %add3A_61 = arith.constant 1 : i32
      %add3A_62 = arith.addi %mul3A_60, %add3A_61 : i32
      %gt3A_63 = arith.constant 0 : i32
      %gt3A_64 = arith.cmpi sgt, %scan3A_44, %gt3A_63 : i32
      %convert_element_type3A_65 = arith.extui %gt3A_64 : i1 to i32
      %cond3A_66 = arith.constant 0 : i32
      %cond3A_67 = arith.cmpi ne, %convert_element_type3A_65, %cond3A_66 : i32
      scf.if %cond3A_67 {
        %mul3A_113 = arith.constant 640 : i32
        %mul3A_114 = arith.muli %arg1, %mul3A_113 : i32
        %dma_wait3A_115 = arith.constant 0 : i32
        %dma_wait3A_116 = tpu.memref_slice %arg6[%mul3A_114, %dma_wait3A_115] : memref<10240x128xf32, #tpu.memory_space<vmem_shared>> -> memref<16x128xf32, #tpu.memory_space<vmem_shared>>
        %dma_wait3A_117 = arith.constant 0 : i32
        %dma_wait3A_118 = tpu.memref_slice %arg6[%mul3A_114, %dma_wait3A_117] : memref<10240x128xf32, #tpu.memory_space<vmem_shared>> -> memref<16x128xf32, #tpu.memory_space<vmem_shared>>
        tpu.wait_dma2 semaphore(%arg17 : memref<!tpu.dma_semaphore, #tpu.memory_space<semaphore_mem>>) src(%arg15 : memref<16x128xf32, #tpu.memory_space<vmem>>) dst(%dma_wait3A_118 : memref<16x128xf32, #tpu.memory_space<vmem_shared>>)
      } else {
      }
      %mul3A_68 = arith.constant 640 : i32
      %mul3A_69 = arith.muli %arg1, %mul3A_68 : i32
      %mul3A_70 = arith.constant 16 : i32
      %mul3A_71 = arith.muli %add3A_62, %mul3A_70 : i32
      %add3A_72 = arith.addi %mul3A_69, %mul3A_71 : i32
      %dma_start3A_73 = arith.constant 0 : i32
      %dma_start3A_74 = tpu.memref_slice %arg6[%add3A_72, %dma_start3A_73] : memref<10240x128xf32, #tpu.memory_space<vmem_shared>> -> memref<16x128xf32, #tpu.memory_space<vmem_shared>>
      %dma_start3A_75 = arith.constant 0 : i32
      %dma_start3A_76 = tpu.memref_slice %arg6[%add3A_72, %dma_start3A_75] : memref<10240x128xf32, #tpu.memory_space<vmem_shared>> -> memref<16x128xf32, #tpu.memory_space<vmem_shared>>
      tpu.enqueue_dma source(%arg15 : memref<16x128xf32, #tpu.memory_space<vmem>>) target(%dma_start3A_76 : memref<16x128xf32, #tpu.memory_space<vmem_shared>>) target_semaphore(%arg17 : memref<!tpu.dma_semaphore, #tpu.memory_space<semaphore_mem>>)
      %mul3A_77 = arith.constant 4 : i32
      %mul3A_78 = arith.muli %scan3A_44, %mul3A_77 : i32
      %add3A_79 = arith.constant 2 : i32
      %add3A_80 = arith.addi %mul3A_78, %add3A_79 : i32
      %gt3A_81 = arith.constant 0 : i32
      %gt3A_82 = arith.cmpi sgt, %scan3A_44, %gt3A_81 : i32
      %convert_element_type3A_83 = arith.extui %gt3A_82 : i1 to i32
      %cond3A_84 = arith.constant 0 : i32
      %cond3A_85 = arith.cmpi ne, %convert_element_type3A_83, %cond3A_84 : i32
      scf.if %cond3A_85 {
        %mul3A_113 = arith.constant 640 : i32
        %mul3A_114 = arith.muli %arg1, %mul3A_113 : i32
        %dma_wait3A_115 = arith.constant 0 : i32
        %dma_wait3A_116 = tpu.memref_slice %arg6[%mul3A_114, %dma_wait3A_115] : memref<10240x128xf32, #tpu.memory_space<vmem_shared>> -> memref<16x128xf32, #tpu.memory_space<vmem_shared>>
        %dma_wait3A_117 = arith.constant 0 : i32
        %dma_wait3A_118 = tpu.memref_slice %arg6[%mul3A_114, %dma_wait3A_117] : memref<10240x128xf32, #tpu.memory_space<vmem_shared>> -> memref<16x128xf32, #tpu.memory_space<vmem_shared>>
        tpu.wait_dma2 semaphore(%arg18 : memref<!tpu.dma_semaphore, #tpu.memory_space<semaphore_mem>>) src(%arg15 : memref<16x128xf32, #tpu.memory_space<vmem>>) dst(%dma_wait3A_118 : memref<16x128xf32, #tpu.memory_space<vmem_shared>>)
      } else {
      }
      %mul3A_86 = arith.constant 640 : i32
      %mul3A_87 = arith.muli %arg1, %mul3A_86 : i32
      %mul3A_88 = arith.constant 16 : i32
      %mul3A_89 = arith.muli %add3A_80, %mul3A_88 : i32
      %add3A_90 = arith.addi %mul3A_87, %mul3A_89 : i32
      %dma_start3A_91 = arith.constant 0 : i32
      %dma_start3A_92 = tpu.memref_slice %arg6[%add3A_90, %dma_start3A_91] : memref<10240x128xf32, #tpu.memory_space<vmem_shared>> -> memref<16x128xf32, #tpu.memory_space<vmem_shared>>
      %dma_start3A_93 = arith.constant 0 : i32
      %dma_start3A_94 = tpu.memref_slice %arg6[%add3A_90, %dma_start3A_93] : memref<10240x128xf32, #tpu.memory_space<vmem_shared>> -> memref<16x128xf32, #tpu.memory_space<vmem_shared>>
      tpu.enqueue_dma source(%arg15 : memref<16x128xf32, #tpu.memory_space<vmem>>) target(%dma_start3A_94 : memref<16x128xf32, #tpu.memory_space<vmem_shared>>) target_semaphore(%arg18 : memref<!tpu.dma_semaphore, #tpu.memory_space<semaphore_mem>>)
      %mul3A_95 = arith.constant 4 : i32
      %mul3A_96 = arith.muli %scan3A_44, %mul3A_95 : i32
      %add3A_97 = arith.constant 3 : i32
      %add3A_98 = arith.addi %mul3A_96, %add3A_97 : i32
      %gt3A_99 = arith.constant 0 : i32
      %gt3A_100 = arith.cmpi sgt, %scan3A_44, %gt3A_99 : i32
      %convert_element_type3A_101 = arith.extui %gt3A_100 : i1 to i32
      %cond3A_102 = arith.constant 0 : i32
      %cond3A_103 = arith.cmpi ne, %convert_element_type3A_101, %cond3A_102 : i32
      scf.if %cond3A_103 {
        %mul3A_113 = arith.constant 640 : i32
        %mul3A_114 = arith.muli %arg1, %mul3A_113 : i32
        %dma_wait3A_115 = arith.constant 0 : i32
        %dma_wait3A_116 = tpu.memref_slice %arg6[%mul3A_114, %dma_wait3A_115] : memref<10240x128xf32, #tpu.memory_space<vmem_shared>> -> memref<16x128xf32, #tpu.memory_space<vmem_shared>>
        %dma_wait3A_117 = arith.constant 0 : i32
        %dma_wait3A_118 = tpu.memref_slice %arg6[%mul3A_114, %dma_wait3A_117] : memref<10240x128xf32, #tpu.memory_space<vmem_shared>> -> memref<16x128xf32, #tpu.memory_space<vmem_shared>>
        tpu.wait_dma2 semaphore(%arg19 : memref<!tpu.dma_semaphore, #tpu.memory_space<semaphore_mem>>) src(%arg15 : memref<16x128xf32, #tpu.memory_space<vmem>>) dst(%dma_wait3A_118 : memref<16x128xf32, #tpu.memory_space<vmem_shared>>)
      } else {
      }
      %mul3A_104 = arith.constant 640 : i32
      %mul3A_105 = arith.muli %arg1, %mul3A_104 : i32
      %mul3A_106 = arith.constant 16 : i32
      %mul3A_107 = arith.muli %add3A_98, %mul3A_106 : i32
      %add3A_108 = arith.addi %mul3A_105, %mul3A_107 : i32
      %dma_start3A_109 = arith.constant 0 : i32
      %dma_start3A_110 = tpu.memref_slice %arg6[%add3A_108, %dma_start3A_109] : memref<10240x128xf32, #tpu.memory_space<vmem_shared>> -> memref<16x128xf32, #tpu.memory_space<vmem_shared>>
      %dma_start3A_111 = arith.constant 0 : i32
      %dma_start3A_112 = tpu.memref_slice %arg6[%add3A_108, %dma_start3A_111] : memref<10240x128xf32, #tpu.memory_space<vmem_shared>> -> memref<16x128xf32, #tpu.memory_space<vmem_shared>>
      tpu.enqueue_dma source(%arg15 : memref<16x128xf32, #tpu.memory_space<vmem>>) target(%dma_start3A_112 : memref<16x128xf32, #tpu.memory_space<vmem_shared>>) target_semaphore(%arg19 : memref<!tpu.dma_semaphore, #tpu.memory_space<semaphore_mem>>)
    }
    %scan3A_9 = arith.constant 10 : i32
    %mul3A_10 = arith.constant 640 : i32
    %mul3A_11 = arith.muli %arg1, %mul3A_10 : i32
    %dma_wait3A = arith.constant 0 : i32
    %dma_wait3A_12 = tpu.memref_slice %arg6[%mul3A_11, %dma_wait3A] : memref<10240x128xf32, #tpu.memory_space<vmem_shared>> -> memref<16x128xf32, #tpu.memory_space<vmem_shared>>
    %dma_wait3A_13 = arith.constant 0 : i32
    %dma_wait3A_14 = tpu.memref_slice %arg6[%mul3A_11, %dma_wait3A_13] : memref<10240x128xf32, #tpu.memory_space<vmem_shared>> -> memref<16x128xf32, #tpu.memory_space<vmem_shared>>
    tpu.wait_dma2 semaphore(%arg16 : memref<!tpu.dma_semaphore, #tpu.memory_space<semaphore_mem>>) src(%arg15 : memref<16x128xf32, #tpu.memory_space<vmem>>) dst(%dma_wait3A_14 : memref<16x128xf32, #tpu.memory_space<vmem_shared>>)
    %mul3A_15 = arith.constant 640 : i32
    %mul3A_16 = arith.muli %arg1, %mul3A_15 : i32
    %dma_wait3A_17 = arith.constant 0 : i32
    %dma_wait3A_18 = tpu.memref_slice %arg6[%mul3A_16, %dma_wait3A_17] : memref<10240x128xf32, #tpu.memory_space<vmem_shared>> -> memref<16x128xf32, #tpu.memory_space<vmem_shared>>
    %dma_wait3A_19 = arith.constant 0 : i32
    %dma_wait3A_20 = tpu.memref_slice %arg6[%mul3A_16, %dma_wait3A_19] : memref<10240x128xf32, #tpu.memory_space<vmem_shared>> -> memref<16x128xf32, #tpu.memory_space<vmem_shared>>
    tpu.wait_dma2 semaphore(%arg17 : memref<!tpu.dma_semaphore, #tpu.memory_space<semaphore_mem>>) src(%arg15 : memref<16x128xf32, #tpu.memory_space<vmem>>) dst(%dma_wait3A_20 : memref<16x128xf32, #tpu.memory_space<vmem_shared>>)
    %mul3A_21 = arith.constant 640 : i32
    %mul3A_22 = arith.muli %arg1, %mul3A_21 : i32
    %dma_wait3A_23 = arith.constant 0 : i32
    %dma_wait3A_24 = tpu.memref_slice %arg6[%mul3A_22, %dma_wait3A_23] : memref<10240x128xf32, #tpu.memory_space<vmem_shared>> -> memref<16x128xf32, #tpu.memory_space<vmem_shared>>
    %dma_wait3A_25 = arith.constant 0 : i32
    %dma_wait3A_26 = tpu.memref_slice %arg6[%mul3A_22, %dma_wait3A_25] : memref<10240x128xf32, #tpu.memory_space<vmem_shared>> -> memref<16x128xf32, #tpu.memory_space<vmem_shared>>
    tpu.wait_dma2 semaphore(%arg18 : memref<!tpu.dma_semaphore, #tpu.memory_space<semaphore_mem>>) src(%arg15 : memref<16x128xf32, #tpu.memory_space<vmem>>) dst(%dma_wait3A_26 : memref<16x128xf32, #tpu.memory_space<vmem_shared>>)
    %mul3A_27 = arith.constant 640 : i32
    %mul3A_28 = arith.muli %arg1, %mul3A_27 : i32
    %dma_wait3A_29 = arith.constant 0 : i32
    %dma_wait3A_30 = tpu.memref_slice %arg6[%mul3A_28, %dma_wait3A_29] : memref<10240x128xf32, #tpu.memory_space<vmem_shared>> -> memref<16x128xf32, #tpu.memory_space<vmem_shared>>
    %dma_wait3A_31 = arith.constant 0 : i32
    %dma_wait3A_32 = tpu.memref_slice %arg6[%mul3A_28, %dma_wait3A_31] : memref<10240x128xf32, #tpu.memory_space<vmem_shared>> -> memref<16x128xf32, #tpu.memory_space<vmem_shared>>
    tpu.wait_dma2 semaphore(%arg19 : memref<!tpu.dma_semaphore, #tpu.memory_space<semaphore_mem>>) src(%arg15 : memref<16x128xf32, #tpu.memory_space<vmem>>) dst(%dma_wait3A_32 : memref<16x128xf32, #tpu.memory_space<vmem_shared>>)
    %barrier3A = arith.constant 0 : index
    tpu.barrier barrier_id(%barrier3A)
    %run_scoped3A = arith.constant 0 : i32
    "tpu.region"() ({
      %run_scoped3A_44 = tpu.sem_alloc : memref<!tpu.dma_semaphore, #tpu.memory_space<semaphore_mem>>
      %dma_start3A = arith.constant 0 : i32
      %dma_start3A_45 = arith.constant 0 : i32
      %dma_start3A_46 = tpu.memref_slice %arg3[%add3A, %run_scoped3A, %dma_start3A, %dma_start3A_45] : memref<32x8x20x64xi32, #tpu.memory_space<hbm>> -> memref<1x1x20x64xi32, #tpu.memory_space<hbm>>
      %dma_start3A_47 = tpu.memref_squeeze %dma_start3A_46 : memref<1x1x20x64xi32, #tpu.memory_space<hbm>> -> memref<20x64xi32, #tpu.memory_space<hbm>>
      %dma_start3A_48 = arith.constant 0 : i32
      %dma_start3A_49 = arith.constant 0 : i32
      %dma_start3A_50 = tpu.memref_slice %arg3[%add3A, %run_scoped3A, %dma_start3A_48, %dma_start3A_49] : memref<32x8x20x64xi32, #tpu.memory_space<hbm>> -> memref<1x1x20x64xi32, #tpu.memory_space<hbm>>
      %dma_start3A_51 = tpu.memref_squeeze %dma_start3A_50 : memref<1x1x20x64xi32, #tpu.memory_space<hbm>> -> memref<20x64xi32, #tpu.memory_space<hbm>>
      tpu.enqueue_dma source(%dma_start3A_51 : memref<20x64xi32, #tpu.memory_space<hbm>>) target(%arg7 : memref<20x64xi32, #tpu.memory_space<vmem>>) target_semaphore(%run_scoped3A_44 : memref<!tpu.dma_semaphore, #tpu.memory_space<semaphore_mem>>)
      %dma_wait3A_52 = arith.constant 0 : i32
      %dma_wait3A_53 = arith.constant 0 : i32
      %dma_wait3A_54 = tpu.memref_slice %arg3[%add3A, %run_scoped3A, %dma_wait3A_52, %dma_wait3A_53] : memref<32x8x20x64xi32, #tpu.memory_space<hbm>> -> memref<1x1x20x64xi32, #tpu.memory_space<hbm>>
      %dma_wait3A_55 = tpu.memref_squeeze %dma_wait3A_54 : memref<1x1x20x64xi32, #tpu.memory_space<hbm>> -> memref<20x64xi32, #tpu.memory_space<hbm>>
      %dma_wait3A_56 = arith.constant 0 : i32
      %dma_wait3A_57 = arith.constant 0 : i32
      %dma_wait3A_58 = tpu.memref_slice %arg3[%add3A, %run_scoped3A, %dma_wait3A_56, %dma_wait3A_57] : memref<32x8x20x64xi32, #tpu.memory_space<hbm>> -> memref<1x1x20x64xi32, #tpu.memory_space<hbm>>
      %dma_wait3A_59 = tpu.memref_squeeze %dma_wait3A_58 : memref<1x1x20x64xi32, #tpu.memory_space<hbm>> -> memref<20x64xi32, #tpu.memory_space<hbm>>
      tpu.wait_dma2 semaphore(%run_scoped3A_44 : memref<!tpu.dma_semaphore, #tpu.memory_space<semaphore_mem>>) src(%dma_wait3A_59 : memref<20x64xi32, #tpu.memory_space<hbm>>) dst(%arg7 : memref<20x64xi32, #tpu.memory_space<vmem>>)
      tpu.yield
    }) : () -> ()
    %run_scoped3A_33 = arith.constant 0 : i32
    "tpu.region"() ({
      %run_scoped3A_44 = tpu.sem_alloc : memref<!tpu.dma_semaphore, #tpu.memory_space<semaphore_mem>>
      %dma_start3A = arith.constant 0 : i32
      %dma_start3A_45 = arith.constant 0 : i32
      %dma_start3A_46 = tpu.memref_slice %arg4[%add3A, %run_scoped3A_33, %dma_start3A, %dma_start3A_45] : memref<32x8x20x64xi32, #tpu.memory_space<hbm>> -> memref<1x1x20x64xi32, #tpu.memory_space<hbm>>
      %dma_start3A_47 = tpu.memref_squeeze %dma_start3A_46 : memref<1x1x20x64xi32, #tpu.memory_space<hbm>> -> memref<20x64xi32, #tpu.memory_space<hbm>>
      %dma_start3A_48 = arith.constant 0 : i32
      %dma_start3A_49 = arith.constant 0 : i32
      %dma_start3A_50 = tpu.memref_slice %arg4[%add3A, %run_scoped3A_33, %dma_start3A_48, %dma_start3A_49] : memref<32x8x20x64xi32, #tpu.memory_space<hbm>> -> memref<1x1x20x64xi32, #tpu.memory_space<hbm>>
      %dma_start3A_51 = tpu.memref_squeeze %dma_start3A_50 : memref<1x1x20x64xi32, #tpu.memory_space<hbm>> -> memref<20x64xi32, #tpu.memory_space<hbm>>
      tpu.enqueue_dma source(%dma_start3A_51 : memref<20x64xi32, #tpu.memory_space<hbm>>) target(%arg9 : memref<20x64xi32, #tpu.memory_space<vmem>>) target_semaphore(%run_scoped3A_44 : memref<!tpu.dma_semaphore, #tpu.memory_space<semaphore_mem>>)
      %dma_wait3A_52 = arith.constant 0 : i32
      %dma_wait3A_53 = arith.constant 0 : i32
      %dma_wait3A_54 = tpu.memref_slice %arg4[%add3A, %run_scoped3A_33, %dma_wait3A_52, %dma_wait3A_53] : memref<32x8x20x64xi32, #tpu.memory_space<hbm>> -> memref<1x1x20x64xi32, #tpu.memory_space<hbm>>
      %dma_wait3A_55 = tpu.memref_squeeze %dma_wait3A_54 : memref<1x1x20x64xi32, #tpu.memory_space<hbm>> -> memref<20x64xi32, #tpu.memory_space<hbm>>
      %dma_wait3A_56 = arith.constant 0 : i32
      %dma_wait3A_57 = arith.constant 0 : i32
      %dma_wait3A_58 = tpu.memref_slice %arg4[%add3A, %run_scoped3A_33, %dma_wait3A_56, %dma_wait3A_57] : memref<32x8x20x64xi32, #tpu.memory_space<hbm>> -> memref<1x1x20x64xi32, #tpu.memory_space<hbm>>
      %dma_wait3A_59 = tpu.memref_squeeze %dma_wait3A_58 : memref<1x1x20x64xi32, #tpu.memory_space<hbm>> -> memref<20x64xi32, #tpu.memory_space<hbm>>
      tpu.wait_dma2 semaphore(%run_scoped3A_44 : memref<!tpu.dma_semaphore, #tpu.memory_space<semaphore_mem>>) src(%dma_wait3A_59 : memref<20x64xi32, #tpu.memory_space<hbm>>) dst(%arg9 : memref<20x64xi32, #tpu.memory_space<vmem>>)
      tpu.yield
    }) : () -> ()
    %scan3A_34 = arith.constant 0 : i32
    %scan3A_35 = arith.constant 4 : i32
    %scan3A_36 = arith.addi %scan3A_34, %scan3A_35 : i32
    %scan3A_37 = arith.constant 1 : i32
    scf.for %scan3A_44 = %scan3A_34 to %scan3A_36 step %scan3A_37  : i32 {
      %mul3A_45 = arith.constant 2 : i32
      %mul3A_46 = arith.muli %mul3A_45, %scan3A_44 : i32
      %add3A_47 = arith.constant 0 : i32
      %add3A_48 = arith.addi %mul3A_46, %add3A_47 : i32
      %lt3A = arith.constant 7 : i32
      %lt3A_49 = arith.cmpi slt, %add3A_48, %lt3A : i32
      %convert_element_type3A = arith.extui %lt3A_49 : i1 to i32
      %cond3A = arith.constant 0 : i32
      %cond3A_50 = arith.cmpi ne, %convert_element_type3A, %cond3A : i32
      scf.if %cond3A_50 {
        %add3A_177 = arith.constant 1 : i32
        %add3A_178 = arith.addi %add3A_48, %add3A_177 : i32
        %dma_start3A_179 = arith.constant 0 : i32
        %dma_start3A_180 = arith.constant 0 : i32
        %dma_start3A_181 = tpu.memref_slice %arg3[%add3A, %add3A_178, %dma_start3A_179, %dma_start3A_180] : memref<32x8x20x64xi32, #tpu.memory_space<hbm>> -> memref<1x1x20x64xi32, #tpu.memory_space<hbm>>
        %dma_start3A_182 = tpu.memref_squeeze %dma_start3A_181 : memref<1x1x20x64xi32, #tpu.memory_space<hbm>> -> memref<20x64xi32, #tpu.memory_space<hbm>>
        %dma_start3A_183 = arith.constant 0 : i32
        %dma_start3A_184 = arith.constant 0 : i32
        %dma_start3A_185 = tpu.memref_slice %arg3[%add3A, %add3A_178, %dma_start3A_183, %dma_start3A_184] : memref<32x8x20x64xi32, #tpu.memory_space<hbm>> -> memref<1x1x20x64xi32, #tpu.memory_space<hbm>>
        %dma_start3A_186 = tpu.memref_squeeze %dma_start3A_185 : memref<1x1x20x64xi32, #tpu.memory_space<hbm>> -> memref<20x64xi32, #tpu.memory_space<hbm>>
        tpu.enqueue_dma source(%dma_start3A_186 : memref<20x64xi32, #tpu.memory_space<hbm>>) target(%arg8 : memref<20x64xi32, #tpu.memory_space<vmem>>) target_semaphore(%arg24 : memref<!tpu.dma_semaphore, #tpu.memory_space<semaphore_mem>>)
        %add3A_187 = arith.constant 1 : i32
        %add3A_188 = arith.addi %add3A_48, %add3A_187 : i32
        %dma_start3A_189 = arith.constant 0 : i32
        %dma_start3A_190 = arith.constant 0 : i32
        %dma_start3A_191 = tpu.memref_slice %arg4[%add3A, %add3A_188, %dma_start3A_189, %dma_start3A_190] : memref<32x8x20x64xi32, #tpu.memory_space<hbm>> -> memref<1x1x20x64xi32, #tpu.memory_space<hbm>>
        %dma_start3A_192 = tpu.memref_squeeze %dma_start3A_191 : memref<1x1x20x64xi32, #tpu.memory_space<hbm>> -> memref<20x64xi32, #tpu.memory_space<hbm>>
        %dma_start3A_193 = arith.constant 0 : i32
        %dma_start3A_194 = arith.constant 0 : i32
        %dma_start3A_195 = tpu.memref_slice %arg4[%add3A, %add3A_188, %dma_start3A_193, %dma_start3A_194] : memref<32x8x20x64xi32, #tpu.memory_space<hbm>> -> memref<1x1x20x64xi32, #tpu.memory_space<hbm>>
        %dma_start3A_196 = tpu.memref_squeeze %dma_start3A_195 : memref<1x1x20x64xi32, #tpu.memory_space<hbm>> -> memref<20x64xi32, #tpu.memory_space<hbm>>
        tpu.enqueue_dma source(%dma_start3A_196 : memref<20x64xi32, #tpu.memory_space<hbm>>) target(%arg10 : memref<20x64xi32, #tpu.memory_space<vmem>>) target_semaphore(%arg25 : memref<!tpu.dma_semaphore, #tpu.memory_space<semaphore_mem>>)
      } else {
      }
      %dma_start3A = arith.constant 0 : i32
      %dma_start3A_51 = arith.constant 0 : i32
      %dma_start3A_52 = tpu.memref_slice %arg7[%dma_start3A, %dma_start3A_51] : memref<20x64xi32, #tpu.memory_space<vmem>> -> memref<1x64xi32, #tpu.memory_space<vmem>>
      %dma_start3A_53 = tpu.memref_squeeze %dma_start3A_52 : memref<1x64xi32, #tpu.memory_space<vmem>> -> memref<64xi32, #tpu.memory_space<vmem>>
      %dma_start3A_54 = arith.constant 0 : i32
      %dma_start3A_55 = arith.constant 0 : i32
      %dma_start3A_56 = tpu.memref_slice %arg2[%dma_start3A_54, %dma_start3A_55] : memref<10240x128xf32, #tpu.memory_space<hbm>> -> memref<10240x128xf32, #tpu.memory_space<hbm>>
      tpu.enqueue_indirect_dma source(%dma_start3A_56 : memref<10240x128xf32, #tpu.memory_space<hbm>>) target(%arg11 : memref<64x128xf32, #tpu.memory_space<vmem>>) offsets(%dma_start3A_53 : memref<64xi32, #tpu.memory_space<vmem>>) semaphore(%arg16 : memref<!tpu.dma_semaphore, #tpu.memory_space<semaphore_mem>>)
      %dma_start3A_57 = arith.constant 1 : i32
      %dma_start3A_58 = arith.constant 0 : i32
      %dma_start3A_59 = tpu.memref_slice %arg7[%dma_start3A_57, %dma_start3A_58] : memref<20x64xi32, #tpu.memory_space<vmem>> -> memref<1x64xi32, #tpu.memory_space<vmem>>
      %dma_start3A_60 = tpu.memref_squeeze %dma_start3A_59 : memref<1x64xi32, #tpu.memory_space<vmem>> -> memref<64xi32, #tpu.memory_space<vmem>>
      %dma_start3A_61 = arith.constant 0 : i32
      %dma_start3A_62 = arith.constant 0 : i32
      %dma_start3A_63 = tpu.memref_slice %arg2[%dma_start3A_61, %dma_start3A_62] : memref<10240x128xf32, #tpu.memory_space<hbm>> -> memref<10240x128xf32, #tpu.memory_space<hbm>>
      tpu.enqueue_indirect_dma source(%dma_start3A_63 : memref<10240x128xf32, #tpu.memory_space<hbm>>) target(%arg12 : memref<64x128xf32, #tpu.memory_space<vmem>>) offsets(%dma_start3A_60 : memref<64xi32, #tpu.memory_space<vmem>>) semaphore(%arg17 : memref<!tpu.dma_semaphore, #tpu.memory_space<semaphore_mem>>)
      %dma_start3A_64 = arith.constant 2 : i32
      %dma_start3A_65 = arith.constant 0 : i32
      %dma_start3A_66 = tpu.memref_slice %arg7[%dma_start3A_64, %dma_start3A_65] : memref<20x64xi32, #tpu.memory_space<vmem>> -> memref<1x64xi32, #tpu.memory_space<vmem>>
      %dma_start3A_67 = tpu.memref_squeeze %dma_start3A_66 : memref<1x64xi32, #tpu.memory_space<vmem>> -> memref<64xi32, #tpu.memory_space<vmem>>
      %dma_start3A_68 = arith.constant 0 : i32
      %dma_start3A_69 = arith.constant 0 : i32
      %dma_start3A_70 = tpu.memref_slice %arg2[%dma_start3A_68, %dma_start3A_69] : memref<10240x128xf32, #tpu.memory_space<hbm>> -> memref<10240x128xf32, #tpu.memory_space<hbm>>
      tpu.enqueue_indirect_dma source(%dma_start3A_70 : memref<10240x128xf32, #tpu.memory_space<hbm>>) target(%arg13 : memref<64x128xf32, #tpu.memory_space<vmem>>) offsets(%dma_start3A_67 : memref<64xi32, #tpu.memory_space<vmem>>) semaphore(%arg18 : memref<!tpu.dma_semaphore, #tpu.memory_space<semaphore_mem>>)
      %scan3A_71 = arith.constant 0 : i32
      %scan3A_72 = arith.constant 5 : i32
      %scan3A_73 = arith.addi %scan3A_71, %scan3A_72 : i32
      %scan3A_74 = arith.constant 1 : i32
      scf.for %scan3A_177 = %scan3A_71 to %scan3A_73 step %scan3A_74  : i32 {
        %mul3A_178 = arith.constant 4 : i32
        %mul3A_179 = arith.muli %scan3A_177, %mul3A_178 : i32
        %add3A_180 = arith.constant 0 : i32
        %add3A_181 = arith.addi %mul3A_179, %add3A_180 : i32
        %dma_wait3A_182 = arith.constant 0 : i32
        %dma_wait3A_183 = tpu.memref_slice %arg7[%add3A_181, %dma_wait3A_182] : memref<20x64xi32, #tpu.memory_space<vmem>> -> memref<1x64xi32, #tpu.memory_space<vmem>>
        %dma_wait3A_184 = tpu.memref_squeeze %dma_wait3A_183 : memref<1x64xi32, #tpu.memory_space<vmem>> -> memref<64xi32, #tpu.memory_space<vmem>>
        %dma_wait3A_185 = arith.constant 0 : i32
        %dma_wait3A_186 = arith.constant 0 : i32
        %dma_wait3A_187 = tpu.memref_slice %arg2[%dma_wait3A_185, %dma_wait3A_186] : memref<10240x128xf32, #tpu.memory_space<hbm>> -> memref<10240x128xf32, #tpu.memory_space<hbm>>
        tpu.wait_indirect_dma semaphore(%arg16 : memref<!tpu.dma_semaphore, #tpu.memory_space<semaphore_mem>>) src(%dma_wait3A_187 : memref<10240x128xf32, #tpu.memory_space<hbm>>) dst(%arg11 : memref<64x128xf32, #tpu.memory_space<vmem>>)
        %dma_start3A_188 = arith.constant 0 : i32
        %dma_start3A_189 = tpu.memref_slice %arg9[%add3A_181, %dma_start3A_188] : memref<20x64xi32, #tpu.memory_space<vmem>> -> memref<1x64xi32, #tpu.memory_space<vmem>>
        %dma_start3A_190 = tpu.memref_squeeze %dma_start3A_189 : memref<1x64xi32, #tpu.memory_space<vmem>> -> memref<64xi32, #tpu.memory_space<vmem>>
        %dma_start3A_191 = arith.constant 0 : i32
        %dma_start3A_192 = arith.constant 0 : i32
        %dma_start3A_193 = tpu.memref_slice %arg6[%dma_start3A_191, %dma_start3A_192] : memref<10240x128xf32, #tpu.memory_space<vmem_shared>> -> memref<10240x128xf32, #tpu.memory_space<vmem_shared>>
        tpu.enqueue_indirect_dma source(%arg11 : memref<64x128xf32, #tpu.memory_space<vmem>>) target(%dma_start3A_193 : memref<10240x128xf32, #tpu.memory_space<vmem_shared>>) offsets(%dma_start3A_190 : memref<64xi32, #tpu.memory_space<vmem>>) semaphore(%arg20 : memref<!tpu.dma_semaphore, #tpu.memory_space<semaphore_mem>>) {add = true}
        %gt3A = arith.constant 0 : i32
        %gt3A_194 = arith.cmpi sgt, %scan3A_177, %gt3A : i32
        %convert_element_type3A_195 = arith.extui %gt3A_194 : i1 to i32
        %cond3A_196 = arith.constant 0 : i32
        %cond3A_197 = arith.cmpi ne, %convert_element_type3A_195, %cond3A_196 : i32
        scf.if %cond3A_197 {
          %dma_wait3A_270 = arith.constant 0 : i32
          %dma_wait3A_271 = arith.constant 0 : i32
          %dma_wait3A_272 = tpu.memref_slice %arg9[%dma_wait3A_270, %dma_wait3A_271] : memref<20x64xi32, #tpu.memory_space<vmem>> -> memref<1x64xi32, #tpu.memory_space<vmem>>
          %dma_wait3A_273 = tpu.memref_squeeze %dma_wait3A_272 : memref<1x64xi32, #tpu.memory_space<vmem>> -> memref<64xi32, #tpu.memory_space<vmem>>
          %dma_wait3A_274 = arith.constant 0 : i32
          %dma_wait3A_275 = arith.constant 0 : i32
          %dma_wait3A_276 = tpu.memref_slice %arg6[%dma_wait3A_274, %dma_wait3A_275] : memref<10240x128xf32, #tpu.memory_space<vmem_shared>> -> memref<10240x128xf32, #tpu.memory_space<vmem_shared>>
          tpu.wait_indirect_dma semaphore(%arg23 : memref<!tpu.dma_semaphore, #tpu.memory_space<semaphore_mem>>) src(%arg14 : memref<64x128xf32, #tpu.memory_space<vmem>>) dst(%dma_wait3A_276 : memref<10240x128xf32, #tpu.memory_space<vmem_shared>>)
        } else {
        }
        %add3A_198 = arith.constant 4 : i32
        %add3A_199 = arith.addi %add3A_181, %add3A_198 : i32
        %sub3A = arith.constant 1 : i32
        %sub3A_200 = arith.subi %add3A_199, %sub3A : i32
        %dma_start3A_201 = arith.constant 0 : i32
        %dma_start3A_202 = tpu.memref_slice %arg7[%sub3A_200, %dma_start3A_201] : memref<20x64xi32, #tpu.memory_space<vmem>> -> memref<1x64xi32, #tpu.memory_space<vmem>>
        %dma_start3A_203 = tpu.memref_squeeze %dma_start3A_202 : memref<1x64xi32, #tpu.memory_space<vmem>> -> memref<64xi32, #tpu.memory_space<vmem>>
        %dma_start3A_204 = arith.constant 0 : i32
        %dma_start3A_205 = arith.constant 0 : i32
        %dma_start3A_206 = tpu.memref_slice %arg2[%dma_start3A_204, %dma_start3A_205] : memref<10240x128xf32, #tpu.memory_space<hbm>> -> memref<10240x128xf32, #tpu.memory_space<hbm>>
        tpu.enqueue_indirect_dma source(%dma_start3A_206 : memref<10240x128xf32, #tpu.memory_space<hbm>>) target(%arg14 : memref<64x128xf32, #tpu.memory_space<vmem>>) offsets(%dma_start3A_203 : memref<64xi32, #tpu.memory_space<vmem>>) semaphore(%arg19 : memref<!tpu.dma_semaphore, #tpu.memory_space<semaphore_mem>>)
        %mul3A_207 = arith.constant 4 : i32
        %mul3A_208 = arith.muli %scan3A_177, %mul3A_207 : i32
        %add3A_209 = arith.constant 1 : i32
        %add3A_210 = arith.addi %mul3A_208, %add3A_209 : i32
        %dma_wait3A_211 = arith.constant 0 : i32
        %dma_wait3A_212 = tpu.memref_slice %arg7[%add3A_210, %dma_wait3A_211] : memref<20x64xi32, #tpu.memory_space<vmem>> -> memref<1x64xi32, #tpu.memory_space<vmem>>
        %dma_wait3A_213 = tpu.memref_squeeze %dma_wait3A_212 : memref<1x64xi32, #tpu.memory_space<vmem>> -> memref<64xi32, #tpu.memory_space<vmem>>
        %dma_wait3A_214 = arith.constant 0 : i32
        %dma_wait3A_215 = arith.constant 0 : i32
        %dma_wait3A_216 = tpu.memref_slice %arg2[%dma_wait3A_214, %dma_wait3A_215] : memref<10240x128xf32, #tpu.memory_space<hbm>> -> memref<10240x128xf32, #tpu.memory_space<hbm>>
        tpu.wait_indirect_dma semaphore(%arg17 : memref<!tpu.dma_semaphore, #tpu.memory_space<semaphore_mem>>) src(%dma_wait3A_216 : memref<10240x128xf32, #tpu.memory_space<hbm>>) dst(%arg12 : memref<64x128xf32, #tpu.memory_space<vmem>>)
        %dma_start3A_217 = arith.constant 0 : i32
        %dma_start3A_218 = tpu.memref_slice %arg9[%add3A_210, %dma_start3A_217] : memref<20x64xi32, #tpu.memory_space<vmem>> -> memref<1x64xi32, #tpu.memory_space<vmem>>
        %dma_start3A_219 = tpu.memref_squeeze %dma_start3A_218 : memref<1x64xi32, #tpu.memory_space<vmem>> -> memref<64xi32, #tpu.memory_space<vmem>>
        %dma_start3A_220 = arith.constant 0 : i32
        %dma_start3A_221 = arith.constant 0 : i32
        %dma_start3A_222 = tpu.memref_slice %arg6[%dma_start3A_220, %dma_start3A_221] : memref<10240x128xf32, #tpu.memory_space<vmem_shared>> -> memref<10240x128xf32, #tpu.memory_space<vmem_shared>>
        tpu.enqueue_indirect_dma source(%arg12 : memref<64x128xf32, #tpu.memory_space<vmem>>) target(%dma_start3A_222 : memref<10240x128xf32, #tpu.memory_space<vmem_shared>>) offsets(%dma_start3A_219 : memref<64xi32, #tpu.memory_space<vmem>>) semaphore(%arg21 : memref<!tpu.dma_semaphore, #tpu.memory_space<semaphore_mem>>) {add = true}
        %lt3A_223 = arith.constant 4 : i32
        %lt3A_224 = arith.cmpi slt, %scan3A_177, %lt3A_223 : i32
        %convert_element_type3A_225 = arith.extui %lt3A_224 : i1 to i32
        %cond3A_226 = arith.constant 0 : i32
        %cond3A_227 = arith.cmpi ne, %convert_element_type3A_225, %cond3A_226 : i32
        scf.if %cond3A_227 {
          %dma_wait3A_270 = arith.constant 0 : i32
          %dma_wait3A_271 = tpu.memref_slice %arg9[%add3A_181, %dma_wait3A_270] : memref<20x64xi32, #tpu.memory_space<vmem>> -> memref<1x64xi32, #tpu.memory_space<vmem>>
          %dma_wait3A_272 = tpu.memref_squeeze %dma_wait3A_271 : memref<1x64xi32, #tpu.memory_space<vmem>> -> memref<64xi32, #tpu.memory_space<vmem>>
          %dma_wait3A_273 = arith.constant 0 : i32
          %dma_wait3A_274 = arith.constant 0 : i32
          %dma_wait3A_275 = tpu.memref_slice %arg6[%dma_wait3A_273, %dma_wait3A_274] : memref<10240x128xf32, #tpu.memory_space<vmem_shared>> -> memref<10240x128xf32, #tpu.memory_space<vmem_shared>>
          tpu.wait_indirect_dma semaphore(%arg20 : memref<!tpu.dma_semaphore, #tpu.memory_space<semaphore_mem>>) src(%arg11 : memref<64x128xf32, #tpu.memory_space<vmem>>) dst(%dma_wait3A_275 : memref<10240x128xf32, #tpu.memory_space<vmem_shared>>)
          %add3A_276 = arith.constant 4 : i32
          %add3A_277 = arith.addi %add3A_210, %add3A_276 : i32
          %sub3A_278 = arith.constant 1 : i32
          %sub3A_279 = arith.subi %add3A_277, %sub3A_278 : i32
          %dma_start3A_280 = arith.constant 0 : i32
          %dma_start3A_281 = tpu.memref_slice %arg7[%sub3A_279, %dma_start3A_280] : memref<20x64xi32, #tpu.memory_space<vmem>> -> memref<1x64xi32, #tpu.memory_space<vmem>>
          %dma_start3A_282 = tpu.memref_squeeze %dma_start3A_281 : memref<1x64xi32, #tpu.memory_space<vmem>> -> memref<64xi32, #tpu.memory_space<vmem>>
          %dma_start3A_283 = arith.constant 0 : i32
          %dma_start3A_284 = arith.constant 0 : i32
          %dma_start3A_285 = tpu.memref_slice %arg2[%dma_start3A_283, %dma_start3A_284] : memref<10240x128xf32, #tpu.memory_space<hbm>> -> memref<10240x128xf32, #tpu.memory_space<hbm>>
          tpu.enqueue_indirect_dma source(%dma_start3A_285 : memref<10240x128xf32, #tpu.memory_space<hbm>>) target(%arg11 : memref<64x128xf32, #tpu.memory_space<vmem>>) offsets(%dma_start3A_282 : memref<64xi32, #tpu.memory_space<vmem>>) semaphore(%arg16 : memref<!tpu.dma_semaphore, #tpu.memory_space<semaphore_mem>>)
        } else {
        }
        %mul3A_228 = arith.constant 4 : i32
        %mul3A_229 = arith.muli %scan3A_177, %mul3A_228 : i32
        %add3A_230 = arith.constant 2 : i32
        %add3A_231 = arith.addi %mul3A_229, %add3A_230 : i32
        %dma_wait3A_232 = arith.constant 0 : i32
        %dma_wait3A_233 = tpu.memref_slice %arg7[%add3A_231, %dma_wait3A_232] : memref<20x64xi32, #tpu.memory_space<vmem>> -> memref<1x64xi32, #tpu.memory_space<vmem>>
        %dma_wait3A_234 = tpu.memref_squeeze %dma_wait3A_233 : memref<1x64xi32, #tpu.memory_space<vmem>> -> memref<64xi32, #tpu.memory_space<vmem>>
        %dma_wait3A_235 = arith.constant 0 : i32
        %dma_wait3A_236 = arith.constant 0 : i32
        %dma_wait3A_237 = tpu.memref_slice %arg2[%dma_wait3A_235, %dma_wait3A_236] : memref<10240x128xf32, #tpu.memory_space<hbm>> -> memref<10240x128xf32, #tpu.memory_space<hbm>>
        tpu.wait_indirect_dma semaphore(%arg18 : memref<!tpu.dma_semaphore, #tpu.memory_space<semaphore_mem>>) src(%dma_wait3A_237 : memref<10240x128xf32, #tpu.memory_space<hbm>>) dst(%arg13 : memref<64x128xf32, #tpu.memory_space<vmem>>)
        %dma_start3A_238 = arith.constant 0 : i32
        %dma_start3A_239 = tpu.memref_slice %arg9[%add3A_231, %dma_start3A_238] : memref<20x64xi32, #tpu.memory_space<vmem>> -> memref<1x64xi32, #tpu.memory_space<vmem>>
        %dma_start3A_240 = tpu.memref_squeeze %dma_start3A_239 : memref<1x64xi32, #tpu.memory_space<vmem>> -> memref<64xi32, #tpu.memory_space<vmem>>
        %dma_start3A_241 = arith.constant 0 : i32
        %dma_start3A_242 = arith.constant 0 : i32
        %dma_start3A_243 = tpu.memref_slice %arg6[%dma_start3A_241, %dma_start3A_242] : memref<10240x128xf32, #tpu.memory_space<vmem_shared>> -> memref<10240x128xf32, #tpu.memory_space<vmem_shared>>
        tpu.enqueue_indirect_dma source(%arg13 : memref<64x128xf32, #tpu.memory_space<vmem>>) target(%dma_start3A_243 : memref<10240x128xf32, #tpu.memory_space<vmem_shared>>) offsets(%dma_start3A_240 : memref<64xi32, #tpu.memory_space<vmem>>) semaphore(%arg22 : memref<!tpu.dma_semaphore, #tpu.memory_space<semaphore_mem>>) {add = true}
        %lt3A_244 = arith.constant 4 : i32
        %lt3A_245 = arith.cmpi slt, %scan3A_177, %lt3A_244 : i32
        %convert_element_type3A_246 = arith.extui %lt3A_245 : i1 to i32
        %cond3A_247 = arith.constant 0 : i32
        %cond3A_248 = arith.cmpi ne, %convert_element_type3A_246, %cond3A_247 : i32
        scf.if %cond3A_248 {
          %dma_wait3A_270 = arith.constant 0 : i32
          %dma_wait3A_271 = tpu.memref_slice %arg9[%add3A_210, %dma_wait3A_270] : memref<20x64xi32, #tpu.memory_space<vmem>> -> memref<1x64xi32, #tpu.memory_space<vmem>>
          %dma_wait3A_272 = tpu.memref_squeeze %dma_wait3A_271 : memref<1x64xi32, #tpu.memory_space<vmem>> -> memref<64xi32, #tpu.memory_space<vmem>>
          %dma_wait3A_273 = arith.constant 0 : i32
          %dma_wait3A_274 = arith.constant 0 : i32
          %dma_wait3A_275 = tpu.memref_slice %arg6[%dma_wait3A_273, %dma_wait3A_274] : memref<10240x128xf32, #tpu.memory_space<vmem_shared>> -> memref<10240x128xf32, #tpu.memory_space<vmem_shared>>
          tpu.wait_indirect_dma semaphore(%arg21 : memref<!tpu.dma_semaphore, #tpu.memory_space<semaphore_mem>>) src(%arg12 : memref<64x128xf32, #tpu.memory_space<vmem>>) dst(%dma_wait3A_275 : memref<10240x128xf32, #tpu.memory_space<vmem_shared>>)
          %add3A_276 = arith.constant 4 : i32
          %add3A_277 = arith.addi %add3A_231, %add3A_276 : i32
          %sub3A_278 = arith.constant 1 : i32
          %sub3A_279 = arith.subi %add3A_277, %sub3A_278 : i32
          %dma_start3A_280 = arith.constant 0 : i32
          %dma_start3A_281 = tpu.memref_slice %arg7[%sub3A_279, %dma_start3A_280] : memref<20x64xi32, #tpu.memory_space<vmem>> -> memref<1x64xi32, #tpu.memory_space<vmem>>
          %dma_start3A_282 = tpu.memref_squeeze %dma_start3A_281 : memref<1x64xi32, #tpu.memory_space<vmem>> -> memref<64xi32, #tpu.memory_space<vmem>>
          %dma_start3A_283 = arith.constant 0 : i32
          %dma_start3A_284 = arith.constant 0 : i32
          %dma_start3A_285 = tpu.memref_slice %arg2[%dma_start3A_283, %dma_start3A_284] : memref<10240x128xf32, #tpu.memory_space<hbm>> -> memref<10240x128xf32, #tpu.memory_space<hbm>>
          tpu.enqueue_indirect_dma source(%dma_start3A_285 : memref<10240x128xf32, #tpu.memory_space<hbm>>) target(%arg12 : memref<64x128xf32, #tpu.memory_space<vmem>>) offsets(%dma_start3A_282 : memref<64xi32, #tpu.memory_space<vmem>>) semaphore(%arg17 : memref<!tpu.dma_semaphore, #tpu.memory_space<semaphore_mem>>)
        } else {
        }
        %mul3A_249 = arith.constant 4 : i32
        %mul3A_250 = arith.muli %scan3A_177, %mul3A_249 : i32
        %add3A_251 = arith.constant 3 : i32
        %add3A_252 = arith.addi %mul3A_250, %add3A_251 : i32
        %dma_wait3A_253 = arith.constant 0 : i32
        %dma_wait3A_254 = tpu.memref_slice %arg7[%add3A_252, %dma_wait3A_253] : memref<20x64xi32, #tpu.memory_space<vmem>> -> memref<1x64xi32, #tpu.memory_space<vmem>>
        %dma_wait3A_255 = tpu.memref_squeeze %dma_wait3A_254 : memref<1x64xi32, #tpu.memory_space<vmem>> -> memref<64xi32, #tpu.memory_space<vmem>>
        %dma_wait3A_256 = arith.constant 0 : i32
        %dma_wait3A_257 = arith.constant 0 : i32
        %dma_wait3A_258 = tpu.memref_slice %arg2[%dma_wait3A_256, %dma_wait3A_257] : memref<10240x128xf32, #tpu.memory_space<hbm>> -> memref<10240x128xf32, #tpu.memory_space<hbm>>
        tpu.wait_indirect_dma semaphore(%arg19 : memref<!tpu.dma_semaphore, #tpu.memory_space<semaphore_mem>>) src(%dma_wait3A_258 : memref<10240x128xf32, #tpu.memory_space<hbm>>) dst(%arg14 : memref<64x128xf32, #tpu.memory_space<vmem>>)
        %dma_start3A_259 = arith.constant 0 : i32
        %dma_start3A_260 = tpu.memref_slice %arg9[%add3A_252, %dma_start3A_259] : memref<20x64xi32, #tpu.memory_space<vmem>> -> memref<1x64xi32, #tpu.memory_space<vmem>>
        %dma_start3A_261 = tpu.memref_squeeze %dma_start3A_260 : memref<1x64xi32, #tpu.memory_space<vmem>> -> memref<64xi32, #tpu.memory_space<vmem>>
        %dma_start3A_262 = arith.constant 0 : i32
        %dma_start3A_263 = arith.constant 0 : i32
        %dma_start3A_264 = tpu.memref_slice %arg6[%dma_start3A_262, %dma_start3A_263] : memref<10240x128xf32, #tpu.memory_space<vmem_shared>> -> memref<10240x128xf32, #tpu.memory_space<vmem_shared>>
        tpu.enqueue_indirect_dma source(%arg14 : memref<64x128xf32, #tpu.memory_space<vmem>>) target(%dma_start3A_264 : memref<10240x128xf32, #tpu.memory_space<vmem_shared>>) offsets(%dma_start3A_261 : memref<64xi32, #tpu.memory_space<vmem>>) semaphore(%arg23 : memref<!tpu.dma_semaphore, #tpu.memory_space<semaphore_mem>>) {add = true}
        %lt3A_265 = arith.constant 4 : i32
        %lt3A_266 = arith.cmpi slt, %scan3A_177, %lt3A_265 : i32
        %convert_element_type3A_267 = arith.extui %lt3A_266 : i1 to i32
        %cond3A_268 = arith.constant 0 : i32
        %cond3A_269 = arith.cmpi ne, %convert_element_type3A_267, %cond3A_268 : i32
        scf.if %cond3A_269 {
          %dma_wait3A_270 = arith.constant 0 : i32
          %dma_wait3A_271 = tpu.memref_slice %arg9[%add3A_231, %dma_wait3A_270] : memref<20x64xi32, #tpu.memory_space<vmem>> -> memref<1x64xi32, #tpu.memory_space<vmem>>
          %dma_wait3A_272 = tpu.memref_squeeze %dma_wait3A_271 : memref<1x64xi32, #tpu.memory_space<vmem>> -> memref<64xi32, #tpu.memory_space<vmem>>
          %dma_wait3A_273 = arith.constant 0 : i32
          %dma_wait3A_274 = arith.constant 0 : i32
          %dma_wait3A_275 = tpu.memref_slice %arg6[%dma_wait3A_273, %dma_wait3A_274] : memref<10240x128xf32, #tpu.memory_space<vmem_shared>> -> memref<10240x128xf32, #tpu.memory_space<vmem_shared>>
          tpu.wait_indirect_dma semaphore(%arg22 : memref<!tpu.dma_semaphore, #tpu.memory_space<semaphore_mem>>) src(%arg13 : memref<64x128xf32, #tpu.memory_space<vmem>>) dst(%dma_wait3A_275 : memref<10240x128xf32, #tpu.memory_space<vmem_shared>>)
          %add3A_276 = arith.constant 4 : i32
          %add3A_277 = arith.addi %add3A_252, %add3A_276 : i32
          %sub3A_278 = arith.constant 1 : i32
          %sub3A_279 = arith.subi %add3A_277, %sub3A_278 : i32
          %dma_start3A_280 = arith.constant 0 : i32
          %dma_start3A_281 = tpu.memref_slice %arg7[%sub3A_279, %dma_start3A_280] : memref<20x64xi32, #tpu.memory_space<vmem>> -> memref<1x64xi32, #tpu.memory_space<vmem>>
          %dma_start3A_282 = tpu.memref_squeeze %dma_start3A_281 : memref<1x64xi32, #tpu.memory_space<vmem>> -> memref<64xi32, #tpu.memory_space<vmem>>
          %dma_start3A_283 = arith.constant 0 : i32
          %dma_start3A_284 = arith.constant 0 : i32
          %dma_start3A_285 = tpu.memref_slice %arg2[%dma_start3A_283, %dma_start3A_284] : memref<10240x128xf32, #tpu.memory_space<hbm>> -> memref<10240x128xf32, #tpu.memory_space<hbm>>
          tpu.enqueue_indirect_dma source(%dma_start3A_285 : memref<10240x128xf32, #tpu.memory_space<hbm>>) target(%arg13 : memref<64x128xf32, #tpu.memory_space<vmem>>) offsets(%dma_start3A_282 : memref<64xi32, #tpu.memory_space<vmem>>) semaphore(%arg18 : memref<!tpu.dma_semaphore, #tpu.memory_space<semaphore_mem>>)
        } else {
        }
      }
      %scan3A_75 = arith.constant 5 : i32
      %dma_wait3A_76 = arith.constant 0 : i32
      %dma_wait3A_77 = arith.constant 0 : i32
      %dma_wait3A_78 = tpu.memref_slice %arg9[%dma_wait3A_76, %dma_wait3A_77] : memref<20x64xi32, #tpu.memory_space<vmem>> -> memref<1x64xi32, #tpu.memory_space<vmem>>
      %dma_wait3A_79 = tpu.memref_squeeze %dma_wait3A_78 : memref<1x64xi32, #tpu.memory_space<vmem>> -> memref<64xi32, #tpu.memory_space<vmem>>
      %dma_wait3A_80 = arith.constant 0 : i32
      %dma_wait3A_81 = arith.constant 0 : i32
      %dma_wait3A_82 = tpu.memref_slice %arg6[%dma_wait3A_80, %dma_wait3A_81] : memref<10240x128xf32, #tpu.memory_space<vmem_shared>> -> memref<10240x128xf32, #tpu.memory_space<vmem_shared>>
      tpu.wait_indirect_dma semaphore(%arg20 : memref<!tpu.dma_semaphore, #tpu.memory_space<semaphore_mem>>) src(%arg11 : memref<64x128xf32, #tpu.memory_space<vmem>>) dst(%dma_wait3A_82 : memref<10240x128xf32, #tpu.memory_space<vmem_shared>>)
      %dma_wait3A_83 = arith.constant 0 : i32
      %dma_wait3A_84 = arith.constant 0 : i32
      %dma_wait3A_85 = tpu.memref_slice %arg9[%dma_wait3A_83, %dma_wait3A_84] : memref<20x64xi32, #tpu.memory_space<vmem>> -> memref<1x64xi32, #tpu.memory_space<vmem>>
      %dma_wait3A_86 = tpu.memref_squeeze %dma_wait3A_85 : memref<1x64xi32, #tpu.memory_space<vmem>> -> memref<64xi32, #tpu.memory_space<vmem>>
      %dma_wait3A_87 = arith.constant 0 : i32
      %dma_wait3A_88 = arith.constant 0 : i32
      %dma_wait3A_89 = tpu.memref_slice %arg6[%dma_wait3A_87, %dma_wait3A_88] : memref<10240x128xf32, #tpu.memory_space<vmem_shared>> -> memref<10240x128xf32, #tpu.memory_space<vmem_shared>>
      tpu.wait_indirect_dma semaphore(%arg21 : memref<!tpu.dma_semaphore, #tpu.memory_space<semaphore_mem>>) src(%arg12 : memref<64x128xf32, #tpu.memory_space<vmem>>) dst(%dma_wait3A_89 : memref<10240x128xf32, #tpu.memory_space<vmem_shared>>)
      %dma_wait3A_90 = arith.constant 0 : i32
      %dma_wait3A_91 = arith.constant 0 : i32
      %dma_wait3A_92 = tpu.memref_slice %arg9[%dma_wait3A_90, %dma_wait3A_91] : memref<20x64xi32, #tpu.memory_space<vmem>> -> memref<1x64xi32, #tpu.memory_space<vmem>>
      %dma_wait3A_93 = tpu.memref_squeeze %dma_wait3A_92 : memref<1x64xi32, #tpu.memory_space<vmem>> -> memref<64xi32, #tpu.memory_space<vmem>>
      %dma_wait3A_94 = arith.constant 0 : i32
      %dma_wait3A_95 = arith.constant 0 : i32
      %dma_wait3A_96 = tpu.memref_slice %arg6[%dma_wait3A_94, %dma_wait3A_95] : memref<10240x128xf32, #tpu.memory_space<vmem_shared>> -> memref<10240x128xf32, #tpu.memory_space<vmem_shared>>
      tpu.wait_indirect_dma semaphore(%arg22 : memref<!tpu.dma_semaphore, #tpu.memory_space<semaphore_mem>>) src(%arg13 : memref<64x128xf32, #tpu.memory_space<vmem>>) dst(%dma_wait3A_96 : memref<10240x128xf32, #tpu.memory_space<vmem_shared>>)
      %dma_wait3A_97 = arith.constant 0 : i32
      %dma_wait3A_98 = arith.constant 0 : i32
      %dma_wait3A_99 = tpu.memref_slice %arg9[%dma_wait3A_97, %dma_wait3A_98] : memref<20x64xi32, #tpu.memory_space<vmem>> -> memref<1x64xi32, #tpu.memory_space<vmem>>
      %dma_wait3A_100 = tpu.memref_squeeze %dma_wait3A_99 : memref<1x64xi32, #tpu.memory_space<vmem>> -> memref<64xi32, #tpu.memory_space<vmem>>
      %dma_wait3A_101 = arith.constant 0 : i32
      %dma_wait3A_102 = arith.constant 0 : i32
      %dma_wait3A_103 = tpu.memref_slice %arg6[%dma_wait3A_101, %dma_wait3A_102] : memref<10240x128xf32, #tpu.memory_space<vmem_shared>> -> memref<10240x128xf32, #tpu.memory_space<vmem_shared>>
      tpu.wait_indirect_dma semaphore(%arg23 : memref<!tpu.dma_semaphore, #tpu.memory_space<semaphore_mem>>) src(%arg14 : memref<64x128xf32, #tpu.memory_space<vmem>>) dst(%dma_wait3A_103 : memref<10240x128xf32, #tpu.memory_space<vmem_shared>>)
      %lt3A_104 = arith.constant 7 : i32
      %lt3A_105 = arith.cmpi slt, %add3A_48, %lt3A_104 : i32
      %convert_element_type3A_106 = arith.extui %lt3A_105 : i1 to i32
      %cond3A_107 = arith.constant 0 : i32
      %cond3A_108 = arith.cmpi ne, %convert_element_type3A_106, %cond3A_107 : i32
      scf.if %cond3A_108 {
        %dma_wait3A_177 = arith.constant 0 : i32
        %dma_wait3A_178 = arith.constant 0 : i32
        %dma_wait3A_179 = arith.constant 0 : i32
        %dma_wait3A_180 = tpu.memref_slice %arg3[%add3A, %dma_wait3A_177, %dma_wait3A_178, %dma_wait3A_179] : memref<32x8x20x64xi32, #tpu.memory_space<hbm>> -> memref<1x1x20x64xi32, #tpu.memory_space<hbm>>
        %dma_wait3A_181 = tpu.memref_squeeze %dma_wait3A_180 : memref<1x1x20x64xi32, #tpu.memory_space<hbm>> -> memref<20x64xi32, #tpu.memory_space<hbm>>
        %dma_wait3A_182 = arith.constant 0 : i32
        %dma_wait3A_183 = arith.constant 0 : i32
        %dma_wait3A_184 = tpu.memref_slice %arg3[%add3A, %dma_wait3A_177, %dma_wait3A_182, %dma_wait3A_183] : memref<32x8x20x64xi32, #tpu.memory_space<hbm>> -> memref<1x1x20x64xi32, #tpu.memory_space<hbm>>
        %dma_wait3A_185 = tpu.memref_squeeze %dma_wait3A_184 : memref<1x1x20x64xi32, #tpu.memory_space<hbm>> -> memref<20x64xi32, #tpu.memory_space<hbm>>
        tpu.wait_dma2 semaphore(%arg24 : memref<!tpu.dma_semaphore, #tpu.memory_space<semaphore_mem>>) src(%dma_wait3A_185 : memref<20x64xi32, #tpu.memory_space<hbm>>) dst(%arg8 : memref<20x64xi32, #tpu.memory_space<vmem>>)
        %dma_wait3A_186 = arith.constant 0 : i32
        %dma_wait3A_187 = arith.constant 0 : i32
        %dma_wait3A_188 = arith.constant 0 : i32
        %dma_wait3A_189 = tpu.memref_slice %arg4[%add3A, %dma_wait3A_186, %dma_wait3A_187, %dma_wait3A_188] : memref<32x8x20x64xi32, #tpu.memory_space<hbm>> -> memref<1x1x20x64xi32, #tpu.memory_space<hbm>>
        %dma_wait3A_190 = tpu.memref_squeeze %dma_wait3A_189 : memref<1x1x20x64xi32, #tpu.memory_space<hbm>> -> memref<20x64xi32, #tpu.memory_space<hbm>>
        %dma_wait3A_191 = arith.constant 0 : i32
        %dma_wait3A_192 = arith.constant 0 : i32
        %dma_wait3A_193 = tpu.memref_slice %arg4[%add3A, %dma_wait3A_186, %dma_wait3A_191, %dma_wait3A_192] : memref<32x8x20x64xi32, #tpu.memory_space<hbm>> -> memref<1x1x20x64xi32, #tpu.memory_space<hbm>>
        %dma_wait3A_194 = tpu.memref_squeeze %dma_wait3A_193 : memref<1x1x20x64xi32, #tpu.memory_space<hbm>> -> memref<20x64xi32, #tpu.memory_space<hbm>>
        tpu.wait_dma2 semaphore(%arg25 : memref<!tpu.dma_semaphore, #tpu.memory_space<semaphore_mem>>) src(%dma_wait3A_194 : memref<20x64xi32, #tpu.memory_space<hbm>>) dst(%arg10 : memref<20x64xi32, #tpu.memory_space<vmem>>)
      } else {
      }
      %mul3A_109 = arith.constant 2 : i32
      %mul3A_110 = arith.muli %mul3A_109, %scan3A_44 : i32
      %add3A_111 = arith.constant 1 : i32
      %add3A_112 = arith.addi %mul3A_110, %add3A_111 : i32
      %lt3A_113 = arith.constant 7 : i32
      %lt3A_114 = arith.cmpi slt, %add3A_112, %lt3A_113 : i32
      %convert_element_type3A_115 = arith.extui %lt3A_114 : i1 to i32
      %cond3A_116 = arith.constant 0 : i32
      %cond3A_117 = arith.cmpi ne, %convert_element_type3A_115, %cond3A_116 : i32
      scf.if %cond3A_117 {
        %add3A_177 = arith.constant 1 : i32
        %add3A_178 = arith.addi %add3A_112, %add3A_177 : i32
        %dma_start3A_179 = arith.constant 0 : i32
        %dma_start3A_180 = arith.constant 0 : i32
        %dma_start3A_181 = tpu.memref_slice %arg3[%add3A, %add3A_178, %dma_start3A_179, %dma_start3A_180] : memref<32x8x20x64xi32, #tpu.memory_space<hbm>> -> memref<1x1x20x64xi32, #tpu.memory_space<hbm>>
        %dma_start3A_182 = tpu.memref_squeeze %dma_start3A_181 : memref<1x1x20x64xi32, #tpu.memory_space<hbm>> -> memref<20x64xi32, #tpu.memory_space<hbm>>
        %dma_start3A_183 = arith.constant 0 : i32
        %dma_start3A_184 = arith.constant 0 : i32
        %dma_start3A_185 = tpu.memref_slice %arg3[%add3A, %add3A_178, %dma_start3A_183, %dma_start3A_184] : memref<32x8x20x64xi32, #tpu.memory_space<hbm>> -> memref<1x1x20x64xi32, #tpu.memory_space<hbm>>
        %dma_start3A_186 = tpu.memref_squeeze %dma_start3A_185 : memref<1x1x20x64xi32, #tpu.memory_space<hbm>> -> memref<20x64xi32, #tpu.memory_space<hbm>>
        tpu.enqueue_dma source(%dma_start3A_186 : memref<20x64xi32, #tpu.memory_space<hbm>>) target(%arg7 : memref<20x64xi32, #tpu.memory_space<vmem>>) target_semaphore(%arg24 : memref<!tpu.dma_semaphore, #tpu.memory_space<semaphore_mem>>)
        %add3A_187 = arith.constant 1 : i32
        %add3A_188 = arith.addi %add3A_112, %add3A_187 : i32
        %dma_start3A_189 = arith.constant 0 : i32
        %dma_start3A_190 = arith.constant 0 : i32
        %dma_start3A_191 = tpu.memref_slice %arg4[%add3A, %add3A_188, %dma_start3A_189, %dma_start3A_190] : memref<32x8x20x64xi32, #tpu.memory_space<hbm>> -> memref<1x1x20x64xi32, #tpu.memory_space<hbm>>
        %dma_start3A_192 = tpu.memref_squeeze %dma_start3A_191 : memref<1x1x20x64xi32, #tpu.memory_space<hbm>> -> memref<20x64xi32, #tpu.memory_space<hbm>>
        %dma_start3A_193 = arith.constant 0 : i32
        %dma_start3A_194 = arith.constant 0 : i32
        %dma_start3A_195 = tpu.memref_slice %arg4[%add3A, %add3A_188, %dma_start3A_193, %dma_start3A_194] : memref<32x8x20x64xi32, #tpu.memory_space<hbm>> -> memref<1x1x20x64xi32, #tpu.memory_space<hbm>>
        %dma_start3A_196 = tpu.memref_squeeze %dma_start3A_195 : memref<1x1x20x64xi32, #tpu.memory_space<hbm>> -> memref<20x64xi32, #tpu.memory_space<hbm>>
        tpu.enqueue_dma source(%dma_start3A_196 : memref<20x64xi32, #tpu.memory_space<hbm>>) target(%arg9 : memref<20x64xi32, #tpu.memory_space<vmem>>) target_semaphore(%arg25 : memref<!tpu.dma_semaphore, #tpu.memory_space<semaphore_mem>>)
      } else {
      }
      %dma_start3A_118 = arith.constant 0 : i32
      %dma_start3A_119 = arith.constant 0 : i32
      %dma_start3A_120 = tpu.memref_slice %arg8[%dma_start3A_118, %dma_start3A_119] : memref<20x64xi32, #tpu.memory_space<vmem>> -> memref<1x64xi32, #tpu.memory_space<vmem>>
      %dma_start3A_121 = tpu.memref_squeeze %dma_start3A_120 : memref<1x64xi32, #tpu.memory_space<vmem>> -> memref<64xi32, #tpu.memory_space<vmem>>
      %dma_start3A_122 = arith.constant 0 : i32
      %dma_start3A_123 = arith.constant 0 : i32
      %dma_start3A_124 = tpu.memref_slice %arg2[%dma_start3A_122, %dma_start3A_123] : memref<10240x128xf32, #tpu.memory_space<hbm>> -> memref<10240x128xf32, #tpu.memory_space<hbm>>
      tpu.enqueue_indirect_dma source(%dma_start3A_124 : memref<10240x128xf32, #tpu.memory_space<hbm>>) target(%arg11 : memref<64x128xf32, #tpu.memory_space<vmem>>) offsets(%dma_start3A_121 : memref<64xi32, #tpu.memory_space<vmem>>) semaphore(%arg16 : memref<!tpu.dma_semaphore, #tpu.memory_space<semaphore_mem>>)
      %dma_start3A_125 = arith.constant 1 : i32
      %dma_start3A_126 = arith.constant 0 : i32
      %dma_start3A_127 = tpu.memref_slice %arg8[%dma_start3A_125, %dma_start3A_126] : memref<20x64xi32, #tpu.memory_space<vmem>> -> memref<1x64xi32, #tpu.memory_space<vmem>>
      %dma_start3A_128 = tpu.memref_squeeze %dma_start3A_127 : memref<1x64xi32, #tpu.memory_space<vmem>> -> memref<64xi32, #tpu.memory_space<vmem>>
      %dma_start3A_129 = arith.constant 0 : i32
      %dma_start3A_130 = arith.constant 0 : i32
      %dma_start3A_131 = tpu.memref_slice %arg2[%dma_start3A_129, %dma_start3A_130] : memref<10240x128xf32, #tpu.memory_space<hbm>> -> memref<10240x128xf32, #tpu.memory_space<hbm>>
      tpu.enqueue_indirect_dma source(%dma_start3A_131 : memref<10240x128xf32, #tpu.memory_space<hbm>>) target(%arg12 : memref<64x128xf32, #tpu.memory_space<vmem>>) offsets(%dma_start3A_128 : memref<64xi32, #tpu.memory_space<vmem>>) semaphore(%arg17 : memref<!tpu.dma_semaphore, #tpu.memory_space<semaphore_mem>>)
      %dma_start3A_132 = arith.constant 2 : i32
      %dma_start3A_133 = arith.constant 0 : i32
      %dma_start3A_134 = tpu.memref_slice %arg8[%dma_start3A_132, %dma_start3A_133] : memref<20x64xi32, #tpu.memory_space<vmem>> -> memref<1x64xi32, #tpu.memory_space<vmem>>
      %dma_start3A_135 = tpu.memref_squeeze %dma_start3A_134 : memref<1x64xi32, #tpu.memory_space<vmem>> -> memref<64xi32, #tpu.memory_space<vmem>>
      %dma_start3A_136 = arith.constant 0 : i32
      %dma_start3A_137 = arith.constant 0 : i32
      %dma_start3A_138 = tpu.memref_slice %arg2[%dma_start3A_136, %dma_start3A_137] : memref<10240x128xf32, #tpu.memory_space<hbm>> -> memref<10240x128xf32, #tpu.memory_space<hbm>>
      tpu.enqueue_indirect_dma source(%dma_start3A_138 : memref<10240x128xf32, #tpu.memory_space<hbm>>) target(%arg13 : memref<64x128xf32, #tpu.memory_space<vmem>>) offsets(%dma_start3A_135 : memref<64xi32, #tpu.memory_space<vmem>>) semaphore(%arg18 : memref<!tpu.dma_semaphore, #tpu.memory_space<semaphore_mem>>)
      %scan3A_139 = arith.constant 0 : i32
      %scan3A_140 = arith.constant 5 : i32
      %scan3A_141 = arith.addi %scan3A_139, %scan3A_140 : i32
      %scan3A_142 = arith.constant 1 : i32
      scf.for %scan3A_177 = %scan3A_139 to %scan3A_141 step %scan3A_142  : i32 {
        %mul3A_178 = arith.constant 4 : i32
        %mul3A_179 = arith.muli %scan3A_177, %mul3A_178 : i32
        %add3A_180 = arith.constant 0 : i32
        %add3A_181 = arith.addi %mul3A_179, %add3A_180 : i32
        %dma_wait3A_182 = arith.constant 0 : i32
        %dma_wait3A_183 = tpu.memref_slice %arg8[%add3A_181, %dma_wait3A_182] : memref<20x64xi32, #tpu.memory_space<vmem>> -> memref<1x64xi32, #tpu.memory_space<vmem>>
        %dma_wait3A_184 = tpu.memref_squeeze %dma_wait3A_183 : memref<1x64xi32, #tpu.memory_space<vmem>> -> memref<64xi32, #tpu.memory_space<vmem>>
        %dma_wait3A_185 = arith.constant 0 : i32
        %dma_wait3A_186 = arith.constant 0 : i32
        %dma_wait3A_187 = tpu.memref_slice %arg2[%dma_wait3A_185, %dma_wait3A_186] : memref<10240x128xf32, #tpu.memory_space<hbm>> -> memref<10240x128xf32, #tpu.memory_space<hbm>>
        tpu.wait_indirect_dma semaphore(%arg16 : memref<!tpu.dma_semaphore, #tpu.memory_space<semaphore_mem>>) src(%dma_wait3A_187 : memref<10240x128xf32, #tpu.memory_space<hbm>>) dst(%arg11 : memref<64x128xf32, #tpu.memory_space<vmem>>)
        %dma_start3A_188 = arith.constant 0 : i32
        %dma_start3A_189 = tpu.memref_slice %arg10[%add3A_181, %dma_start3A_188] : memref<20x64xi32, #tpu.memory_space<vmem>> -> memref<1x64xi32, #tpu.memory_space<vmem>>
        %dma_start3A_190 = tpu.memref_squeeze %dma_start3A_189 : memref<1x64xi32, #tpu.memory_space<vmem>> -> memref<64xi32, #tpu.memory_space<vmem>>
        %dma_start3A_191 = arith.constant 0 : i32
        %dma_start3A_192 = arith.constant 0 : i32
        %dma_start3A_193 = tpu.memref_slice %arg6[%dma_start3A_191, %dma_start3A_192] : memref<10240x128xf32, #tpu.memory_space<vmem_shared>> -> memref<10240x128xf32, #tpu.memory_space<vmem_shared>>
        tpu.enqueue_indirect_dma source(%arg11 : memref<64x128xf32, #tpu.memory_space<vmem>>) target(%dma_start3A_193 : memref<10240x128xf32, #tpu.memory_space<vmem_shared>>) offsets(%dma_start3A_190 : memref<64xi32, #tpu.memory_space<vmem>>) semaphore(%arg20 : memref<!tpu.dma_semaphore, #tpu.memory_space<semaphore_mem>>) {add = true}
        %gt3A = arith.constant 0 : i32
        %gt3A_194 = arith.cmpi sgt, %scan3A_177, %gt3A : i32
        %convert_element_type3A_195 = arith.extui %gt3A_194 : i1 to i32
        %cond3A_196 = arith.constant 0 : i32
        %cond3A_197 = arith.cmpi ne, %convert_element_type3A_195, %cond3A_196 : i32
        scf.if %cond3A_197 {
          %dma_wait3A_270 = arith.constant 0 : i32
          %dma_wait3A_271 = arith.constant 0 : i32
          %dma_wait3A_272 = tpu.memref_slice %arg10[%dma_wait3A_270, %dma_wait3A_271] : memref<20x64xi32, #tpu.memory_space<vmem>> -> memref<1x64xi32, #tpu.memory_space<vmem>>
          %dma_wait3A_273 = tpu.memref_squeeze %dma_wait3A_272 : memref<1x64xi32, #tpu.memory_space<vmem>> -> memref<64xi32, #tpu.memory_space<vmem>>
          %dma_wait3A_274 = arith.constant 0 : i32
          %dma_wait3A_275 = arith.constant 0 : i32
          %dma_wait3A_276 = tpu.memref_slice %arg6[%dma_wait3A_274, %dma_wait3A_275] : memref<10240x128xf32, #tpu.memory_space<vmem_shared>> -> memref<10240x128xf32, #tpu.memory_space<vmem_shared>>
          tpu.wait_indirect_dma semaphore(%arg23 : memref<!tpu.dma_semaphore, #tpu.memory_space<semaphore_mem>>) src(%arg14 : memref<64x128xf32, #tpu.memory_space<vmem>>) dst(%dma_wait3A_276 : memref<10240x128xf32, #tpu.memory_space<vmem_shared>>)
        } else {
        }
        %add3A_198 = arith.constant 4 : i32
        %add3A_199 = arith.addi %add3A_181, %add3A_198 : i32
        %sub3A = arith.constant 1 : i32
        %sub3A_200 = arith.subi %add3A_199, %sub3A : i32
        %dma_start3A_201 = arith.constant 0 : i32
        %dma_start3A_202 = tpu.memref_slice %arg8[%sub3A_200, %dma_start3A_201] : memref<20x64xi32, #tpu.memory_space<vmem>> -> memref<1x64xi32, #tpu.memory_space<vmem>>
        %dma_start3A_203 = tpu.memref_squeeze %dma_start3A_202 : memref<1x64xi32, #tpu.memory_space<vmem>> -> memref<64xi32, #tpu.memory_space<vmem>>
        %dma_start3A_204 = arith.constant 0 : i32
        %dma_start3A_205 = arith.constant 0 : i32
        %dma_start3A_206 = tpu.memref_slice %arg2[%dma_start3A_204, %dma_start3A_205] : memref<10240x128xf32, #tpu.memory_space<hbm>> -> memref<10240x128xf32, #tpu.memory_space<hbm>>
        tpu.enqueue_indirect_dma source(%dma_start3A_206 : memref<10240x128xf32, #tpu.memory_space<hbm>>) target(%arg14 : memref<64x128xf32, #tpu.memory_space<vmem>>) offsets(%dma_start3A_203 : memref<64xi32, #tpu.memory_space<vmem>>) semaphore(%arg19 : memref<!tpu.dma_semaphore, #tpu.memory_space<semaphore_mem>>)
        %mul3A_207 = arith.constant 4 : i32
        %mul3A_208 = arith.muli %scan3A_177, %mul3A_207 : i32
        %add3A_209 = arith.constant 1 : i32
        %add3A_210 = arith.addi %mul3A_208, %add3A_209 : i32
        %dma_wait3A_211 = arith.constant 0 : i32
        %dma_wait3A_212 = tpu.memref_slice %arg8[%add3A_210, %dma_wait3A_211] : memref<20x64xi32, #tpu.memory_space<vmem>> -> memref<1x64xi32, #tpu.memory_space<vmem>>
        %dma_wait3A_213 = tpu.memref_squeeze %dma_wait3A_212 : memref<1x64xi32, #tpu.memory_space<vmem>> -> memref<64xi32, #tpu.memory_space<vmem>>
        %dma_wait3A_214 = arith.constant 0 : i32
        %dma_wait3A_215 = arith.constant 0 : i32
        %dma_wait3A_216 = tpu.memref_slice %arg2[%dma_wait3A_214, %dma_wait3A_215] : memref<10240x128xf32, #tpu.memory_space<hbm>> -> memref<10240x128xf32, #tpu.memory_space<hbm>>
        tpu.wait_indirect_dma semaphore(%arg17 : memref<!tpu.dma_semaphore, #tpu.memory_space<semaphore_mem>>) src(%dma_wait3A_216 : memref<10240x128xf32, #tpu.memory_space<hbm>>) dst(%arg12 : memref<64x128xf32, #tpu.memory_space<vmem>>)
        %dma_start3A_217 = arith.constant 0 : i32
        %dma_start3A_218 = tpu.memref_slice %arg10[%add3A_210, %dma_start3A_217] : memref<20x64xi32, #tpu.memory_space<vmem>> -> memref<1x64xi32, #tpu.memory_space<vmem>>
        %dma_start3A_219 = tpu.memref_squeeze %dma_start3A_218 : memref<1x64xi32, #tpu.memory_space<vmem>> -> memref<64xi32, #tpu.memory_space<vmem>>
        %dma_start3A_220 = arith.constant 0 : i32
        %dma_start3A_221 = arith.constant 0 : i32
        %dma_start3A_222 = tpu.memref_slice %arg6[%dma_start3A_220, %dma_start3A_221] : memref<10240x128xf32, #tpu.memory_space<vmem_shared>> -> memref<10240x128xf32, #tpu.memory_space<vmem_shared>>
        tpu.enqueue_indirect_dma source(%arg12 : memref<64x128xf32, #tpu.memory_space<vmem>>) target(%dma_start3A_222 : memref<10240x128xf32, #tpu.memory_space<vmem_shared>>) offsets(%dma_start3A_219 : memref<64xi32, #tpu.memory_space<vmem>>) semaphore(%arg21 : memref<!tpu.dma_semaphore, #tpu.memory_space<semaphore_mem>>) {add = true}
        %lt3A_223 = arith.constant 4 : i32
        %lt3A_224 = arith.cmpi slt, %scan3A_177, %lt3A_223 : i32
        %convert_element_type3A_225 = arith.extui %lt3A_224 : i1 to i32
        %cond3A_226 = arith.constant 0 : i32
        %cond3A_227 = arith.cmpi ne, %convert_element_type3A_225, %cond3A_226 : i32
        scf.if %cond3A_227 {
          %dma_wait3A_270 = arith.constant 0 : i32
          %dma_wait3A_271 = tpu.memref_slice %arg10[%add3A_181, %dma_wait3A_270] : memref<20x64xi32, #tpu.memory_space<vmem>> -> memref<1x64xi32, #tpu.memory_space<vmem>>
          %dma_wait3A_272 = tpu.memref_squeeze %dma_wait3A_271 : memref<1x64xi32, #tpu.memory_space<vmem>> -> memref<64xi32, #tpu.memory_space<vmem>>
          %dma_wait3A_273 = arith.constant 0 : i32
          %dma_wait3A_274 = arith.constant 0 : i32
          %dma_wait3A_275 = tpu.memref_slice %arg6[%dma_wait3A_273, %dma_wait3A_274] : memref<10240x128xf32, #tpu.memory_space<vmem_shared>> -> memref<10240x128xf32, #tpu.memory_space<vmem_shared>>
          tpu.wait_indirect_dma semaphore(%arg20 : memref<!tpu.dma_semaphore, #tpu.memory_space<semaphore_mem>>) src(%arg11 : memref<64x128xf32, #tpu.memory_space<vmem>>) dst(%dma_wait3A_275 : memref<10240x128xf32, #tpu.memory_space<vmem_shared>>)
          %add3A_276 = arith.constant 4 : i32
          %add3A_277 = arith.addi %add3A_210, %add3A_276 : i32
          %sub3A_278 = arith.constant 1 : i32
          %sub3A_279 = arith.subi %add3A_277, %sub3A_278 : i32
          %dma_start3A_280 = arith.constant 0 : i32
          %dma_start3A_281 = tpu.memref_slice %arg8[%sub3A_279, %dma_start3A_280] : memref<20x64xi32, #tpu.memory_space<vmem>> -> memref<1x64xi32, #tpu.memory_space<vmem>>
          %dma_start3A_282 = tpu.memref_squeeze %dma_start3A_281 : memref<1x64xi32, #tpu.memory_space<vmem>> -> memref<64xi32, #tpu.memory_space<vmem>>
          %dma_start3A_283 = arith.constant 0 : i32
          %dma_start3A_284 = arith.constant 0 : i32
          %dma_start3A_285 = tpu.memref_slice %arg2[%dma_start3A_283, %dma_start3A_284] : memref<10240x128xf32, #tpu.memory_space<hbm>> -> memref<10240x128xf32, #tpu.memory_space<hbm>>
          tpu.enqueue_indirect_dma source(%dma_start3A_285 : memref<10240x128xf32, #tpu.memory_space<hbm>>) target(%arg11 : memref<64x128xf32, #tpu.memory_space<vmem>>) offsets(%dma_start3A_282 : memref<64xi32, #tpu.memory_space<vmem>>) semaphore(%arg16 : memref<!tpu.dma_semaphore, #tpu.memory_space<semaphore_mem>>)
        } else {
        }
        %mul3A_228 = arith.constant 4 : i32
        %mul3A_229 = arith.muli %scan3A_177, %mul3A_228 : i32
        %add3A_230 = arith.constant 2 : i32
        %add3A_231 = arith.addi %mul3A_229, %add3A_230 : i32
        %dma_wait3A_232 = arith.constant 0 : i32
        %dma_wait3A_233 = tpu.memref_slice %arg8[%add3A_231, %dma_wait3A_232] : memref<20x64xi32, #tpu.memory_space<vmem>> -> memref<1x64xi32, #tpu.memory_space<vmem>>
        %dma_wait3A_234 = tpu.memref_squeeze %dma_wait3A_233 : memref<1x64xi32, #tpu.memory_space<vmem>> -> memref<64xi32, #tpu.memory_space<vmem>>
        %dma_wait3A_235 = arith.constant 0 : i32
        %dma_wait3A_236 = arith.constant 0 : i32
        %dma_wait3A_237 = tpu.memref_slice %arg2[%dma_wait3A_235, %dma_wait3A_236] : memref<10240x128xf32, #tpu.memory_space<hbm>> -> memref<10240x128xf32, #tpu.memory_space<hbm>>
        tpu.wait_indirect_dma semaphore(%arg18 : memref<!tpu.dma_semaphore, #tpu.memory_space<semaphore_mem>>) src(%dma_wait3A_237 : memref<10240x128xf32, #tpu.memory_space<hbm>>) dst(%arg13 : memref<64x128xf32, #tpu.memory_space<vmem>>)
        %dma_start3A_238 = arith.constant 0 : i32
        %dma_start3A_239 = tpu.memref_slice %arg10[%add3A_231, %dma_start3A_238] : memref<20x64xi32, #tpu.memory_space<vmem>> -> memref<1x64xi32, #tpu.memory_space<vmem>>
        %dma_start3A_240 = tpu.memref_squeeze %dma_start3A_239 : memref<1x64xi32, #tpu.memory_space<vmem>> -> memref<64xi32, #tpu.memory_space<vmem>>
        %dma_start3A_241 = arith.constant 0 : i32
        %dma_start3A_242 = arith.constant 0 : i32
        %dma_start3A_243 = tpu.memref_slice %arg6[%dma_start3A_241, %dma_start3A_242] : memref<10240x128xf32, #tpu.memory_space<vmem_shared>> -> memref<10240x128xf32, #tpu.memory_space<vmem_shared>>
        tpu.enqueue_indirect_dma source(%arg13 : memref<64x128xf32, #tpu.memory_space<vmem>>) target(%dma_start3A_243 : memref<10240x128xf32, #tpu.memory_space<vmem_shared>>) offsets(%dma_start3A_240 : memref<64xi32, #tpu.memory_space<vmem>>) semaphore(%arg22 : memref<!tpu.dma_semaphore, #tpu.memory_space<semaphore_mem>>) {add = true}
        %lt3A_244 = arith.constant 4 : i32
        %lt3A_245 = arith.cmpi slt, %scan3A_177, %lt3A_244 : i32
        %convert_element_type3A_246 = arith.extui %lt3A_245 : i1 to i32
        %cond3A_247 = arith.constant 0 : i32
        %cond3A_248 = arith.cmpi ne, %convert_element_type3A_246, %cond3A_247 : i32
        scf.if %cond3A_248 {
          %dma_wait3A_270 = arith.constant 0 : i32
          %dma_wait3A_271 = tpu.memref_slice %arg10[%add3A_210, %dma_wait3A_270] : memref<20x64xi32, #tpu.memory_space<vmem>> -> memref<1x64xi32, #tpu.memory_space<vmem>>
          %dma_wait3A_272 = tpu.memref_squeeze %dma_wait3A_271 : memref<1x64xi32, #tpu.memory_space<vmem>> -> memref<64xi32, #tpu.memory_space<vmem>>
          %dma_wait3A_273 = arith.constant 0 : i32
          %dma_wait3A_274 = arith.constant 0 : i32
          %dma_wait3A_275 = tpu.memref_slice %arg6[%dma_wait3A_273, %dma_wait3A_274] : memref<10240x128xf32, #tpu.memory_space<vmem_shared>> -> memref<10240x128xf32, #tpu.memory_space<vmem_shared>>
          tpu.wait_indirect_dma semaphore(%arg21 : memref<!tpu.dma_semaphore, #tpu.memory_space<semaphore_mem>>) src(%arg12 : memref<64x128xf32, #tpu.memory_space<vmem>>) dst(%dma_wait3A_275 : memref<10240x128xf32, #tpu.memory_space<vmem_shared>>)
          %add3A_276 = arith.constant 4 : i32
          %add3A_277 = arith.addi %add3A_231, %add3A_276 : i32
          %sub3A_278 = arith.constant 1 : i32
          %sub3A_279 = arith.subi %add3A_277, %sub3A_278 : i32
          %dma_start3A_280 = arith.constant 0 : i32
          %dma_start3A_281 = tpu.memref_slice %arg8[%sub3A_279, %dma_start3A_280] : memref<20x64xi32, #tpu.memory_space<vmem>> -> memref<1x64xi32, #tpu.memory_space<vmem>>
          %dma_start3A_282 = tpu.memref_squeeze %dma_start3A_281 : memref<1x64xi32, #tpu.memory_space<vmem>> -> memref<64xi32, #tpu.memory_space<vmem>>
          %dma_start3A_283 = arith.constant 0 : i32
          %dma_start3A_284 = arith.constant 0 : i32
          %dma_start3A_285 = tpu.memref_slice %arg2[%dma_start3A_283, %dma_start3A_284] : memref<10240x128xf32, #tpu.memory_space<hbm>> -> memref<10240x128xf32, #tpu.memory_space<hbm>>
          tpu.enqueue_indirect_dma source(%dma_start3A_285 : memref<10240x128xf32, #tpu.memory_space<hbm>>) target(%arg12 : memref<64x128xf32, #tpu.memory_space<vmem>>) offsets(%dma_start3A_282 : memref<64xi32, #tpu.memory_space<vmem>>) semaphore(%arg17 : memref<!tpu.dma_semaphore, #tpu.memory_space<semaphore_mem>>)
        } else {
        }
        %mul3A_249 = arith.constant 4 : i32
        %mul3A_250 = arith.muli %scan3A_177, %mul3A_249 : i32
        %add3A_251 = arith.constant 3 : i32
        %add3A_252 = arith.addi %mul3A_250, %add3A_251 : i32
        %dma_wait3A_253 = arith.constant 0 : i32
        %dma_wait3A_254 = tpu.memref_slice %arg8[%add3A_252, %dma_wait3A_253] : memref<20x64xi32, #tpu.memory_space<vmem>> -> memref<1x64xi32, #tpu.memory_space<vmem>>
        %dma_wait3A_255 = tpu.memref_squeeze %dma_wait3A_254 : memref<1x64xi32, #tpu.memory_space<vmem>> -> memref<64xi32, #tpu.memory_space<vmem>>
        %dma_wait3A_256 = arith.constant 0 : i32
        %dma_wait3A_257 = arith.constant 0 : i32
        %dma_wait3A_258 = tpu.memref_slice %arg2[%dma_wait3A_256, %dma_wait3A_257] : memref<10240x128xf32, #tpu.memory_space<hbm>> -> memref<10240x128xf32, #tpu.memory_space<hbm>>
        tpu.wait_indirect_dma semaphore(%arg19 : memref<!tpu.dma_semaphore, #tpu.memory_space<semaphore_mem>>) src(%dma_wait3A_258 : memref<10240x128xf32, #tpu.memory_space<hbm>>) dst(%arg14 : memref<64x128xf32, #tpu.memory_space<vmem>>)
        %dma_start3A_259 = arith.constant 0 : i32
        %dma_start3A_260 = tpu.memref_slice %arg10[%add3A_252, %dma_start3A_259] : memref<20x64xi32, #tpu.memory_space<vmem>> -> memref<1x64xi32, #tpu.memory_space<vmem>>
        %dma_start3A_261 = tpu.memref_squeeze %dma_start3A_260 : memref<1x64xi32, #tpu.memory_space<vmem>> -> memref<64xi32, #tpu.memory_space<vmem>>
        %dma_start3A_262 = arith.constant 0 : i32
        %dma_start3A_263 = arith.constant 0 : i32
        %dma_start3A_264 = tpu.memref_slice %arg6[%dma_start3A_262, %dma_start3A_263] : memref<10240x128xf32, #tpu.memory_space<vmem_shared>> -> memref<10240x128xf32, #tpu.memory_space<vmem_shared>>
        tpu.enqueue_indirect_dma source(%arg14 : memref<64x128xf32, #tpu.memory_space<vmem>>) target(%dma_start3A_264 : memref<10240x128xf32, #tpu.memory_space<vmem_shared>>) offsets(%dma_start3A_261 : memref<64xi32, #tpu.memory_space<vmem>>) semaphore(%arg23 : memref<!tpu.dma_semaphore, #tpu.memory_space<semaphore_mem>>) {add = true}
        %lt3A_265 = arith.constant 4 : i32
        %lt3A_266 = arith.cmpi slt, %scan3A_177, %lt3A_265 : i32
        %convert_element_type3A_267 = arith.extui %lt3A_266 : i1 to i32
        %cond3A_268 = arith.constant 0 : i32
        %cond3A_269 = arith.cmpi ne, %convert_element_type3A_267, %cond3A_268 : i32
        scf.if %cond3A_269 {
          %dma_wait3A_270 = arith.constant 0 : i32
          %dma_wait3A_271 = tpu.memref_slice %arg10[%add3A_231, %dma_wait3A_270] : memref<20x64xi32, #tpu.memory_space<vmem>> -> memref<1x64xi32, #tpu.memory_space<vmem>>
          %dma_wait3A_272 = tpu.memref_squeeze %dma_wait3A_271 : memref<1x64xi32, #tpu.memory_space<vmem>> -> memref<64xi32, #tpu.memory_space<vmem>>
          %dma_wait3A_273 = arith.constant 0 : i32
          %dma_wait3A_274 = arith.constant 0 : i32
          %dma_wait3A_275 = tpu.memref_slice %arg6[%dma_wait3A_273, %dma_wait3A_274] : memref<10240x128xf32, #tpu.memory_space<vmem_shared>> -> memref<10240x128xf32, #tpu.memory_space<vmem_shared>>
          tpu.wait_indirect_dma semaphore(%arg22 : memref<!tpu.dma_semaphore, #tpu.memory_space<semaphore_mem>>) src(%arg13 : memref<64x128xf32, #tpu.memory_space<vmem>>) dst(%dma_wait3A_275 : memref<10240x128xf32, #tpu.memory_space<vmem_shared>>)
          %add3A_276 = arith.constant 4 : i32
          %add3A_277 = arith.addi %add3A_252, %add3A_276 : i32
          %sub3A_278 = arith.constant 1 : i32
          %sub3A_279 = arith.subi %add3A_277, %sub3A_278 : i32
          %dma_start3A_280 = arith.constant 0 : i32
          %dma_start3A_281 = tpu.memref_slice %arg8[%sub3A_279, %dma_start3A_280] : memref<20x64xi32, #tpu.memory_space<vmem>> -> memref<1x64xi32, #tpu.memory_space<vmem>>
          %dma_start3A_282 = tpu.memref_squeeze %dma_start3A_281 : memref<1x64xi32, #tpu.memory_space<vmem>> -> memref<64xi32, #tpu.memory_space<vmem>>
          %dma_start3A_283 = arith.constant 0 : i32
          %dma_start3A_284 = arith.constant 0 : i32
          %dma_start3A_285 = tpu.memref_slice %arg2[%dma_start3A_283, %dma_start3A_284] : memref<10240x128xf32, #tpu.memory_space<hbm>> -> memref<10240x128xf32, #tpu.memory_space<hbm>>
          tpu.enqueue_indirect_dma source(%dma_start3A_285 : memref<10240x128xf32, #tpu.memory_space<hbm>>) target(%arg13 : memref<64x128xf32, #tpu.memory_space<vmem>>) offsets(%dma_start3A_282 : memref<64xi32, #tpu.memory_space<vmem>>) semaphore(%arg18 : memref<!tpu.dma_semaphore, #tpu.memory_space<semaphore_mem>>)
        } else {
        }
      }
      %scan3A_143 = arith.constant 5 : i32
      %dma_wait3A_144 = arith.constant 0 : i32
      %dma_wait3A_145 = arith.constant 0 : i32
      %dma_wait3A_146 = tpu.memref_slice %arg10[%dma_wait3A_144, %dma_wait3A_145] : memref<20x64xi32, #tpu.memory_space<vmem>> -> memref<1x64xi32, #tpu.memory_space<vmem>>
      %dma_wait3A_147 = tpu.memref_squeeze %dma_wait3A_146 : memref<1x64xi32, #tpu.memory_space<vmem>> -> memref<64xi32, #tpu.memory_space<vmem>>
      %dma_wait3A_148 = arith.constant 0 : i32
      %dma_wait3A_149 = arith.constant 0 : i32
      %dma_wait3A_150 = tpu.memref_slice %arg6[%dma_wait3A_148, %dma_wait3A_149] : memref<10240x128xf32, #tpu.memory_space<vmem_shared>> -> memref<10240x128xf32, #tpu.memory_space<vmem_shared>>
      tpu.wait_indirect_dma semaphore(%arg20 : memref<!tpu.dma_semaphore, #tpu.memory_space<semaphore_mem>>) src(%arg11 : memref<64x128xf32, #tpu.memory_space<vmem>>) dst(%dma_wait3A_150 : memref<10240x128xf32, #tpu.memory_space<vmem_shared>>)
      %dma_wait3A_151 = arith.constant 0 : i32
      %dma_wait3A_152 = arith.constant 0 : i32
      %dma_wait3A_153 = tpu.memref_slice %arg10[%dma_wait3A_151, %dma_wait3A_152] : memref<20x64xi32, #tpu.memory_space<vmem>> -> memref<1x64xi32, #tpu.memory_space<vmem>>
      %dma_wait3A_154 = tpu.memref_squeeze %dma_wait3A_153 : memref<1x64xi32, #tpu.memory_space<vmem>> -> memref<64xi32, #tpu.memory_space<vmem>>
      %dma_wait3A_155 = arith.constant 0 : i32
      %dma_wait3A_156 = arith.constant 0 : i32
      %dma_wait3A_157 = tpu.memref_slice %arg6[%dma_wait3A_155, %dma_wait3A_156] : memref<10240x128xf32, #tpu.memory_space<vmem_shared>> -> memref<10240x128xf32, #tpu.memory_space<vmem_shared>>
      tpu.wait_indirect_dma semaphore(%arg21 : memref<!tpu.dma_semaphore, #tpu.memory_space<semaphore_mem>>) src(%arg12 : memref<64x128xf32, #tpu.memory_space<vmem>>) dst(%dma_wait3A_157 : memref<10240x128xf32, #tpu.memory_space<vmem_shared>>)
      %dma_wait3A_158 = arith.constant 0 : i32
      %dma_wait3A_159 = arith.constant 0 : i32
      %dma_wait3A_160 = tpu.memref_slice %arg10[%dma_wait3A_158, %dma_wait3A_159] : memref<20x64xi32, #tpu.memory_space<vmem>> -> memref<1x64xi32, #tpu.memory_space<vmem>>
      %dma_wait3A_161 = tpu.memref_squeeze %dma_wait3A_160 : memref<1x64xi32, #tpu.memory_space<vmem>> -> memref<64xi32, #tpu.memory_space<vmem>>
      %dma_wait3A_162 = arith.constant 0 : i32
      %dma_wait3A_163 = arith.constant 0 : i32
      %dma_wait3A_164 = tpu.memref_slice %arg6[%dma_wait3A_162, %dma_wait3A_163] : memref<10240x128xf32, #tpu.memory_space<vmem_shared>> -> memref<10240x128xf32, #tpu.memory_space<vmem_shared>>
      tpu.wait_indirect_dma semaphore(%arg22 : memref<!tpu.dma_semaphore, #tpu.memory_space<semaphore_mem>>) src(%arg13 : memref<64x128xf32, #tpu.memory_space<vmem>>) dst(%dma_wait3A_164 : memref<10240x128xf32, #tpu.memory_space<vmem_shared>>)
      %dma_wait3A_165 = arith.constant 0 : i32
      %dma_wait3A_166 = arith.constant 0 : i32
      %dma_wait3A_167 = tpu.memref_slice %arg10[%dma_wait3A_165, %dma_wait3A_166] : memref<20x64xi32, #tpu.memory_space<vmem>> -> memref<1x64xi32, #tpu.memory_space<vmem>>
      %dma_wait3A_168 = tpu.memref_squeeze %dma_wait3A_167 : memref<1x64xi32, #tpu.memory_space<vmem>> -> memref<64xi32, #tpu.memory_space<vmem>>
      %dma_wait3A_169 = arith.constant 0 : i32
      %dma_wait3A_170 = arith.constant 0 : i32
      %dma_wait3A_171 = tpu.memref_slice %arg6[%dma_wait3A_169, %dma_wait3A_170] : memref<10240x128xf32, #tpu.memory_space<vmem_shared>> -> memref<10240x128xf32, #tpu.memory_space<vmem_shared>>
      tpu.wait_indirect_dma semaphore(%arg23 : memref<!tpu.dma_semaphore, #tpu.memory_space<semaphore_mem>>) src(%arg14 : memref<64x128xf32, #tpu.memory_space<vmem>>) dst(%dma_wait3A_171 : memref<10240x128xf32, #tpu.memory_space<vmem_shared>>)
      %lt3A_172 = arith.constant 7 : i32
      %lt3A_173 = arith.cmpi slt, %add3A_112, %lt3A_172 : i32
      %convert_element_type3A_174 = arith.extui %lt3A_173 : i1 to i32
      %cond3A_175 = arith.constant 0 : i32
      %cond3A_176 = arith.cmpi ne, %convert_element_type3A_174, %cond3A_175 : i32
      scf.if %cond3A_176 {
        %dma_wait3A_177 = arith.constant 0 : i32
        %dma_wait3A_178 = arith.constant 0 : i32
        %dma_wait3A_179 = arith.constant 0 : i32
        %dma_wait3A_180 = tpu.memref_slice %arg3[%add3A, %dma_wait3A_177, %dma_wait3A_178, %dma_wait3A_179] : memref<32x8x20x64xi32, #tpu.memory_space<hbm>> -> memref<1x1x20x64xi32, #tpu.memory_space<hbm>>
        %dma_wait3A_181 = tpu.memref_squeeze %dma_wait3A_180 : memref<1x1x20x64xi32, #tpu.memory_space<hbm>> -> memref<20x64xi32, #tpu.memory_space<hbm>>
        %dma_wait3A_182 = arith.constant 0 : i32
        %dma_wait3A_183 = arith.constant 0 : i32
        %dma_wait3A_184 = tpu.memref_slice %arg3[%add3A, %dma_wait3A_177, %dma_wait3A_182, %dma_wait3A_183] : memref<32x8x20x64xi32, #tpu.memory_space<hbm>> -> memref<1x1x20x64xi32, #tpu.memory_space<hbm>>
        %dma_wait3A_185 = tpu.memref_squeeze %dma_wait3A_184 : memref<1x1x20x64xi32, #tpu.memory_space<hbm>> -> memref<20x64xi32, #tpu.memory_space<hbm>>
        tpu.wait_dma2 semaphore(%arg24 : memref<!tpu.dma_semaphore, #tpu.memory_space<semaphore_mem>>) src(%dma_wait3A_185 : memref<20x64xi32, #tpu.memory_space<hbm>>) dst(%arg7 : memref<20x64xi32, #tpu.memory_space<vmem>>)
        %dma_wait3A_186 = arith.constant 0 : i32
        %dma_wait3A_187 = arith.constant 0 : i32
        %dma_wait3A_188 = arith.constant 0 : i32
        %dma_wait3A_189 = tpu.memref_slice %arg4[%add3A, %dma_wait3A_186, %dma_wait3A_187, %dma_wait3A_188] : memref<32x8x20x64xi32, #tpu.memory_space<hbm>> -> memref<1x1x20x64xi32, #tpu.memory_space<hbm>>
        %dma_wait3A_190 = tpu.memref_squeeze %dma_wait3A_189 : memref<1x1x20x64xi32, #tpu.memory_space<hbm>> -> memref<20x64xi32, #tpu.memory_space<hbm>>
        %dma_wait3A_191 = arith.constant 0 : i32
        %dma_wait3A_192 = arith.constant 0 : i32
        %dma_wait3A_193 = tpu.memref_slice %arg4[%add3A, %dma_wait3A_186, %dma_wait3A_191, %dma_wait3A_192] : memref<32x8x20x64xi32, #tpu.memory_space<hbm>> -> memref<1x1x20x64xi32, #tpu.memory_space<hbm>>
        %dma_wait3A_194 = tpu.memref_squeeze %dma_wait3A_193 : memref<1x1x20x64xi32, #tpu.memory_space<hbm>> -> memref<20x64xi32, #tpu.memory_space<hbm>>
        tpu.wait_dma2 semaphore(%arg25 : memref<!tpu.dma_semaphore, #tpu.memory_space<semaphore_mem>>) src(%dma_wait3A_194 : memref<20x64xi32, #tpu.memory_space<hbm>>) dst(%arg9 : memref<20x64xi32, #tpu.memory_space<vmem>>)
      } else {
      }
    }
    %scan3A_38 = arith.constant 4 : i32
    %barrier3A_39 = arith.constant 0 : index
    tpu.barrier barrier_id(%barrier3A_39)
    %mul3A_40 = arith.constant 640 : i32
    %mul3A_41 = arith.muli %arg1, %mul3A_40 : i32
    %mul3A_42 = arith.constant 640 : i32
    %mul3A_43 = arith.muli %arg1, %mul3A_42 : i32
    "tpu.region"() ({
      %run_scoped3A_44 = tpu.sem_alloc : memref<!tpu.dma_semaphore, #tpu.memory_space<semaphore_mem>>
      %dma_start3A = arith.constant 0 : i32
      %dma_start3A_45 = tpu.memref_slice %arg5[%arg0, %mul3A_43, %dma_start3A] : memref<2x10240x128xf32, #tpu.memory_space<hbm>> -> memref<1x640x128xf32, #tpu.memory_space<hbm>>
      %dma_start3A_46 = tpu.memref_squeeze %dma_start3A_45 : memref<1x640x128xf32, #tpu.memory_space<hbm>> -> memref<640x128xf32, #tpu.memory_space<hbm>>
      %dma_start3A_47 = arith.constant 0 : i32
      %dma_start3A_48 = tpu.memref_slice %arg6[%mul3A_41, %dma_start3A_47] : memref<10240x128xf32, #tpu.memory_space<vmem_shared>> -> memref<640x128xf32, #tpu.memory_space<vmem_shared>>
      tpu.enqueue_dma source(%dma_start3A_48 : memref<640x128xf32, #tpu.memory_space<vmem_shared>>) target(%dma_start3A_46 : memref<640x128xf32, #tpu.memory_space<hbm>>) target_semaphore(%run_scoped3A_44 : memref<!tpu.dma_semaphore, #tpu.memory_space<semaphore_mem>>)
      %dma_wait3A_49 = arith.constant 0 : i32
      %dma_wait3A_50 = tpu.memref_slice %arg5[%arg0, %mul3A_43, %dma_wait3A_49] : memref<2x10240x128xf32, #tpu.memory_space<hbm>> -> memref<1x640x128xf32, #tpu.memory_space<hbm>>
      %dma_wait3A_51 = tpu.memref_squeeze %dma_wait3A_50 : memref<1x640x128xf32, #tpu.memory_space<hbm>> -> memref<640x128xf32, #tpu.memory_space<hbm>>
      %dma_wait3A_52 = arith.constant 0 : i32
      %dma_wait3A_53 = tpu.memref_slice %arg6[%mul3A_41, %dma_wait3A_52] : memref<10240x128xf32, #tpu.memory_space<vmem_shared>> -> memref<640x128xf32, #tpu.memory_space<vmem_shared>>
      tpu.wait_dma2 semaphore(%run_scoped3A_44 : memref<!tpu.dma_semaphore, #tpu.memory_space<semaphore_mem>>) src(%dma_wait3A_53 : memref<640x128xf32, #tpu.memory_space<vmem_shared>>) dst(%dma_wait3A_51 : memref<640x128xf32, #tpu.memory_space<hbm>>)
      tpu.yield
    }) : () -> ()
    return
  }
}

#map = affine_map<(d0, d1) -> (0, 0, 0)>
#map1 = affine_map<(d0, d1) -> (0, 0)>
module attributes {stable_mosaic.version = 14 : i64} {
  func.func @_deg_pass(%arg0: i32, %arg1: i32, %arg2: memref<32x80x128xi32, #tpu.memory_space<hbm>>, %arg3: memref<2x10240xf32, #tpu.memory_space<hbm>>, %arg4: memref<10240xf32, #tpu.memory_space<vmem_shared>>, %arg5: memref<80x128xi32, #tpu.memory_space<vmem>>, %arg6: memref<128xf32, #tpu.memory_space<vmem>>, %arg7: memref<640xf32, #tpu.memory_space<vmem>>, %arg8: memref<!tpu.dma_semaphore, #tpu.memory_space<semaphore_mem>>, %arg9: memref<!tpu.dma_semaphore, #tpu.memory_space<semaphore_mem>>, %arg10: memref<!tpu.dma_semaphore, #tpu.memory_space<semaphore_mem>>, %arg11: memref<!tpu.dma_semaphore, #tpu.memory_space<semaphore_mem>>) attributes {dimension_semantics = [#tpu.dimension_semantics<core_parallel>, #tpu.dimension_semantics<subcore_parallel>], iteration_bounds = array<i64: 2, 16>, scalar_prefetch = 0 : i64, scratch_operands = 8 : i64, tpu.core_type = #tpu.core_type<sc_vector_subcore>, window_params = [{transform_indices = #map}, {transform_indices = #map1}]} {
    %mul3A = arith.constant 16 : i32
    %mul3A_0 = arith.muli %arg0, %mul3A : i32
    %add3A = arith.addi %mul3A_0, %arg1 : i32
    %scan3A = arith.constant 0 : i32
    %scan3A_1 = arith.constant 40 : i32
    %scan3A_2 = arith.addi %scan3A, %scan3A_1 : i32
    %scan3A_3 = arith.constant 1 : i32
    scf.for %scan3A_86 = %scan3A to %scan3A_2 step %scan3A_3  : i32 {
      %broadcast_in_dim3A_87 = arith.constant 0.000000e+00 : f32
      %broadcast_in_dim3A_88 = vector.broadcast %broadcast_in_dim3A_87 : f32 to vector<16xf32>
      %mul3A_89 = arith.constant 16 : i32
      %mul3A_90 = arith.muli %scan3A_86, %mul3A_89 : i32
      %swap3A_91 = arith.index_cast %mul3A_90 : i32 to index
      %swap3A_92 = tpu.vector_load %arg7[%swap3A_91] {strides = array<i32>} : memref<640xf32, #tpu.memory_space<vmem>>, vector<16xf32>,
      %swap3A_93 = vector.shape_cast %swap3A_92 : vector<16xf32> to vector<16xf32>
      %swap3A_94 = vector.shape_cast %broadcast_in_dim3A_88 : vector<16xf32> to vector<16xf32>
      tpu.vector_store %arg7[%swap3A_91], %swap3A_94 {strides = array<i32>} : memref<640xf32, #tpu.memory_space<vmem>>, vector<16xf32>,
    }
    %scan3A_4 = arith.constant 40 : i32
    %broadcast_in_dim3A = arith.constant 1.000000e+00 : f32
    %broadcast_in_dim3A_5 = vector.broadcast %broadcast_in_dim3A : f32 to vector<16xf32>
    %swap3A = arith.constant 0 : index
    %swap3A_6 = tpu.vector_load %arg6[%swap3A] {strides = array<i32>} : memref<128xf32, #tpu.memory_space<vmem>>, vector<16xf32>,
    %swap3A_7 = vector.shape_cast %swap3A_6 : vector<16xf32> to vector<16xf32>
    %swap3A_8 = vector.shape_cast %broadcast_in_dim3A_5 : vector<16xf32> to vector<16xf32>
    tpu.vector_store %arg6[%swap3A], %swap3A_8 {strides = array<i32>} : memref<128xf32, #tpu.memory_space<vmem>>, vector<16xf32>,
    %broadcast_in_dim3A_9 = arith.constant 1.000000e+00 : f32
    %broadcast_in_dim3A_10 = vector.broadcast %broadcast_in_dim3A_9 : f32 to vector<16xf32>
    %swap3A_11 = arith.constant 16 : index
    %swap3A_12 = tpu.vector_load %arg6[%swap3A_11] {strides = array<i32>} : memref<128xf32, #tpu.memory_space<vmem>>, vector<16xf32>,
    %swap3A_13 = vector.shape_cast %swap3A_12 : vector<16xf32> to vector<16xf32>
    %swap3A_14 = vector.shape_cast %broadcast_in_dim3A_10 : vector<16xf32> to vector<16xf32>
    tpu.vector_store %arg6[%swap3A_11], %swap3A_14 {strides = array<i32>} : memref<128xf32, #tpu.memory_space<vmem>>, vector<16xf32>,
    %broadcast_in_dim3A_15 = arith.constant 1.000000e+00 : f32
    %broadcast_in_dim3A_16 = vector.broadcast %broadcast_in_dim3A_15 : f32 to vector<16xf32>
    %swap3A_17 = arith.constant 32 : index
    %swap3A_18 = tpu.vector_load %arg6[%swap3A_17] {strides = array<i32>} : memref<128xf32, #tpu.memory_space<vmem>>, vector<16xf32>,
    %swap3A_19 = vector.shape_cast %swap3A_18 : vector<16xf32> to vector<16xf32>
    %swap3A_20 = vector.shape_cast %broadcast_in_dim3A_16 : vector<16xf32> to vector<16xf32>
    tpu.vector_store %arg6[%swap3A_17], %swap3A_20 {strides = array<i32>} : memref<128xf32, #tpu.memory_space<vmem>>, vector<16xf32>,
    %broadcast_in_dim3A_21 = arith.constant 1.000000e+00 : f32
    %broadcast_in_dim3A_22 = vector.broadcast %broadcast_in_dim3A_21 : f32 to vector<16xf32>
    %swap3A_23 = arith.constant 48 : index
    %swap3A_24 = tpu.vector_load %arg6[%swap3A_23] {strides = array<i32>} : memref<128xf32, #tpu.memory_space<vmem>>, vector<16xf32>,
    %swap3A_25 = vector.shape_cast %swap3A_24 : vector<16xf32> to vector<16xf32>
    %swap3A_26 = vector.shape_cast %broadcast_in_dim3A_22 : vector<16xf32> to vector<16xf32>
    tpu.vector_store %arg6[%swap3A_23], %swap3A_26 {strides = array<i32>} : memref<128xf32, #tpu.memory_space<vmem>>, vector<16xf32>,
    %broadcast_in_dim3A_27 = arith.constant 1.000000e+00 : f32
    %broadcast_in_dim3A_28 = vector.broadcast %broadcast_in_dim3A_27 : f32 to vector<16xf32>
    %swap3A_29 = arith.constant 64 : index
    %swap3A_30 = tpu.vector_load %arg6[%swap3A_29] {strides = array<i32>} : memref<128xf32, #tpu.memory_space<vmem>>, vector<16xf32>,
    %swap3A_31 = vector.shape_cast %swap3A_30 : vector<16xf32> to vector<16xf32>
    %swap3A_32 = vector.shape_cast %broadcast_in_dim3A_28 : vector<16xf32> to vector<16xf32>
    tpu.vector_store %arg6[%swap3A_29], %swap3A_32 {strides = array<i32>} : memref<128xf32, #tpu.memory_space<vmem>>, vector<16xf32>,
    %broadcast_in_dim3A_33 = arith.constant 1.000000e+00 : f32
    %broadcast_in_dim3A_34 = vector.broadcast %broadcast_in_dim3A_33 : f32 to vector<16xf32>
    %swap3A_35 = arith.constant 80 : index
    %swap3A_36 = tpu.vector_load %arg6[%swap3A_35] {strides = array<i32>} : memref<128xf32, #tpu.memory_space<vmem>>, vector<16xf32>,
    %swap3A_37 = vector.shape_cast %swap3A_36 : vector<16xf32> to vector<16xf32>
    %swap3A_38 = vector.shape_cast %broadcast_in_dim3A_34 : vector<16xf32> to vector<16xf32>
    tpu.vector_store %arg6[%swap3A_35], %swap3A_38 {strides = array<i32>} : memref<128xf32, #tpu.memory_space<vmem>>, vector<16xf32>,
    %broadcast_in_dim3A_39 = arith.constant 1.000000e+00 : f32
    %broadcast_in_dim3A_40 = vector.broadcast %broadcast_in_dim3A_39 : f32 to vector<16xf32>
    %swap3A_41 = arith.constant 96 : index
    %swap3A_42 = tpu.vector_load %arg6[%swap3A_41] {strides = array<i32>} : memref<128xf32, #tpu.memory_space<vmem>>, vector<16xf32>,
    %swap3A_43 = vector.shape_cast %swap3A_42 : vector<16xf32> to vector<16xf32>
    %swap3A_44 = vector.shape_cast %broadcast_in_dim3A_40 : vector<16xf32> to vector<16xf32>
    tpu.vector_store %arg6[%swap3A_41], %swap3A_44 {strides = array<i32>} : memref<128xf32, #tpu.memory_space<vmem>>, vector<16xf32>,
    %broadcast_in_dim3A_45 = arith.constant 1.000000e+00 : f32
    %broadcast_in_dim3A_46 = vector.broadcast %broadcast_in_dim3A_45 : f32 to vector<16xf32>
    %swap3A_47 = arith.constant 112 : index
    %swap3A_48 = tpu.vector_load %arg6[%swap3A_47] {strides = array<i32>} : memref<128xf32, #tpu.memory_space<vmem>>, vector<16xf32>,
    %swap3A_49 = vector.shape_cast %swap3A_48 : vector<16xf32> to vector<16xf32>
    %swap3A_50 = vector.shape_cast %broadcast_in_dim3A_46 : vector<16xf32> to vector<16xf32>
    tpu.vector_store %arg6[%swap3A_47], %swap3A_50 {strides = array<i32>} : memref<128xf32, #tpu.memory_space<vmem>>, vector<16xf32>,
    "tpu.region"() ({
      %run_scoped3A = tpu.sem_alloc : memref<!tpu.dma_semaphore, #tpu.memory_space<semaphore_mem>>
      %dma_start3A = arith.constant 0 : i32
      %dma_start3A_86 = arith.constant 0 : i32
      %dma_start3A_87 = tpu.memref_slice %arg2[%add3A, %dma_start3A, %dma_start3A_86] : memref<32x80x128xi32, #tpu.memory_space<hbm>> -> memref<1x80x128xi32, #tpu.memory_space<hbm>>
      %dma_start3A_88 = tpu.memref_squeeze %dma_start3A_87 : memref<1x80x128xi32, #tpu.memory_space<hbm>> -> memref<80x128xi32, #tpu.memory_space<hbm>>
      %dma_start3A_89 = arith.constant 0 : i32
      %dma_start3A_90 = arith.constant 0 : i32
      %dma_start3A_91 = tpu.memref_slice %arg2[%add3A, %dma_start3A_89, %dma_start3A_90] : memref<32x80x128xi32, #tpu.memory_space<hbm>> -> memref<1x80x128xi32, #tpu.memory_space<hbm>>
      %dma_start3A_92 = tpu.memref_squeeze %dma_start3A_91 : memref<1x80x128xi32, #tpu.memory_space<hbm>> -> memref<80x128xi32, #tpu.memory_space<hbm>>
      tpu.enqueue_dma source(%dma_start3A_92 : memref<80x128xi32, #tpu.memory_space<hbm>>) target(%arg5 : memref<80x128xi32, #tpu.memory_space<vmem>>) target_semaphore(%run_scoped3A : memref<!tpu.dma_semaphore, #tpu.memory_space<semaphore_mem>>)
      %dma_wait3A_93 = arith.constant 0 : i32
      %dma_wait3A_94 = arith.constant 0 : i32
      %dma_wait3A_95 = tpu.memref_slice %arg2[%add3A, %dma_wait3A_93, %dma_wait3A_94] : memref<32x80x128xi32, #tpu.memory_space<hbm>> -> memref<1x80x128xi32, #tpu.memory_space<hbm>>
      %dma_wait3A_96 = tpu.memref_squeeze %dma_wait3A_95 : memref<1x80x128xi32, #tpu.memory_space<hbm>> -> memref<80x128xi32, #tpu.memory_space<hbm>>
      %dma_wait3A_97 = arith.constant 0 : i32
      %dma_wait3A_98 = arith.constant 0 : i32
      %dma_wait3A_99 = tpu.memref_slice %arg2[%add3A, %dma_wait3A_97, %dma_wait3A_98] : memref<32x80x128xi32, #tpu.memory_space<hbm>> -> memref<1x80x128xi32, #tpu.memory_space<hbm>>
      %dma_wait3A_100 = tpu.memref_squeeze %dma_wait3A_99 : memref<1x80x128xi32, #tpu.memory_space<hbm>> -> memref<80x128xi32, #tpu.memory_space<hbm>>
      tpu.wait_dma2 semaphore(%run_scoped3A : memref<!tpu.dma_semaphore, #tpu.memory_space<semaphore_mem>>) src(%dma_wait3A_100 : memref<80x128xi32, #tpu.memory_space<hbm>>) dst(%arg5 : memref<80x128xi32, #tpu.memory_space<vmem>>)
      tpu.yield
    }) : () -> ()
    %mul3A_51 = arith.constant 640 : i32
    %mul3A_52 = arith.muli %arg1, %mul3A_51 : i32
    "tpu.region"() ({
      %run_scoped3A = tpu.sem_alloc : memref<!tpu.dma_semaphore, #tpu.memory_space<semaphore_mem>>
      %dma_start3A = tpu.memref_slice %arg4[%mul3A_52] : memref<10240xf32, #tpu.memory_space<vmem_shared>> -> memref<640xf32, #tpu.memory_space<vmem_shared>>
      %dma_start3A_86 = tpu.memref_slice %arg4[%mul3A_52] : memref<10240xf32, #tpu.memory_space<vmem_shared>> -> memref<640xf32, #tpu.memory_space<vmem_shared>>
      tpu.enqueue_dma source(%arg7 : memref<640xf32, #tpu.memory_space<vmem>>) target(%dma_start3A_86 : memref<640xf32, #tpu.memory_space<vmem_shared>>) target_semaphore(%run_scoped3A : memref<!tpu.dma_semaphore, #tpu.memory_space<semaphore_mem>>)
      %dma_wait3A_87 = tpu.memref_slice %arg4[%mul3A_52] : memref<10240xf32, #tpu.memory_space<vmem_shared>> -> memref<640xf32, #tpu.memory_space<vmem_shared>>
      %dma_wait3A_88 = tpu.memref_slice %arg4[%mul3A_52] : memref<10240xf32, #tpu.memory_space<vmem_shared>> -> memref<640xf32, #tpu.memory_space<vmem_shared>>
      tpu.wait_dma2 semaphore(%run_scoped3A : memref<!tpu.dma_semaphore, #tpu.memory_space<semaphore_mem>>) src(%arg7 : memref<640xf32, #tpu.memory_space<vmem>>) dst(%dma_wait3A_88 : memref<640xf32, #tpu.memory_space<vmem_shared>>)
      tpu.yield
    }) : () -> ()
    %barrier3A = arith.constant 0 : index
    tpu.barrier barrier_id(%barrier3A)
    %scan3A_53 = arith.constant 0 : i32
    %scan3A_54 = arith.constant 20 : i32
    %scan3A_55 = arith.addi %scan3A_53, %scan3A_54 : i32
    %scan3A_56 = arith.constant 1 : i32
    scf.for %scan3A_86 = %scan3A_53 to %scan3A_55 step %scan3A_56  : i32 {
      %mul3A_87 = arith.constant 4 : i32
      %mul3A_88 = arith.muli %scan3A_86, %mul3A_87 : i32
      %add3A_89 = arith.constant 0 : i32
      %add3A_90 = arith.addi %mul3A_88, %add3A_89 : i32
      %gt3A = arith.constant 0 : i32
      %gt3A_91 = arith.cmpi sgt, %scan3A_86, %gt3A : i32
      %convert_element_type3A = arith.extui %gt3A_91 : i1 to i32
      %cond3A = arith.constant 0 : i32
      %cond3A_92 = arith.cmpi ne, %convert_element_type3A, %cond3A : i32
      scf.if %cond3A_92 {
        %dma_wait3A_139 = arith.constant 0 : i32
        %dma_wait3A_140 = arith.constant 0 : i32
        %dma_wait3A_141 = tpu.memref_slice %arg5[%dma_wait3A_139, %dma_wait3A_140] : memref<80x128xi32, #tpu.memory_space<vmem>> -> memref<1x128xi32, #tpu.memory_space<vmem>>
        %dma_wait3A_142 = tpu.memref_squeeze %dma_wait3A_141 : memref<1x128xi32, #tpu.memory_space<vmem>> -> memref<128xi32, #tpu.memory_space<vmem>>
        %dma_wait3A_143 = arith.constant 0 : i32
        %dma_wait3A_144 = tpu.memref_slice %arg4[%dma_wait3A_143] : memref<10240xf32, #tpu.memory_space<vmem_shared>> -> memref<10240xf32, #tpu.memory_space<vmem_shared>>
        tpu.wait_indirect_dma semaphore(%arg8 : memref<!tpu.dma_semaphore, #tpu.memory_space<semaphore_mem>>) src(%arg6 : memref<128xf32, #tpu.memory_space<vmem>>) dst(%dma_wait3A_144 : memref<10240xf32, #tpu.memory_space<vmem_shared>>)
      } else {
      }
      %dma_start3A = arith.constant 0 : i32
      %dma_start3A_93 = tpu.memref_slice %arg5[%add3A_90, %dma_start3A] : memref<80x128xi32, #tpu.memory_space<vmem>> -> memref<1x128xi32, #tpu.memory_space<vmem>>
      %dma_start3A_94 = tpu.memref_squeeze %dma_start3A_93 : memref<1x128xi32, #tpu.memory_space<vmem>> -> memref<128xi32, #tpu.memory_space<vmem>>
      %dma_start3A_95 = arith.constant 0 : i32
      %dma_start3A_96 = tpu.memref_slice %arg4[%dma_start3A_95] : memref<10240xf32, #tpu.memory_space<vmem_shared>> -> memref<10240xf32, #tpu.memory_space<vmem_shared>>
      tpu.enqueue_indirect_dma source(%arg6 : memref<128xf32, #tpu.memory_space<vmem>>) target(%dma_start3A_96 : memref<10240xf32, #tpu.memory_space<vmem_shared>>) offsets(%dma_start3A_94 : memref<128xi32, #tpu.memory_space<vmem>>) semaphore(%arg8 : memref<!tpu.dma_semaphore, #tpu.memory_space<semaphore_mem>>) {add = true}
      %mul3A_97 = arith.constant 4 : i32
      %mul3A_98 = arith.muli %scan3A_86, %mul3A_97 : i32
      %add3A_99 = arith.constant 1 : i32
      %add3A_100 = arith.addi %mul3A_98, %add3A_99 : i32
      %gt3A_101 = arith.constant 0 : i32
      %gt3A_102 = arith.cmpi sgt, %scan3A_86, %gt3A_101 : i32
      %convert_element_type3A_103 = arith.extui %gt3A_102 : i1 to i32
      %cond3A_104 = arith.constant 0 : i32
      %cond3A_105 = arith.cmpi ne, %convert_element_type3A_103, %cond3A_104 : i32
      scf.if %cond3A_105 {
        %dma_wait3A_139 = arith.constant 0 : i32
        %dma_wait3A_140 = arith.constant 0 : i32
        %dma_wait3A_141 = tpu.memref_slice %arg5[%dma_wait3A_139, %dma_wait3A_140] : memref<80x128xi32, #tpu.memory_space<vmem>> -> memref<1x128xi32, #tpu.memory_space<vmem>>
        %dma_wait3A_142 = tpu.memref_squeeze %dma_wait3A_141 : memref<1x128xi32, #tpu.memory_space<vmem>> -> memref<128xi32, #tpu.memory_space<vmem>>
        %dma_wait3A_143 = arith.constant 0 : i32
        %dma_wait3A_144 = tpu.memref_slice %arg4[%dma_wait3A_143] : memref<10240xf32, #tpu.memory_space<vmem_shared>> -> memref<10240xf32, #tpu.memory_space<vmem_shared>>
        tpu.wait_indirect_dma semaphore(%arg9 : memref<!tpu.dma_semaphore, #tpu.memory_space<semaphore_mem>>) src(%arg6 : memref<128xf32, #tpu.memory_space<vmem>>) dst(%dma_wait3A_144 : memref<10240xf32, #tpu.memory_space<vmem_shared>>)
      } else {
      }
      %dma_start3A_106 = arith.constant 0 : i32
      %dma_start3A_107 = tpu.memref_slice %arg5[%add3A_100, %dma_start3A_106] : memref<80x128xi32, #tpu.memory_space<vmem>> -> memref<1x128xi32, #tpu.memory_space<vmem>>
      %dma_start3A_108 = tpu.memref_squeeze %dma_start3A_107 : memref<1x128xi32, #tpu.memory_space<vmem>> -> memref<128xi32, #tpu.memory_space<vmem>>
      %dma_start3A_109 = arith.constant 0 : i32
      %dma_start3A_110 = tpu.memref_slice %arg4[%dma_start3A_109] : memref<10240xf32, #tpu.memory_space<vmem_shared>> -> memref<10240xf32, #tpu.memory_space<vmem_shared>>
      tpu.enqueue_indirect_dma source(%arg6 : memref<128xf32, #tpu.memory_space<vmem>>) target(%dma_start3A_110 : memref<10240xf32, #tpu.memory_space<vmem_shared>>) offsets(%dma_start3A_108 : memref<128xi32, #tpu.memory_space<vmem>>) semaphore(%arg9 : memref<!tpu.dma_semaphore, #tpu.memory_space<semaphore_mem>>) {add = true}
      %mul3A_111 = arith.constant 4 : i32
      %mul3A_112 = arith.muli %scan3A_86, %mul3A_111 : i32
      %add3A_113 = arith.constant 2 : i32
      %add3A_114 = arith.addi %mul3A_112, %add3A_113 : i32
      %gt3A_115 = arith.constant 0 : i32
      %gt3A_116 = arith.cmpi sgt, %scan3A_86, %gt3A_115 : i32
      %convert_element_type3A_117 = arith.extui %gt3A_116 : i1 to i32
      %cond3A_118 = arith.constant 0 : i32
      %cond3A_119 = arith.cmpi ne, %convert_element_type3A_117, %cond3A_118 : i32
      scf.if %cond3A_119 {
        %dma_wait3A_139 = arith.constant 0 : i32
        %dma_wait3A_140 = arith.constant 0 : i32
        %dma_wait3A_141 = tpu.memref_slice %arg5[%dma_wait3A_139, %dma_wait3A_140] : memref<80x128xi32, #tpu.memory_space<vmem>> -> memref<1x128xi32, #tpu.memory_space<vmem>>
        %dma_wait3A_142 = tpu.memref_squeeze %dma_wait3A_141 : memref<1x128xi32, #tpu.memory_space<vmem>> -> memref<128xi32, #tpu.memory_space<vmem>>
        %dma_wait3A_143 = arith.constant 0 : i32
        %dma_wait3A_144 = tpu.memref_slice %arg4[%dma_wait3A_143] : memref<10240xf32, #tpu.memory_space<vmem_shared>> -> memref<10240xf32, #tpu.memory_space<vmem_shared>>
        tpu.wait_indirect_dma semaphore(%arg10 : memref<!tpu.dma_semaphore, #tpu.memory_space<semaphore_mem>>) src(%arg6 : memref<128xf32, #tpu.memory_space<vmem>>) dst(%dma_wait3A_144 : memref<10240xf32, #tpu.memory_space<vmem_shared>>)
      } else {
      }
      %dma_start3A_120 = arith.constant 0 : i32
      %dma_start3A_121 = tpu.memref_slice %arg5[%add3A_114, %dma_start3A_120] : memref<80x128xi32, #tpu.memory_space<vmem>> -> memref<1x128xi32, #tpu.memory_space<vmem>>
      %dma_start3A_122 = tpu.memref_squeeze %dma_start3A_121 : memref<1x128xi32, #tpu.memory_space<vmem>> -> memref<128xi32, #tpu.memory_space<vmem>>
      %dma_start3A_123 = arith.constant 0 : i32
      %dma_start3A_124 = tpu.memref_slice %arg4[%dma_start3A_123] : memref<10240xf32, #tpu.memory_space<vmem_shared>> -> memref<10240xf32, #tpu.memory_space<vmem_shared>>
      tpu.enqueue_indirect_dma source(%arg6 : memref<128xf32, #tpu.memory_space<vmem>>) target(%dma_start3A_124 : memref<10240xf32, #tpu.memory_space<vmem_shared>>) offsets(%dma_start3A_122 : memref<128xi32, #tpu.memory_space<vmem>>) semaphore(%arg10 : memref<!tpu.dma_semaphore, #tpu.memory_space<semaphore_mem>>) {add = true}
      %mul3A_125 = arith.constant 4 : i32
      %mul3A_126 = arith.muli %scan3A_86, %mul3A_125 : i32
      %add3A_127 = arith.constant 3 : i32
      %add3A_128 = arith.addi %mul3A_126, %add3A_127 : i32
      %gt3A_129 = arith.constant 0 : i32
      %gt3A_130 = arith.cmpi sgt, %scan3A_86, %gt3A_129 : i32
      %convert_element_type3A_131 = arith.extui %gt3A_130 : i1 to i32
      %cond3A_132 = arith.constant 0 : i32
      %cond3A_133 = arith.cmpi ne, %convert_element_type3A_131, %cond3A_132 : i32
      scf.if %cond3A_133 {
        %dma_wait3A_139 = arith.constant 0 : i32
        %dma_wait3A_140 = arith.constant 0 : i32
        %dma_wait3A_141 = tpu.memref_slice %arg5[%dma_wait3A_139, %dma_wait3A_140] : memref<80x128xi32, #tpu.memory_space<vmem>> -> memref<1x128xi32, #tpu.memory_space<vmem>>
        %dma_wait3A_142 = tpu.memref_squeeze %dma_wait3A_141 : memref<1x128xi32, #tpu.memory_space<vmem>> -> memref<128xi32, #tpu.memory_space<vmem>>
        %dma_wait3A_143 = arith.constant 0 : i32
        %dma_wait3A_144 = tpu.memref_slice %arg4[%dma_wait3A_143] : memref<10240xf32, #tpu.memory_space<vmem_shared>> -> memref<10240xf32, #tpu.memory_space<vmem_shared>>
        tpu.wait_indirect_dma semaphore(%arg11 : memref<!tpu.dma_semaphore, #tpu.memory_space<semaphore_mem>>) src(%arg6 : memref<128xf32, #tpu.memory_space<vmem>>) dst(%dma_wait3A_144 : memref<10240xf32, #tpu.memory_space<vmem_shared>>)
      } else {
      }
      %dma_start3A_134 = arith.constant 0 : i32
      %dma_start3A_135 = tpu.memref_slice %arg5[%add3A_128, %dma_start3A_134] : memref<80x128xi32, #tpu.memory_space<vmem>> -> memref<1x128xi32, #tpu.memory_space<vmem>>
      %dma_start3A_136 = tpu.memref_squeeze %dma_start3A_135 : memref<1x128xi32, #tpu.memory_space<vmem>> -> memref<128xi32, #tpu.memory_space<vmem>>
      %dma_start3A_137 = arith.constant 0 : i32
      %dma_start3A_138 = tpu.memref_slice %arg4[%dma_start3A_137] : memref<10240xf32, #tpu.memory_space<vmem_shared>> -> memref<10240xf32, #tpu.memory_space<vmem_shared>>
      tpu.enqueue_indirect_dma source(%arg6 : memref<128xf32, #tpu.memory_space<vmem>>) target(%dma_start3A_138 : memref<10240xf32, #tpu.memory_space<vmem_shared>>) offsets(%dma_start3A_136 : memref<128xi32, #tpu.memory_space<vmem>>) semaphore(%arg11 : memref<!tpu.dma_semaphore, #tpu.memory_space<semaphore_mem>>) {add = true}
    }
    %scan3A_57 = arith.constant 20 : i32
    %dma_wait3A = arith.constant 0 : i32
    %dma_wait3A_58 = arith.constant 0 : i32
    %dma_wait3A_59 = tpu.memref_slice %arg5[%dma_wait3A, %dma_wait3A_58] : memref<80x128xi32, #tpu.memory_space<vmem>> -> memref<1x128xi32, #tpu.memory_space<vmem>>
    %dma_wait3A_60 = tpu.memref_squeeze %dma_wait3A_59 : memref<1x128xi32, #tpu.memory_space<vmem>> -> memref<128xi32, #tpu.memory_space<vmem>>
    %dma_wait3A_61 = arith.constant 0 : i32
    %dma_wait3A_62 = tpu.memref_slice %arg4[%dma_wait3A_61] : memref<10240xf32, #tpu.memory_space<vmem_shared>> -> memref<10240xf32, #tpu.memory_space<vmem_shared>>
    tpu.wait_indirect_dma semaphore(%arg8 : memref<!tpu.dma_semaphore, #tpu.memory_space<semaphore_mem>>) src(%arg6 : memref<128xf32, #tpu.memory_space<vmem>>) dst(%dma_wait3A_62 : memref<10240xf32, #tpu.memory_space<vmem_shared>>)
    %dma_wait3A_63 = arith.constant 0 : i32
    %dma_wait3A_64 = arith.constant 0 : i32
    %dma_wait3A_65 = tpu.memref_slice %arg5[%dma_wait3A_63, %dma_wait3A_64] : memref<80x128xi32, #tpu.memory_space<vmem>> -> memref<1x128xi32, #tpu.memory_space<vmem>>
    %dma_wait3A_66 = tpu.memref_squeeze %dma_wait3A_65 : memref<1x128xi32, #tpu.memory_space<vmem>> -> memref<128xi32, #tpu.memory_space<vmem>>
    %dma_wait3A_67 = arith.constant 0 : i32
    %dma_wait3A_68 = tpu.memref_slice %arg4[%dma_wait3A_67] : memref<10240xf32, #tpu.memory_space<vmem_shared>> -> memref<10240xf32, #tpu.memory_space<vmem_shared>>
    tpu.wait_indirect_dma semaphore(%arg9 : memref<!tpu.dma_semaphore, #tpu.memory_space<semaphore_mem>>) src(%arg6 : memref<128xf32, #tpu.memory_space<vmem>>) dst(%dma_wait3A_68 : memref<10240xf32, #tpu.memory_space<vmem_shared>>)
    %dma_wait3A_69 = arith.constant 0 : i32
    %dma_wait3A_70 = arith.constant 0 : i32
    %dma_wait3A_71 = tpu.memref_slice %arg5[%dma_wait3A_69, %dma_wait3A_70] : memref<80x128xi32, #tpu.memory_space<vmem>> -> memref<1x128xi32, #tpu.memory_space<vmem>>
    %dma_wait3A_72 = tpu.memref_squeeze %dma_wait3A_71 : memref<1x128xi32, #tpu.memory_space<vmem>> -> memref<128xi32, #tpu.memory_space<vmem>>
    %dma_wait3A_73 = arith.constant 0 : i32
    %dma_wait3A_74 = tpu.memref_slice %arg4[%dma_wait3A_73] : memref<10240xf32, #tpu.memory_space<vmem_shared>> -> memref<10240xf32, #tpu.memory_space<vmem_shared>>
    tpu.wait_indirect_dma semaphore(%arg10 : memref<!tpu.dma_semaphore, #tpu.memory_space<semaphore_mem>>) src(%arg6 : memref<128xf32, #tpu.memory_space<vmem>>) dst(%dma_wait3A_74 : memref<10240xf32, #tpu.memory_space<vmem_shared>>)
    %dma_wait3A_75 = arith.constant 0 : i32
    %dma_wait3A_76 = arith.constant 0 : i32
    %dma_wait3A_77 = tpu.memref_slice %arg5[%dma_wait3A_75, %dma_wait3A_76] : memref<80x128xi32, #tpu.memory_space<vmem>> -> memref<1x128xi32, #tpu.memory_space<vmem>>
    %dma_wait3A_78 = tpu.memref_squeeze %dma_wait3A_77 : memref<1x128xi32, #tpu.memory_space<vmem>> -> memref<128xi32, #tpu.memory_space<vmem>>
    %dma_wait3A_79 = arith.constant 0 : i32
    %dma_wait3A_80 = tpu.memref_slice %arg4[%dma_wait3A_79] : memref<10240xf32, #tpu.memory_space<vmem_shared>> -> memref<10240xf32, #tpu.memory_space<vmem_shared>>
    tpu.wait_indirect_dma semaphore(%arg11 : memref<!tpu.dma_semaphore, #tpu.memory_space<semaphore_mem>>) src(%arg6 : memref<128xf32, #tpu.memory_space<vmem>>) dst(%dma_wait3A_80 : memref<10240xf32, #tpu.memory_space<vmem_shared>>)
    %barrier3A_81 = arith.constant 0 : index
    tpu.barrier barrier_id(%barrier3A_81)
    %mul3A_82 = arith.constant 640 : i32
    %mul3A_83 = arith.muli %arg1, %mul3A_82 : i32
    %mul3A_84 = arith.constant 640 : i32
    %mul3A_85 = arith.muli %arg1, %mul3A_84 : i32
    "tpu.region"() ({
      %run_scoped3A = tpu.sem_alloc : memref<!tpu.dma_semaphore, #tpu.memory_space<semaphore_mem>>
      %dma_start3A = tpu.memref_slice %arg3[%arg0, %mul3A_85] : memref<2x10240xf32, #tpu.memory_space<hbm>> -> memref<1x640xf32, #tpu.memory_space<hbm>>
      %dma_start3A_86 = tpu.memref_squeeze %dma_start3A : memref<1x640xf32, #tpu.memory_space<hbm>> -> memref<640xf32, #tpu.memory_space<hbm>>
      %dma_start3A_87 = tpu.memref_slice %arg4[%mul3A_83] : memref<10240xf32, #tpu.memory_space<vmem_shared>> -> memref<640xf32, #tpu.memory_space<vmem_shared>>
      tpu.enqueue_dma source(%dma_start3A_87 : memref<640xf32, #tpu.memory_space<vmem_shared>>) target(%dma_start3A_86 : memref<640xf32, #tpu.memory_space<hbm>>) target_semaphore(%run_scoped3A : memref<!tpu.dma_semaphore, #tpu.memory_space<semaphore_mem>>)
      %dma_wait3A_88 = tpu.memref_slice %arg3[%arg0, %mul3A_85] : memref<2x10240xf32, #tpu.memory_space<hbm>> -> memref<1x640xf32, #tpu.memory_space<hbm>>
      %dma_wait3A_89 = tpu.memref_squeeze %dma_wait3A_88 : memref<1x640xf32, #tpu.memory_space<hbm>> -> memref<640xf32, #tpu.memory_space<hbm>>
      %dma_wait3A_90 = tpu.memref_slice %arg4[%mul3A_83] : memref<10240xf32, #tpu.memory_space<vmem_shared>> -> memref<640xf32, #tpu.memory_space<vmem_shared>>
      tpu.wait_dma2 semaphore(%run_scoped3A : memref<!tpu.dma_semaphore, #tpu.memory_space<semaphore_mem>>) src(%dma_wait3A_90 : memref<640xf32, #tpu.memory_space<vmem_shared>>) dst(%dma_wait3A_89 : memref<640xf32, #tpu.memory_space<hbm>>)
      tpu.yield
    }) : () -> ()
    return
  }
}

module attributes {stable_mosaic.version = 14 : i64} {
  func.func @_prep_body(%arg0: i32, %arg1: memref<2560x128xf32, #tpu.memory_space<vmem>>, %arg2: memref<128x128xf32, #tpu.memory_space<vmem>>, %arg3: memref<2560x1xf32, #tpu.memory_space<vmem>>, %arg4: memref<2560x1xf32, #tpu.memory_space<vmem>>, %arg5: memref<2560x128xf32, #tpu.memory_space<vmem>>) attributes {dimension_semantics = [#tpu.dimension_semantics<arbitrary>], iteration_bounds = array<i64: 4>, scalar_prefetch = 0 : i64, scratch_operands = 0 : i64, tpu.core_type = #tpu.core_type<tc>, window_params = [{transform_indices = @transform_0, window_bounds = array<i64: 2560, 128>}, {pipeline_mode = #tpu.pipeline_mode<synchronous>, transform_indices = @transform_1, window_bounds = array<i64: 128, 128>}, {transform_indices = @transform_2, window_bounds = array<i64: 2560, 1>}, {transform_indices = @transform_3, window_bounds = array<i64: 2560, 1>}, {transform_indices = @transform_4, window_bounds = array<i64: 2560, 128>}]} {
    %get3A = arith.constant 0 : index
    %get3A_0 = arith.constant 0 : index
    %get3A_1 = vector.load %arg3[%get3A, %get3A_0] : memref<2560x1xf32, #tpu.memory_space<vmem>>, vector<2560x1xf32>
    %get3A_2 = arith.constant 0 : index
    %get3A_3 = arith.constant 0 : index
    %get3A_4 = vector.load %arg4[%get3A_2, %get3A_3] : memref<2560x1xf32, #tpu.memory_space<vmem>>, vector<2560x1xf32>
    %add3A = arith.addf %get3A_1, %get3A_4 : vector<2560x1xf32>
    %add3A_5 = arith.constant 1.000000e+00 : f32
    %add3A_6 = vector.broadcast %add3A_5 : f32 to vector<2560x1xf32>
    %add3A_7 = arith.addf %add3A, %add3A_6 : vector<2560x1xf32>
    %rsqrt3A = math.rsqrt %add3A_7 : vector<2560x1xf32>
    %get3A_8 = arith.constant 0 : index
    %get3A_9 = arith.constant 0 : index
    %get3A_10 = vector.load %arg1[%get3A_8, %get3A_9] : memref<2560x128xf32, #tpu.memory_space<vmem>>, vector<2560x128xf32>
    %get3A_11 = arith.constant 0 : index
    %get3A_12 = arith.constant 0 : index
    %get3A_13 = vector.load %arg2[%get3A_11, %get3A_12] : memref<128x128xf32, #tpu.memory_space<vmem>>, vector<128x128xf32>
    %dot_general3A = arith.constant dense<0.000000e+00> : vector<2560x128xf32>
    %dot_general3A_14 = tpu.matmul %get3A_10, %get3A_13, %dot_general3A {dimension_numbers = #tpu.dot_dimension_numbers<[1], [0], [0], [1], [0, 0, 1, 1], [], []>, transpose_lhs_hint = false} : vector<2560x128xf32>, vector<128x128xf32>, vector<2560x128xf32> -> vector<2560x128xf32>
    %mul3A = vector.broadcast %rsqrt3A : vector<2560x1xf32> to vector<2560x128xf32>
    %mul3A_15 = arith.mulf %dot_general3A_14, %mul3A : vector<2560x128xf32>
    %swap3A = arith.constant 0 : index
    %swap3A_16 = arith.constant 0 : index
    %swap3A_17 = vector.load %arg5[%swap3A, %swap3A_16] : memref<2560x128xf32, #tpu.memory_space<vmem>>, vector<2560x128xf32>
    tpu.vector_store %arg5[%swap3A, %swap3A_16], %mul3A_15 {strides = array<i32>} : memref<2560x128xf32, #tpu.memory_space<vmem>>, vector<2560x128xf32>,
    return
  }
  func.func @transform_0(%arg0: i32) -> (i32, i32) {
    %c0_i32 = arith.constant 0 : i32
    %c0_i32_0 = arith.constant 0 : i32
    return %arg0, %c0_i32 : i32, i32
  }
  func.func @transform_1(%arg0: i32) -> (i32, i32) {
    %c0_i32 = arith.constant 0 : i32
    %c0_i32_0 = arith.constant 0 : i32
    %c0_i32_1 = arith.constant 0 : i32
    return %c0_i32, %c0_i32_0 : i32, i32
  }
  func.func @transform_2(%arg0: i32) -> (i32, i32) {
    %c0_i32 = arith.constant 0 : i32
    %c0_i32_0 = arith.constant 0 : i32
    return %arg0, %c0_i32 : i32, i32
  }
  func.func @transform_3(%arg0: i32) -> (i32, i32) {
    %c0_i32 = arith.constant 0 : i32
    %c0_i32_0 = arith.constant 0 : i32
    return %arg0, %c0_i32 : i32, i32
  }
  func.func @transform_4(%arg0: i32) -> (i32, i32) {
    %c0_i32 = arith.constant 0 : i32
    %c0_i32_0 = arith.constant 0 : i32
    return %arg0, %c0_i32 : i32, i32
  }
}

module attributes {stable_mosaic.version = 14 : i64} {
  func.func @_mid_body(%arg0: i32, %arg1: memref<2560x128xf32, #tpu.memory_space<vmem>>, %arg2: memref<2560x128xf32, #tpu.memory_space<vmem>>, %arg3: memref<2560x128xf32, #tpu.memory_space<vmem>>, %arg4: memref<2560x1xf32, #tpu.memory_space<vmem>>, %arg5: memref<2560x1xf32, #tpu.memory_space<vmem>>, %arg6: memref<1x128xf32, #tpu.memory_space<vmem>>, %arg7: memref<128x128xf32, #tpu.memory_space<vmem>>, %arg8: memref<2560x128xf32, #tpu.memory_space<vmem>>) attributes {dimension_semantics = [#tpu.dimension_semantics<arbitrary>], iteration_bounds = array<i64: 4>, scalar_prefetch = 0 : i64, scratch_operands = 0 : i64, tpu.core_type = #tpu.core_type<tc>, window_params = [{transform_indices = @transform_0, window_bounds = array<i64: 2560, 128>}, {transform_indices = @transform_1, window_bounds = array<i64: 2560, 128>}, {transform_indices = @transform_2, window_bounds = array<i64: 2560, 128>}, {transform_indices = @transform_3, window_bounds = array<i64: 2560, 1>}, {transform_indices = @transform_4, window_bounds = array<i64: 2560, 1>}, {pipeline_mode = #tpu.pipeline_mode<synchronous>, transform_indices = @transform_5, window_bounds = array<i64: 1, 128>}, {pipeline_mode = #tpu.pipeline_mode<synchronous>, transform_indices = @transform_6, window_bounds = array<i64: 128, 128>}, {transform_indices = @transform_7, window_bounds = array<i64: 2560, 128>}]} {
    %get3A = arith.constant 0 : index
    %get3A_0 = arith.constant 0 : index
    %get3A_1 = vector.load %arg4[%get3A, %get3A_0] : memref<2560x1xf32, #tpu.memory_space<vmem>>, vector<2560x1xf32>
    %get3A_2 = arith.constant 0 : index
    %get3A_3 = arith.constant 0 : index
    %get3A_4 = vector.load %arg5[%get3A_2, %get3A_3] : memref<2560x1xf32, #tpu.memory_space<vmem>>, vector<2560x1xf32>
    %add3A = arith.addf %get3A_1, %get3A_4 : vector<2560x1xf32>
    %add3A_5 = arith.constant 1.000000e+00 : f32
    %add3A_6 = vector.broadcast %add3A_5 : f32 to vector<2560x1xf32>
    %add3A_7 = arith.addf %add3A, %add3A_6 : vector<2560x1xf32>
    %rsqrt3A = math.rsqrt %add3A_7 : vector<2560x1xf32>
    %get3A_8 = arith.constant 0 : index
    %get3A_9 = arith.constant 0 : index
    %get3A_10 = vector.load %arg1[%get3A_8, %get3A_9] : memref<2560x128xf32, #tpu.memory_space<vmem>>, vector<2560x128xf32>
    %get3A_11 = arith.constant 0 : index
    %get3A_12 = arith.constant 0 : index
    %get3A_13 = vector.load %arg2[%get3A_11, %get3A_12] : memref<2560x128xf32, #tpu.memory_space<vmem>>, vector<2560x128xf32>
    %add3A_14 = arith.addf %get3A_10, %get3A_13 : vector<2560x128xf32>
    %get3A_15 = arith.constant 0 : index
    %get3A_16 = arith.constant 0 : index
    %get3A_17 = vector.load %arg3[%get3A_15, %get3A_16] : memref<2560x128xf32, #tpu.memory_space<vmem>>, vector<2560x128xf32>
    %add3A_18 = arith.addf %add3A_14, %get3A_17 : vector<2560x128xf32>
    %mul3A = vector.broadcast %rsqrt3A : vector<2560x1xf32> to vector<2560x128xf32>
    %mul3A_19 = arith.mulf %add3A_18, %mul3A : vector<2560x128xf32>
    %get3A_20 = arith.constant 0 : index
    %get3A_21 = arith.constant 0 : index
    %get3A_22 = vector.load %arg6[%get3A_20, %get3A_21] : memref<1x128xf32, #tpu.memory_space<vmem>>, vector<1x128xf32>
    %add3A_23 = vector.broadcast %get3A_22 : vector<1x128xf32> to vector<2560x128xf32>
    %add3A_24 = arith.addf %mul3A_19, %add3A_23 : vector<2560x128xf32>
    %max3A = arith.constant 0.000000e+00 : f32
    %max3A_25 = vector.broadcast %max3A : f32 to vector<2560x128xf32>
    %max3A_26 = arith.maximumf %add3A_24, %max3A_25 : vector<2560x128xf32>
    %get3A_27 = arith.constant 0 : index
    %get3A_28 = arith.constant 0 : index
    %get3A_29 = vector.load %arg7[%get3A_27, %get3A_28] : memref<128x128xf32, #tpu.memory_space<vmem>>, vector<128x128xf32>
    %dot_general3A = arith.constant dense<0.000000e+00> : vector<2560x128xf32>
    %dot_general3A_30 = tpu.matmul %max3A_26, %get3A_29, %dot_general3A {dimension_numbers = #tpu.dot_dimension_numbers<[1], [0], [0], [1], [0, 0, 1, 1], [], []>, transpose_lhs_hint = false} : vector<2560x128xf32>, vector<128x128xf32>, vector<2560x128xf32> -> vector<2560x128xf32>
    %mul3A_31 = vector.broadcast %rsqrt3A : vector<2560x1xf32> to vector<2560x128xf32>
    %mul3A_32 = arith.mulf %dot_general3A_30, %mul3A_31 : vector<2560x128xf32>
    %swap3A = arith.constant 0 : index
    %swap3A_33 = arith.constant 0 : index
    %swap3A_34 = vector.load %arg8[%swap3A, %swap3A_33] : memref<2560x128xf32, #tpu.memory_space<vmem>>, vector<2560x128xf32>
    tpu.vector_store %arg8[%swap3A, %swap3A_33], %mul3A_32 {strides = array<i32>} : memref<2560x128xf32, #tpu.memory_space<vmem>>, vector<2560x128xf32>,
    return
  }
  func.func @transform_0(%arg0: i32) -> (i32, i32) {
    %c0_i32 = arith.constant 0 : i32
    %c0_i32_0 = arith.constant 0 : i32
    return %arg0, %c0_i32 : i32, i32
  }
  func.func @transform_1(%arg0: i32) -> (i32, i32) {
    %c0_i32 = arith.constant 0 : i32
    %c0_i32_0 = arith.constant 0 : i32
    return %arg0, %c0_i32 : i32, i32
  }
  func.func @transform_2(%arg0: i32) -> (i32, i32) {
    %c0_i32 = arith.constant 0 : i32
    %c0_i32_0 = arith.constant 0 : i32
    return %arg0, %c0_i32 : i32, i32
  }
  func.func @transform_3(%arg0: i32) -> (i32, i32) {
    %c0_i32 = arith.constant 0 : i32
    %c0_i32_0 = arith.constant 0 : i32
    return %arg0, %c0_i32 : i32, i32
  }
  func.func @transform_4(%arg0: i32) -> (i32, i32) {
    %c0_i32 = arith.constant 0 : i32
    %c0_i32_0 = arith.constant 0 : i32
    return %arg0, %c0_i32 : i32, i32
  }
  func.func @transform_5(%arg0: i32) -> (i32, i32) {
    %c0_i32 = arith.constant 0 : i32
    %c0_i32_0 = arith.constant 0 : i32
    %c0_i32_1 = arith.constant 0 : i32
    return %c0_i32, %c0_i32_0 : i32, i32
  }
  func.func @transform_6(%arg0: i32) -> (i32, i32) {
    %c0_i32 = arith.constant 0 : i32
    %c0_i32_0 = arith.constant 0 : i32
    %c0_i32_1 = arith.constant 0 : i32
    return %c0_i32, %c0_i32_0 : i32, i32
  }
  func.func @transform_7(%arg0: i32) -> (i32, i32) {
    %c0_i32 = arith.constant 0 : i32
    %c0_i32_0 = arith.constant 0 : i32
    return %arg0, %c0_i32 : i32, i32
  }
}

module attributes {stable_mosaic.version = 14 : i64} {
  func.func @_final_body(%arg0: i32, %arg1: memref<2560x128xf32, #tpu.memory_space<vmem>>, %arg2: memref<2560x128xf32, #tpu.memory_space<vmem>>, %arg3: memref<2560x128xf32, #tpu.memory_space<vmem>>, %arg4: memref<2560x1xf32, #tpu.memory_space<vmem>>, %arg5: memref<2560x1xf32, #tpu.memory_space<vmem>>, %arg6: memref<1x128xf32, #tpu.memory_space<vmem>>, %arg7: memref<2560x128xf32, #tpu.memory_space<vmem>>) attributes {dimension_semantics = [#tpu.dimension_semantics<arbitrary>], iteration_bounds = array<i64: 4>, scalar_prefetch = 0 : i64, scratch_operands = 0 : i64, tpu.core_type = #tpu.core_type<tc>, window_params = [{transform_indices = @transform_0, window_bounds = array<i64: 2560, 128>}, {transform_indices = @transform_1, window_bounds = array<i64: 2560, 128>}, {transform_indices = @transform_2, window_bounds = array<i64: 2560, 128>}, {transform_indices = @transform_3, window_bounds = array<i64: 2560, 1>}, {transform_indices = @transform_4, window_bounds = array<i64: 2560, 1>}, {pipeline_mode = #tpu.pipeline_mode<synchronous>, transform_indices = @transform_5, window_bounds = array<i64: 1, 128>}, {transform_indices = @transform_6, window_bounds = array<i64: 2560, 128>}]} {
    %get3A = arith.constant 0 : index
    %get3A_0 = arith.constant 0 : index
    %get3A_1 = vector.load %arg4[%get3A, %get3A_0] : memref<2560x1xf32, #tpu.memory_space<vmem>>, vector<2560x1xf32>
    %get3A_2 = arith.constant 0 : index
    %get3A_3 = arith.constant 0 : index
    %get3A_4 = vector.load %arg5[%get3A_2, %get3A_3] : memref<2560x1xf32, #tpu.memory_space<vmem>>, vector<2560x1xf32>
    %add3A = arith.addf %get3A_1, %get3A_4 : vector<2560x1xf32>
    %add3A_5 = arith.constant 1.000000e+00 : f32
    %add3A_6 = vector.broadcast %add3A_5 : f32 to vector<2560x1xf32>
    %add3A_7 = arith.addf %add3A, %add3A_6 : vector<2560x1xf32>
    %rsqrt3A = math.rsqrt %add3A_7 : vector<2560x1xf32>
    %get3A_8 = arith.constant 0 : index
    %get3A_9 = arith.constant 0 : index
    %get3A_10 = vector.load %arg1[%get3A_8, %get3A_9] : memref<2560x128xf32, #tpu.memory_space<vmem>>, vector<2560x128xf32>
    %get3A_11 = arith.constant 0 : index
    %get3A_12 = arith.constant 0 : index
    %get3A_13 = vector.load %arg2[%get3A_11, %get3A_12] : memref<2560x128xf32, #tpu.memory_space<vmem>>, vector<2560x128xf32>
    %add3A_14 = arith.addf %get3A_10, %get3A_13 : vector<2560x128xf32>
    %get3A_15 = arith.constant 0 : index
    %get3A_16 = arith.constant 0 : index
    %get3A_17 = vector.load %arg3[%get3A_15, %get3A_16] : memref<2560x128xf32, #tpu.memory_space<vmem>>, vector<2560x128xf32>
    %add3A_18 = arith.addf %add3A_14, %get3A_17 : vector<2560x128xf32>
    %mul3A = vector.broadcast %rsqrt3A : vector<2560x1xf32> to vector<2560x128xf32>
    %mul3A_19 = arith.mulf %add3A_18, %mul3A : vector<2560x128xf32>
    %get3A_20 = arith.constant 0 : index
    %get3A_21 = arith.constant 0 : index
    %get3A_22 = vector.load %arg6[%get3A_20, %get3A_21] : memref<1x128xf32, #tpu.memory_space<vmem>>, vector<1x128xf32>
    %add3A_23 = vector.broadcast %get3A_22 : vector<1x128xf32> to vector<2560x128xf32>
    %add3A_24 = arith.addf %mul3A_19, %add3A_23 : vector<2560x128xf32>
    %max3A = arith.constant 0.000000e+00 : f32
    %max3A_25 = vector.broadcast %max3A : f32 to vector<2560x128xf32>
    %max3A_26 = arith.maximumf %add3A_24, %max3A_25 : vector<2560x128xf32>
    %swap3A = arith.constant 0 : index
    %swap3A_27 = arith.constant 0 : index
    %swap3A_28 = vector.load %arg7[%swap3A, %swap3A_27] : memref<2560x128xf32, #tpu.memory_space<vmem>>, vector<2560x128xf32>
    tpu.vector_store %arg7[%swap3A, %swap3A_27], %max3A_26 {strides = array<i32>} : memref<2560x128xf32, #tpu.memory_space<vmem>>, vector<2560x128xf32>,
    return
  }
  func.func @transform_0(%arg0: i32) -> (i32, i32) {
    %c0_i32 = arith.constant 0 : i32
    %c0_i32_0 = arith.constant 0 : i32
    return %arg0, %c0_i32 : i32, i32
  }
  func.func @transform_1(%arg0: i32) -> (i32, i32) {
    %c0_i32 = arith.constant 0 : i32
    %c0_i32_0 = arith.constant 0 : i32
    return %arg0, %c0_i32 : i32, i32
  }
  func.func @transform_2(%arg0: i32) -> (i32, i32) {
    %c0_i32 = arith.constant 0 : i32
    %c0_i32_0 = arith.constant 0 : i32
    return %arg0, %c0_i32 : i32, i32
  }
  func.func @transform_3(%arg0: i32) -> (i32, i32) {
    %c0_i32 = arith.constant 0 : i32
    %c0_i32_0 = arith.constant 0 : i32
    return %arg0, %c0_i32 : i32, i32
  }
  func.func @transform_4(%arg0: i32) -> (i32, i32) {
    %c0_i32 = arith.constant 0 : i32
    %c0_i32_0 = arith.constant 0 : i32
    return %arg0, %c0_i32 : i32, i32
  }
  func.func @transform_5(%arg0: i32) -> (i32, i32) {
    %c0_i32 = arith.constant 0 : i32
    %c0_i32_0 = arith.constant 0 : i32
    %c0_i32_1 = arith.constant 0 : i32
    return %c0_i32, %c0_i32_0 : i32, i32
  }
  func.func @transform_6(%arg0: i32) -> (i32, i32) {
    %c0_i32 = arith.constant 0 : i32
    %c0_i32_0 = arith.constant 0 : i32
    return %arg0, %c0_i32 : i32, i32
  }
}

</mosaic_0001>

<sc_bundles>
// kernel: kernel.11.cloned.1.call-start
scs
__scs_entry_jumppad:
0x0: {  	(pc) =	sbr.rel $0x88, $3  }
0x1: {  	(tag) =	ssettag $0x0;
	lr =	simm.s32 $0x1  }
0x2: {  	[smem:$0x3F9B] =	sst lr;
	_ =	strace $0xD0000000  }
0x3: {  	_ = 	snop  }
0x4: {  	_ = 	snop  }
0x5: {  	_ = 	snop  }
0x6: {  	_ = 	snop  }
0x7: {  	_ = 	snop  }
__scs_overlays_trampoline_lowered:
0x8: {  	[smem:$0x3FAA] =	sst s0  }
0x9: {  	[smem:$0x3FAB] =	sst s1  }
0xa: {  	[smem:$0x3FAC] =	sst s2  }
0xb: {  	[smem:$0x3FAD] =	sst s3  }
0xc: {  	[smem:$0x3FAE] =	sst s4  }
0xd: {  	[smem:$0x3FAF] =	sst s5  }
0xe: {  	[smem:$0x3FB0] =	sst s6  }
0xf: {  	[smem:$0x3FB1] =	sst s7  }
0x10: {  	[smem:$0x3FB2] =	sst s8  }
0x11: {  	[smem:$0x3FB3] =	sst s9;
	s0 =	simm.s32 @!p0 $0x0  }
0x12: {  	s1 =	sld [smem:$0x3F99];
	s0 =	simm.s32 @p0 $0x1  }
0x13: {  	[smem:$0x3FB4] =	sst s0;
	s0 =	simm.s32 @!p1 $0x0  }
0x14: {  	s2 =	sld [smem:$0x3F98];
	s0 =	simm.s32 @p1 $0x1  }
0x15: {  	[smem:$0x3FB5] =	sst s0;
	s0 =	simm.s32 @!p2 $0x0  }
0x16: {  	s3 =	sld [smem:$0x3FDB];
	s0 =	simm.s32 @p2 $0x1  }
0x17: {  	s4 =	simm.s32 $0x1BF5;
	[smem:$0x3FB7] =	sst s0  }
0x18: {  	s0 =	sld [smem:$0x3F9A];
	_ =	swait.ge [sflag:s4], $0x0  }
0x19: {  	s7 =	sld [smem:$0x3F9B]  }
0x1a: {  	s8 =	sadd.s32 $0xFFFFE003, lr  }
0x1b: {  	s9 =	sadd.s32 $0xFFFFFEF7, lr;
	s5 =	simm.s32 $0xFFFFFFFF;
	p2 =	slt.u32 s8, $0xFFFFF086  }
0x1c: {  	p1 =	slt.u32 s9, $0xF7A;
	s5 =	simm.s32 @!p2 $0x0  }
0x1d: {  	s5 =	simm.s32 @p1 $0x1;
	p0 =	seq.s32 s7, s2  }
0x1e: {  	s7 =	smul.u32 @!p0 $0xF7A, s2;
	p2 =	seq.s32 @!p0 s5, $0x0  }
0x1f: {  	s9 =	smul.u32 $0xF7A, s1;
	s8 =	simm.s32 @!p0 $0x1BF5;
	p2 =	por !p2, p0  }
0x20: {  	[sflag:s8] =	ssyncset.s32 @!p0 $0xFFFFF086;
	s6 =	sadd.s32 @!p0 s3, s7;
	s7 =	simm.s32 @!p0 $0x108  }
0x21: {  	s3 =	sadd.s32 s3, s9;
	s6 =	sadd.s32 @!p0 $0x88, s6;
	s7 =	simm.s32 @p2 $0x1082  }
0x22: {  	[simem:s7], [sflag:s8] =	dma.local @!p0 [hbm:s6], $0xF7A  }
0x23: {  	s9 =	sor.u32 $0xD0000000, s2;
	s6 =	simm.s32 $0x108;
	_ =	swait.ge @!p0 [sflag:s8], $0x0  }
0x24: {  	s3 =	sadd.s32 $0x88, s3;
	s6 =	simm.s32 @!p1 $0x1082;
	[sflag:s4] =	ssyncset.s32 $0xFFFFF086  }
0x25: {  	[simem:s6], [sflag:s4] =	dma.local [hbm:s3], $0xF7A  }
0x26: {  	[smem:$0x3F9B] =	sst s1;
	(tag) =	ssettag s2;
	_ =	strace s9  }
0x27: {  	s1 =	sld [smem:$0x3FAB]  }
0x28: {  	s2 =	sld [smem:$0x3FAC]  }
0x29: {  	s4 =	sld [smem:$0x3FAE]  }
0x2a: {  	p0 =	seq.s32 s5, $0x0;
	s5 =	sld [smem:$0x3FAF]  }
0x2b: {  	s6 =	sld [smem:$0x3FB0]  }
0x2c: {  	s7 =	sld [smem:$0x3FB1]  }
0x2d: {  	s3 =	simm.s32 $0x108;
	s8 =	sld [smem:$0x3FB2]  }
0x2e: {  	s3 =	simm.s32 @!p0 $0x1082;
	s9 =	sld [smem:$0x3FB3]  }
0x2f: {  	lr =	sadd.s32 s0, s3;
	s0 =	sld [smem:$0x3FAA]  }
0x30: {  	s3 =	sld [smem:$0x3FAD]  }
0x31: {  	[smem:$0x3FB6] =	sst s10  }
0x32: {  	s10 =	sld [smem:$0x3FB4];
	_ =	sdelay $0x3  }
0x33: {  	p0 =	seq.s32 s10, $0x1;
	s10 =	sld [smem:$0x3FB6];
	_ =	sdelay $0x3  }
0x34: {  	[smem:$0x3FB6] =	sst s10  }
0x35: {  	s10 =	sld [smem:$0x3FB5];
	_ =	sdelay $0x3  }
0x36: {  	p1 =	seq.s32 s10, $0x1;
	s10 =	sld [smem:$0x3FB6];
	_ =	sdelay $0x3  }
0x37: {  	[smem:$0x3FB6] =	sst s10  }
0x38: {  	s10 =	sld [smem:$0x3FB7]  }
0x39: {  	_ = 	snop;
	(pc) =	sbr.ind lr, $3  }
0x3a: {  	_ = 	snop  }
0x3b: {  	_ = 	snop  }
0x3c: {  	p2 =	seq.s32 s10, $0x1;
	s10 =	sld [smem:$0x3FB6]  }
0x3d: {  	_ =	shalt  }
0x3e: {  	_ =	shalt  }
0x3f: {  	_ =	shalt  }
0x40: {  	_ =	shalt  }
0x41: {  	_ =	shalt  }
0x42: {  	_ =	shalt  }
0x43: {  	_ =	shalt  }
0x44: {  	_ =	shalt  }
0x45: {  	_ =	shalt  }
0x46: {  	_ =	shalt  }
0x47: {  	_ =	shalt  }
0x48: {  	_ =	shalt  }
0x49: {  	_ =	shalt  }
0x4a: {  	_ =	shalt  }
0x4b: {  	_ =	shalt  }
0x4c: {  	_ =	shalt  }
0x4d: {  	_ =	shalt  }
0x4e: {  	_ =	shalt  }
0x4f: {  	_ =	shalt  }
0x50: {  	_ =	shalt  }
0x51: {  	_ =	shalt  }
0x52: {  	_ =	shalt  }
0x53: {  	_ =	shalt  }
0x54: {  	_ =	shalt  }
0x55: {  	_ =	shalt  }
0x56: {  	_ =	shalt  }
0x57: {  	_ =	shalt  }
0x58: {  	_ =	shalt  }
0x59: {  	_ =	shalt  }
0x5a: {  	_ =	shalt  }
0x5b: {  	_ =	shalt  }
0x5c: {  	_ =	shalt  }
0x5d: {  	_ =	shalt  }
0x5e: {  	_ =	shalt  }
0x5f: {  	_ =	shalt  }
0x60: {  	_ =	shalt  }
0x61: {  	_ =	shalt  }
0x62: {  	_ =	shalt  }
0x63: {  	_ =	shalt  }
0x64: {  	_ =	shalt  }
0x65: {  	_ =	shalt  }
0x66: {  	_ =	shalt  }
0x67: {  	_ =	shalt  }
0x68: {  	_ =	shalt  }
0x69: {  	_ =	shalt  }
0x6a: {  	_ =	shalt  }
0x6b: {  	_ =	shalt  }
0x6c: {  	_ =	shalt  }
0x6d: {  	_ =	shalt  }
0x6e: {  	_ =	shalt  }
0x6f: {  	_ =	shalt  }
0x70: {  	_ =	shalt  }
0x71: {  	_ =	shalt  }
0x72: {  	_ =	shalt  }
0x73: {  	_ =	shalt  }
0x74: {  	_ =	shalt  }
0x75: {  	_ =	shalt  }
0x76: {  	_ =	shalt  }
0x77: {  	_ =	shalt  }
0x78: {  	_ =	shalt  }
0x79: {  	_ =	shalt  }
0x7a: {  	_ =	shalt  }
0x7b: {  	_ =	shalt  }
0x7c: {  	_ =	shalt  }
0x7d: {  	_ =	shalt  }
0x7e: {  	_ =	shalt  }
0x7f: {  	_ =	shalt  }
0x80: {  	_ =	shalt  }
0x81: {  	_ =	shalt  }
0x82: {  	_ =	shalt  }
0x83: {  	_ =	shalt  }
0x84: {  	_ =	shalt  }
0x85: {  	_ =	shalt  }
0x86: {  	_ =	shalt  }
0x87: {  	_ =	shalt  }
.Lfunc_end0:
.L_simem_size_0:
called_computation.1_lowered:
.L_overlay_start_0:
0x88: {  	s2 =	sld [smem:$0x3FD9]  }
0x89: {  	s3 =	sld [smem:$0x3FFE];
	_ =	sdelay $0x1  }
0x8a: {  	s1 =	srdreg.scid  }
0x8b: {  	s0 =	sand.u32 $0x1, s1  }
0x8c: {  	s17 =	sshll.u32 s0, $0xA;
	s2 =	sadd.s32 s3, s2  }
0x8d: {  	s2 =	sadd.s32 s2, s17  }
0x8e: {  	[smem:$0x3FC2] =	sst s2  }
0x8f: {  	_ = 	snop  }
0x90: {  	s2 =	sld [smem:$0x3FD0];
	(tm) =	ssettm $0x1  }
0x91: {  	s18 =	sld [smem:$0x3FFB];
	_ =	sdelay $0x3  }
0x92: {  	_ =	strace s18  }
0x93: {  	s3 =	sld [smem:$0x3FFC];
	_ =	sdelay $0x3  }
0x94: {  	_ =	strace s3  }
0x95: {  	s3 =	sld [smem:$0x3FFD];
	_ =	sdelay $0x3  }
0x96: {  	_ =	strace s3  }
0x97: {  	_ =	strace $0x8FFFFFFF  }
0x98: {  	s19 =	sld [smem:$0x3FDB];
	_ =	sdelay $0x1  }
0x99: {  	s4 =	simm.s32 $_scs_section_size  }
0x9a: {  	s5 =	simm.s32 $_size__tile_overlayer_lowered;
	s6 =	simm.s32 $_tile_overlayer_lowered  }
0x9b: {  	s22 =	simm.s32 $0x1BFF;
	s21 =	sshll.u32 s6, $0x1;
	s3 =	sadd.s32 s4, s19  }
0x9c: {  	s7 =	simm.s32 $0x0;
	s20 =	sshll.u32 s5, $0x1;
	s5 =	sadd.s32 s21, s3  }
0x9d: {  	[timem:s7], [sflag:s22] =	dma.local [hbm:s5], s20  }
0x9e: {  	_ =	swait.ge [sflag:s22], s20  }
0x9f: {  	s4 =	ssub.s32 $0x0, s20;
	[sflag:s22] =	ssyncset.done $0x0  }
0xa0: {  	[sflag:s22] =	ssyncadd.s32 s4;
	_ =	sdelay $0x1  }
0xa1: {  	s23 =	simm.s32 $0x1B8B  }
0xa2: {  	_ =	swait.ge [sflag:s23], $0x1  }
0xa3: {  	[sflag:s23] =	ssyncset.done $0x0  }
0xa4: {  	s25 =	simm.s32 $0x1B8E;
	s24 =	sld [smem:$0x3FFE];
	[sflag:s23] =	ssyncadd.s32 $0xFFFFFFFF  }
0xa5: {  	s26 =	simm.s32 $execute0_lowered;
	[smem:$0x3FD2] =	sst s25  }
0xa6: {  	s5 =	sshll.u32 s26, $0x1;
	_ =	strace $0x80000049;
	[dreg:$0x1] =	wrdreg $0xFFFFFFFF  }
0xa7: {  	s28 =	simm.s32 $_size_execute0_lowered;
	s3 =	sadd.s32 s3, s5;
	[dreg:$0x0] =	wrdreg $0x0  }
0xa8: {  	s5 =	sshll.u32 s28, $0x1;
	[dreg:$0x2] =	wrdreg s3  }
0xa9: {  	[dreg:$0x3] =	wrdreg s5  }
0xaa: {  	[dreg:$0x4] =	wrdreg $0xC0  }
0xab: {  	_ =	task [dreg:s7], $0x5FFFF  }
0xac: {  	[dreg:$0x1] =	wrdreg $0xFFFFFFFF  }
0xad: {  	[dreg:$0x0] =	wrdreg $0x60  }
0xae: {  	[dreg:$0x2] =	wrdreg s24  }
0xaf: {  	[dreg:$0x3] =	wrdreg s2  }
0xb0: {  	[dreg:$0x4] =	wrdreg $0x0  }
0xb1: {  	[dreg:$0x5] =	wrdreg $0x9  }
0xb2: {  	_ =	task.clear_ibuf [dreg:s7], $0x6FFFF;
	_ =	strace $0x90000049  }
0xb3: {  	s29 =	simm.s32 $0x9;
	_ =	strace $0x8000004B  }
0xb4: {  	_ =	swait.ge [sflag:s29], $0x1  }
0xb5: {  	[sflag:s29] =	ssyncadd.s32 $0xFFFFFFFF  }
0xb6: {  	_ =	strace $0x9000004B  }
0xb7: {  	_ =	sfence  }
0xb8: {  	s30 =	sld [smem:$0x0];
	_ =	sdelay $0x2  }
0xb9: {  	s31 =	sshll.u32 s1, $0xD;
	s1 =	sshrl.u32 s1, $0x2  }
0xba: {  	s3 =	sand.u32 $0x4000, s31;
	s1 =	sadd.s32 s1, s30  }
0xbb: {  	s0 =	sor.u32 s3, s0;
	s1 =	sshll.u32 s1, $0x11  }
0xbc: {  	s0 =	sor.u32 s1, s0  }
0xbd: {  	s0 =	sadd.s32 $0x8F2B, s0  }
0xbe: {  	[sflag:s0] =	ssyncadd.remote.s32 $0x1  }
0xbf: {  	_ =	sfence.sel $0xFFFF  }
0xc0: {  	[dreg:$0x0] =	wrdreg $0xFFFFFFFF;
	(pc) =	sbr.abs _section_cstart, $3  }
0xc1: {  	[dreg:$0x1] =	wrdreg $0xFFFFFFFF  }
0xc2: {  	_ =	task.clear_ibuf [dreg:s7], $0x2FFFF;
	_ =	strace $0x9FFFFFFF  }
0xc3: {  	(tm) =	ssettm $0x7FFFFFFF  }
tec
execute0_lowered:
.L_overlay_start_1:
0x0: {  	(tag) =	ssettag $0x1  }
0x1: {  	s0 =	rddreg [dreg:$0x0]  }
0x2: {  	s3 =	rddreg [dreg:$0x1]  }
0x3: {  	s2 =	rddreg [dreg:$0x2];
	s14 =	simm.s32 $0x0  }
0x4: {  	s1 =	simm.s32 $0x14080;
	[smem:$0x7FF] =	sst s14  }
0x5: {  	s18 =	simm.s32 $0x14100;
	_ =	strace $0x8000004A;
	[dreg:$0x4] =	wrdreg s1  }
0x6: {  	s19 =	simm.s32 $0x14180;
	[dreg:$0x5] =	wrdreg s18  }
0x7: {  	s20 =	simm.s32 $0x15880;
	[dreg:$0x6] =	wrdreg s19  }
0x8: {  	s21 =	simm.s32 $0x14200;
	[dreg:$0x7] =	wrdreg s20  }
0x9: {  	s22 =	simm.s32 $0x15900;
	[dreg:$0x8] =	wrdreg s21  }
0xa: {  	s23 =	simm.s32 $0x14280;
	[dreg:$0x9] =	wrdreg s22  }
0xb: {  	s24 =	simm.s32 $0x15980;
	[dreg:$0xa] =	wrdreg s23  }
0xc: {  	s25 =	simm.s32 $0x14300;
	[dreg:$0xb] =	wrdreg s24  }
0xd: {  	s26 =	simm.s32 $0x15A00;
	[dreg:$0xc] =	wrdreg s25  }
0xe: {  	s4 =	simm.s32 $0x14380;
	[dreg:$0xd] =	wrdreg s26  }
0xf: {  	s5 =	simm.s32 $0x15A80;
	[dreg:$0xe] =	wrdreg s4  }
0x10: {  	s6 =	simm.s32 $0x14400;
	[dreg:$0xf] =	wrdreg s5  }
0x11: {  	s7 =	simm.s32 $0x15B00;
	[dreg:$0x10] =	wrdreg s6  }
0x12: {  	s8 =	simm.s32 $0x14480;
	[dreg:$0x11] =	wrdreg s7  }
0x13: {  	s9 =	simm.s32 $0x15B80;
	[dreg:$0x12] =	wrdreg s8  }
0x14: {  	s10 =	simm.s32 $0x14500;
	[dreg:$0x13] =	wrdreg s9  }
0x15: {  	s11 =	simm.s32 $0x15C00;
	[dreg:$0x14] =	wrdreg s10  }
0x16: {  	s12 =	simm.s32 $0x14580;
	[dreg:$0x15] =	wrdreg s11  }
0x17: {  	s13 =	simm.s32 $0x15C80;
	[dreg:$0x16] =	wrdreg s12  }
0x18: {  	s15 =	simm.s32 $0x14600;
	[dreg:$0x17] =	wrdreg s13  }
0x19: {  	s16 =	simm.s32 $0x15D00;
	[dreg:$0x18] =	wrdreg s15  }
0x1a: {  	s17 =	simm.s32 $0x14680;
	[dreg:$0x19] =	wrdreg s16  }
0x1b: {  	[dreg:$0x1a] =	wrdreg s17;
	s18 =	simm.s32 $0x15D80  }
0x1c: {  	s19 =	simm.s32 $0x14700;
	[dreg:$0x1b] =	wrdreg s18  }
0x1d: {  	s20 =	simm.s32 $0x15E00;
	[dreg:$0x1c] =	wrdreg s19  }
0x1e: {  	s21 =	simm.s32 $0x14780;
	[dreg:$0x1d] =	wrdreg s20  }
0x1f: {  	s22 =	simm.s32 $0x15E80;
	[dreg:$0x1e] =	wrdreg s21  }
0x20: {  	s23 =	simm.s32 $0x14800;
	[dreg:$0x1f] =	wrdreg s22  }
0x21: {  	s24 =	simm.s32 $0x15F00;
	[smem:$0x7C5] =	sst s23  }
0x22: {  	s25 =	simm.s32 $0x14880;
	[smem:$0x7C6] =	sst s24  }
0x23: {  	s26 =	simm.s32 $0x15F80;
	[smem:$0x7C7] =	sst s25  }
0x24: {  	s4 =	simm.s32 $0x14900;
	[smem:$0x7C8] =	sst s26  }
0x25: {  	s5 =	simm.s32 $0x16000;
	[smem:$0x7C9] =	sst s4  }
0x26: {  	s6 =	simm.s32 $0x14980;
	[smem:$0x7CA] =	sst s5  }
0x27: {  	s7 =	simm.s32 $0x16080;
	[smem:$0x7CB] =	sst s6  }
0x28: {  	s8 =	simm.s32 $0x16180;
	[smem:$0x7CC] =	sst s7  }
0x29: {  	s12 =	simm.s32 $0x14C80;
	[smem:$0x7CE] =	sst s8  }
0x2a: {  	s13 =	simm.s32 $0x14D00;
	[smem:$0x7CF] =	sst s12  }
0x2b: {  	s15 =	simm.s32 $0x14D80;
	[smem:$0x7D0] =	sst s13  }
0x2c: {  	s16 =	simm.s32 $0x16480;
	[smem:$0x7D1] =	sst s15  }
0x2d: {  	s17 =	simm.s32 $0x14E00;
	[smem:$0x7D2] =	sst s16  }
0x2e: {  	s11 =	sadd.s32 $0xDC00, s0;
	[smem:$0x7D3] =	sst s17  }
0x2f: {  	s6 =	simm.s32 $0x16100;
	[smem:$0x7E4] =	sst s11  }
0x30: {  	s18 =	simm.s32 $0x16500;
	[smem:$0x7CD] =	sst s6  }
0x31: {  	s20 =	simm.s32 $0x14E80;
	[smem:$0x7D4] =	sst s18  }
0x32: {  	s22 =	simm.s32 $0x16580;
	[smem:$0x7D5] =	sst s20  }
0x33: {  	s23 =	simm.s32 $0x14F00;
	[smem:$0x7D6] =	sst s22  }
0x34: {  	s25 =	simm.s32 $0x16600;
	[smem:$0x7D7] =	sst s23  }
0x35: {  	s28 =	simm.s32 $0x40;
	s26 =	simm.s32 $0x14F80;
	[smem:$0x7D8] =	sst s25  }
0x36: {  	s29 =	simm.s32 $0x17000;
	s12 =	simm.s32 $0x15000;
	[smem:$0x7D9] =	sst s26  }
0x37: {  	s30 =	simm.s32 $0x19000;
	s13 =	simm.s32 $0x16700;
	[smem:$0x7DB] =	sst s12  }
0x38: {  	s31 =	simm.s32 $0x1B000;
	s16 =	simm.s32 $0x15080;
	[smem:$0x7DD] =	sst s13  }
0x39: {  	s10 =	stileid.u32;
	[smem:$0x7DE] =	sst s16;
	s18 =	simm.s32 $0x16780  }
0x3a: {  	s4 =	sadd.s32 $0x75C00, s0;
	s20 =	simm.s32 $0x15100;
	[smem:$0x7E0] =	sst s18  }
0x3b: {  	s5 =	srdreg.scid;
	s22 =	simm.s32 $0x15180;
	[smem:$0x7E1] =	sst s20  }
0x3c: {  	s7 =	smul.u32 $0x14000, s10;
	s25 =	simm.s32 $0x15200;
	[smem:$0x7E6] =	sst s22  }
0x3d: {  	s1 =	sand.u32 $0x1, s5;
	s5 =	simm.s32 $0x16900;
	[smem:$0x7EA] =	sst s25  }
0x3e: {  	s8 =	smul.u32 $0x50000, s10;
	s12 =	simm.s32 $0x16A00;
	[smem:$0x7EB] =	sst s5  }
0x3f: {  	s13 =	simm.s32 $0x15380;
	s16 =	simm.s32 $0x16A80;
	[smem:$0x7F0] =	sst s12  }
0x40: {  	s9 =	smul.u32 $0x140000, s1;
	s19 =	ssub.s32 $0x2, s1;
	[smem:$0x7F1] =	sst s13  }
0x41: {  	s24 =	sshll.u32 s1, $0x4;
	[smem:$0x7F2] =	sst s16;
	s18 =	simm.s32 $0x16B00  }
0x42: {  	s8 =	sshrl.u32 s8, $0x2;
	s20 =	simm.s32 $0x16B80;
	[smem:$0x7F4] =	sst s18  }
0x43: {  	s1 =	smul.u32 $0x60000, s1;
	s22 =	simm.s32 $0x16C00;
	[smem:$0x7F6] =	sst s20  }
0x44: {  	s25 =	simm.s32 $0x16D00;
	s12 =	simm.s32 $0xA;
	[smem:$0x7F8] =	sst s22  }
0x45: {  	[smem:$0x7FB] =	sst s25;
	s6 =	sadd.s32 s7, s9;
	s7 =	simm.s32 $0x16680  }
0x46: {  	s9 =	sor.u32 s10, s24;
	s24 =	simm.s32 $0x16880;
	[smem:$0x7DA] =	sst s7  }
0x47: {  	s17 =	smul.u32 $0x6000, s9;
	[smem:$0x7E8] =	sst s24;
	s9 =	simm.s32 $0x16980  }
0x48: {  	s21 =	sshrl.u32 s19, $0x1;
	s24 =	simm.s32 $0x16C80;
	[smem:$0x7EE] =	sst s9  }
0x49: {  	s6 =	sshrl.u32 s6, $0x3;
	s7 =	sadd.s32 s8, s2;
	[smem:$0x7FA] =	sst s24  }
0x4a: {  	s0 =	sadd.s32 s6, s0;
	s15 =	sadd.s32 $0x800, s7;
	[smem:$0x7FD] =	sst s7  }
0x4b: {  	s6 =	ssub.s32 s19, s21;
	s19 =	sadd.s32 $0x1000, s7;
	[smem:$0x7DC] =	sst s15  }
0x4c: {  	s18 =	simm.s32 $0x1;
	s21 =	simm.s32 $0x16800;
	[smem:$0x7DF] =	sst s19  }
0x4d: {  	s20 =	simm.s32 $0x3;
	[smem:$0x7E3] =	sst s21;
	s0 =	sadd.s32 $0x9DC00, s0  }
0x4e: {  	s22 =	simm.s32 $0x14000;
	s26 =	smax.u32 s6, $0x1;
	[smem:$0x7E7] =	sst s0  }
0x4f: {  	s25 =	simm.s32 $0x16400;
	s6 =	simm.s32 $0x15280;
	[smem:$0x7E9] =	sst s26  }
0x50: {  	s8 =	sshrl.u32 s17, $0x3;
	s17 =	simm.s32 $0x15400;
	[smem:$0x7EC] =	sst s6  }
0x51: {  	s24 =	simm.s32 $0x15800;
	s19 =	simm.s32 $0x15480;
	[smem:$0x7F3] =	sst s17  }
0x52: {  	s9 =	simm.s32 $0x7;
	s21 =	simm.s32 $0x15500;
	[smem:$0x7F5] =	sst s19  }
0x53: {  	s3 =	sadd.s32 s3, s8;
	s23 =	sadd.s32 s11, s8;
	[smem:$0x7F7] =	sst s21  }
0x54: {  	s8 =	smul.u32 $0x6000, s10;
	s10 =	sadd.s32 $0x1800, s7;
	[smem:$0x7E2] =	sst s3  }
0x55: {  	s11 =	simm.s32 $0x15300;
	s17 =	simm.s32 $0x1F000;
	[smem:$0x7E5] =	sst s23  }
0x56: {  	s19 =	simm.s32 $0x2;
	s21 =	simm.s32 $0x4;
	[smem:$0x7ED] =	sst s10  }
0x57: {  	s26 =	simm.s32 $0x16D80;
	s0 =	simm.s32 $0x1D000;
	[smem:$0x7EF] =	sst s11  }
0x58: {  	s23 =	simm.s32 $0x15580;
	[smem:$0x7FC] =	sst s26;
	s26 =	simm.s32 $0x14C00  }
0x59: {  	s10 =	simm.s32 $0x8;
	s11 =	simm.s32 $0x9;
	s3 =	simm.s32 $0x0  }
0x5a: {  	s1 =	sadd.s32 s8, s1;
	[smem:$0x7F9] =	sst s23;
	s23 =	simm.s32 $0xB  }
0x5b: {  	s8 =	simm.s32 $0x6;
	s5 =	sor.u32 $0x1800, s1;
	s1 =	sor.u32 $0xC00, s1  }
0x5c: {  	v0 =	vimm.f32 $0.0e+00;
	s15 =	sshrl.u32 s5, $0x3;
	s16 =	sshrl.u32 s1, $0x3;
	s5 =	simm.s32 $0x5  }
.LBB2_1:
0x5d: {  	s1 =	simm.s32 $0x0;
	s6 =	simm.s32 $0x200  }
.LBB2_2:
0x5e: {  	p0 =	sne.s32 s6, $0x1E00;
	[tilespmem:s1+$0x1F070] =	vst v0  }
0x5f: {  	[tilespmem:s1+$0x1F000] =	vst v0  }
0x60: {  	[tilespmem:s1+$0x1F010] =	vst v0  }
.Ltmp0:
0x61: {  	[tilespmem:s1+$0x1F020] =	vst v0;
	(pc) =	sbr.rel @p0 .LBB2_2-.Ltmp0, $4  }
0x62: {  	[tilespmem:s1+$0x1F030] =	vst v0  }
0x63: {  	[tilespmem:s1+$0x1F040] =	vst v0  }
0x64: {  	[tilespmem:s1+$0x1F050] =	vst v0  }
0x65: {  	[tilespmem:s1+$0x1F060] =	vst v0;
	s1 =	sshra.s32 s6, $0x2;
	s6 =	sadd.s32 $0x200, s6  }
0x66: {  	[tilespmem:s1+$0x1F070] =	vst v0  }
0x67: {  	[tilespmem:s1+$0x1F000] =	vst v0  }
0x68: {  	[tilespmem:s1+$0x1F010] =	vst v0  }
0x69: {  	[tilespmem:s1+$0x1F020] =	vst v0  }
0x6a: {  	[tilespmem:s1+$0x1F030] =	vst v0  }
0x6b: {  	[tilespmem:s1+$0x1F040] =	vst v0  }
0x6c: {  	[smem:$0x7C4] =	sst s3;
	[tilespmem:s1+$0x1F050] =	vst v0  }
0x6d: {  	[tilespmem:s1+$0x1F060] =	vst v0;
	s13 =	sld [smem:$0x7DC]  }
0x6e: {  	[spmem:s7] =	stream.linear.scatter [tilespmem:s17], [sflag:$0x1], $0x800, $0x38;
	[tilespmem:$0x1F800] =	vst v63  }
0x6f: {  	s3 =	sld [smem:$0x7DF]  }
0x70: {  	[spmem:s13] =	stream.linear.scatter [tilespmem:s17], [sflag:$0x2], $0x800, $0x38;
	[tilespmem:$0x1F800] =	vst v63  }
0x71: {  	s6 =	sld [smem:$0x7ED]  }
0x72: {  	[spmem:s3] =	stream.linear.scatter [tilespmem:s17], [sflag:$0x3], $0x800, $0x38;
	[tilespmem:$0x1F800] =	vst v63  }
0x73: {  	_ = 	snop  }
0x74: {  	[spmem:s6] =	stream.linear.scatter [tilespmem:s17], [sflag:$0x4], $0x800, $0x38;
	[tilespmem:$0x1F800] =	vst v63  }
0x75: {  	_ =	swait.ge [sflag:s18], $0x800  }
0x76: {  	s6 =	sadd.s32 $0xFFFEE000, s7;
	[sflag:s18] =	ssyncset.done $0x0  }
0x77: {  	s13 =	sadd.s32 $0x14000, s6;
	[sflag:s18] =	ssyncadd.s32 $0xFFFFF800  }
0x78: {  	[spmem:s13] =	stream.linear.scatter [tilespmem:s17], [sflag:$0x1], $0x800, $0x38;
	[tilespmem:$0x1F800] =	vst v63  }
0x79: {  	_ =	swait.ge [sflag:s19], $0x800  }
0x7a: {  	[sflag:s19] =	ssyncset.done $0x0  }
0x7b: {  	s3 =	sadd.s32 $0x14800, s6;
	[sflag:s19] =	ssyncadd.s32 $0xFFFFF800  }
0x7c: {  	[spmem:s3] =	stream.linear.scatter [tilespmem:s17], [sflag:$0x2], $0x800, $0x38;
	[tilespmem:$0x1F800] =	vst v63  }
0x7d: {  	_ =	swait.ge [sflag:s20], $0x800  }
0x7e: {  	[sflag:s20] =	ssyncset.done $0x0  }
0x7f: {  	s13 =	sadd.s32 $0x15000, s6;
	[sflag:s20] =	ssyncadd.s32 $0xFFFFF800  }
0x80: {  	[spmem:s13] =	stream.linear.scatter [tilespmem:s17], [sflag:$0x3], $0x800, $0x38;
	[tilespmem:$0x1F800] =	vst v63  }
0x81: {  	_ =	swait.ge [sflag:s21], $0x800  }
0x82: {  	[sflag:s21] =	ssyncset.done $0x0  }
0x83: {  	s1 =	simm.s32 $0xFFFC0000;
	s6 =	sadd.s32 $0x15800, s6;
	[sflag:s21] =	ssyncadd.s32 $0xFFFFF800  }
.LBB2_4:
0x84: {  	[spmem:s6] =	stream.linear.scatter [tilespmem:s17], [sflag:$0x4], $0x800, $0x38;
	[tilespmem:$0x1F800] =	vst v63  }
0x85: {  	s6 =	sshra.s32 s1, $0x2;
	p0 =	sne.s32 s1, $0xFFFF8000;
	_ =	swait.ge [sflag:s18], $0x800  }
0x86: {  	s1 =	sadd.s32 $0x8000, s1;
	s6 =	sadd.s32 s6, s7;
	[sflag:s18] =	ssyncset.done $0x0  }
0x87: {  	s13 =	sadd.s32 $0x14000, s6;
	[sflag:s18] =	ssyncadd.s32 $0xFFFFF800  }
0x88: {  	[spmem:s13] =	stream.linear.scatter [tilespmem:s17], [sflag:$0x1], $0x800, $0x38;
	[tilespmem:$0x1F800] =	vst v63  }
0x89: {  	_ =	swait.ge [sflag:s19], $0x800  }
0x8a: {  	[sflag:s19] =	ssyncset.done $0x0  }
0x8b: {  	s13 =	sadd.s32 $0x14800, s6;
	[sflag:s19] =	ssyncadd.s32 $0xFFFFF800  }
0x8c: {  	[spmem:s13] =	stream.linear.scatter [tilespmem:s17], [sflag:$0x2], $0x800, $0x38;
	[tilespmem:$0x1F800] =	vst v63  }
0x8d: {  	_ =	swait.ge [sflag:s20], $0x800  }
0x8e: {  	[sflag:s20] =	ssyncset.done $0x0  }
.Ltmp1:
0x8f: {  	s13 =	sadd.s32 $0x15000, s6;
	[sflag:s20] =	ssyncadd.s32 $0xFFFFF800;
	(pc) =	sbr.rel @p0 .LBB2_4-.Ltmp1, $4  }
0x90: {  	[spmem:s13] =	stream.linear.scatter [tilespmem:s17], [sflag:$0x3], $0x800, $0x38;
	[tilespmem:$0x1F800] =	vst v63  }
0x91: {  	_ =	swait.ge [sflag:s21], $0x800  }
0x92: {  	[sflag:s21] =	ssyncset.done $0x0  }
0x93: {  	s6 =	sadd.s32 $0x15800, s6;
	[sflag:s21] =	ssyncadd.s32 $0xFFFFF800  }
0x94: {  	[spmem:s6] =	stream.linear.scatter [tilespmem:s17], [sflag:$0x4], $0x800, $0x38;
	[tilespmem:$0x1F800] =	vst v63  }
0x95: {  	_ =	swait.ge [sflag:s18], $0x800  }
0x96: {  	[sflag:s18] =	ssyncset.done $0x0  }
0x97: {  	[sflag:s18] =	ssyncadd.s32 $0xFFFFF800  }
0x98: {  	_ =	swait.ge [sflag:s19], $0x800  }
0x99: {  	[sflag:s19] =	ssyncset.done $0x0  }
0x9a: {  	[sflag:s19] =	ssyncadd.s32 $0xFFFFF800  }
0x9b: {  	_ =	swait.ge [sflag:s20], $0x800  }
0x9c: {  	[sflag:s20] =	ssyncset.done $0x0  }
0x9d: {  	[sflag:s20] =	ssyncadd.s32 $0xFFFFF800  }
0x9e: {  	_ =	swait.ge [sflag:s21], $0x800  }
0x9f: {  	[sflag:s21] =	ssyncset.done $0x0  }
0xa0: {  	[sflag:s21] =	ssyncadd.s32 $0xFFFFF800  }
0xa1: {  	[bflag:$0x0] =	sbarrier.arrive $0xFFFF  }
0xa2: {  	s3 =	sld [smem:$0x7E2];
	_ =	sdelay $0x1  }
0xa3: {  	s1 =	simm.s32 $0x0  }
0xa4: {  	[tilespmem:s22], [sflag:$0xB] =	stream.linear.gather [hbm4b:s3+s1], $0xA00, $0x38;
	[tilespmem:$0x1F800] =	vst v63  }
0xa5: {  	_ =	swait.ge [sflag:s23], $0xA00  }
0xa6: {  	s13 =	sld [smem:$0x7E5]  }
0xa7: {  	[sflag:s23] =	ssyncset.done $0x0  }
0xa8: {  	[sflag:s23] =	ssyncadd.s32 $0xFFFFF600  }
0xa9: {  	[tilespmem:s24], [sflag:$0xB] =	stream.linear.gather [hbm4b:s13+s1], $0xA00, $0x38;
	[tilespmem:$0x1F800] =	vst v63  }
0xaa: {  	_ =	swait.ge [sflag:s23], $0xA00  }
0xab: {  	[sflag:s23] =	ssyncset.done $0x0  }
0xac: {  	[sflag:s23] =	ssyncadd.s32 $0xFFFFF600  }
0xad: {  	s7 =	rddreg [dreg:$0x1]  }
0xae: {  	s3 =	sadd.s32 s7, s16  }
0xaf: {  	[tilespmem:s26], [sflag:$0x9] =	stream.linear.gather [hbm4b:s3+s14], $0xA00, $0x38;
	[tilespmem:$0x1F800] =	vst v63  }
0xb0: {  	s3 =	sld [smem:$0x7E4];
	_ =	sdelay $0x2  }
0xb1: {  	s6 =	sadd.s32 s3, s16  }
0xb2: {  	[tilespmem:s25], [sflag:$0xA] =	stream.linear.gather [hbm4b:s6+s14], $0xA00, $0x38;
	[tilespmem:$0x1F800] =	vst v63  }
0xb3: {  	_ = 	snop  }
0xb4: {  	[tilespmem:s29], [sflag:$0x1] =	stream.indirect.gather [hbm4b:s4+s28], $0x80, s22, s28, $0xb8;
	[tilespmem:$0x1F800] =	vst v63  }
0xb5: {  	s13 =	rddreg [dreg:$0x4]  }
0xb6: {  	[tilespmem:s30], [sflag:$0x2] =	stream.indirect.gather [hbm4b:s4+s28], $0x80, s13, s28, $0xb8;
	[tilespmem:$0x1F800] =	vst v63  }
0xb7: {  	s14 =	rddreg [dreg:$0x5]  }
0xb8: {  	[tilespmem:s31], [sflag:$0x3] =	stream.indirect.gather [hbm4b:s4+s28], $0x80, s14, s28, $0xb8;
	[tilespmem:$0x1F800] =	vst v63  }
0xb9: {  	_ =	swait.ge [sflag:s18], $0x2000  }
0xba: {  	[sflag:s18] =	ssyncset.done $0x0  }
0xbb: {  	[sflag:s18] =	ssyncadd.s32 $0xFFFFE000  }
0xbc: {  	[spmem:s2] =	stream.indirect.scatter.add.f32 [tilespmem:s29], [sflag:$0x5], $0x80, s24, s28, $0xb8;
	[tilespmem:$0x1F800] =	vst v63  }
0xbd: {  	s22 =	rddreg [dreg:$0x6]  }
0xbe: {  	[tilespmem:s0], [sflag:$0x4] =	stream.indirect.gather [hbm4b:s4+s28], $0x80, s22, s28, $0xb8;
	[tilespmem:$0x1F800] =	vst v63  }
0xbf: {  	_ =	swait.ge [sflag:s19], $0x2000  }
0xc0: {  	[sflag:s19] =	ssyncset.done $0x0  }
0xc1: {  	s23 =	rddreg [dreg:$0x7];
	[sflag:s19] =	ssyncadd.s32 $0xFFFFE000  }
0xc2: {  	[spmem:s2] =	stream.indirect.scatter.add.f32 [tilespmem:s30], [sflag:$0x6], $0x80, s23, s28, $0xb8;
	[tilespmem:$0x1F800] =	vst v63  }
0xc3: {  	_ =	swait.ge [sflag:s5], $0x2000  }
0xc4: {  	[sflag:s5] =	ssyncset.done $0x0  }
0xc5: {  	s24 =	rddreg [dreg:$0x8];
	[sflag:s5] =	ssyncadd.s32 $0xFFFFE000  }
0xc6: {  	[tilespmem:s29], [sflag:$0x1] =	stream.indirect.gather [hbm4b:s4+s28], $0x80, s24, s28, $0xb8;
	[tilespmem:$0x1F800] =	vst v63  }
0xc7: {  	_ =	swait.ge [sflag:s20], $0x2000  }
0xc8: {  	[sflag:s20] =	ssyncset.done $0x0  }
0xc9: {  	s6 =	rddreg [dreg:$0x9];
	[sflag:s20] =	ssyncadd.s32 $0xFFFFE000  }
0xca: {  	[spmem:s2] =	stream.indirect.scatter.add.f32 [tilespmem:s31], [sflag:$0x7], $0x80, s6, s28, $0xb8;
	[tilespmem:$0x1F800] =	vst v63  }
0xcb: {  	_ =	swait.ge [sflag:s8], $0x2000  }
0xcc: {  	[sflag:s8] =	ssyncset.done $0x0  }
0xcd: {  	s13 =	rddreg [dreg:$0xa];
	[sflag:s8] =	ssyncadd.s32 $0xFFFFE000  }
0xce: {  	[tilespmem:s30], [sflag:$0x2] =	stream.indirect.gather [hbm4b:s4+s28], $0x80, s13, s28, $0xb8;
	[tilespmem:$0x1F800] =	vst v63  }
0xcf: {  	_ =	swait.ge [sflag:s21], $0x2000  }
0xd0: {  	[sflag:s21] =	ssyncset.done $0x0  }
0xd1: {  	s14 =	rddreg [dreg:$0xb];
	[sflag:s21] =	ssyncadd.s32 $0xFFFFE000  }
0xd2: {  	[spmem:s2] =	stream.indirect.scatter.add.f32 [tilespmem:s0], [sflag:$0x8], $0x80, s14, s28, $0xb8;
	[tilespmem:$0x1F800] =	vst v63  }
0xd3: {  	_ =	swait.ge [sflag:s9], $0x2000  }
0xd4: {  	[sflag:s9] =	ssyncset.done $0x0  }
0xd5: {  	s22 =	rddreg [dreg:$0xc];
	[sflag:s9] =	ssyncadd.s32 $0xFFFFE000  }
0xd6: {  	[tilespmem:s31], [sflag:$0x3] =	stream.indirect.gather [hbm4b:s4+s28], $0x80, s22, s28, $0xb8;
	[tilespmem:$0x1F800] =	vst v63  }
0xd7: {  	_ =	swait.ge [sflag:s18], $0x2000  }
0xd8: {  	[sflag:s18] =	ssyncset.done $0x0  }
0xd9: {  	s23 =	rddreg [dreg:$0xd];
	[sflag:s18] =	ssyncadd.s32 $0xFFFFE000  }
0xda: {  	[spmem:s2] =	stream.indirect.scatter.add.f32 [tilespmem:s29], [sflag:$0x5], $0x80, s23, s28, $0xb8;
	[tilespmem:$0x1F800] =	vst v63  }
0xdb: {  	_ =	swait.ge [sflag:s10], $0x2000  }
0xdc: {  	[sflag:s10] =	ssyncset.done $0x0  }
0xdd: {  	s24 =	rddreg [dreg:$0xe];
	[sflag:s10] =	ssyncadd.s32 $0xFFFFE000  }
0xde: {  	[tilespmem:s0], [sflag:$0x4] =	stream.indirect.gather [hbm4b:s4+s28], $0x80, s24, s28, $0xb8;
	[tilespmem:$0x1F800] =	vst v63  }
0xdf: {  	_ =	swait.ge [sflag:s19], $0x2000  }
0xe0: {  	[sflag:s19] =	ssyncset.done $0x0  }
0xe1: {  	s6 =	rddreg [dreg:$0xf];
	[sflag:s19] =	ssyncadd.s32 $0xFFFFE000  }
0xe2: {  	[spmem:s2] =	stream.indirect.scatter.add.f32 [tilespmem:s30], [sflag:$0x6], $0x80, s6, s28, $0xb8;
	[tilespmem:$0x1F800] =	vst v63  }
0xe3: {  	_ =	swait.ge [sflag:s5], $0x2000  }
0xe4: {  	[sflag:s5] =	ssyncset.done $0x0  }
0xe5: {  	s13 =	rddreg [dreg:$0x10];
	[sflag:s5] =	ssyncadd.s32 $0xFFFFE000  }
0xe6: {  	[tilespmem:s29], [sflag:$0x1] =	stream.indirect.gather [hbm4b:s4+s28], $0x80, s13, s28, $0xb8;
	[tilespmem:$0x1F800] =	vst v63  }
0xe7: {  	_ =	swait.ge [sflag:s20], $0x2000  }
0xe8: {  	[sflag:s20] =	ssyncset.done $0x0  }
0xe9: {  	s14 =	rddreg [dreg:$0x11];
	[sflag:s20] =	ssyncadd.s32 $0xFFFFE000  }
0xea: {  	[spmem:s2] =	stream.indirect.scatter.add.f32 [tilespmem:s31], [sflag:$0x7], $0x80, s14, s28, $0xb8;
	[tilespmem:$0x1F800] =	vst v63  }
0xeb: {  	_ =	swait.ge [sflag:s8], $0x2000  }
0xec: {  	[sflag:s8] =	ssyncset.done $0x0  }
0xed: {  	s22 =	rddreg [dreg:$0x12];
	[sflag:s8] =	ssyncadd.s32 $0xFFFFE000  }
0xee: {  	[tilespmem:s30], [sflag:$0x2] =	stream.indirect.gather [hbm4b:s4+s28], $0x80, s22, s28, $0xb8;
	[tilespmem:$0x1F800] =	vst v63  }
0xef: {  	_ =	swait.ge [sflag:s21], $0x2000  }
0xf0: {  	[sflag:s21] =	ssyncset.done $0x0  }
0xf1: {  	s23 =	rddreg [dreg:$0x13];
	[sflag:s21] =	ssyncadd.s32 $0xFFFFE000  }
0xf2: {  	[spmem:s2] =	stream.indirect.scatter.add.f32 [tilespmem:s0], [sflag:$0x8], $0x80, s23, s28, $0xb8;
	[tilespmem:$0x1F800] =	vst v63  }
0xf3: {  	_ =	swait.ge [sflag:s9], $0x2000  }
0xf4: {  	[sflag:s9] =	ssyncset.done $0x0  }
0xf5: {  	s24 =	rddreg [dreg:$0x14];
	[sflag:s9] =	ssyncadd.s32 $0xFFFFE000  }
0xf6: {  	[tilespmem:s31], [sflag:$0x3] =	stream.indirect.gather [hbm4b:s4+s28], $0x80, s24, s28, $0xb8;
	[tilespmem:$0x1F800] =	vst v63  }
0xf7: {  	_ =	swait.ge [sflag:s18], $0x2000  }
0xf8: {  	[sflag:s18] =	ssyncset.done $0x0  }
0xf9: {  	s6 =	rddreg [dreg:$0x15];
	[sflag:s18] =	ssyncadd.s32 $0xFFFFE000  }
0xfa: {  	[spmem:s2] =	stream.indirect.scatter.add.f32 [tilespmem:s29], [sflag:$0x5], $0x80, s6, s28, $0xb8;
	[tilespmem:$0x1F800] =	vst v63  }
0xfb: {  	_ =	swait.ge [sflag:s10], $0x2000  }
0xfc: {  	[sflag:s10] =	ssyncset.done $0x0  }
0xfd: {  	s13 =	rddreg [dreg:$0x16];
	[sflag:s10] =	ssyncadd.s32 $0xFFFFE000  }
0xfe: {  	[tilespmem:s0], [sflag:$0x4] =	stream.indirect.gather [hbm4b:s4+s28], $0x80, s13, s28, $0xb8;
	[tilespmem:$0x1F800] =	vst v63  }
0xff: {  	_ =	swait.ge [sflag:s19], $0x2000  }
0x100: {  	[sflag:s19] =	ssyncset.done $0x0  }
0x101: {  	s14 =	rddreg [dreg:$0x17];
	[sflag:s19] =	ssyncadd.s32 $0xFFFFE000  }
0x102: {  	[spmem:s2] =	stream.indirect.scatter.add.f32 [tilespmem:s30], [sflag:$0x6], $0x80, s14, s28, $0xb8;
	[tilespmem:$0x1F800] =	vst v63  }
0x103: {  	_ =	swait.ge [sflag:s5], $0x2000  }
0x104: {  	[sflag:s5] =	ssyncset.done $0x0  }
0x105: {  	s22 =	rddreg [dreg:$0x18];
	[sflag:s5] =	ssyncadd.s32 $0xFFFFE000  }
0x106: {  	[tilespmem:s29], [sflag:$0x1] =	stream.indirect.gather [hbm4b:s4+s28], $0x80, s22, s28, $0xb8;
	[tilespmem:$0x1F800] =	vst v63  }
0x107: {  	_ =	swait.ge [sflag:s20], $0x2000  }
0x108: {  	[sflag:s20] =	ssyncset.done $0x0  }
0x109: {  	s23 =	rddreg [dreg:$0x19];
	[sflag:s20] =	ssyncadd.s32 $0xFFFFE000  }
0x10a: {  	[spmem:s2] =	stream.indirect.scatter.add.f32 [tilespmem:s31], [sflag:$0x7], $0x80, s23, s28, $0xb8;
	[tilespmem:$0x1F800] =	vst v63  }
0x10b: {  	_ =	swait.ge [sflag:s8], $0x2000  }
0x10c: {  	[sflag:s8] =	ssyncset.done $0x0  }
0x10d: {  	s24 =	rddreg [dreg:$0x1a];
	[sflag:s8] =	ssyncadd.s32 $0xFFFFE000  }
0x10e: {  	[tilespmem:s30], [sflag:$0x2] =	stream.indirect.gather [hbm4b:s4+s28], $0x80, s24, s28, $0xb8;
	[tilespmem:$0x1F800] =	vst v63  }
0x10f: {  	_ =	swait.ge [sflag:s21], $0x2000  }
0x110: {  	[sflag:s21] =	ssyncset.done $0x0  }
0x111: {  	s6 =	rddreg [dreg:$0x1b];
	[sflag:s21] =	ssyncadd.s32 $0xFFFFE000  }
0x112: {  	[spmem:s2] =	stream.indirect.scatter.add.f32 [tilespmem:s0], [sflag:$0x8], $0x80, s6, s28, $0xb8;
	[tilespmem:$0x1F800] =	vst v63  }
0x113: {  	_ =	swait.ge [sflag:s9], $0x2000  }
0x114: {  	[sflag:s9] =	ssyncset.done $0x0  }
0x115: {  	s13 =	rddreg [dreg:$0x1c];
	[sflag:s9] =	ssyncadd.s32 $0xFFFFE000  }
0x116: {  	[tilespmem:s31], [sflag:$0x3] =	stream.indirect.gather [hbm4b:s4+s28], $0x80, s13, s28, $0xb8;
	[tilespmem:$0x1F800] =	vst v63  }
0x117: {  	_ =	swait.ge [sflag:s18], $0x2000  }
0x118: {  	[sflag:s18] =	ssyncset.done $0x0  }
0x119: {  	s14 =	rddreg [dreg:$0x1d];
	[sflag:s18] =	ssyncadd.s32 $0xFFFFE000  }
0x11a: {  	[spmem:s2] =	stream.indirect.scatter.add.f32 [tilespmem:s29], [sflag:$0x5], $0x80, s14, s28, $0xb8;
	[tilespmem:$0x1F800] =	vst v63  }
0x11b: {  	_ =	swait.ge [sflag:s10], $0x2000  }
0x11c: {  	[sflag:s10] =	ssyncset.done $0x0  }
0x11d: {  	s22 =	rddreg [dreg:$0x1e];
	[sflag:s10] =	ssyncadd.s32 $0xFFFFE000  }
0x11e: {  	[tilespmem:s0], [sflag:$0x4] =	stream.indirect.gather [hbm4b:s4+s28], $0x80, s22, s28, $0xb8;
	[tilespmem:$0x1F800] =	vst v63  }
0x11f: {  	_ =	swait.ge [sflag:s19], $0x2000  }
0x120: {  	[sflag:s19] =	ssyncset.done $0x0  }
0x121: {  	s23 =	rddreg [dreg:$0x1f];
	[sflag:s19] =	ssyncadd.s32 $0xFFFFE000  }
0x122: {  	[spmem:s2] =	stream.indirect.scatter.add.f32 [tilespmem:s30], [sflag:$0x6], $0x80, s23, s28, $0xb8;
	[tilespmem:$0x1F800] =	vst v63  }
0x123: {  	_ =	swait.ge [sflag:s5], $0x2000  }
0x124: {  	s24 =	sld [smem:$0x7C5]  }
0x125: {  	[sflag:s5] =	ssyncset.done $0x0  }
0x126: {  	[sflag:s5] =	ssyncadd.s32 $0xFFFFE000  }
0x127: {  	[tilespmem:s29], [sflag:$0x1] =	stream.indirect.gather [hbm4b:s4+s28], $0x80, s24, s28, $0xb8;
	[tilespmem:$0x1F800] =	vst v63  }
0x128: {  	_ =	swait.ge [sflag:s20], $0x2000  }
0x129: {  	s6 =	sld [smem:$0x7C6]  }
0x12a: {  	[sflag:s20] =	ssyncset.done $0x0  }
0x12b: {  	[sflag:s20] =	ssyncadd.s32 $0xFFFFE000  }
0x12c: {  	[spmem:s2] =	stream.indirect.scatter.add.f32 [tilespmem:s31], [sflag:$0x7], $0x80, s6, s28, $0xb8;
	[tilespmem:$0x1F800] =	vst v63  }
0x12d: {  	_ =	swait.ge [sflag:s8], $0x2000  }
0x12e: {  	s13 =	sld [smem:$0x7C7]  }
0x12f: {  	[sflag:s8] =	ssyncset.done $0x0  }
0x130: {  	[sflag:s8] =	ssyncadd.s32 $0xFFFFE000  }
0x131: {  	[tilespmem:s30], [sflag:$0x2] =	stream.indirect.gather [hbm4b:s4+s28], $0x80, s13, s28, $0xb8;
	[tilespmem:$0x1F800] =	vst v63  }
0x132: {  	_ =	swait.ge [sflag:s21], $0x2000  }
0x133: {  	s14 =	sld [smem:$0x7C8]  }
0x134: {  	[sflag:s21] =	ssyncset.done $0x0  }
0x135: {  	[sflag:s21] =	ssyncadd.s32 $0xFFFFE000  }
0x136: {  	[spmem:s2] =	stream.indirect.scatter.add.f32 [tilespmem:s0], [sflag:$0x8], $0x80, s14, s28, $0xb8;
	[tilespmem:$0x1F800] =	vst v63  }
0x137: {  	_ =	swait.ge [sflag:s9], $0x2000  }
0x138: {  	s22 =	sld [smem:$0x7C9]  }
0x139: {  	[sflag:s9] =	ssyncset.done $0x0  }
0x13a: {  	[sflag:s9] =	ssyncadd.s32 $0xFFFFE000  }
0x13b: {  	[tilespmem:s31], [sflag:$0x3] =	stream.indirect.gather [hbm4b:s4+s28], $0x80, s22, s28, $0xb8;
	[tilespmem:$0x1F800] =	vst v63  }
0x13c: {  	_ =	swait.ge [sflag:s18], $0x2000  }
0x13d: {  	s23 =	sld [smem:$0x7CA]  }
0x13e: {  	[sflag:s18] =	ssyncset.done $0x0  }
0x13f: {  	[sflag:s18] =	ssyncadd.s32 $0xFFFFE000  }
0x140: {  	[spmem:s2] =	stream.indirect.scatter.add.f32 [tilespmem:s29], [sflag:$0x5], $0x80, s23, s28, $0xb8;
	[tilespmem:$0x1F800] =	vst v63  }
0x141: {  	_ =	swait.ge [sflag:s10], $0x2000  }
0x142: {  	s24 =	sld [smem:$0x7CB]  }
0x143: {  	[sflag:s10] =	ssyncset.done $0x0  }
0x144: {  	[sflag:s10] =	ssyncadd.s32 $0xFFFFE000  }
0x145: {  	[tilespmem:s0], [sflag:$0x4] =	stream.indirect.gather [hbm4b:s4+s28], $0x80, s24, s28, $0xb8;
	[tilespmem:$0x1F800] =	vst v63  }
0x146: {  	_ =	swait.ge [sflag:s19], $0x2000  }
0x147: {  	s6 =	sld [smem:$0x7CC]  }
0x148: {  	[sflag:s19] =	ssyncset.done $0x0  }
0x149: {  	[sflag:s19] =	ssyncadd.s32 $0xFFFFE000  }
0x14a: {  	[spmem:s2] =	stream.indirect.scatter.add.f32 [tilespmem:s30], [sflag:$0x6], $0x80, s6, s28, $0xb8;
	[tilespmem:$0x1F800] =	vst v63  }
0x14b: {  	_ =	swait.ge [sflag:s20], $0x2000  }
0x14c: {  	s13 =	sld [smem:$0x7CD]  }
0x14d: {  	[sflag:s20] =	ssyncset.done $0x0  }
0x14e: {  	[sflag:s20] =	ssyncadd.s32 $0xFFFFE000  }
0x14f: {  	[spmem:s2] =	stream.indirect.scatter.add.f32 [tilespmem:s31], [sflag:$0x7], $0x80, s13, s28, $0xb8;
	[tilespmem:$0x1F800] =	vst v63  }
0x150: {  	_ =	swait.ge [sflag:s21], $0x2000  }
0x151: {  	s14 =	sld [smem:$0x7CE]  }
0x152: {  	[sflag:s21] =	ssyncset.done $0x0  }
0x153: {  	[sflag:s21] =	ssyncadd.s32 $0xFFFFE000  }
0x154: {  	[spmem:s2] =	stream.indirect.scatter.add.f32 [tilespmem:s0], [sflag:$0x8], $0x80, s14, s28, $0xb8;
	[tilespmem:$0x1F800] =	vst v63  }
0x155: {  	_ =	swait.ge [sflag:s5], $0x2000  }
0x156: {  	[sflag:s5] =	ssyncset.done $0x0  }
0x157: {  	[sflag:s5] =	ssyncadd.s32 $0xFFFFE000  }
0x158: {  	_ =	swait.ge [sflag:s8], $0x2000  }
0x159: {  	[sflag:s8] =	ssyncset.done $0x0  }
0x15a: {  	[sflag:s8] =	ssyncadd.s32 $0xFFFFE000  }
0x15b: {  	_ =	swait.ge [sflag:s9], $0x2000  }
0x15c: {  	[sflag:s9] =	ssyncset.done $0x0  }
0x15d: {  	[sflag:s9] =	ssyncadd.s32 $0xFFFFE000  }
0x15e: {  	_ =	swait.ge [sflag:s10], $0x2000  }
0x15f: {  	[sflag:s10] =	ssyncset.done $0x0  }
0x160: {  	[sflag:s10] =	ssyncadd.s32 $0xFFFFE000  }
0x161: {  	_ =	swait.ge [sflag:s11], $0xA00  }
0x162: {  	[sflag:s11] =	ssyncset.done $0x0  }
0x163: {  	[sflag:s11] =	ssyncadd.s32 $0xFFFFF600  }
0x164: {  	p1 =	por $0x0, $0x0;
	_ =	swait.ge [sflag:s12], $0xA00  }
0x165: {  	s1 =	sadd.s32 @!p1 s7, s15;
	[sflag:s12] =	ssyncset.done $0x0  }
0x166: {  	s6 =	simm.s32 @!p1 $0x0;
	s13 =	simm.s32 @!p1 $0x14000;
	[sflag:s12] =	ssyncadd.s32 $0xFFFFF600  }
0x167: {  	[tilespmem:s13], [sflag:$0x9] =	stream.linear.gather @!p1 [hbm4b:s1+s6], $0xA00, $0x38;
	[tilespmem:$0x1F800] =	vst v63  }
0x168: {  	s1 =	sadd.s32 @!p1 s3, s15;
	s13 =	simm.s32 @!p1 $0x15800  }
0x169: {  	[tilespmem:s13], [sflag:$0xA] =	stream.linear.gather @!p1 [hbm4b:s1+s6], $0xA00, $0x38;
	[tilespmem:$0x1F800] =	vst v63  }
0x16a: {  	s22 =	sld [smem:$0x7CF]  }
0x16b: {  	[tilespmem:s29], [sflag:$0x1] =	stream.indirect.gather [hbm4b:s4+s28], $0x80, s26, s28, $0xb8;
	[tilespmem:$0x1F800] =	vst v63  }
0x16c: {  	s23 =	sld [smem:$0x7D0]  }
0x16d: {  	[tilespmem:s30], [sflag:$0x2] =	stream.indirect.gather [hbm4b:s4+s28], $0x80, s22, s28, $0xb8;
	[tilespmem:$0x1F800] =	vst v63  }
0x16e: {  	_ = 	snop  }
0x16f: {  	[tilespmem:s31], [sflag:$0x3] =	stream.indirect.gather [hbm4b:s4+s28], $0x80, s23, s28, $0xb8;
	[tilespmem:$0x1F800] =	vst v63  }
0x170: {  	_ =	swait.ge [sflag:s18], $0x2000  }
0x171: {  	[sflag:s18] =	ssyncset.done $0x0  }
0x172: {  	s26 =	sld [smem:$0x7D1];
	[sflag:s18] =	ssyncadd.s32 $0xFFFFE000  }
0x173: {  	[spmem:s2] =	stream.indirect.scatter.add.f32 [tilespmem:s29], [sflag:$0x5], $0x80, s25, s28, $0xb8;
	[tilespmem:$0x1F800] =	vst v63  }
0x174: {  	_ = 	snop  }
0x175: {  	[tilespmem:s0], [sflag:$0x4] =	stream.indirect.gather [hbm4b:s4+s28], $0x80, s26, s28, $0xb8;
	[tilespmem:$0x1F800] =	vst v63  }
0x176: {  	_ =	swait.ge [sflag:s19], $0x2000  }
0x177: {  	s6 =	sld [smem:$0x7D2]  }
0x178: {  	[sflag:s19] =	ssyncset.done $0x0  }
0x179: {  	[sflag:s19] =	ssyncadd.s32 $0xFFFFE000  }
0x17a: {  	[spmem:s2] =	stream.indirect.scatter.add.f32 [tilespmem:s30], [sflag:$0x6], $0x80, s6, s28, $0xb8;
	[tilespmem:$0x1F800] =	vst v63  }
0x17b: {  	_ =	swait.ge [sflag:s5], $0x2000  }
0x17c: {  	s24 =	smov.u32 s7;
	s7 =	sld [smem:$0x7D3]  }
0x17d: {  	[sflag:s5] =	ssyncset.done $0x0  }
0x17e: {  	[sflag:s5] =	ssyncadd.s32 $0xFFFFE000  }
0x17f: {  	[tilespmem:s29], [sflag:$0x1] =	stream.indirect.gather [hbm4b:s4+s28], $0x80, s7, s28, $0xb8;
	[tilespmem:$0x1F800] =	vst v63  }
0x180: {  	_ =	swait.ge [sflag:s20], $0x2000  }
0x181: {  	s13 =	sld [smem:$0x7D4]  }
0x182: {  	[sflag:s20] =	ssyncset.done $0x0  }
0x183: {  	[sflag:s20] =	ssyncadd.s32 $0xFFFFE000  }
0x184: {  	[spmem:s2] =	stream.indirect.scatter.add.f32 [tilespmem:s31], [sflag:$0x7], $0x80, s13, s28, $0xb8;
	[tilespmem:$0x1F800] =	vst v63  }
0x185: {  	_ =	swait.ge [sflag:s8], $0x2000  }
0x186: {  	s14 =	sld [smem:$0x7D5]  }
0x187: {  	[sflag:s8] =	ssyncset.done $0x0  }
0x188: {  	[sflag:s8] =	ssyncadd.s32 $0xFFFFE000  }
0x189: {  	[tilespmem:s30], [sflag:$0x2] =	stream.indirect.gather [hbm4b:s4+s28], $0x80, s14, s28, $0xb8;
	[tilespmem:$0x1F800] =	vst v63  }
0x18a: {  	_ =	swait.ge [sflag:s21], $0x2000  }
0x18b: {  	s22 =	sld [smem:$0x7D6]  }
0x18c: {  	[sflag:s21] =	ssyncset.done $0x0  }
0x18d: {  	[sflag:s21] =	ssyncadd.s32 $0xFFFFE000  }
0x18e: {  	[spmem:s2] =	stream.indirect.scatter.add.f32 [tilespmem:s0], [sflag:$0x8], $0x80, s22, s28, $0xb8;
	[tilespmem:$0x1F800] =	vst v63  }
0x18f: {  	_ =	swait.ge [sflag:s9], $0x2000  }
0x190: {  	s23 =	sld [smem:$0x7D7]  }
0x191: {  	[sflag:s9] =	ssyncset.done $0x0  }
0x192: {  	[sflag:s9] =	ssyncadd.s32 $0xFFFFE000  }
0x193: {  	[tilespmem:s31], [sflag:$0x3] =	stream.indirect.gather [hbm4b:s4+s28], $0x80, s23, s28, $0xb8;
	[tilespmem:$0x1F800] =	vst v63  }
0x194: {  	_ =	swait.ge [sflag:s18], $0x2000  }
0x195: {  	s26 =	sld [smem:$0x7D8]  }
0x196: {  	[sflag:s18] =	ssyncset.done $0x0  }
0x197: {  	[sflag:s18] =	ssyncadd.s32 $0xFFFFE000  }
0x198: {  	[spmem:s2] =	stream.indirect.scatter.add.f32 [tilespmem:s29], [sflag:$0x5], $0x80, s26, s28, $0xb8;
	[tilespmem:$0x1F800] =	vst v63  }
0x199: {  	_ =	swait.ge [sflag:s10], $0x2000  }
0x19a: {  	s6 =	sld [smem:$0x7D9]  }
0x19b: {  	[sflag:s10] =	ssyncset.done $0x0  }
0x19c: {  	[sflag:s10] =	ssyncadd.s32 $0xFFFFE000  }
0x19d: {  	[tilespmem:s0], [sflag:$0x4] =	stream.indirect.gather [hbm4b:s4+s28], $0x80, s6, s28, $0xb8;
	[tilespmem:$0x1F800] =	vst v63  }
0x19e: {  	_ =	swait.ge [sflag:s19], $0x2000  }
0x19f: {  	s7 =	sld [smem:$0x7DA]  }
0x1a0: {  	[sflag:s19] =	ssyncset.done $0x0  }
0x1a1: {  	[sflag:s19] =	ssyncadd.s32 $0xFFFFE000  }
0x1a2: {  	[spmem:s2] =	stream.indirect.scatter.add.f32 [tilespmem:s30], [sflag:$0x6], $0x80, s7, s28, $0xb8;
	[tilespmem:$0x1F800] =	vst v63  }
0x1a3: {  	_ =	swait.ge [sflag:s5], $0x2000  }
0x1a4: {  	s13 =	sld [smem:$0x7DB]  }
0x1a5: {  	[sflag:s5] =	ssyncset.done $0x0  }
0x1a6: {  	[sflag:s5] =	ssyncadd.s32 $0xFFFFE000  }
0x1a7: {  	[tilespmem:s29], [sflag:$0x1] =	stream.indirect.gather [hbm4b:s4+s28], $0x80, s13, s28, $0xb8;
	[tilespmem:$0x1F800] =	vst v63  }
0x1a8: {  	_ =	swait.ge [sflag:s20], $0x2000  }
0x1a9: {  	s14 =	sld [smem:$0x7DD]  }
0x1aa: {  	[sflag:s20] =	ssyncset.done $0x0  }
0x1ab: {  	[sflag:s20] =	ssyncadd.s32 $0xFFFFE000  }
0x1ac: {  	[spmem:s2] =	stream.indirect.scatter.add.f32 [tilespmem:s31], [sflag:$0x7], $0x80, s14, s28, $0xb8;
	[tilespmem:$0x1F800] =	vst v63  }
0x1ad: {  	_ =	swait.ge [sflag:s8], $0x2000  }
0x1ae: {  	s22 =	sld [smem:$0x7DE]  }
0x1af: {  	[sflag:s8] =	ssyncset.done $0x0  }
0x1b0: {  	[sflag:s8] =	ssyncadd.s32 $0xFFFFE000  }
0x1b1: {  	[tilespmem:s30], [sflag:$0x2] =	stream.indirect.gather [hbm4b:s4+s28], $0x80, s22, s28, $0xb8;
	[tilespmem:$0x1F800] =	vst v63  }
0x1b2: {  	_ =	swait.ge [sflag:s21], $0x2000  }
0x1b3: {  	s23 =	sld [smem:$0x7E0]  }
0x1b4: {  	[sflag:s21] =	ssyncset.done $0x0  }
0x1b5: {  	[sflag:s21] =	ssyncadd.s32 $0xFFFFE000  }
0x1b6: {  	[spmem:s2] =	stream.indirect.scatter.add.f32 [tilespmem:s0], [sflag:$0x8], $0x80, s23, s28, $0xb8;
	[tilespmem:$0x1F800] =	vst v63  }
0x1b7: {  	_ =	swait.ge [sflag:s9], $0x2000  }
0x1b8: {  	s26 =	sld [smem:$0x7E1]  }
0x1b9: {  	[sflag:s9] =	ssyncset.done $0x0  }
0x1ba: {  	[sflag:s9] =	ssyncadd.s32 $0xFFFFE000  }
0x1bb: {  	[tilespmem:s31], [sflag:$0x3] =	stream.indirect.gather [hbm4b:s4+s28], $0x80, s26, s28, $0xb8;
	[tilespmem:$0x1F800] =	vst v63  }
0x1bc: {  	_ =	swait.ge [sflag:s18], $0x2000  }
0x1bd: {  	s6 =	sld [smem:$0x7E3]  }
0x1be: {  	[sflag:s18] =	ssyncset.done $0x0  }
0x1bf: {  	[sflag:s18] =	ssyncadd.s32 $0xFFFFE000  }
0x1c0: {  	[spmem:s2] =	stream.indirect.scatter.add.f32 [tilespmem:s29], [sflag:$0x5], $0x80, s6, s28, $0xb8;
	[tilespmem:$0x1F800] =	vst v63  }
0x1c1: {  	_ =	swait.ge [sflag:s10], $0x2000  }
0x1c2: {  	s7 =	sld [smem:$0x7E6]  }
0x1c3: {  	[sflag:s10] =	ssyncset.done $0x0  }
0x1c4: {  	[sflag:s10] =	ssyncadd.s32 $0xFFFFE000  }
0x1c5: {  	[tilespmem:s0], [sflag:$0x4] =	stream.indirect.gather [hbm4b:s4+s28], $0x80, s7, s28, $0xb8;
	[tilespmem:$0x1F800] =	vst v63  }
0x1c6: {  	_ =	swait.ge [sflag:s19], $0x2000  }
0x1c7: {  	s13 =	sld [smem:$0x7E8]  }
0x1c8: {  	[sflag:s19] =	ssyncset.done $0x0  }
0x1c9: {  	[sflag:s19] =	ssyncadd.s32 $0xFFFFE000  }
0x1ca: {  	[spmem:s2] =	stream.indirect.scatter.add.f32 [tilespmem:s30], [sflag:$0x6], $0x80, s13, s28, $0xb8;
	[tilespmem:$0x1F800] =	vst v63  }
0x1cb: {  	_ =	swait.ge [sflag:s5], $0x2000  }
0x1cc: {  	s14 =	sld [smem:$0x7EA]  }
0x1cd: {  	[sflag:s5] =	ssyncset.done $0x0  }
0x1ce: {  	[sflag:s5] =	ssyncadd.s32 $0xFFFFE000  }
0x1cf: {  	[tilespmem:s29], [sflag:$0x1] =	stream.indirect.gather [hbm4b:s4+s28], $0x80, s14, s28, $0xb8;
	[tilespmem:$0x1F800] =	vst v63  }
0x1d0: {  	_ =	swait.ge [sflag:s20], $0x2000  }
0x1d1: {  	s22 =	sld [smem:$0x7EB]  }
0x1d2: {  	[sflag:s20] =	ssyncset.done $0x0  }
0x1d3: {  	[sflag:s20] =	ssyncadd.s32 $0xFFFFE000  }
0x1d4: {  	[spmem:s2] =	stream.indirect.scatter.add.f32 [tilespmem:s31], [sflag:$0x7], $0x80, s22, s28, $0xb8;
	[tilespmem:$0x1F800] =	vst v63  }
0x1d5: {  	_ =	swait.ge [sflag:s8], $0x2000  }
0x1d6: {  	s23 =	sld [smem:$0x7EC]  }
0x1d7: {  	[sflag:s8] =	ssyncset.done $0x0  }
0x1d8: {  	[sflag:s8] =	ssyncadd.s32 $0xFFFFE000  }
0x1d9: {  	[tilespmem:s30], [sflag:$0x2] =	stream.indirect.gather [hbm4b:s4+s28], $0x80, s23, s28, $0xb8;
	[tilespmem:$0x1F800] =	vst v63  }
0x1da: {  	_ =	swait.ge [sflag:s21], $0x2000  }
0x1db: {  	s26 =	sld [smem:$0x7EE]  }
0x1dc: {  	[sflag:s21] =	ssyncset.done $0x0  }
0x1dd: {  	[sflag:s21] =	ssyncadd.s32 $0xFFFFE000  }
0x1de: {  	[spmem:s2] =	stream.indirect.scatter.add.f32 [tilespmem:s0], [sflag:$0x8], $0x80, s26, s28, $0xb8;
	[tilespmem:$0x1F800] =	vst v63  }
0x1df: {  	_ =	swait.ge [sflag:s9], $0x2000  }
0x1e0: {  	s6 =	sld [smem:$0x7EF]  }
0x1e1: {  	[sflag:s9] =	ssyncset.done $0x0  }
0x1e2: {  	[sflag:s9] =	ssyncadd.s32 $0xFFFFE000  }
0x1e3: {  	[tilespmem:s31], [sflag:$0x3] =	stream.indirect.gather [hbm4b:s4+s28], $0x80, s6, s28, $0xb8;
	[tilespmem:$0x1F800] =	vst v63  }
0x1e4: {  	_ =	swait.ge [sflag:s18], $0x2000  }
0x1e5: {  	s7 =	sld [smem:$0x7F0]  }
0x1e6: {  	[sflag:s18] =	ssyncset.done $0x0  }
0x1e7: {  	[sflag:s18] =	ssyncadd.s32 $0xFFFFE000  }
0x1e8: {  	[spmem:s2] =	stream.indirect.scatter.add.f32 [tilespmem:s29], [sflag:$0x5], $0x80, s7, s28, $0xb8;
	[tilespmem:$0x1F800] =	vst v63  }
0x1e9: {  	_ =	swait.ge [sflag:s10], $0x2000  }
0x1ea: {  	s13 =	sld [smem:$0x7F1]  }
0x1eb: {  	[sflag:s10] =	ssyncset.done $0x0  }
0x1ec: {  	[sflag:s10] =	ssyncadd.s32 $0xFFFFE000  }
0x1ed: {  	[tilespmem:s0], [sflag:$0x4] =	stream.indirect.gather [hbm4b:s4+s28], $0x80, s13, s28, $0xb8;
	[tilespmem:$0x1F800] =	vst v63  }
0x1ee: {  	_ =	swait.ge [sflag:s19], $0x2000  }
0x1ef: {  	s14 =	sld [smem:$0x7F2]  }
0x1f0: {  	[sflag:s19] =	ssyncset.done $0x0  }
0x1f1: {  	[sflag:s19] =	ssyncadd.s32 $0xFFFFE000  }
0x1f2: {  	[spmem:s2] =	stream.indirect.scatter.add.f32 [tilespmem:s30], [sflag:$0x6], $0x80, s14, s28, $0xb8;
	[tilespmem:$0x1F800] =	vst v63  }
0x1f3: {  	_ =	swait.ge [sflag:s5], $0x2000  }
0x1f4: {  	s22 =	sld [smem:$0x7F3]  }
0x1f5: {  	[sflag:s5] =	ssyncset.done $0x0  }
0x1f6: {  	[sflag:s5] =	ssyncadd.s32 $0xFFFFE000  }
0x1f7: {  	[tilespmem:s29], [sflag:$0x1] =	stream.indirect.gather [hbm4b:s4+s28], $0x80, s22, s28, $0xb8;
	[tilespmem:$0x1F800] =	vst v63  }
0x1f8: {  	_ =	swait.ge [sflag:s20], $0x2000  }
0x1f9: {  	s23 =	sld [smem:$0x7F4]  }
0x1fa: {  	[sflag:s20] =	ssyncset.done $0x0  }
0x1fb: {  	[sflag:s20] =	ssyncadd.s32 $0xFFFFE000  }
0x1fc: {  	[spmem:s2] =	stream.indirect.scatter.add.f32 [tilespmem:s31], [sflag:$0x7], $0x80, s23, s28, $0xb8;
	[tilespmem:$0x1F800] =	vst v63  }
0x1fd: {  	_ =	swait.ge [sflag:s8], $0x2000  }
0x1fe: {  	s26 =	sld [smem:$0x7F5]  }
0x1ff: {  	[sflag:s8] =	ssyncset.done $0x0  }
0x200: {  	[sflag:s8] =	ssyncadd.s32 $0xFFFFE000  }
0x201: {  	[tilespmem:s30], [sflag:$0x2] =	stream.indirect.gather [hbm4b:s4+s28], $0x80, s26, s28, $0xb8;
	[tilespmem:$0x1F800] =	vst v63  }
0x202: {  	_ =	swait.ge [sflag:s21], $0x2000  }
0x203: {  	s6 =	sld [smem:$0x7F6]  }
0x204: {  	[sflag:s21] =	ssyncset.done $0x0  }
0x205: {  	[sflag:s21] =	ssyncadd.s32 $0xFFFFE000  }
0x206: {  	[spmem:s2] =	stream.indirect.scatter.add.f32 [tilespmem:s0], [sflag:$0x8], $0x80, s6, s28, $0xb8;
	[tilespmem:$0x1F800] =	vst v63  }
0x207: {  	_ =	swait.ge [sflag:s9], $0x2000  }
0x208: {  	s7 =	sld [smem:$0x7F7]  }
0x209: {  	[sflag:s9] =	ssyncset.done $0x0  }
0x20a: {  	[sflag:s9] =	ssyncadd.s32 $0xFFFFE000  }
0x20b: {  	[tilespmem:s31], [sflag:$0x3] =	stream.indirect.gather [hbm4b:s4+s28], $0x80, s7, s28, $0xb8;
	[tilespmem:$0x1F800] =	vst v63  }
0x20c: {  	_ =	swait.ge [sflag:s18], $0x2000  }
0x20d: {  	s13 =	sld [smem:$0x7F8]  }
0x20e: {  	[sflag:s18] =	ssyncset.done $0x0  }
0x20f: {  	[sflag:s18] =	ssyncadd.s32 $0xFFFFE000  }
0x210: {  	[spmem:s2] =	stream.indirect.scatter.add.f32 [tilespmem:s29], [sflag:$0x5], $0x80, s13, s28, $0xb8;
	[tilespmem:$0x1F800] =	vst v63  }
0x211: {  	_ =	swait.ge [sflag:s10], $0x2000  }
0x212: {  	s14 =	sld [smem:$0x7F9]  }
0x213: {  	[sflag:s10] =	ssyncset.done $0x0  }
0x214: {  	[sflag:s10] =	ssyncadd.s32 $0xFFFFE000  }
0x215: {  	[tilespmem:s0], [sflag:$0x4] =	stream.indirect.gather [hbm4b:s4+s28], $0x80, s14, s28, $0xb8;
	[tilespmem:$0x1F800] =	vst v63  }
0x216: {  	_ =	swait.ge [sflag:s19], $0x2000  }
0x217: {  	s22 =	sld [smem:$0x7FA]  }
0x218: {  	[sflag:s19] =	ssyncset.done $0x0  }
0x219: {  	[sflag:s19] =	ssyncadd.s32 $0xFFFFE000  }
0x21a: {  	[spmem:s2] =	stream.indirect.scatter.add.f32 [tilespmem:s30], [sflag:$0x6], $0x80, s22, s28, $0xb8;
	[tilespmem:$0x1F800] =	vst v63  }
0x21b: {  	_ =	swait.ge [sflag:s20], $0x2000  }
0x21c: {  	s23 =	sld [smem:$0x7FB]  }
0x21d: {  	[sflag:s20] =	ssyncset.done $0x0  }
0x21e: {  	[sflag:s20] =	ssyncadd.s32 $0xFFFFE000  }
0x21f: {  	[spmem:s2] =	stream.indirect.scatter.add.f32 [tilespmem:s31], [sflag:$0x7], $0x80, s23, s28, $0xb8;
	[tilespmem:$0x1F800] =	vst v63  }
0x220: {  	_ =	swait.ge [sflag:s21], $0x2000  }
0x221: {  	s26 =	sld [smem:$0x7FC]  }
0x222: {  	[sflag:s21] =	ssyncset.done $0x0  }
0x223: {  	[sflag:s21] =	ssyncadd.s32 $0xFFFFE000  }
0x224: {  	[spmem:s2] =	stream.indirect.scatter.add.f32 [tilespmem:s0], [sflag:$0x8], $0x80, s26, s28, $0xb8;
	[tilespmem:$0x1F800] =	vst v63  }
0x225: {  	_ =	swait.ge [sflag:s5], $0x2000  }
0x226: {  	[sflag:s5] =	ssyncset.done $0x0  }
0x227: {  	[sflag:s5] =	ssyncadd.s32 $0xFFFFE000  }
0x228: {  	_ =	swait.ge [sflag:s8], $0x2000  }
0x229: {  	[sflag:s8] =	ssyncset.done $0x0  }
0x22a: {  	[sflag:s8] =	ssyncadd.s32 $0xFFFFE000  }
0x22b: {  	_ =	swait.ge [sflag:s9], $0x2000  }
0x22c: {  	[sflag:s9] =	ssyncset.done $0x0  }
0x22d: {  	[sflag:s9] =	ssyncadd.s32 $0xFFFFE000  }
0x22e: {  	_ =	swait.ge [sflag:s10], $0x2000  }
0x22f: {  	[sflag:s10] =	ssyncset.done $0x0  }
0x230: {  	s6 =	simm.s32 @!p1 $0x9;
	[sflag:s10] =	ssyncadd.s32 $0xFFFFE000  }
0x231: {  	s1 =	simm.s32 $0x1;
	_ =	swait.ge @!p1 [sflag:s6], $0xA00  }
0x232: {  	s7 =	simm.s32 $0x0;
	s14 =	sadd.s32 $0x300, s3;
	[sflag:s6] =	ssyncset.done @!p1 $0x0  }
0x233: {  	s22 =	simm.s32 @!p1 $0xA;
	s23 =	simm.s32 $0x2;
	[sflag:s6] =	ssyncadd.s32 @!p1 $0xFFFFF600  }
0x234: {  	s26 =	simm.s32 $0x14C00;
	s6 =	sadd.s32 $0x300, s24;
	_ =	swait.ge @!p1 [sflag:s22], $0xA00  }
.LBB2_6:
0x235: {  	[sflag:s22] =	ssyncset.done @!p1 $0x0  }
0x236: {  	s24 =	sadd.s32 s6, s16;
	[sflag:s22] =	ssyncadd.s32 @!p1 $0xFFFFF600  }
0x237: {  	[tilespmem:s26], [sflag:$0x9] =	stream.linear.gather [hbm4b:s24+s7], $0xA00, $0x38;
	[tilespmem:$0x1F800] =	vst v63  }
0x238: {  	s3 =	sadd.s32 s14, s16  }
0x239: {  	[tilespmem:s25], [sflag:$0xA] =	stream.linear.gather [hbm4b:s3+s7], $0xA00, $0x38;
	[tilespmem:$0x1F800] =	vst v63  }
0x23a: {  	s3 =	simm.s32 $0x14000  }
0x23b: {  	[tilespmem:s29], [sflag:$0x1] =	stream.indirect.gather [hbm4b:s4+s28], $0x80, s3, s28, $0xb8;
	[tilespmem:$0x1F800] =	vst v63  }
0x23c: {  	s24 =	rddreg [dreg:$0x4]  }
0x23d: {  	[tilespmem:s30], [sflag:$0x2] =	stream.indirect.gather [hbm4b:s4+s28], $0x80, s24, s28, $0xb8;
	[tilespmem:$0x1F800] =	vst v63  }
0x23e: {  	s3 =	rddreg [dreg:$0x5]  }
0x23f: {  	[tilespmem:s31], [sflag:$0x3] =	stream.indirect.gather [hbm4b:s4+s28], $0x80, s3, s28, $0xb8;
	[tilespmem:$0x1F800] =	vst v63  }
0x240: {  	_ =	swait.ge [sflag:s18], $0x2000  }
0x241: {  	[sflag:s18] =	ssyncset.done $0x0  }
0x242: {  	s24 =	simm.s32 $0x15800;
	[sflag:s18] =	ssyncadd.s32 $0xFFFFE000  }
0x243: {  	[spmem:s2] =	stream.indirect.scatter.add.f32 [tilespmem:s29], [sflag:$0x5], $0x80, s24, s28, $0xb8;
	[tilespmem:$0x1F800] =	vst v63  }
0x244: {  	s22 =	rddreg [dreg:$0x6]  }
0x245: {  	[tilespmem:s0], [sflag:$0x4] =	stream.indirect.gather [hbm4b:s4+s28], $0x80, s22, s28, $0xb8;
	[tilespmem:$0x1F800] =	vst v63  }
0x246: {  	_ =	swait.ge [sflag:s19], $0x2000  }
0x247: {  	[sflag:s19] =	ssyncset.done $0x0  }
0x248: {  	s3 =	rddreg [dreg:$0x7];
	[sflag:s19] =	ssyncadd.s32 $0xFFFFE000  }
0x249: {  	[spmem:s2] =	stream.indirect.scatter.add.f32 [tilespmem:s30], [sflag:$0x6], $0x80, s3, s28, $0xb8;
	[tilespmem:$0x1F800] =	vst v63  }
0x24a: {  	_ =	swait.ge [sflag:s5], $0x2000  }
0x24b: {  	[sflag:s5] =	ssyncset.done $0x0  }
0x24c: {  	s24 =	rddreg [dreg:$0x8];
	[sflag:s5] =	ssyncadd.s32 $0xFFFFE000  }
0x24d: {  	[tilespmem:s29], [sflag:$0x1] =	stream.indirect.gather [hbm4b:s4+s28], $0x80, s24, s28, $0xb8;
	[tilespmem:$0x1F800] =	vst v63  }
0x24e: {  	_ =	swait.ge [sflag:s20], $0x2000  }
0x24f: {  	[sflag:s20] =	ssyncset.done $0x0  }
0x250: {  	s3 =	rddreg [dreg:$0x9];
	[sflag:s20] =	ssyncadd.s32 $0xFFFFE000  }
0x251: {  	[spmem:s2] =	stream.indirect.scatter.add.f32 [tilespmem:s31], [sflag:$0x7], $0x80, s3, s28, $0xb8;
	[tilespmem:$0x1F800] =	vst v63  }
0x252: {  	_ =	swait.ge [sflag:s8], $0x2000  }
0x253: {  	[sflag:s8] =	ssyncset.done $0x0  }
0x254: {  	s24 =	rddreg [dreg:$0xa];
	[sflag:s8] =	ssyncadd.s32 $0xFFFFE000  }
0x255: {  	[tilespmem:s30], [sflag:$0x2] =	stream.indirect.gather [hbm4b:s4+s28], $0x80, s24, s28, $0xb8;
	[tilespmem:$0x1F800] =	vst v63  }
0x256: {  	_ =	swait.ge [sflag:s21], $0x2000  }
0x257: {  	[sflag:s21] =	ssyncset.done $0x0  }
0x258: {  	s3 =	rddreg [dreg:$0xb];
	[sflag:s21] =	ssyncadd.s32 $0xFFFFE000  }
0x259: {  	[spmem:s2] =	stream.indirect.scatter.add.f32 [tilespmem:s0], [sflag:$0x8], $0x80, s3, s28, $0xb8;
	[tilespmem:$0x1F800] =	vst v63  }
0x25a: {  	_ =	swait.ge [sflag:s9], $0x2000  }
0x25b: {  	[sflag:s9] =	ssyncset.done $0x0  }
0x25c: {  	s24 =	rddreg [dreg:$0xc];
	[sflag:s9] =	ssyncadd.s32 $0xFFFFE000  }
0x25d: {  	[tilespmem:s31], [sflag:$0x3] =	stream.indirect.gather [hbm4b:s4+s28], $0x80, s24, s28, $0xb8;
	[tilespmem:$0x1F800] =	vst v63  }
0x25e: {  	_ =	swait.ge [sflag:s18], $0x2000  }
0x25f: {  	[sflag:s18] =	ssyncset.done $0x0  }
0x260: {  	s3 =	rddreg [dreg:$0xd];
	[sflag:s18] =	ssyncadd.s32 $0xFFFFE000  }
0x261: {  	[spmem:s2] =	stream.indirect.scatter.add.f32 [tilespmem:s29], [sflag:$0x5], $0x80, s3, s28, $0xb8;
	[tilespmem:$0x1F800] =	vst v63  }
0x262: {  	_ =	swait.ge [sflag:s10], $0x2000  }
0x263: {  	[sflag:s10] =	ssyncset.done $0x0  }
0x264: {  	s24 =	rddreg [dreg:$0xe];
	[sflag:s10] =	ssyncadd.s32 $0xFFFFE000  }
0x265: {  	[tilespmem:s0], [sflag:$0x4] =	stream.indirect.gather [hbm4b:s4+s28], $0x80, s24, s28, $0xb8;
	[tilespmem:$0x1F800] =	vst v63  }
0x266: {  	_ =	swait.ge [sflag:s19], $0x2000  }
0x267: {  	[sflag:s19] =	ssyncset.done $0x0  }
0x268: {  	s3 =	rddreg [dreg:$0xf];
	[sflag:s19] =	ssyncadd.s32 $0xFFFFE000  }
0x269: {  	[spmem:s2] =	stream.indirect.scatter.add.f32 [tilespmem:s30], [sflag:$0x6], $0x80, s3, s28, $0xb8;
	[tilespmem:$0x1F800] =	vst v63  }
0x26a: {  	_ =	swait.ge [sflag:s5], $0x2000  }
0x26b: {  	[sflag:s5] =	ssyncset.done $0x0  }
0x26c: {  	s24 =	rddreg [dreg:$0x10];
	[sflag:s5] =	ssyncadd.s32 $0xFFFFE000  }
0x26d: {  	[tilespmem:s29], [sflag:$0x1] =	stream.indirect.gather [hbm4b:s4+s28], $0x80, s24, s28, $0xb8;
	[tilespmem:$0x1F800] =	vst v63  }
0x26e: {  	_ =	swait.ge [sflag:s20], $0x2000  }
0x26f: {  	[sflag:s20] =	ssyncset.done $0x0  }
0x270: {  	s3 =	rddreg [dreg:$0x11];
	[sflag:s20] =	ssyncadd.s32 $0xFFFFE000  }
0x271: {  	[spmem:s2] =	stream.indirect.scatter.add.f32 [tilespmem:s31], [sflag:$0x7], $0x80, s3, s28, $0xb8;
	[tilespmem:$0x1F800] =	vst v63  }
0x272: {  	_ =	swait.ge [sflag:s8], $0x2000  }
0x273: {  	[sflag:s8] =	ssyncset.done $0x0  }
0x274: {  	s24 =	rddreg [dreg:$0x12];
	[sflag:s8] =	ssyncadd.s32 $0xFFFFE000  }
0x275: {  	[tilespmem:s30], [sflag:$0x2] =	stream.indirect.gather [hbm4b:s4+s28], $0x80, s24, s28, $0xb8;
	[tilespmem:$0x1F800] =	vst v63  }
0x276: {  	_ =	swait.ge [sflag:s21], $0x2000  }
0x277: {  	[sflag:s21] =	ssyncset.done $0x0  }
0x278: {  	s3 =	rddreg [dreg:$0x13];
	[sflag:s21] =	ssyncadd.s32 $0xFFFFE000  }
0x279: {  	[spmem:s2] =	stream.indirect.scatter.add.f32 [tilespmem:s0], [sflag:$0x8], $0x80, s3, s28, $0xb8;
	[tilespmem:$0x1F800] =	vst v63  }
0x27a: {  	_ =	swait.ge [sflag:s9], $0x2000  }
0x27b: {  	[sflag:s9] =	ssyncset.done $0x0  }
0x27c: {  	s24 =	rddreg [dreg:$0x14];
	[sflag:s9] =	ssyncadd.s32 $0xFFFFE000  }
0x27d: {  	[tilespmem:s31], [sflag:$0x3] =	stream.indirect.gather [hbm4b:s4+s28], $0x80, s24, s28, $0xb8;
	[tilespmem:$0x1F800] =	vst v63  }
0x27e: {  	_ =	swait.ge [sflag:s18], $0x2000  }
0x27f: {  	[sflag:s18] =	ssyncset.done $0x0  }
0x280: {  	s3 =	rddreg [dreg:$0x15];
	[sflag:s18] =	ssyncadd.s32 $0xFFFFE000  }
0x281: {  	[spmem:s2] =	stream.indirect.scatter.add.f32 [tilespmem:s29], [sflag:$0x5], $0x80, s3, s28, $0xb8;
	[tilespmem:$0x1F800] =	vst v63  }
0x282: {  	_ =	swait.ge [sflag:s10], $0x2000  }
0x283: {  	[sflag:s10] =	ssyncset.done $0x0  }
0x284: {  	s24 =	rddreg [dreg:$0x16];
	[sflag:s10] =	ssyncadd.s32 $0xFFFFE000  }
0x285: {  	[tilespmem:s0], [sflag:$0x4] =	stream.indirect.gather [hbm4b:s4+s28], $0x80, s24, s28, $0xb8;
	[tilespmem:$0x1F800] =	vst v63  }
0x286: {  	_ =	swait.ge [sflag:s19], $0x2000  }
0x287: {  	[sflag:s19] =	ssyncset.done $0x0  }
0x288: {  	s3 =	rddreg [dreg:$0x17];
	[sflag:s19] =	ssyncadd.s32 $0xFFFFE000  }
0x289: {  	[spmem:s2] =	stream.indirect.scatter.add.f32 [tilespmem:s30], [sflag:$0x6], $0x80, s3, s28, $0xb8;
	[tilespmem:$0x1F800] =	vst v63  }
0x28a: {  	_ =	swait.ge [sflag:s5], $0x2000  }
0x28b: {  	[sflag:s5] =	ssyncset.done $0x0  }
0x28c: {  	s24 =	rddreg [dreg:$0x18];
	[sflag:s5] =	ssyncadd.s32 $0xFFFFE000  }
0x28d: {  	[tilespmem:s29], [sflag:$0x1] =	stream.indirect.gather [hbm4b:s4+s28], $0x80, s24, s28, $0xb8;
	[tilespmem:$0x1F800] =	vst v63  }
0x28e: {  	_ =	swait.ge [sflag:s20], $0x2000  }
0x28f: {  	[sflag:s20] =	ssyncset.done $0x0  }
0x290: {  	s3 =	rddreg [dreg:$0x19];
	[sflag:s20] =	ssyncadd.s32 $0xFFFFE000  }
0x291: {  	[spmem:s2] =	stream.indirect.scatter.add.f32 [tilespmem:s31], [sflag:$0x7], $0x80, s3, s28, $0xb8;
	[tilespmem:$0x1F800] =	vst v63  }
0x292: {  	_ =	swait.ge [sflag:s8], $0x2000  }
0x293: {  	[sflag:s8] =	ssyncset.done $0x0  }
0x294: {  	s24 =	rddreg [dreg:$0x1a];
	[sflag:s8] =	ssyncadd.s32 $0xFFFFE000  }
0x295: {  	[tilespmem:s30], [sflag:$0x2] =	stream.indirect.gather [hbm4b:s4+s28], $0x80, s24, s28, $0xb8;
	[tilespmem:$0x1F800] =	vst v63  }
0x296: {  	_ =	swait.ge [sflag:s21], $0x2000  }
0x297: {  	[sflag:s21] =	ssyncset.done $0x0  }
0x298: {  	s3 =	rddreg [dreg:$0x1b];
	[sflag:s21] =	ssyncadd.s32 $0xFFFFE000  }
0x299: {  	[spmem:s2] =	stream.indirect.scatter.add.f32 [tilespmem:s0], [sflag:$0x8], $0x80, s3, s28, $0xb8;
	[tilespmem:$0x1F800] =	vst v63  }
0x29a: {  	_ =	swait.ge [sflag:s9], $0x2000  }
0x29b: {  	[sflag:s9] =	ssyncset.done $0x0  }
0x29c: {  	s24 =	rddreg [dreg:$0x1c];
	[sflag:s9] =	ssyncadd.s32 $0xFFFFE000  }
0x29d: {  	[tilespmem:s31], [sflag:$0x3] =	stream.indirect.gather [hbm4b:s4+s28], $0x80, s24, s28, $0xb8;
	[tilespmem:$0x1F800] =	vst v63  }
0x29e: {  	_ =	swait.ge [sflag:s18], $0x2000  }
0x29f: {  	[sflag:s18] =	ssyncset.done $0x0  }
0x2a0: {  	s3 =	rddreg [dreg:$0x1d];
	[sflag:s18] =	ssyncadd.s32 $0xFFFFE000  }
0x2a1: {  	[spmem:s2] =	stream.indirect.scatter.add.f32 [tilespmem:s29], [sflag:$0x5], $0x80, s3, s28, $0xb8;
	[tilespmem:$0x1F800] =	vst v63  }
0x2a2: {  	_ =	swait.ge [sflag:s10], $0x2000  }
0x2a3: {  	[sflag:s10] =	ssyncset.done $0x0  }
0x2a4: {  	s24 =	rddreg [dreg:$0x1e];
	[sflag:s10] =	ssyncadd.s32 $0xFFFFE000  }
0x2a5: {  	[tilespmem:s0], [sflag:$0x4] =	stream.indirect.gather [hbm4b:s4+s28], $0x80, s24, s28, $0xb8;
	[tilespmem:$0x1F800] =	vst v63  }
0x2a6: {  	_ =	swait.ge [sflag:s19], $0x2000  }
0x2a7: {  	[sflag:s19] =	ssyncset.done $0x0  }
0x2a8: {  	s3 =	rddreg [dreg:$0x1f];
	[sflag:s19] =	ssyncadd.s32 $0xFFFFE000  }
0x2a9: {  	[spmem:s2] =	stream.indirect.scatter.add.f32 [tilespmem:s30], [sflag:$0x6], $0x80, s3, s28, $0xb8;
	[tilespmem:$0x1F800] =	vst v63  }
0x2aa: {  	_ =	swait.ge [sflag:s5], $0x2000  }
0x2ab: {  	s24 =	sld [smem:$0x7C5]  }
0x2ac: {  	[sflag:s5] =	ssyncset.done $0x0  }
0x2ad: {  	[sflag:s5] =	ssyncadd.s32 $0xFFFFE000  }
0x2ae: {  	[tilespmem:s29], [sflag:$0x1] =	stream.indirect.gather [hbm4b:s4+s28], $0x80, s24, s28, $0xb8;
	[tilespmem:$0x1F800] =	vst v63  }
0x2af: {  	_ =	swait.ge [sflag:s20], $0x2000  }
0x2b0: {  	s3 =	sld [smem:$0x7C6]  }
0x2b1: {  	[sflag:s20] =	ssyncset.done $0x0  }
0x2b2: {  	[sflag:s20] =	ssyncadd.s32 $0xFFFFE000  }
0x2b3: {  	[spmem:s2] =	stream.indirect.scatter.add.f32 [tilespmem:s31], [sflag:$0x7], $0x80, s3, s28, $0xb8;
	[tilespmem:$0x1F800] =	vst v63  }
0x2b4: {  	_ =	swait.ge [sflag:s8], $0x2000  }
0x2b5: {  	s24 =	sld [smem:$0x7C7]  }
0x2b6: {  	[sflag:s8] =	ssyncset.done $0x0  }
0x2b7: {  	[sflag:s8] =	ssyncadd.s32 $0xFFFFE000  }
0x2b8: {  	[tilespmem:s30], [sflag:$0x2] =	stream.indirect.gather [hbm4b:s4+s28], $0x80, s24, s28, $0xb8;
	[tilespmem:$0x1F800] =	vst v63  }
0x2b9: {  	_ =	swait.ge [sflag:s21], $0x2000  }
0x2ba: {  	s3 =	sld [smem:$0x7C8]  }
0x2bb: {  	[sflag:s21] =	ssyncset.done $0x0  }
0x2bc: {  	[sflag:s21] =	ssyncadd.s32 $0xFFFFE000  }
0x2bd: {  	[spmem:s2] =	stream.indirect.scatter.add.f32 [tilespmem:s0], [sflag:$0x8], $0x80, s3, s28, $0xb8;
	[tilespmem:$0x1F800] =	vst v63  }
0x2be: {  	_ =	swait.ge [sflag:s9], $0x2000  }
0x2bf: {  	s24 =	sld [smem:$0x7C9]  }
0x2c0: {  	[sflag:s9] =	ssyncset.done $0x0  }
0x2c1: {  	[sflag:s9] =	ssyncadd.s32 $0xFFFFE000  }
0x2c2: {  	[tilespmem:s31], [sflag:$0x3] =	stream.indirect.gather [hbm4b:s4+s28], $0x80, s24, s28, $0xb8;
	[tilespmem:$0x1F800] =	vst v63  }
0x2c3: {  	_ =	swait.ge [sflag:s18], $0x2000  }
0x2c4: {  	s3 =	sld [smem:$0x7CA]  }
0x2c5: {  	[sflag:s18] =	ssyncset.done $0x0  }
0x2c6: {  	[sflag:s18] =	ssyncadd.s32 $0xFFFFE000  }
0x2c7: {  	[spmem:s2] =	stream.indirect.scatter.add.f32 [tilespmem:s29], [sflag:$0x5], $0x80, s3, s28, $0xb8;
	[tilespmem:$0x1F800] =	vst v63  }
0x2c8: {  	_ =	swait.ge [sflag:s10], $0x2000  }
0x2c9: {  	s24 =	sld [smem:$0x7CB]  }
0x2ca: {  	[sflag:s10] =	ssyncset.done $0x0  }
0x2cb: {  	[sflag:s10] =	ssyncadd.s32 $0xFFFFE000  }
0x2cc: {  	[tilespmem:s0], [sflag:$0x4] =	stream.indirect.gather [hbm4b:s4+s28], $0x80, s24, s28, $0xb8;
	[tilespmem:$0x1F800] =	vst v63  }
0x2cd: {  	_ =	swait.ge [sflag:s19], $0x2000  }
0x2ce: {  	s3 =	sld [smem:$0x7CC]  }
0x2cf: {  	[sflag:s19] =	ssyncset.done $0x0  }
0x2d0: {  	[sflag:s19] =	ssyncadd.s32 $0xFFFFE000  }
0x2d1: {  	[spmem:s2] =	stream.indirect.scatter.add.f32 [tilespmem:s30], [sflag:$0x6], $0x80, s3, s28, $0xb8;
	[tilespmem:$0x1F800] =	vst v63  }
0x2d2: {  	_ =	swait.ge [sflag:s20], $0x2000  }
0x2d3: {  	s24 =	sld [smem:$0x7CD]  }
0x2d4: {  	[sflag:s20] =	ssyncset.done $0x0  }
0x2d5: {  	[sflag:s20] =	ssyncadd.s32 $0xFFFFE000  }
0x2d6: {  	[spmem:s2] =	stream.indirect.scatter.add.f32 [tilespmem:s31], [sflag:$0x7], $0x80, s24, s28, $0xb8;
	[tilespmem:$0x1F800] =	vst v63  }
0x2d7: {  	_ =	swait.ge [sflag:s21], $0x2000  }
0x2d8: {  	s3 =	sld [smem:$0x7CE]  }
0x2d9: {  	[sflag:s21] =	ssyncset.done $0x0  }
0x2da: {  	[sflag:s21] =	ssyncadd.s32 $0xFFFFE000  }
0x2db: {  	[spmem:s2] =	stream.indirect.scatter.add.f32 [tilespmem:s0], [sflag:$0x8], $0x80, s3, s28, $0xb8;
	[tilespmem:$0x1F800] =	vst v63  }
0x2dc: {  	_ =	swait.ge [sflag:s5], $0x2000  }
0x2dd: {  	[sflag:s5] =	ssyncset.done $0x0  }
0x2de: {  	[sflag:s5] =	ssyncadd.s32 $0xFFFFE000  }
0x2df: {  	_ =	swait.ge [sflag:s8], $0x2000  }
0x2e0: {  	[sflag:s8] =	ssyncset.done $0x0  }
0x2e1: {  	[sflag:s8] =	ssyncadd.s32 $0xFFFFE000  }
0x2e2: {  	_ =	swait.ge [sflag:s9], $0x2000  }
0x2e3: {  	[sflag:s9] =	ssyncset.done $0x0  }
0x2e4: {  	[sflag:s9] =	ssyncadd.s32 $0xFFFFE000  }
0x2e5: {  	_ =	swait.ge [sflag:s10], $0x2000  }
0x2e6: {  	[sflag:s10] =	ssyncset.done $0x0  }
0x2e7: {  	[sflag:s10] =	ssyncadd.s32 $0xFFFFE000  }
0x2e8: {  	_ =	swait.ge [sflag:s11], $0xA00  }
0x2e9: {  	[sflag:s11] =	ssyncset.done $0x0  }
0x2ea: {  	[sflag:s11] =	ssyncadd.s32 $0xFFFFF600  }
0x2eb: {  	s13 =	smov.u32 s23;
	p1 =	sgt.u32 s1, $0x2;
	_ =	swait.ge [sflag:s12], $0xA00  }
0x2ec: {  	s1 =	smov.u32 s13;
	s13 =	sadd.s32 @!p1 s6, s15;
	[sflag:s12] =	ssyncset.done $0x0  }
0x2ed: {  	s22 =	simm.s32 @!p1 $0x0;
	s24 =	simm.s32 @!p1 $0x14000;
	[sflag:s12] =	ssyncadd.s32 $0xFFFFF600  }
0x2ee: {  	[tilespmem:s24], [sflag:$0x9] =	stream.linear.gather @!p1 [hbm4b:s13+s22], $0xA00, $0x38;
	[tilespmem:$0x1F800] =	vst v63  }
0x2ef: {  	s3 =	sadd.s32 @!p1 s14, s15;
	s13 =	simm.s32 @!p1 $0x15800  }
0x2f0: {  	[tilespmem:s13], [sflag:$0xA] =	stream.linear.gather @!p1 [hbm4b:s3+s22], $0xA00, $0x38;
	[tilespmem:$0x1F800] =	vst v63  }
0x2f1: {  	s22 =	sld [smem:$0x7CF]  }
0x2f2: {  	[tilespmem:s29], [sflag:$0x1] =	stream.indirect.gather [hbm4b:s4+s28], $0x80, s26, s28, $0xb8;
	[tilespmem:$0x1F800] =	vst v63  }
0x2f3: {  	s24 =	sld [smem:$0x7D0]  }
0x2f4: {  	[tilespmem:s30], [sflag:$0x2] =	stream.indirect.gather [hbm4b:s4+s28], $0x80, s22, s28, $0xb8;
	[tilespmem:$0x1F800] =	vst v63  }
0x2f5: {  	_ = 	snop  }
0x2f6: {  	[tilespmem:s31], [sflag:$0x3] =	stream.indirect.gather [hbm4b:s4+s28], $0x80, s24, s28, $0xb8;
	[tilespmem:$0x1F800] =	vst v63  }
0x2f7: {  	_ =	swait.ge [sflag:s18], $0x2000  }
0x2f8: {  	[sflag:s18] =	ssyncset.done $0x0  }
0x2f9: {  	s13 =	sld [smem:$0x7D1];
	[sflag:s18] =	ssyncadd.s32 $0xFFFFE000  }
0x2fa: {  	[spmem:s2] =	stream.indirect.scatter.add.f32 [tilespmem:s29], [sflag:$0x5], $0x80, s25, s28, $0xb8;
	[tilespmem:$0x1F800] =	vst v63  }
0x2fb: {  	_ = 	snop  }
0x2fc: {  	[tilespmem:s0], [sflag:$0x4] =	stream.indirect.gather [hbm4b:s4+s28], $0x80, s13, s28, $0xb8;
	[tilespmem:$0x1F800] =	vst v63  }
0x2fd: {  	_ =	swait.ge [sflag:s19], $0x2000  }
0x2fe: {  	s22 =	sld [smem:$0x7D2]  }
0x2ff: {  	[sflag:s19] =	ssyncset.done $0x0  }
0x300: {  	[sflag:s19] =	ssyncadd.s32 $0xFFFFE000  }
0x301: {  	[spmem:s2] =	stream.indirect.scatter.add.f32 [tilespmem:s30], [sflag:$0x6], $0x80, s22, s28, $0xb8;
	[tilespmem:$0x1F800] =	vst v63  }
0x302: {  	_ =	swait.ge [sflag:s5], $0x2000  }
0x303: {  	s24 =	sld [smem:$0x7D3]  }
0x304: {  	[sflag:s5] =	ssyncset.done $0x0  }
0x305: {  	[sflag:s5] =	ssyncadd.s32 $0xFFFFE000  }
0x306: {  	[tilespmem:s29], [sflag:$0x1] =	stream.indirect.gather [hbm4b:s4+s28], $0x80, s24, s28, $0xb8;
	[tilespmem:$0x1F800] =	vst v63  }
0x307: {  	_ =	swait.ge [sflag:s20], $0x2000  }
0x308: {  	s13 =	sld [smem:$0x7D4]  }
0x309: {  	[sflag:s20] =	ssyncset.done $0x0  }
0x30a: {  	[sflag:s20] =	ssyncadd.s32 $0xFFFFE000  }
0x30b: {  	[spmem:s2] =	stream.indirect.scatter.add.f32 [tilespmem:s31], [sflag:$0x7], $0x80, s13, s28, $0xb8;
	[tilespmem:$0x1F800] =	vst v63  }
0x30c: {  	_ =	swait.ge [sflag:s8], $0x2000  }
0x30d: {  	s22 =	sld [smem:$0x7D5]  }
0x30e: {  	[sflag:s8] =	ssyncset.done $0x0  }
0x30f: {  	[sflag:s8] =	ssyncadd.s32 $0xFFFFE000  }
0x310: {  	[tilespmem:s30], [sflag:$0x2] =	stream.indirect.gather [hbm4b:s4+s28], $0x80, s22, s28, $0xb8;
	[tilespmem:$0x1F800] =	vst v63  }
0x311: {  	_ =	swait.ge [sflag:s21], $0x2000  }
0x312: {  	s24 =	sld [smem:$0x7D6]  }
0x313: {  	[sflag:s21] =	ssyncset.done $0x0  }
0x314: {  	[sflag:s21] =	ssyncadd.s32 $0xFFFFE000  }
0x315: {  	[spmem:s2] =	stream.indirect.scatter.add.f32 [tilespmem:s0], [sflag:$0x8], $0x80, s24, s28, $0xb8;
	[tilespmem:$0x1F800] =	vst v63  }
0x316: {  	_ =	swait.ge [sflag:s9], $0x2000  }
0x317: {  	s13 =	sld [smem:$0x7D7]  }
0x318: {  	[sflag:s9] =	ssyncset.done $0x0  }
0x319: {  	[sflag:s9] =	ssyncadd.s32 $0xFFFFE000  }
0x31a: {  	[tilespmem:s31], [sflag:$0x3] =	stream.indirect.gather [hbm4b:s4+s28], $0x80, s13, s28, $0xb8;
	[tilespmem:$0x1F800] =	vst v63  }
0x31b: {  	_ =	swait.ge [sflag:s18], $0x2000  }
0x31c: {  	s22 =	sld [smem:$0x7D8]  }
0x31d: {  	[sflag:s18] =	ssyncset.done $0x0  }
0x31e: {  	[sflag:s18] =	ssyncadd.s32 $0xFFFFE000  }
0x31f: {  	[spmem:s2] =	stream.indirect.scatter.add.f32 [tilespmem:s29], [sflag:$0x5], $0x80, s22, s28, $0xb8;
	[tilespmem:$0x1F800] =	vst v63  }
0x320: {  	_ =	swait.ge [sflag:s10], $0x2000  }
0x321: {  	s24 =	sld [smem:$0x7D9]  }
0x322: {  	[sflag:s10] =	ssyncset.done $0x0  }
0x323: {  	[sflag:s10] =	ssyncadd.s32 $0xFFFFE000  }
0x324: {  	[tilespmem:s0], [sflag:$0x4] =	stream.indirect.gather [hbm4b:s4+s28], $0x80, s24, s28, $0xb8;
	[tilespmem:$0x1F800] =	vst v63  }
0x325: {  	_ =	swait.ge [sflag:s19], $0x2000  }
0x326: {  	s13 =	sld [smem:$0x7DA]  }
0x327: {  	[sflag:s19] =	ssyncset.done $0x0  }
0x328: {  	[sflag:s19] =	ssyncadd.s32 $0xFFFFE000  }
0x329: {  	[spmem:s2] =	stream.indirect.scatter.add.f32 [tilespmem:s30], [sflag:$0x6], $0x80, s13, s28, $0xb8;
	[tilespmem:$0x1F800] =	vst v63  }
0x32a: {  	_ =	swait.ge [sflag:s5], $0x2000  }
0x32b: {  	s22 =	sld [smem:$0x7DB]  }
0x32c: {  	[sflag:s5] =	ssyncset.done $0x0  }
0x32d: {  	[sflag:s5] =	ssyncadd.s32 $0xFFFFE000  }
0x32e: {  	[tilespmem:s29], [sflag:$0x1] =	stream.indirect.gather [hbm4b:s4+s28], $0x80, s22, s28, $0xb8;
	[tilespmem:$0x1F800] =	vst v63  }
0x32f: {  	_ =	swait.ge [sflag:s20], $0x2000  }
0x330: {  	s24 =	sld [smem:$0x7DD]  }
0x331: {  	[sflag:s20] =	ssyncset.done $0x0  }
0x332: {  	[sflag:s20] =	ssyncadd.s32 $0xFFFFE000  }
0x333: {  	[spmem:s2] =	stream.indirect.scatter.add.f32 [tilespmem:s31], [sflag:$0x7], $0x80, s24, s28, $0xb8;
	[tilespmem:$0x1F800] =	vst v63  }
0x334: {  	_ =	swait.ge [sflag:s8], $0x2000  }
0x335: {  	s13 =	sld [smem:$0x7DE]  }
0x336: {  	[sflag:s8] =	ssyncset.done $0x0  }
0x337: {  	[sflag:s8] =	ssyncadd.s32 $0xFFFFE000  }
0x338: {  	[tilespmem:s30], [sflag:$0x2] =	stream.indirect.gather [hbm4b:s4+s28], $0x80, s13, s28, $0xb8;
	[tilespmem:$0x1F800] =	vst v63  }
0x339: {  	_ =	swait.ge [sflag:s21], $0x2000  }
0x33a: {  	s22 =	sld [smem:$0x7E0]  }
0x33b: {  	[sflag:s21] =	ssyncset.done $0x0  }
0x33c: {  	[sflag:s21] =	ssyncadd.s32 $0xFFFFE000  }
0x33d: {  	[spmem:s2] =	stream.indirect.scatter.add.f32 [tilespmem:s0], [sflag:$0x8], $0x80, s22, s28, $0xb8;
	[tilespmem:$0x1F800] =	vst v63  }
0x33e: {  	_ =	swait.ge [sflag:s9], $0x2000  }
0x33f: {  	s24 =	sld [smem:$0x7E1]  }
0x340: {  	[sflag:s9] =	ssyncset.done $0x0  }
0x341: {  	[sflag:s9] =	ssyncadd.s32 $0xFFFFE000  }
0x342: {  	[tilespmem:s31], [sflag:$0x3] =	stream.indirect.gather [hbm4b:s4+s28], $0x80, s24, s28, $0xb8;
	[tilespmem:$0x1F800] =	vst v63  }
0x343: {  	_ =	swait.ge [sflag:s18], $0x2000  }
0x344: {  	s13 =	sld [smem:$0x7E3]  }
0x345: {  	[sflag:s18] =	ssyncset.done $0x0  }
0x346: {  	[sflag:s18] =	ssyncadd.s32 $0xFFFFE000  }
0x347: {  	[spmem:s2] =	stream.indirect.scatter.add.f32 [tilespmem:s29], [sflag:$0x5], $0x80, s13, s28, $0xb8;
	[tilespmem:$0x1F800] =	vst v63  }
0x348: {  	_ =	swait.ge [sflag:s10], $0x2000  }
0x349: {  	s22 =	sld [smem:$0x7E6]  }
0x34a: {  	[sflag:s10] =	ssyncset.done $0x0  }
0x34b: {  	[sflag:s10] =	ssyncadd.s32 $0xFFFFE000  }
0x34c: {  	[tilespmem:s0], [sflag:$0x4] =	stream.indirect.gather [hbm4b:s4+s28], $0x80, s22, s28, $0xb8;
	[tilespmem:$0x1F800] =	vst v63  }
0x34d: {  	_ =	swait.ge [sflag:s19], $0x2000  }
0x34e: {  	s24 =	sld [smem:$0x7E8]  }
0x34f: {  	[sflag:s19] =	ssyncset.done $0x0  }
0x350: {  	[sflag:s19] =	ssyncadd.s32 $0xFFFFE000  }
0x351: {  	[spmem:s2] =	stream.indirect.scatter.add.f32 [tilespmem:s30], [sflag:$0x6], $0x80, s24, s28, $0xb8;
	[tilespmem:$0x1F800] =	vst v63  }
0x352: {  	_ =	swait.ge [sflag:s5], $0x2000  }
0x353: {  	s13 =	sld [smem:$0x7EA]  }
0x354: {  	[sflag:s5] =	ssyncset.done $0x0  }
0x355: {  	[sflag:s5] =	ssyncadd.s32 $0xFFFFE000  }
0x356: {  	[tilespmem:s29], [sflag:$0x1] =	stream.indirect.gather [hbm4b:s4+s28], $0x80, s13, s28, $0xb8;
	[tilespmem:$0x1F800] =	vst v63  }
0x357: {  	_ =	swait.ge [sflag:s20], $0x2000  }
0x358: {  	s22 =	sld [smem:$0x7EB]  }
0x359: {  	[sflag:s20] =	ssyncset.done $0x0  }
0x35a: {  	[sflag:s20] =	ssyncadd.s32 $0xFFFFE000  }
0x35b: {  	[spmem:s2] =	stream.indirect.scatter.add.f32 [tilespmem:s31], [sflag:$0x7], $0x80, s22, s28, $0xb8;
	[tilespmem:$0x1F800] =	vst v63  }
0x35c: {  	_ =	swait.ge [sflag:s8], $0x2000  }
0x35d: {  	s24 =	sld [smem:$0x7EC]  }
0x35e: {  	[sflag:s8] =	ssyncset.done $0x0  }
0x35f: {  	[sflag:s8] =	ssyncadd.s32 $0xFFFFE000  }
0x360: {  	[tilespmem:s30], [sflag:$0x2] =	stream.indirect.gather [hbm4b:s4+s28], $0x80, s24, s28, $0xb8;
	[tilespmem:$0x1F800] =	vst v63  }
0x361: {  	_ =	swait.ge [sflag:s21], $0x2000  }
0x362: {  	s13 =	sld [smem:$0x7EE]  }
0x363: {  	[sflag:s21] =	ssyncset.done $0x0  }
0x364: {  	[sflag:s21] =	ssyncadd.s32 $0xFFFFE000  }
0x365: {  	[spmem:s2] =	stream.indirect.scatter.add.f32 [tilespmem:s0], [sflag:$0x8], $0x80, s13, s28, $0xb8;
	[tilespmem:$0x1F800] =	vst v63  }
0x366: {  	_ =	swait.ge [sflag:s9], $0x2000  }
0x367: {  	s22 =	sld [smem:$0x7EF]  }
0x368: {  	[sflag:s9] =	ssyncset.done $0x0  }
0x369: {  	[sflag:s9] =	ssyncadd.s32 $0xFFFFE000  }
0x36a: {  	[tilespmem:s31], [sflag:$0x3] =	stream.indirect.gather [hbm4b:s4+s28], $0x80, s22, s28, $0xb8;
	[tilespmem:$0x1F800] =	vst v63  }
0x36b: {  	_ =	swait.ge [sflag:s18], $0x2000  }
0x36c: {  	s24 =	sld [smem:$0x7F0]  }
0x36d: {  	[sflag:s18] =	ssyncset.done $0x0  }
0x36e: {  	[sflag:s18] =	ssyncadd.s32 $0xFFFFE000  }
0x36f: {  	[spmem:s2] =	stream.indirect.scatter.add.f32 [tilespmem:s29], [sflag:$0x5], $0x80, s24, s28, $0xb8;
	[tilespmem:$0x1F800] =	vst v63  }
0x370: {  	_ =	swait.ge [sflag:s10], $0x2000  }
0x371: {  	s13 =	sld [smem:$0x7F1]  }
0x372: {  	[sflag:s10] =	ssyncset.done $0x0  }
0x373: {  	[sflag:s10] =	ssyncadd.s32 $0xFFFFE000  }
0x374: {  	[tilespmem:s0], [sflag:$0x4] =	stream.indirect.gather [hbm4b:s4+s28], $0x80, s13, s28, $0xb8;
	[tilespmem:$0x1F800] =	vst v63  }
0x375: {  	_ =	swait.ge [sflag:s19], $0x2000  }
0x376: {  	s22 =	sld [smem:$0x7F2]  }
0x377: {  	[sflag:s19] =	ssyncset.done $0x0  }
0x378: {  	[sflag:s19] =	ssyncadd.s32 $0xFFFFE000  }
0x379: {  	[spmem:s2] =	stream.indirect.scatter.add.f32 [tilespmem:s30], [sflag:$0x6], $0x80, s22, s28, $0xb8;
	[tilespmem:$0x1F800] =	vst v63  }
0x37a: {  	_ =	swait.ge [sflag:s5], $0x2000  }
0x37b: {  	s24 =	sld [smem:$0x7F3]  }
0x37c: {  	[sflag:s5] =	ssyncset.done $0x0  }
0x37d: {  	[sflag:s5] =	ssyncadd.s32 $0xFFFFE000  }
0x37e: {  	[tilespmem:s29], [sflag:$0x1] =	stream.indirect.gather [hbm4b:s4+s28], $0x80, s24, s28, $0xb8;
	[tilespmem:$0x1F800] =	vst v63  }
0x37f: {  	_ =	swait.ge [sflag:s20], $0x2000  }
0x380: {  	s13 =	sld [smem:$0x7F4]  }
0x381: {  	[sflag:s20] =	ssyncset.done $0x0  }
0x382: {  	[sflag:s20] =	ssyncadd.s32 $0xFFFFE000  }
0x383: {  	[spmem:s2] =	stream.indirect.scatter.add.f32 [tilespmem:s31], [sflag:$0x7], $0x80, s13, s28, $0xb8;
	[tilespmem:$0x1F800] =	vst v63  }
0x384: {  	_ =	swait.ge [sflag:s8], $0x2000  }
0x385: {  	s22 =	sld [smem:$0x7F5]  }
0x386: {  	[sflag:s8] =	ssyncset.done $0x0  }
0x387: {  	[sflag:s8] =	ssyncadd.s32 $0xFFFFE000  }
0x388: {  	[tilespmem:s30], [sflag:$0x2] =	stream.indirect.gather [hbm4b:s4+s28], $0x80, s22, s28, $0xb8;
	[tilespmem:$0x1F800] =	vst v63  }
0x389: {  	_ =	swait.ge [sflag:s21], $0x2000  }
0x38a: {  	s24 =	sld [smem:$0x7F6]  }
0x38b: {  	[sflag:s21] =	ssyncset.done $0x0  }
0x38c: {  	[sflag:s21] =	ssyncadd.s32 $0xFFFFE000  }
0x38d: {  	[spmem:s2] =	stream.indirect.scatter.add.f32 [tilespmem:s0], [sflag:$0x8], $0x80, s24, s28, $0xb8;
	[tilespmem:$0x1F800] =	vst v63  }
0x38e: {  	_ =	swait.ge [sflag:s9], $0x2000  }
0x38f: {  	s13 =	sld [smem:$0x7F7]  }
0x390: {  	[sflag:s9] =	ssyncset.done $0x0  }
0x391: {  	[sflag:s9] =	ssyncadd.s32 $0xFFFFE000  }
0x392: {  	[tilespmem:s31], [sflag:$0x3] =	stream.indirect.gather [hbm4b:s4+s28], $0x80, s13, s28, $0xb8;
	[tilespmem:$0x1F800] =	vst v63  }
0x393: {  	_ =	swait.ge [sflag:s18], $0x2000  }
0x394: {  	s22 =	sld [smem:$0x7F8]  }
0x395: {  	[sflag:s18] =	ssyncset.done $0x0  }
0x396: {  	[sflag:s18] =	ssyncadd.s32 $0xFFFFE000  }
0x397: {  	[spmem:s2] =	stream.indirect.scatter.add.f32 [tilespmem:s29], [sflag:$0x5], $0x80, s22, s28, $0xb8;
	[tilespmem:$0x1F800] =	vst v63  }
0x398: {  	_ =	swait.ge [sflag:s10], $0x2000  }
0x399: {  	s24 =	sld [smem:$0x7F9]  }
0x39a: {  	[sflag:s10] =	ssyncset.done $0x0  }
0x39b: {  	[sflag:s10] =	ssyncadd.s32 $0xFFFFE000  }
0x39c: {  	[tilespmem:s0], [sflag:$0x4] =	stream.indirect.gather [hbm4b:s4+s28], $0x80, s24, s28, $0xb8;
	[tilespmem:$0x1F800] =	vst v63  }
0x39d: {  	_ =	swait.ge [sflag:s19], $0x2000  }
0x39e: {  	s13 =	sld [smem:$0x7FA]  }
0x39f: {  	[sflag:s19] =	ssyncset.done $0x0  }
0x3a0: {  	[sflag:s19] =	ssyncadd.s32 $0xFFFFE000  }
0x3a1: {  	[spmem:s2] =	stream.indirect.scatter.add.f32 [tilespmem:s30], [sflag:$0x6], $0x80, s13, s28, $0xb8;
	[tilespmem:$0x1F800] =	vst v63  }
0x3a2: {  	_ =	swait.ge [sflag:s20], $0x2000  }
0x3a3: {  	s22 =	sld [smem:$0x7FB]  }
0x3a4: {  	[sflag:s20] =	ssyncset.done $0x0  }
0x3a5: {  	[sflag:s20] =	ssyncadd.s32 $0xFFFFE000  }
0x3a6: {  	[spmem:s2] =	stream.indirect.scatter.add.f32 [tilespmem:s31], [sflag:$0x7], $0x80, s22, s28, $0xb8;
	[tilespmem:$0x1F800] =	vst v63  }
0x3a7: {  	_ =	swait.ge [sflag:s21], $0x2000  }
0x3a8: {  	s24 =	sld [smem:$0x7FC]  }
0x3a9: {  	[sflag:s21] =	ssyncset.done $0x0  }
0x3aa: {  	[sflag:s21] =	ssyncadd.s32 $0xFFFFE000  }
0x3ab: {  	[spmem:s2] =	stream.indirect.scatter.add.f32 [tilespmem:s0], [sflag:$0x8], $0x80, s24, s28, $0xb8;
	[tilespmem:$0x1F800] =	vst v63  }
0x3ac: {  	_ =	swait.ge [sflag:s5], $0x2000  }
0x3ad: {  	[sflag:s5] =	ssyncset.done $0x0  }
0x3ae: {  	[sflag:s5] =	ssyncadd.s32 $0xFFFFE000  }
0x3af: {  	_ =	swait.ge [sflag:s8], $0x2000  }
0x3b0: {  	[sflag:s8] =	ssyncset.done $0x0  }
0x3b1: {  	[sflag:s8] =	ssyncadd.s32 $0xFFFFE000  }
0x3b2: {  	_ =	swait.ge [sflag:s9], $0x2000  }
0x3b3: {  	[sflag:s9] =	ssyncset.done $0x0  }
0x3b4: {  	[sflag:s9] =	ssyncadd.s32 $0xFFFFE000  }
0x3b5: {  	s23 =	sadd.s32 $0x1, s23;
	_ =	swait.ge [sflag:s10], $0x2000  }
0x3b6: {  	p0 =	sne.s32 s23, $0x4;
	[sflag:s10] =	ssyncset.done $0x0  }
.Ltmp2:
0x3b7: {  	s3 =	simm.s32 @!p1 $0x9;
	[sflag:s10] =	ssyncadd.s32 $0xFFFFE000;
	(pc) =	sbr.rel @p0 .LBB2_6-.Ltmp2, $4  }
0x3b8: {  	_ =	swait.ge @!p1 [sflag:s3], $0xA00  }
0x3b9: {  	[sflag:s3] =	ssyncset.done @!p1 $0x0  }
0x3ba: {  	s22 =	simm.s32 @!p1 $0xA;
	[sflag:s3] =	ssyncadd.s32 @!p1 $0xFFFFF600  }
0x3bb: {  	s6 =	sadd.s32 $0x300, s6;
	s14 =	sadd.s32 $0x300, s14;
	_ =	swait.ge @!p1 [sflag:s22], $0xA00  }
0x3bc: {  	[sflag:s22] =	ssyncset.done @!p1 $0x0  }
0x3bd: {  	s3 =	sadd.s32 s6, s16;
	[sflag:s22] =	ssyncadd.s32 @!p1 $0xFFFFF600  }
0x3be: {  	[tilespmem:s26], [sflag:$0x9] =	stream.linear.gather [hbm4b:s3+s7], $0xA00, $0x38;
	[tilespmem:$0x1F800] =	vst v63  }
0x3bf: {  	s23 =	sadd.s32 s14, s16  }
0x3c0: {  	[tilespmem:s25], [sflag:$0xA] =	stream.linear.gather [hbm4b:s23+s7], $0xA00, $0x38;
	[tilespmem:$0x1F800] =	vst v63  }
0x3c1: {  	s22 =	simm.s32 $0x14000  }
0x3c2: {  	[tilespmem:s29], [sflag:$0x1] =	stream.indirect.gather [hbm4b:s4+s28], $0x80, s22, s28, $0xb8;
	[tilespmem:$0x1F800] =	vst v63  }
0x3c3: {  	s24 =	rddreg [dreg:$0x4]  }
0x3c4: {  	[tilespmem:s30], [sflag:$0x2] =	stream.indirect.gather [hbm4b:s4+s28], $0x80, s24, s28, $0xb8;
	[tilespmem:$0x1F800] =	vst v63  }
0x3c5: {  	s13 =	rddreg [dreg:$0x5]  }
0x3c6: {  	[tilespmem:s31], [sflag:$0x3] =	stream.indirect.gather [hbm4b:s4+s28], $0x80, s13, s28, $0xb8;
	[tilespmem:$0x1F800] =	vst v63  }
0x3c7: {  	_ =	swait.ge [sflag:s18], $0x2000  }
0x3c8: {  	[sflag:s18] =	ssyncset.done $0x0  }
0x3c9: {  	s24 =	simm.s32 $0x15800;
	[sflag:s18] =	ssyncadd.s32 $0xFFFFE000  }
0x3ca: {  	[spmem:s2] =	stream.indirect.scatter.add.f32 [tilespmem:s29], [sflag:$0x5], $0x80, s24, s28, $0xb8;
	[tilespmem:$0x1F800] =	vst v63  }
0x3cb: {  	s23 =	rddreg [dreg:$0x6]  }
0x3cc: {  	[tilespmem:s0], [sflag:$0x4] =	stream.indirect.gather [hbm4b:s4+s28], $0x80, s23, s28, $0xb8;
	[tilespmem:$0x1F800] =	vst v63  }
0x3cd: {  	_ =	swait.ge [sflag:s19], $0x2000  }
0x3ce: {  	[sflag:s19] =	ssyncset.done $0x0  }
0x3cf: {  	s7 =	rddreg [dreg:$0x7];
	[sflag:s19] =	ssyncadd.s32 $0xFFFFE000  }
0x3d0: {  	[spmem:s2] =	stream.indirect.scatter.add.f32 [tilespmem:s30], [sflag:$0x6], $0x80, s7, s28, $0xb8;
	[tilespmem:$0x1F800] =	vst v63  }
0x3d1: {  	_ =	swait.ge [sflag:s5], $0x2000  }
0x3d2: {  	[sflag:s5] =	ssyncset.done $0x0  }
0x3d3: {  	s13 =	rddreg [dreg:$0x8];
	[sflag:s5] =	ssyncadd.s32 $0xFFFFE000  }
0x3d4: {  	[tilespmem:s29], [sflag:$0x1] =	stream.indirect.gather [hbm4b:s4+s28], $0x80, s13, s28, $0xb8;
	[tilespmem:$0x1F800] =	vst v63  }
0x3d5: {  	_ =	swait.ge [sflag:s20], $0x2000  }
0x3d6: {  	[sflag:s20] =	ssyncset.done $0x0  }
0x3d7: {  	s22 =	rddreg [dreg:$0x9];
	[sflag:s20] =	ssyncadd.s32 $0xFFFFE000  }
0x3d8: {  	[spmem:s2] =	stream.indirect.scatter.add.f32 [tilespmem:s31], [sflag:$0x7], $0x80, s22, s28, $0xb8;
	[tilespmem:$0x1F800] =	vst v63  }
0x3d9: {  	_ =	swait.ge [sflag:s8], $0x2000  }
0x3da: {  	[sflag:s8] =	ssyncset.done $0x0  }
0x3db: {  	s23 =	rddreg [dreg:$0xa];
	[sflag:s8] =	ssyncadd.s32 $0xFFFFE000  }
0x3dc: {  	[tilespmem:s30], [sflag:$0x2] =	stream.indirect.gather [hbm4b:s4+s28], $0x80, s23, s28, $0xb8;
	[tilespmem:$0x1F800] =	vst v63  }
0x3dd: {  	_ =	swait.ge [sflag:s21], $0x2000  }
0x3de: {  	[sflag:s21] =	ssyncset.done $0x0  }
0x3df: {  	s24 =	rddreg [dreg:$0xb];
	[sflag:s21] =	ssyncadd.s32 $0xFFFFE000  }
0x3e0: {  	[spmem:s2] =	stream.indirect.scatter.add.f32 [tilespmem:s0], [sflag:$0x8], $0x80, s24, s28, $0xb8;
	[tilespmem:$0x1F800] =	vst v63  }
0x3e1: {  	_ =	swait.ge [sflag:s9], $0x2000  }
0x3e2: {  	[sflag:s9] =	ssyncset.done $0x0  }
0x3e3: {  	s7 =	rddreg [dreg:$0xc];
	[sflag:s9] =	ssyncadd.s32 $0xFFFFE000  }
0x3e4: {  	[tilespmem:s31], [sflag:$0x3] =	stream.indirect.gather [hbm4b:s4+s28], $0x80, s7, s28, $0xb8;
	[tilespmem:$0x1F800] =	vst v63  }
0x3e5: {  	_ =	swait.ge [sflag:s18], $0x2000  }
0x3e6: {  	[sflag:s18] =	ssyncset.done $0x0  }
0x3e7: {  	s13 =	rddreg [dreg:$0xd];
	[sflag:s18] =	ssyncadd.s32 $0xFFFFE000  }
0x3e8: {  	[spmem:s2] =	stream.indirect.scatter.add.f32 [tilespmem:s29], [sflag:$0x5], $0x80, s13, s28, $0xb8;
	[tilespmem:$0x1F800] =	vst v63  }
0x3e9: {  	_ =	swait.ge [sflag:s10], $0x2000  }
0x3ea: {  	[sflag:s10] =	ssyncset.done $0x0  }
0x3eb: {  	s22 =	rddreg [dreg:$0xe];
	[sflag:s10] =	ssyncadd.s32 $0xFFFFE000  }
0x3ec: {  	[tilespmem:s0], [sflag:$0x4] =	stream.indirect.gather [hbm4b:s4+s28], $0x80, s22, s28, $0xb8;
	[tilespmem:$0x1F800] =	vst v63  }
0x3ed: {  	_ =	swait.ge [sflag:s19], $0x2000  }
0x3ee: {  	[sflag:s19] =	ssyncset.done $0x0  }
0x3ef: {  	s23 =	rddreg [dreg:$0xf];
	[sflag:s19] =	ssyncadd.s32 $0xFFFFE000  }
0x3f0: {  	[spmem:s2] =	stream.indirect.scatter.add.f32 [tilespmem:s30], [sflag:$0x6], $0x80, s23, s28, $0xb8;
	[tilespmem:$0x1F800] =	vst v63  }
0x3f1: {  	_ =	swait.ge [sflag:s5], $0x2000  }
0x3f2: {  	[sflag:s5] =	ssyncset.done $0x0  }
0x3f3: {  	s24 =	rddreg [dreg:$0x10];
	[sflag:s5] =	ssyncadd.s32 $0xFFFFE000  }
0x3f4: {  	[tilespmem:s29], [sflag:$0x1] =	stream.indirect.gather [hbm4b:s4+s28], $0x80, s24, s28, $0xb8;
	[tilespmem:$0x1F800] =	vst v63  }
0x3f5: {  	_ =	swait.ge [sflag:s20], $0x2000  }
0x3f6: {  	[sflag:s20] =	ssyncset.done $0x0  }
0x3f7: {  	s7 =	rddreg [dreg:$0x11];
	[sflag:s20] =	ssyncadd.s32 $0xFFFFE000  }
0x3f8: {  	[spmem:s2] =	stream.indirect.scatter.add.f32 [tilespmem:s31], [sflag:$0x7], $0x80, s7, s28, $0xb8;
	[tilespmem:$0x1F800] =	vst v63  }
0x3f9: {  	_ =	swait.ge [sflag:s8], $0x2000  }
0x3fa: {  	[sflag:s8] =	ssyncset.done $0x0  }
0x3fb: {  	s13 =	rddreg [dreg:$0x12];
	[sflag:s8] =	ssyncadd.s32 $0xFFFFE000  }
0x3fc: {  	[tilespmem:s30], [sflag:$0x2] =	stream.indirect.gather [hbm4b:s4+s28], $0x80, s13, s28, $0xb8;
	[tilespmem:$0x1F800] =	vst v63  }
0x3fd: {  	_ =	swait.ge [sflag:s21], $0x2000  }
0x3fe: {  	[sflag:s21] =	ssyncset.done $0x0  }
0x3ff: {  	s22 =	rddreg [dreg:$0x13];
	[sflag:s21] =	ssyncadd.s32 $0xFFFFE000  }
0x400: {  	[spmem:s2] =	stream.indirect.scatter.add.f32 [tilespmem:s0], [sflag:$0x8], $0x80, s22, s28, $0xb8;
	[tilespmem:$0x1F800] =	vst v63  }
0x401: {  	_ =	swait.ge [sflag:s9], $0x2000  }
0x402: {  	[sflag:s9] =	ssyncset.done $0x0  }
0x403: {  	s23 =	rddreg [dreg:$0x14];
	[sflag:s9] =	ssyncadd.s32 $0xFFFFE000  }
0x404: {  	[tilespmem:s31], [sflag:$0x3] =	stream.indirect.gather [hbm4b:s4+s28], $0x80, s23, s28, $0xb8;
	[tilespmem:$0x1F800] =	vst v63  }
0x405: {  	_ =	swait.ge [sflag:s18], $0x2000  }
0x406: {  	[sflag:s18] =	ssyncset.done $0x0  }
0x407: {  	s24 =	rddreg [dreg:$0x15];
	[sflag:s18] =	ssyncadd.s32 $0xFFFFE000  }
0x408: {  	[spmem:s2] =	stream.indirect.scatter.add.f32 [tilespmem:s29], [sflag:$0x5], $0x80, s24, s28, $0xb8;
	[tilespmem:$0x1F800] =	vst v63  }
0x409: {  	_ =	swait.ge [sflag:s10], $0x2000  }
0x40a: {  	[sflag:s10] =	ssyncset.done $0x0  }
0x40b: {  	s7 =	rddreg [dreg:$0x16];
	[sflag:s10] =	ssyncadd.s32 $0xFFFFE000  }
0x40c: {  	[tilespmem:s0], [sflag:$0x4] =	stream.indirect.gather [hbm4b:s4+s28], $0x80, s7, s28, $0xb8;
	[tilespmem:$0x1F800] =	vst v63  }
0x40d: {  	_ =	swait.ge [sflag:s19], $0x2000  }
0x40e: {  	[sflag:s19] =	ssyncset.done $0x0  }
0x40f: {  	s13 =	rddreg [dreg:$0x17];
	[sflag:s19] =	ssyncadd.s32 $0xFFFFE000  }
0x410: {  	[spmem:s2] =	stream.indirect.scatter.add.f32 [tilespmem:s30], [sflag:$0x6], $0x80, s13, s28, $0xb8;
	[tilespmem:$0x1F800] =	vst v63  }
0x411: {  	_ =	swait.ge [sflag:s5], $0x2000  }
0x412: {  	[sflag:s5] =	ssyncset.done $0x0  }
0x413: {  	s22 =	rddreg [dreg:$0x18];
	[sflag:s5] =	ssyncadd.s32 $0xFFFFE000  }
0x414: {  	[tilespmem:s29], [sflag:$0x1] =	stream.indirect.gather [hbm4b:s4+s28], $0x80, s22, s28, $0xb8;
	[tilespmem:$0x1F800] =	vst v63  }
0x415: {  	_ =	swait.ge [sflag:s20], $0x2000  }
0x416: {  	[sflag:s20] =	ssyncset.done $0x0  }
0x417: {  	s23 =	rddreg [dreg:$0x19];
	[sflag:s20] =	ssyncadd.s32 $0xFFFFE000  }
0x418: {  	[spmem:s2] =	stream.indirect.scatter.add.f32 [tilespmem:s31], [sflag:$0x7], $0x80, s23, s28, $0xb8;
	[tilespmem:$0x1F800] =	vst v63  }
0x419: {  	_ =	swait.ge [sflag:s8], $0x2000  }
0x41a: {  	[sflag:s8] =	ssyncset.done $0x0  }
0x41b: {  	s24 =	rddreg [dreg:$0x1a];
	[sflag:s8] =	ssyncadd.s32 $0xFFFFE000  }
0x41c: {  	[tilespmem:s30], [sflag:$0x2] =	stream.indirect.gather [hbm4b:s4+s28], $0x80, s24, s28, $0xb8;
	[tilespmem:$0x1F800] =	vst v63  }
0x41d: {  	_ =	swait.ge [sflag:s21], $0x2000  }
0x41e: {  	[sflag:s21] =	ssyncset.done $0x0  }
0x41f: {  	s7 =	rddreg [dreg:$0x1b];
	[sflag:s21] =	ssyncadd.s32 $0xFFFFE000  }
0x420: {  	[spmem:s2] =	stream.indirect.scatter.add.f32 [tilespmem:s0], [sflag:$0x8], $0x80, s7, s28, $0xb8;
	[tilespmem:$0x1F800] =	vst v63  }
0x421: {  	_ =	swait.ge [sflag:s9], $0x2000  }
0x422: {  	[sflag:s9] =	ssyncset.done $0x0  }
0x423: {  	s13 =	rddreg [dreg:$0x1c];
	[sflag:s9] =	ssyncadd.s32 $0xFFFFE000  }
0x424: {  	[tilespmem:s31], [sflag:$0x3] =	stream.indirect.gather [hbm4b:s4+s28], $0x80, s13, s28, $0xb8;
	[tilespmem:$0x1F800] =	vst v63  }
0x425: {  	_ =	swait.ge [sflag:s18], $0x2000  }
0x426: {  	[sflag:s18] =	ssyncset.done $0x0  }
0x427: {  	s22 =	rddreg [dreg:$0x1d];
	[sflag:s18] =	ssyncadd.s32 $0xFFFFE000  }
0x428: {  	[spmem:s2] =	stream.indirect.scatter.add.f32 [tilespmem:s29], [sflag:$0x5], $0x80, s22, s28, $0xb8;
	[tilespmem:$0x1F800] =	vst v63  }
0x429: {  	_ =	swait.ge [sflag:s10], $0x2000  }
0x42a: {  	[sflag:s10] =	ssyncset.done $0x0  }
0x42b: {  	s23 =	rddreg [dreg:$0x1e];
	[sflag:s10] =	ssyncadd.s32 $0xFFFFE000  }
0x42c: {  	[tilespmem:s0], [sflag:$0x4] =	stream.indirect.gather [hbm4b:s4+s28], $0x80, s23, s28, $0xb8;
	[tilespmem:$0x1F800] =	vst v63  }
0x42d: {  	_ =	swait.ge [sflag:s19], $0x2000  }
0x42e: {  	[sflag:s19] =	ssyncset.done $0x0  }
0x42f: {  	s24 =	rddreg [dreg:$0x1f];
	[sflag:s19] =	ssyncadd.s32 $0xFFFFE000  }
0x430: {  	[spmem:s2] =	stream.indirect.scatter.add.f32 [tilespmem:s30], [sflag:$0x6], $0x80, s24, s28, $0xb8;
	[tilespmem:$0x1F800] =	vst v63  }
0x431: {  	_ =	swait.ge [sflag:s5], $0x2000  }
0x432: {  	s7 =	sld [smem:$0x7C5]  }
0x433: {  	[sflag:s5] =	ssyncset.done $0x0  }
0x434: {  	[sflag:s5] =	ssyncadd.s32 $0xFFFFE000  }
0x435: {  	[tilespmem:s29], [sflag:$0x1] =	stream.indirect.gather [hbm4b:s4+s28], $0x80, s7, s28, $0xb8;
	[tilespmem:$0x1F800] =	vst v63  }
0x436: {  	_ =	swait.ge [sflag:s20], $0x2000  }
0x437: {  	s13 =	sld [smem:$0x7C6]  }
0x438: {  	[sflag:s20] =	ssyncset.done $0x0  }
0x439: {  	[sflag:s20] =	ssyncadd.s32 $0xFFFFE000  }
0x43a: {  	[spmem:s2] =	stream.indirect.scatter.add.f32 [tilespmem:s31], [sflag:$0x7], $0x80, s13, s28, $0xb8;
	[tilespmem:$0x1F800] =	vst v63  }
0x43b: {  	_ =	swait.ge [sflag:s8], $0x2000  }
0x43c: {  	s22 =	sld [smem:$0x7C7]  }
0x43d: {  	[sflag:s8] =	ssyncset.done $0x0  }
0x43e: {  	[sflag:s8] =	ssyncadd.s32 $0xFFFFE000  }
0x43f: {  	[tilespmem:s30], [sflag:$0x2] =	stream.indirect.gather [hbm4b:s4+s28], $0x80, s22, s28, $0xb8;
	[tilespmem:$0x1F800] =	vst v63  }
0x440: {  	_ =	swait.ge [sflag:s21], $0x2000  }
0x441: {  	s23 =	sld [smem:$0x7C8]  }
0x442: {  	[sflag:s21] =	ssyncset.done $0x0  }
0x443: {  	[sflag:s21] =	ssyncadd.s32 $0xFFFFE000  }
0x444: {  	[spmem:s2] =	stream.indirect.scatter.add.f32 [tilespmem:s0], [sflag:$0x8], $0x80, s23, s28, $0xb8;
	[tilespmem:$0x1F800] =	vst v63  }
0x445: {  	_ =	swait.ge [sflag:s9], $0x2000  }
0x446: {  	s24 =	sld [smem:$0x7C9]  }
0x447: {  	[sflag:s9] =	ssyncset.done $0x0  }
0x448: {  	[sflag:s9] =	ssyncadd.s32 $0xFFFFE000  }
0x449: {  	[tilespmem:s31], [sflag:$0x3] =	stream.indirect.gather [hbm4b:s4+s28], $0x80, s24, s28, $0xb8;
	[tilespmem:$0x1F800] =	vst v63  }
0x44a: {  	_ =	swait.ge [sflag:s18], $0x2000  }
0x44b: {  	s7 =	sld [smem:$0x7CA]  }
0x44c: {  	[sflag:s18] =	ssyncset.done $0x0  }
0x44d: {  	[sflag:s18] =	ssyncadd.s32 $0xFFFFE000  }
0x44e: {  	[spmem:s2] =	stream.indirect.scatter.add.f32 [tilespmem:s29], [sflag:$0x5], $0x80, s7, s28, $0xb8;
	[tilespmem:$0x1F800] =	vst v63  }
0x44f: {  	_ =	swait.ge [sflag:s10], $0x2000  }
0x450: {  	s13 =	sld [smem:$0x7CB]  }
0x451: {  	[sflag:s10] =	ssyncset.done $0x0  }
0x452: {  	[sflag:s10] =	ssyncadd.s32 $0xFFFFE000  }
0x453: {  	[tilespmem:s0], [sflag:$0x4] =	stream.indirect.gather [hbm4b:s4+s28], $0x80, s13, s28, $0xb8;
	[tilespmem:$0x1F800] =	vst v63  }
0x454: {  	_ =	swait.ge [sflag:s19], $0x2000  }
0x455: {  	s22 =	sld [smem:$0x7CC]  }
0x456: {  	[sflag:s19] =	ssyncset.done $0x0  }
0x457: {  	[sflag:s19] =	ssyncadd.s32 $0xFFFFE000  }
0x458: {  	[spmem:s2] =	stream.indirect.scatter.add.f32 [tilespmem:s30], [sflag:$0x6], $0x80, s22, s28, $0xb8;
	[tilespmem:$0x1F800] =	vst v63  }
0x459: {  	_ =	swait.ge [sflag:s20], $0x2000  }
0x45a: {  	s23 =	sld [smem:$0x7CD]  }
0x45b: {  	[sflag:s20] =	ssyncset.done $0x0  }
0x45c: {  	[sflag:s20] =	ssyncadd.s32 $0xFFFFE000  }
0x45d: {  	[spmem:s2] =	stream.indirect.scatter.add.f32 [tilespmem:s31], [sflag:$0x7], $0x80, s23, s28, $0xb8;
	[tilespmem:$0x1F800] =	vst v63  }
0x45e: {  	_ =	swait.ge [sflag:s21], $0x2000  }
0x45f: {  	s24 =	sld [smem:$0x7CE]  }
0x460: {  	[sflag:s21] =	ssyncset.done $0x0  }
0x461: {  	[sflag:s21] =	ssyncadd.s32 $0xFFFFE000  }
0x462: {  	[spmem:s2] =	stream.indirect.scatter.add.f32 [tilespmem:s0], [sflag:$0x8], $0x80, s24, s28, $0xb8;
	[tilespmem:$0x1F800] =	vst v63  }
0x463: {  	_ =	swait.ge [sflag:s5], $0x2000  }
0x464: {  	[sflag:s5] =	ssyncset.done $0x0  }
0x465: {  	[sflag:s5] =	ssyncadd.s32 $0xFFFFE000  }
0x466: {  	_ =	swait.ge [sflag:s8], $0x2000  }
0x467: {  	[sflag:s8] =	ssyncset.done $0x0  }
0x468: {  	[sflag:s8] =	ssyncadd.s32 $0xFFFFE000  }
0x469: {  	_ =	swait.ge [sflag:s9], $0x2000  }
0x46a: {  	[sflag:s9] =	ssyncset.done $0x0  }
0x46b: {  	[sflag:s9] =	ssyncadd.s32 $0xFFFFE000  }
0x46c: {  	_ =	swait.ge [sflag:s10], $0x2000  }
0x46d: {  	[sflag:s10] =	ssyncset.done $0x0  }
0x46e: {  	[sflag:s10] =	ssyncadd.s32 $0xFFFFE000  }
0x46f: {  	_ =	swait.ge [sflag:s11], $0xA00  }
0x470: {  	[sflag:s11] =	ssyncset.done $0x0  }
0x471: {  	[sflag:s11] =	ssyncadd.s32 $0xFFFFF600  }
0x472: {  	p0 =	sgt.u32 s1, $0x2;
	_ =	swait.ge [sflag:s12], $0xA00  }
0x473: {  	s1 =	sadd.s32 @!p0 s6, s15;
	[sflag:s12] =	ssyncset.done $0x0  }
0x474: {  	s6 =	simm.s32 @!p0 $0x14000;
	s3 =	simm.s32 @!p0 $0x0;
	[sflag:s12] =	ssyncadd.s32 $0xFFFFF600  }
0x475: {  	[tilespmem:s6], [sflag:$0x9] =	stream.linear.gather @!p0 [hbm4b:s1+s3], $0xA00, $0x38;
	[tilespmem:$0x1F800] =	vst v63  }
0x476: {  	s1 =	sadd.s32 @!p0 s14, s15;
	s6 =	simm.s32 @!p0 $0x15800  }
0x477: {  	[tilespmem:s6], [sflag:$0xA] =	stream.linear.gather @!p0 [hbm4b:s1+s3], $0xA00, $0x38;
	[tilespmem:$0x1F800] =	vst v63  }
0x478: {  	s7 =	sld [smem:$0x7CF]  }
0x479: {  	[tilespmem:s29], [sflag:$0x1] =	stream.indirect.gather [hbm4b:s4+s28], $0x80, s26, s28, $0xb8;
	[tilespmem:$0x1F800] =	vst v63  }
0x47a: {  	s13 =	sld [smem:$0x7D0]  }
0x47b: {  	[tilespmem:s30], [sflag:$0x2] =	stream.indirect.gather [hbm4b:s4+s28], $0x80, s7, s28, $0xb8;
	[tilespmem:$0x1F800] =	vst v63  }
0x47c: {  	_ = 	snop  }
0x47d: {  	[tilespmem:s31], [sflag:$0x3] =	stream.indirect.gather [hbm4b:s4+s28], $0x80, s13, s28, $0xb8;
	[tilespmem:$0x1F800] =	vst v63  }
0x47e: {  	_ =	swait.ge [sflag:s18], $0x2000  }
0x47f: {  	[sflag:s18] =	ssyncset.done $0x0  }
0x480: {  	s14 =	sld [smem:$0x7D1];
	[sflag:s18] =	ssyncadd.s32 $0xFFFFE000  }
0x481: {  	[spmem:s2] =	stream.indirect.scatter.add.f32 [tilespmem:s29], [sflag:$0x5], $0x80, s25, s28, $0xb8;
	[tilespmem:$0x1F800] =	vst v63  }
0x482: {  	_ = 	snop  }
0x483: {  	[tilespmem:s0], [sflag:$0x4] =	stream.indirect.gather [hbm4b:s4+s28], $0x80, s14, s28, $0xb8;
	[tilespmem:$0x1F800] =	vst v63  }
0x484: {  	_ =	swait.ge [sflag:s19], $0x2000  }
0x485: {  	s22 =	sld [smem:$0x7D2]  }
0x486: {  	[sflag:s19] =	ssyncset.done $0x0  }
0x487: {  	[sflag:s19] =	ssyncadd.s32 $0xFFFFE000  }
0x488: {  	[spmem:s2] =	stream.indirect.scatter.add.f32 [tilespmem:s30], [sflag:$0x6], $0x80, s22, s28, $0xb8;
	[tilespmem:$0x1F800] =	vst v63  }
0x489: {  	_ =	swait.ge [sflag:s5], $0x2000  }
0x48a: {  	s23 =	sld [smem:$0x7D3]  }
0x48b: {  	[sflag:s5] =	ssyncset.done $0x0  }
0x48c: {  	[sflag:s5] =	ssyncadd.s32 $0xFFFFE000  }
0x48d: {  	[tilespmem:s29], [sflag:$0x1] =	stream.indirect.gather [hbm4b:s4+s28], $0x80, s23, s28, $0xb8;
	[tilespmem:$0x1F800] =	vst v63  }
0x48e: {  	_ =	swait.ge [sflag:s20], $0x2000  }
0x48f: {  	s24 =	sld [smem:$0x7D4]  }
0x490: {  	[sflag:s20] =	ssyncset.done $0x0  }
0x491: {  	[sflag:s20] =	ssyncadd.s32 $0xFFFFE000  }
0x492: {  	[spmem:s2] =	stream.indirect.scatter.add.f32 [tilespmem:s31], [sflag:$0x7], $0x80, s24, s28, $0xb8;
	[tilespmem:$0x1F800] =	vst v63  }
0x493: {  	_ =	swait.ge [sflag:s8], $0x2000  }
0x494: {  	s26 =	sld [smem:$0x7D5]  }
0x495: {  	[sflag:s8] =	ssyncset.done $0x0  }
0x496: {  	[sflag:s8] =	ssyncadd.s32 $0xFFFFE000  }
0x497: {  	[tilespmem:s30], [sflag:$0x2] =	stream.indirect.gather [hbm4b:s4+s28], $0x80, s26, s28, $0xb8;
	[tilespmem:$0x1F800] =	vst v63  }
0x498: {  	_ =	swait.ge [sflag:s21], $0x2000  }
0x499: {  	s3 =	sld [smem:$0x7D6]  }
0x49a: {  	[sflag:s21] =	ssyncset.done $0x0  }
0x49b: {  	[sflag:s21] =	ssyncadd.s32 $0xFFFFE000  }
0x49c: {  	[spmem:s2] =	stream.indirect.scatter.add.f32 [tilespmem:s0], [sflag:$0x8], $0x80, s3, s28, $0xb8;
	[tilespmem:$0x1F800] =	vst v63  }
0x49d: {  	_ =	swait.ge [sflag:s9], $0x2000  }
0x49e: {  	s6 =	sld [smem:$0x7D7]  }
0x49f: {  	[sflag:s9] =	ssyncset.done $0x0  }
0x4a0: {  	[sflag:s9] =	ssyncadd.s32 $0xFFFFE000  }
0x4a1: {  	[tilespmem:s31], [sflag:$0x3] =	stream.indirect.gather [hbm4b:s4+s28], $0x80, s6, s28, $0xb8;
	[tilespmem:$0x1F800] =	vst v63  }
0x4a2: {  	_ =	swait.ge [sflag:s18], $0x2000  }
0x4a3: {  	s7 =	sld [smem:$0x7D8]  }
0x4a4: {  	[sflag:s18] =	ssyncset.done $0x0  }
0x4a5: {  	[sflag:s18] =	ssyncadd.s32 $0xFFFFE000  }
0x4a6: {  	[spmem:s2] =	stream.indirect.scatter.add.f32 [tilespmem:s29], [sflag:$0x5], $0x80, s7, s28, $0xb8;
	[tilespmem:$0x1F800] =	vst v63  }
0x4a7: {  	_ =	swait.ge [sflag:s10], $0x2000  }
0x4a8: {  	s13 =	sld [smem:$0x7D9]  }
0x4a9: {  	[sflag:s10] =	ssyncset.done $0x0  }
0x4aa: {  	[sflag:s10] =	ssyncadd.s32 $0xFFFFE000  }
0x4ab: {  	[tilespmem:s0], [sflag:$0x4] =	stream.indirect.gather [hbm4b:s4+s28], $0x80, s13, s28, $0xb8;
	[tilespmem:$0x1F800] =	vst v63  }
0x4ac: {  	_ =	swait.ge [sflag:s19], $0x2000  }
0x4ad: {  	s14 =	sld [smem:$0x7DA]  }
0x4ae: {  	[sflag:s19] =	ssyncset.done $0x0  }
0x4af: {  	[sflag:s19] =	ssyncadd.s32 $0xFFFFE000  }
0x4b0: {  	[spmem:s2] =	stream.indirect.scatter.add.f32 [tilespmem:s30], [sflag:$0x6], $0x80, s14, s28, $0xb8;
	[tilespmem:$0x1F800] =	vst v63  }
0x4b1: {  	_ =	swait.ge [sflag:s5], $0x2000  }
0x4b2: {  	s22 =	sld [smem:$0x7DB]  }
0x4b3: {  	[sflag:s5] =	ssyncset.done $0x0  }
0x4b4: {  	[sflag:s5] =	ssyncadd.s32 $0xFFFFE000  }
0x4b5: {  	[tilespmem:s29], [sflag:$0x1] =	stream.indirect.gather [hbm4b:s4+s28], $0x80, s22, s28, $0xb8;
	[tilespmem:$0x1F800] =	vst v63  }
0x4b6: {  	_ =	swait.ge [sflag:s20], $0x2000  }
0x4b7: {  	s23 =	sld [smem:$0x7DD]  }
0x4b8: {  	[sflag:s20] =	ssyncset.done $0x0  }
0x4b9: {  	[sflag:s20] =	ssyncadd.s32 $0xFFFFE000  }
0x4ba: {  	[spmem:s2] =	stream.indirect.scatter.add.f32 [tilespmem:s31], [sflag:$0x7], $0x80, s23, s28, $0xb8;
	[tilespmem:$0x1F800] =	vst v63  }
0x4bb: {  	_ =	swait.ge [sflag:s8], $0x2000  }
0x4bc: {  	s24 =	sld [smem:$0x7DE]  }
0x4bd: {  	[sflag:s8] =	ssyncset.done $0x0  }
0x4be: {  	[sflag:s8] =	ssyncadd.s32 $0xFFFFE000  }
0x4bf: {  	[tilespmem:s30], [sflag:$0x2] =	stream.indirect.gather [hbm4b:s4+s28], $0x80, s24, s28, $0xb8;
	[tilespmem:$0x1F800] =	vst v63  }
0x4c0: {  	_ =	swait.ge [sflag:s21], $0x2000  }
0x4c1: {  	s26 =	sld [smem:$0x7E0]  }
0x4c2: {  	[sflag:s21] =	ssyncset.done $0x0  }
0x4c3: {  	[sflag:s21] =	ssyncadd.s32 $0xFFFFE000  }
0x4c4: {  	[spmem:s2] =	stream.indirect.scatter.add.f32 [tilespmem:s0], [sflag:$0x8], $0x80, s26, s28, $0xb8;
	[tilespmem:$0x1F800] =	vst v63  }
0x4c5: {  	_ =	swait.ge [sflag:s9], $0x2000  }
0x4c6: {  	s3 =	sld [smem:$0x7E1]  }
0x4c7: {  	[sflag:s9] =	ssyncset.done $0x0  }
0x4c8: {  	[sflag:s9] =	ssyncadd.s32 $0xFFFFE000  }
0x4c9: {  	[tilespmem:s31], [sflag:$0x3] =	stream.indirect.gather [hbm4b:s4+s28], $0x80, s3, s28, $0xb8;
	[tilespmem:$0x1F800] =	vst v63  }
0x4ca: {  	_ =	swait.ge [sflag:s18], $0x2000  }
0x4cb: {  	s6 =	sld [smem:$0x7E3]  }
0x4cc: {  	[sflag:s18] =	ssyncset.done $0x0  }
0x4cd: {  	[sflag:s18] =	ssyncadd.s32 $0xFFFFE000  }
0x4ce: {  	[spmem:s2] =	stream.indirect.scatter.add.f32 [tilespmem:s29], [sflag:$0x5], $0x80, s6, s28, $0xb8;
	[tilespmem:$0x1F800] =	vst v63  }
0x4cf: {  	_ =	swait.ge [sflag:s10], $0x2000  }
0x4d0: {  	s7 =	sld [smem:$0x7E6]  }
0x4d1: {  	[sflag:s10] =	ssyncset.done $0x0  }
0x4d2: {  	[sflag:s10] =	ssyncadd.s32 $0xFFFFE000  }
0x4d3: {  	[tilespmem:s0], [sflag:$0x4] =	stream.indirect.gather [hbm4b:s4+s28], $0x80, s7, s28, $0xb8;
	[tilespmem:$0x1F800] =	vst v63  }
0x4d4: {  	_ =	swait.ge [sflag:s19], $0x2000  }
0x4d5: {  	s13 =	sld [smem:$0x7E8]  }
0x4d6: {  	[sflag:s19] =	ssyncset.done $0x0  }
0x4d7: {  	[sflag:s19] =	ssyncadd.s32 $0xFFFFE000  }
0x4d8: {  	[spmem:s2] =	stream.indirect.scatter.add.f32 [tilespmem:s30], [sflag:$0x6], $0x80, s13, s28, $0xb8;
	[tilespmem:$0x1F800] =	vst v63  }
0x4d9: {  	_ =	swait.ge [sflag:s5], $0x2000  }
0x4da: {  	s14 =	sld [smem:$0x7EA]  }
0x4db: {  	[sflag:s5] =	ssyncset.done $0x0  }
0x4dc: {  	[sflag:s5] =	ssyncadd.s32 $0xFFFFE000  }
0x4dd: {  	[tilespmem:s29], [sflag:$0x1] =	stream.indirect.gather [hbm4b:s4+s28], $0x80, s14, s28, $0xb8;
	[tilespmem:$0x1F800] =	vst v63  }
0x4de: {  	_ =	swait.ge [sflag:s20], $0x2000  }
0x4df: {  	s22 =	sld [smem:$0x7EB]  }
0x4e0: {  	[sflag:s20] =	ssyncset.done $0x0  }
0x4e1: {  	[sflag:s20] =	ssyncadd.s32 $0xFFFFE000  }
0x4e2: {  	[spmem:s2] =	stream.indirect.scatter.add.f32 [tilespmem:s31], [sflag:$0x7], $0x80, s22, s28, $0xb8;
	[tilespmem:$0x1F800] =	vst v63  }
0x4e3: {  	_ =	swait.ge [sflag:s8], $0x2000  }
0x4e4: {  	s23 =	sld [smem:$0x7EC]  }
0x4e5: {  	[sflag:s8] =	ssyncset.done $0x0  }
0x4e6: {  	[sflag:s8] =	ssyncadd.s32 $0xFFFFE000  }
0x4e7: {  	[tilespmem:s30], [sflag:$0x2] =	stream.indirect.gather [hbm4b:s4+s28], $0x80, s23, s28, $0xb8;
	[tilespmem:$0x1F800] =	vst v63  }
0x4e8: {  	_ =	swait.ge [sflag:s21], $0x2000  }
0x4e9: {  	s24 =	sld [smem:$0x7EE]  }
0x4ea: {  	[sflag:s21] =	ssyncset.done $0x0  }
0x4eb: {  	[sflag:s21] =	ssyncadd.s32 $0xFFFFE000  }
0x4ec: {  	[spmem:s2] =	stream.indirect.scatter.add.f32 [tilespmem:s0], [sflag:$0x8], $0x80, s24, s28, $0xb8;
	[tilespmem:$0x1F800] =	vst v63  }
0x4ed: {  	_ =	swait.ge [sflag:s9], $0x2000  }
0x4ee: {  	s26 =	sld [smem:$0x7EF]  }
0x4ef: {  	[sflag:s9] =	ssyncset.done $0x0  }
0x4f0: {  	[sflag:s9] =	ssyncadd.s32 $0xFFFFE000  }
0x4f1: {  	[tilespmem:s31], [sflag:$0x3] =	stream.indirect.gather [hbm4b:s4+s28], $0x80, s26, s28, $0xb8;
	[tilespmem:$0x1F800] =	vst v63  }
0x4f2: {  	_ =	swait.ge [sflag:s18], $0x2000  }
0x4f3: {  	s3 =	sld [smem:$0x7F0]  }
0x4f4: {  	[sflag:s18] =	ssyncset.done $0x0  }
0x4f5: {  	[sflag:s18] =	ssyncadd.s32 $0xFFFFE000  }
0x4f6: {  	[spmem:s2] =	stream.indirect.scatter.add.f32 [tilespmem:s29], [sflag:$0x5], $0x80, s3, s28, $0xb8;
	[tilespmem:$0x1F800] =	vst v63  }
0x4f7: {  	_ =	swait.ge [sflag:s10], $0x2000  }
0x4f8: {  	s6 =	sld [smem:$0x7F1]  }
0x4f9: {  	[sflag:s10] =	ssyncset.done $0x0  }
0x4fa: {  	[sflag:s10] =	ssyncadd.s32 $0xFFFFE000  }
0x4fb: {  	[tilespmem:s0], [sflag:$0x4] =	stream.indirect.gather [hbm4b:s4+s28], $0x80, s6, s28, $0xb8;
	[tilespmem:$0x1F800] =	vst v63  }
0x4fc: {  	_ =	swait.ge [sflag:s19], $0x2000  }
0x4fd: {  	s7 =	sld [smem:$0x7F2]  }
0x4fe: {  	[sflag:s19] =	ssyncset.done $0x0  }
0x4ff: {  	[sflag:s19] =	ssyncadd.s32 $0xFFFFE000  }
0x500: {  	[spmem:s2] =	stream.indirect.scatter.add.f32 [tilespmem:s30], [sflag:$0x6], $0x80, s7, s28, $0xb8;
	[tilespmem:$0x1F800] =	vst v63  }
0x501: {  	_ =	swait.ge [sflag:s5], $0x2000  }
0x502: {  	s13 =	sld [smem:$0x7F3]  }
0x503: {  	[sflag:s5] =	ssyncset.done $0x0  }
0x504: {  	[sflag:s5] =	ssyncadd.s32 $0xFFFFE000  }
0x505: {  	[tilespmem:s29], [sflag:$0x1] =	stream.indirect.gather [hbm4b:s4+s28], $0x80, s13, s28, $0xb8;
	[tilespmem:$0x1F800] =	vst v63  }
0x506: {  	_ =	swait.ge [sflag:s20], $0x2000  }
0x507: {  	s14 =	sld [smem:$0x7F4]  }
0x508: {  	[sflag:s20] =	ssyncset.done $0x0  }
0x509: {  	[sflag:s20] =	ssyncadd.s32 $0xFFFFE000  }
0x50a: {  	[spmem:s2] =	stream.indirect.scatter.add.f32 [tilespmem:s31], [sflag:$0x7], $0x80, s14, s28, $0xb8;
	[tilespmem:$0x1F800] =	vst v63  }
0x50b: {  	_ =	swait.ge [sflag:s8], $0x2000  }
0x50c: {  	s22 =	sld [smem:$0x7F5]  }
0x50d: {  	[sflag:s8] =	ssyncset.done $0x0  }
0x50e: {  	[sflag:s8] =	ssyncadd.s32 $0xFFFFE000  }
0x50f: {  	[tilespmem:s30], [sflag:$0x2] =	stream.indirect.gather [hbm4b:s4+s28], $0x80, s22, s28, $0xb8;
	[tilespmem:$0x1F800] =	vst v63  }
0x510: {  	_ =	swait.ge [sflag:s21], $0x2000  }
0x511: {  	s23 =	sld [smem:$0x7F6]  }
0x512: {  	[sflag:s21] =	ssyncset.done $0x0  }
0x513: {  	[sflag:s21] =	ssyncadd.s32 $0xFFFFE000  }
0x514: {  	[spmem:s2] =	stream.indirect.scatter.add.f32 [tilespmem:s0], [sflag:$0x8], $0x80, s23, s28, $0xb8;
	[tilespmem:$0x1F800] =	vst v63  }
0x515: {  	_ =	swait.ge [sflag:s9], $0x2000  }
0x516: {  	s24 =	sld [smem:$0x7F7]  }
0x517: {  	[sflag:s9] =	ssyncset.done $0x0  }
0x518: {  	[sflag:s9] =	ssyncadd.s32 $0xFFFFE000  }
0x519: {  	[tilespmem:s31], [sflag:$0x3] =	stream.indirect.gather [hbm4b:s4+s28], $0x80, s24, s28, $0xb8;
	[tilespmem:$0x1F800] =	vst v63  }
0x51a: {  	_ =	swait.ge [sflag:s18], $0x2000  }
0x51b: {  	s26 =	sld [smem:$0x7F8]  }
0x51c: {  	[sflag:s18] =	ssyncset.done $0x0  }
0x51d: {  	[sflag:s18] =	ssyncadd.s32 $0xFFFFE000  }
0x51e: {  	[spmem:s2] =	stream.indirect.scatter.add.f32 [tilespmem:s29], [sflag:$0x5], $0x80, s26, s28, $0xb8;
	[tilespmem:$0x1F800] =	vst v63  }
0x51f: {  	_ =	swait.ge [sflag:s10], $0x2000  }
0x520: {  	s3 =	sld [smem:$0x7F9]  }
0x521: {  	[sflag:s10] =	ssyncset.done $0x0  }
0x522: {  	[sflag:s10] =	ssyncadd.s32 $0xFFFFE000  }
0x523: {  	[tilespmem:s0], [sflag:$0x4] =	stream.indirect.gather [hbm4b:s4+s28], $0x80, s3, s28, $0xb8;
	[tilespmem:$0x1F800] =	vst v63  }
0x524: {  	_ =	swait.ge [sflag:s19], $0x2000  }
0x525: {  	s6 =	sld [smem:$0x7FA]  }
0x526: {  	[sflag:s19] =	ssyncset.done $0x0  }
0x527: {  	[sflag:s19] =	ssyncadd.s32 $0xFFFFE000  }
0x528: {  	[spmem:s2] =	stream.indirect.scatter.add.f32 [tilespmem:s30], [sflag:$0x6], $0x80, s6, s28, $0xb8;
	[tilespmem:$0x1F800] =	vst v63  }
0x529: {  	_ =	swait.ge [sflag:s20], $0x2000  }
0x52a: {  	s7 =	sld [smem:$0x7FB]  }
0x52b: {  	[sflag:s20] =	ssyncset.done $0x0  }
0x52c: {  	[sflag:s20] =	ssyncadd.s32 $0xFFFFE000  }
0x52d: {  	[spmem:s2] =	stream.indirect.scatter.add.f32 [tilespmem:s31], [sflag:$0x7], $0x80, s7, s28, $0xb8;
	[tilespmem:$0x1F800] =	vst v63  }
0x52e: {  	_ =	swait.ge [sflag:s21], $0x2000  }
0x52f: {  	s13 =	sld [smem:$0x7FC]  }
0x530: {  	[sflag:s21] =	ssyncset.done $0x0  }
0x531: {  	[sflag:s21] =	ssyncadd.s32 $0xFFFFE000  }
0x532: {  	[spmem:s2] =	stream.indirect.scatter.add.f32 [tilespmem:s0], [sflag:$0x8], $0x80, s13, s28, $0xb8;
	[tilespmem:$0x1F800] =	vst v63  }
0x533: {  	_ =	swait.ge [sflag:s5], $0x2000  }
0x534: {  	[sflag:s5] =	ssyncset.done $0x0  }
0x535: {  	[sflag:s5] =	ssyncadd.s32 $0xFFFFE000  }
0x536: {  	_ =	swait.ge [sflag:s8], $0x2000  }
0x537: {  	[sflag:s8] =	ssyncset.done $0x0  }
0x538: {  	[sflag:s8] =	ssyncadd.s32 $0xFFFFE000  }
0x539: {  	_ =	swait.ge [sflag:s9], $0x2000  }
0x53a: {  	[sflag:s9] =	ssyncset.done $0x0  }
0x53b: {  	[sflag:s9] =	ssyncadd.s32 $0xFFFFE000  }
0x53c: {  	_ =	swait.ge [sflag:s10], $0x2000  }
0x53d: {  	[sflag:s10] =	ssyncset.done $0x0  }
0x53e: {  	s1 =	simm.s32 @!p0 $0x9;
	[sflag:s10] =	ssyncadd.s32 $0xFFFFE000  }
0x53f: {  	_ =	swait.ge @!p0 [sflag:s1], $0xA00  }
0x540: {  	[sflag:s1] =	ssyncset.done @!p0 $0x0  }
0x541: {  	s3 =	simm.s32 @!p0 $0xA;
	[sflag:s1] =	ssyncadd.s32 @!p0 $0xFFFFF600  }
0x542: {  	_ =	swait.ge @!p0 [sflag:s3], $0xA00  }
0x543: {  	[sflag:s3] =	ssyncset.done @!p0 $0x0  }
0x544: {  	[sflag:s3] =	ssyncadd.s32 @!p0 $0xFFFFF600  }
0x545: {  	[bflag:$0x0] =	sbarrier.arrive $0xFFFF  }
0x546: {  	s7 =	sld [smem:$0x7FD]  }
0x547: {  	s14 =	stileid.u32;
	s23 =	sld [smem:$0x7E7]  }
0x548: {  	s1 =	sshll.u32 s14, $0x6  }
0x549: {  	s1 =	sor.u32 $0x1C0B, s1;
	s22 =	sshrl.u32 s7, $0x3  }
0x54a: {  	[hbm:s23], [sflag:s1] =	dma.local [spmem:s22], $0x2800  }
0x54b: {  	s23 =	simm.s32 $0xB  }
0x54c: {  	_ =	swait.ge [sflag:s23], $0x2800  }
0x54d: {  	s24 =	sld [smem:$0x7C4]  }
0x54e: {  	s26 =	sld [smem:$0x7E9];
	_ =	sdelay $0x1  }
0x54f: {  	s3 =	sadd.s32 $0x1, s24  }
0x550: {  	p0 =	sne.s32 s3, s26  }
.Ltmp3:
0x551: {  	_ = 	snop;
	(pc) =	sbr.rel @p0 .LBB2_1-.Ltmp3, $3  }
0x552: {  	_ =	sdelay $0x1  }
0x553: {  	s14 =	simm.s32 $0x0;
	s22 =	simm.s32 $0x14000;
	[sflag:s23] =	ssyncset.done $0x0  }
0x554: {  	[sflag:s23] =	ssyncadd.s32 $0xFFFFD800;
	s24 =	simm.s32 $0x15800;
	s26 =	simm.s32 $0x14C00  }
0x555: {  	_ =	sfence.sel $0x180000  }
0x556: {  	[bflag:$0x0] =	sbarrier.arrive $0xFFFF  }
0x557: {  	_ =	strace $0x9000004A  }
0x558: {  	s0 =	stileid.u32;
	[bflag:$0x2] =	sbarrier.arrive $0xFFFF  }
0x559: {  	p0 =	sne.s32 s0, $0x0;
	s0 =	rddreg [dreg:$0x3]  }
0x55a: {  	s0 =	sadd.s32 @!p0 $0x100000, s0  }
0x55b: {  	[sflag:s0] =	ssyncadd.tile.s32 @!p0 $0x1;
	_ =	shalt  }
.Lfunc_end2:
_tile_overlayer_lowered:
.L_overlay_start_2:
0x55c: {  	(tag) =	ssettag $0x2  }
0x55d: {  	s0 =	rddreg [dreg:$0x0];
	s2 =	stileid.u32  }
0x55e: {  	s1 =	rddreg [dreg:$0x1];
	p0 =	sne.s32 s2, $0x0  }
0x55f: {  	s3 =	rddreg [dreg:$0x2];
	[bflag:$0x3] =	sbarrier.arrive $0xFFFF;
	s2 =	simm.s32 @!p0 $0x1C0B  }
0x560: {  	[timem:s3], [sflag:s2] =	dma.local @!p0 [hbm:s0], s1  }
0x561: {  	s0 =	simm.s32 @!p0 $0xB  }
0x562: {  	_ =	swait.ge @!p0 [sflag:s0], s1  }
0x563: {  	s1 =	ssub.s32 @!p0 $0x0, s1;
	[sflag:s0] =	ssyncset.done @!p0 $0x0  }
0x564: {  	[sflag:s0] =	ssyncadd.s32 @!p0 s1  }
0x565: {  	[bflag:$0x3] =	sbarrier.arrive $0xFFFF  }
0x566: {  	_ =	shalt  }

// kernel: kernel.14.cloned.1.call-start
scs
__scs_entry_jumppad:
0x0: {  	(pc) =	sbr.rel $0x88, $3  }
0x1: {  	(tag) =	ssettag $0x0;
	lr =	simm.s32 $0x1  }
0x2: {  	[smem:$0x3F9B] =	sst lr;
	_ =	strace $0xD0000000  }
0x3: {  	_ = 	snop  }
0x4: {  	_ = 	snop  }
0x5: {  	_ = 	snop  }
0x6: {  	_ = 	snop  }
0x7: {  	_ = 	snop  }
__scs_overlays_trampoline_lowered:
0x8: {  	[smem:$0x3FAA] =	sst s0  }
0x9: {  	[smem:$0x3FAB] =	sst s1  }
0xa: {  	[smem:$0x3FAC] =	sst s2  }
0xb: {  	[smem:$0x3FAD] =	sst s3  }
0xc: {  	[smem:$0x3FAE] =	sst s4  }
0xd: {  	[smem:$0x3FAF] =	sst s5  }
0xe: {  	[smem:$0x3FB0] =	sst s6  }
0xf: {  	[smem:$0x3FB1] =	sst s7  }
0x10: {  	[smem:$0x3FB2] =	sst s8  }
0x11: {  	[smem:$0x3FB3] =	sst s9;
	s0 =	simm.s32 @!p0 $0x0  }
0x12: {  	s1 =	sld [smem:$0x3F99];
	s0 =	simm.s32 @p0 $0x1  }
0x13: {  	[smem:$0x3FB4] =	sst s0;
	s0 =	simm.s32 @!p1 $0x0  }
0x14: {  	s2 =	sld [smem:$0x3F98];
	s0 =	simm.s32 @p1 $0x1  }
0x15: {  	[smem:$0x3FB5] =	sst s0;
	s0 =	simm.s32 @!p2 $0x0  }
0x16: {  	s3 =	sld [smem:$0x3FDB];
	s0 =	simm.s32 @p2 $0x1  }
0x17: {  	s4 =	simm.s32 $0x1BF5;
	[smem:$0x3FB7] =	sst s0  }
0x18: {  	s0 =	sld [smem:$0x3F9A];
	_ =	swait.ge [sflag:s4], $0x0  }
0x19: {  	s7 =	sld [smem:$0x3F9B]  }
0x1a: {  	s8 =	sadd.s32 $0xFFFFE003, lr  }
0x1b: {  	s9 =	sadd.s32 $0xFFFFFEF7, lr;
	s5 =	simm.s32 $0xFFFFFFFF;
	p2 =	slt.u32 s8, $0xFFFFF086  }
0x1c: {  	p1 =	slt.u32 s9, $0xF7A;
	s5 =	simm.s32 @!p2 $0x0  }
0x1d: {  	s5 =	simm.s32 @p1 $0x1;
	p0 =	seq.s32 s7, s2  }
0x1e: {  	s7 =	smul.u32 @!p0 $0xF7A, s2;
	p2 =	seq.s32 @!p0 s5, $0x0  }
0x1f: {  	s9 =	smul.u32 $0xF7A, s1;
	s8 =	simm.s32 @!p0 $0x1BF5;
	p2 =	por !p2, p0  }
0x20: {  	[sflag:s8] =	ssyncset.s32 @!p0 $0xFFFFF086;
	s6 =	sadd.s32 @!p0 s3, s7;
	s7 =	simm.s32 @!p0 $0x108  }
0x21: {  	s3 =	sadd.s32 s3, s9;
	s6 =	sadd.s32 @!p0 $0x88, s6;
	s7 =	simm.s32 @p2 $0x1082  }
0x22: {  	[simem:s7], [sflag:s8] =	dma.local @!p0 [hbm:s6], $0xF7A  }
0x23: {  	s9 =	sor.u32 $0xD0000000, s2;
	s6 =	simm.s32 $0x108;
	_ =	swait.ge @!p0 [sflag:s8], $0x0  }
0x24: {  	s3 =	sadd.s32 $0x88, s3;
	s6 =	simm.s32 @!p1 $0x1082;
	[sflag:s4] =	ssyncset.s32 $0xFFFFF086  }
0x25: {  	[simem:s6], [sflag:s4] =	dma.local [hbm:s3], $0xF7A  }
0x26: {  	[smem:$0x3F9B] =	sst s1;
	(tag) =	ssettag s2;
	_ =	strace s9  }
0x27: {  	s1 =	sld [smem:$0x3FAB]  }
0x28: {  	s2 =	sld [smem:$0x3FAC]  }
0x29: {  	s4 =	sld [smem:$0x3FAE]  }
0x2a: {  	p0 =	seq.s32 s5, $0x0;
	s5 =	sld [smem:$0x3FAF]  }
0x2b: {  	s6 =	sld [smem:$0x3FB0]  }
0x2c: {  	s7 =	sld [smem:$0x3FB1]  }
0x2d: {  	s3 =	simm.s32 $0x108;
	s8 =	sld [smem:$0x3FB2]  }
0x2e: {  	s3 =	simm.s32 @!p0 $0x1082;
	s9 =	sld [smem:$0x3FB3]  }
0x2f: {  	lr =	sadd.s32 s0, s3;
	s0 =	sld [smem:$0x3FAA]  }
0x30: {  	s3 =	sld [smem:$0x3FAD]  }
0x31: {  	[smem:$0x3FB6] =	sst s10  }
0x32: {  	s10 =	sld [smem:$0x3FB4];
	_ =	sdelay $0x3  }
0x33: {  	p0 =	seq.s32 s10, $0x1;
	s10 =	sld [smem:$0x3FB6];
	_ =	sdelay $0x3  }
0x34: {  	[smem:$0x3FB6] =	sst s10  }
0x35: {  	s10 =	sld [smem:$0x3FB5];
	_ =	sdelay $0x3  }
0x36: {  	p1 =	seq.s32 s10, $0x1;
	s10 =	sld [smem:$0x3FB6];
	_ =	sdelay $0x3  }
0x37: {  	[smem:$0x3FB6] =	sst s10  }
0x38: {  	s10 =	sld [smem:$0x3FB7]  }
0x39: {  	_ = 	snop;
	(pc) =	sbr.ind lr, $3  }
0x3a: {  	_ = 	snop  }
0x3b: {  	_ = 	snop  }
0x3c: {  	p2 =	seq.s32 s10, $0x1;
	s10 =	sld [smem:$0x3FB6]  }
0x3d: {  	_ =	shalt  }
0x3e: {  	_ =	shalt  }
0x3f: {  	_ =	shalt  }
0x40: {  	_ =	shalt  }
0x41: {  	_ =	shalt  }
0x42: {  	_ =	shalt  }
0x43: {  	_ =	shalt  }
0x44: {  	_ =	shalt  }
0x45: {  	_ =	shalt  }
0x46: {  	_ =	shalt  }
0x47: {  	_ =	shalt  }
0x48: {  	_ =	shalt  }
0x49: {  	_ =	shalt  }
0x4a: {  	_ =	shalt  }
0x4b: {  	_ =	shalt  }
0x4c: {  	_ =	shalt  }
0x4d: {  	_ =	shalt  }
0x4e: {  	_ =	shalt  }
0x4f: {  	_ =	shalt  }
0x50: {  	_ =	shalt  }
0x51: {  	_ =	shalt  }
0x52: {  	_ =	shalt  }
0x53: {  	_ =	shalt  }
0x54: {  	_ =	shalt  }
0x55: {  	_ =	shalt  }
0x56: {  	_ =	shalt  }
0x57: {  	_ =	shalt  }
0x58: {  	_ =	shalt  }
0x59: {  	_ =	shalt  }
0x5a: {  	_ =	shalt  }
0x5b: {  	_ =	shalt  }
0x5c: {  	_ =	shalt  }
0x5d: {  	_ =	shalt  }
0x5e: {  	_ =	shalt  }
0x5f: {  	_ =	shalt  }
0x60: {  	_ =	shalt  }
0x61: {  	_ =	shalt  }
0x62: {  	_ =	shalt  }
0x63: {  	_ =	shalt  }
0x64: {  	_ =	shalt  }
0x65: {  	_ =	shalt  }
0x66: {  	_ =	shalt  }
0x67: {  	_ =	shalt  }
0x68: {  	_ =	shalt  }
0x69: {  	_ =	shalt  }
0x6a: {  	_ =	shalt  }
0x6b: {  	_ =	shalt  }
0x6c: {  	_ =	shalt  }
0x6d: {  	_ =	shalt  }
0x6e: {  	_ =	shalt  }
0x6f: {  	_ =	shalt  }
0x70: {  	_ =	shalt  }
0x71: {  	_ =	shalt  }
0x72: {  	_ =	shalt  }
0x73: {  	_ =	shalt  }
0x74: {  	_ =	shalt  }
0x75: {  	_ =	shalt  }
0x76: {  	_ =	shalt  }
0x77: {  	_ =	shalt  }
0x78: {  	_ =	shalt  }
0x79: {  	_ =	shalt  }
0x7a: {  	_ =	shalt  }
0x7b: {  	_ =	shalt  }
0x7c: {  	_ =	shalt  }
0x7d: {  	_ =	shalt  }
0x7e: {  	_ =	shalt  }
0x7f: {  	_ =	shalt  }
0x80: {  	_ =	shalt  }
0x81: {  	_ =	shalt  }
0x82: {  	_ =	shalt  }
0x83: {  	_ =	shalt  }
0x84: {  	_ =	shalt  }
0x85: {  	_ =	shalt  }
0x86: {  	_ =	shalt  }
0x87: {  	_ =	shalt  }
.Lfunc_end0:
.L_simem_size_0:
called_computation.2_lowered:
.L_overlay_start_0:
0x88: {  	s2 =	sld [smem:$0x3FD9]  }
0x89: {  	s3 =	sld [smem:$0x3FFE];
	_ =	sdelay $0x1  }
0x8a: {  	s1 =	srdreg.scid  }
0x8b: {  	s0 =	sand.u32 $0x1, s1  }
0x8c: {  	s17 =	sshll.u32 s0, $0xA;
	s2 =	sadd.s32 s3, s2  }
0x8d: {  	s2 =	sadd.s32 s2, s17  }
0x8e: {  	[smem:$0x3FC2] =	sst s2  }
0x8f: {  	_ = 	snop  }
0x90: {  	s2 =	sld [smem:$0x3FD0];
	(tm) =	ssettm $0x1  }
0x91: {  	s18 =	sld [smem:$0x3FFB];
	_ =	sdelay $0x3  }
0x92: {  	_ =	strace s18  }
0x93: {  	s3 =	sld [smem:$0x3FFC];
	_ =	sdelay $0x3  }
0x94: {  	_ =	strace s3  }
0x95: {  	s3 =	sld [smem:$0x3FFD];
	_ =	sdelay $0x3  }
0x96: {  	_ =	strace s3  }
0x97: {  	_ =	strace $0x8FFFFFFF  }
0x98: {  	s19 =	sld [smem:$0x3FDB];
	_ =	sdelay $0x1  }
0x99: {  	s4 =	simm.s32 $_scs_section_size  }
0x9a: {  	s5 =	simm.s32 $_size__tile_overlayer_lowered;
	s6 =	simm.s32 $_tile_overlayer_lowered  }
0x9b: {  	s22 =	simm.s32 $0x1BFF;
	s21 =	sshll.u32 s6, $0x1;
	s3 =	sadd.s32 s4, s19  }
0x9c: {  	s7 =	simm.s32 $0x0;
	s20 =	sshll.u32 s5, $0x1;
	s5 =	sadd.s32 s21, s3  }
0x9d: {  	[timem:s7], [sflag:s22] =	dma.local [hbm:s5], s20  }
0x9e: {  	_ =	swait.ge [sflag:s22], s20  }
0x9f: {  	s4 =	ssub.s32 $0x0, s20;
	[sflag:s22] =	ssyncset.done $0x0  }
0xa0: {  	[sflag:s22] =	ssyncadd.s32 s4;
	_ =	sdelay $0x1  }
0xa1: {  	s23 =	simm.s32 $0x1B8B  }
0xa2: {  	_ =	swait.ge [sflag:s23], $0x1  }
0xa3: {  	[sflag:s23] =	ssyncset.done $0x0  }
0xa4: {  	s25 =	simm.s32 $0x1B8E;
	s24 =	sld [smem:$0x3FFE];
	[sflag:s23] =	ssyncadd.s32 $0xFFFFFFFF  }
0xa5: {  	s26 =	simm.s32 $execute0_lowered;
	[smem:$0x3FD2] =	sst s25  }
0xa6: {  	s5 =	sshll.u32 s26, $0x1;
	_ =	strace $0x8000004C;
	[dreg:$0x1] =	wrdreg $0xFFFFFFFF  }
0xa7: {  	s28 =	simm.s32 $_size_execute0_lowered;
	s3 =	sadd.s32 s3, s5;
	[dreg:$0x0] =	wrdreg $0x0  }
0xa8: {  	s5 =	sshll.u32 s28, $0x1;
	[dreg:$0x2] =	wrdreg s3  }
0xa9: {  	[dreg:$0x3] =	wrdreg s5  }
0xaa: {  	[dreg:$0x4] =	wrdreg $0xC0  }
0xab: {  	_ =	task [dreg:s7], $0x5FFFF  }
0xac: {  	[dreg:$0x1] =	wrdreg $0xFFFFFFFF  }
0xad: {  	[dreg:$0x0] =	wrdreg $0x60  }
0xae: {  	[dreg:$0x2] =	wrdreg s24  }
0xaf: {  	[dreg:$0x3] =	wrdreg s2  }
0xb0: {  	[dreg:$0x4] =	wrdreg $0x0  }
0xb1: {  	[dreg:$0x5] =	wrdreg $0x9  }
0xb2: {  	_ =	task.clear_ibuf [dreg:s7], $0x6FFFF;
	_ =	strace $0x9000004C  }
0xb3: {  	s29 =	simm.s32 $0x9;
	_ =	strace $0x8000004E  }
0xb4: {  	_ =	swait.ge [sflag:s29], $0x1  }
0xb5: {  	[sflag:s29] =	ssyncadd.s32 $0xFFFFFFFF  }
0xb6: {  	_ =	strace $0x9000004E  }
0xb7: {  	_ =	sfence  }
0xb8: {  	s30 =	sld [smem:$0x0];
	_ =	sdelay $0x2  }
0xb9: {  	s31 =	sshll.u32 s1, $0xD;
	s1 =	sshrl.u32 s1, $0x2  }
0xba: {  	s3 =	sand.u32 $0x4000, s31;
	s1 =	sadd.s32 s1, s30  }
0xbb: {  	s0 =	sor.u32 s3, s0;
	s1 =	sshll.u32 s1, $0x11  }
0xbc: {  	s0 =	sor.u32 s1, s0  }
0xbd: {  	s0 =	sadd.s32 $0x8F2B, s0  }
0xbe: {  	[sflag:s0] =	ssyncadd.remote.s32 $0x1  }
0xbf: {  	_ =	sfence.sel $0xFFFF  }
0xc0: {  	[dreg:$0x0] =	wrdreg $0xFFFFFFFF;
	(pc) =	sbr.abs _section_cstart, $3  }
0xc1: {  	[dreg:$0x1] =	wrdreg $0xFFFFFFFF  }
0xc2: {  	_ =	task.clear_ibuf [dreg:s7], $0x2FFFF;
	_ =	strace $0x9FFFFFFF  }
0xc3: {  	(tm) =	ssettm $0x7FFFFFFF  }
tec
execute0_lowered:
.L_overlay_start_1:
0x0: {  	(tag) =	ssettag $0x1  }
0x1: {  	s0 =	rddreg [dreg:$0x0]  }
0x2: {  	s3 =	rddreg [dreg:$0x1]  }
0x3: {  	s2 =	rddreg [dreg:$0x2];
	s14 =	simm.s32 $0x0  }
0x4: {  	s1 =	simm.s32 $0x14080;
	[smem:$0x7FF] =	sst s14  }
0x5: {  	s18 =	simm.s32 $0x14100;
	_ =	strace $0x8000004D;
	[dreg:$0x4] =	wrdreg s1  }
0x6: {  	s19 =	simm.s32 $0x14180;
	[dreg:$0x5] =	wrdreg s18  }
0x7: {  	s20 =	simm.s32 $0x15880;
	[dreg:$0x6] =	wrdreg s19  }
0x8: {  	s21 =	simm.s32 $0x14200;
	[dreg:$0x7] =	wrdreg s20  }
0x9: {  	s22 =	simm.s32 $0x15900;
	[dreg:$0x8] =	wrdreg s21  }
0xa: {  	s23 =	simm.s32 $0x14280;
	[dreg:$0x9] =	wrdreg s22  }
0xb: {  	s24 =	simm.s32 $0x15980;
	[dreg:$0xa] =	wrdreg s23  }
0xc: {  	s25 =	simm.s32 $0x14300;
	[dreg:$0xb] =	wrdreg s24  }
0xd: {  	s26 =	simm.s32 $0x15A00;
	[dreg:$0xc] =	wrdreg s25  }
0xe: {  	s4 =	simm.s32 $0x14380;
	[dreg:$0xd] =	wrdreg s26  }
0xf: {  	s5 =	simm.s32 $0x15A80;
	[dreg:$0xe] =	wrdreg s4  }
0x10: {  	s6 =	simm.s32 $0x14400;
	[dreg:$0xf] =	wrdreg s5  }
0x11: {  	s7 =	simm.s32 $0x15B00;
	[dreg:$0x10] =	wrdreg s6  }
0x12: {  	s8 =	simm.s32 $0x14480;
	[dreg:$0x11] =	wrdreg s7  }
0x13: {  	s9 =	simm.s32 $0x15B80;
	[dreg:$0x12] =	wrdreg s8  }
0x14: {  	s10 =	simm.s32 $0x14500;
	[dreg:$0x13] =	wrdreg s9  }
0x15: {  	s11 =	simm.s32 $0x15C00;
	[dreg:$0x14] =	wrdreg s10  }
0x16: {  	s12 =	simm.s32 $0x14580;
	[dreg:$0x15] =	wrdreg s11  }
0x17: {  	s13 =	simm.s32 $0x15C80;
	[dreg:$0x16] =	wrdreg s12  }
0x18: {  	s15 =	simm.s32 $0x14600;
	[dreg:$0x17] =	wrdreg s13  }
0x19: {  	s16 =	simm.s32 $0x15D00;
	[dreg:$0x18] =	wrdreg s15  }
0x1a: {  	s17 =	simm.s32 $0x14680;
	[dreg:$0x19] =	wrdreg s16  }
0x1b: {  	[dreg:$0x1a] =	wrdreg s17;
	s18 =	simm.s32 $0x15D80  }
0x1c: {  	s19 =	simm.s32 $0x14700;
	[dreg:$0x1b] =	wrdreg s18  }
0x1d: {  	s20 =	simm.s32 $0x15E00;
	[dreg:$0x1c] =	wrdreg s19  }
0x1e: {  	s21 =	simm.s32 $0x14780;
	[dreg:$0x1d] =	wrdreg s20  }
0x1f: {  	s22 =	simm.s32 $0x15E80;
	[dreg:$0x1e] =	wrdreg s21  }
0x20: {  	s23 =	simm.s32 $0x14800;
	[dreg:$0x1f] =	wrdreg s22  }
0x21: {  	s24 =	simm.s32 $0x15F00;
	[smem:$0x7C5] =	sst s23  }
0x22: {  	s25 =	simm.s32 $0x14880;
	[smem:$0x7C6] =	sst s24  }
0x23: {  	s26 =	simm.s32 $0x15F80;
	[smem:$0x7C7] =	sst s25  }
0x24: {  	s4 =	simm.s32 $0x14900;
	[smem:$0x7C8] =	sst s26  }
0x25: {  	s5 =	simm.s32 $0x16000;
	[smem:$0x7C9] =	sst s4  }
0x26: {  	s6 =	simm.s32 $0x14980;
	[smem:$0x7CA] =	sst s5  }
0x27: {  	s7 =	simm.s32 $0x16080;
	[smem:$0x7CB] =	sst s6  }
0x28: {  	s8 =	simm.s32 $0x16180;
	[smem:$0x7CC] =	sst s7  }
0x29: {  	s12 =	simm.s32 $0x14C80;
	[smem:$0x7CE] =	sst s8  }
0x2a: {  	s13 =	simm.s32 $0x14D00;
	[smem:$0x7CF] =	sst s12  }
0x2b: {  	s15 =	simm.s32 $0x14D80;
	[smem:$0x7D0] =	sst s13  }
0x2c: {  	s16 =	simm.s32 $0x16480;
	[smem:$0x7D1] =	sst s15  }
0x2d: {  	s17 =	simm.s32 $0x14E00;
	[smem:$0x7D2] =	sst s16  }
0x2e: {  	s11 =	sadd.s32 $0xDC00, s0;
	[smem:$0x7D3] =	sst s17  }
0x2f: {  	s6 =	simm.s32 $0x16100;
	[smem:$0x7E4] =	sst s11  }
0x30: {  	s18 =	simm.s32 $0x16500;
	[smem:$0x7CD] =	sst s6  }
0x31: {  	s20 =	simm.s32 $0x14E80;
	[smem:$0x7D4] =	sst s18  }
0x32: {  	s22 =	simm.s32 $0x16580;
	[smem:$0x7D5] =	sst s20  }
0x33: {  	s23 =	simm.s32 $0x14F00;
	[smem:$0x7D6] =	sst s22  }
0x34: {  	s25 =	simm.s32 $0x16600;
	[smem:$0x7D7] =	sst s23  }
0x35: {  	s28 =	simm.s32 $0x40;
	s26 =	simm.s32 $0x14F80;
	[smem:$0x7D8] =	sst s25  }
0x36: {  	s29 =	simm.s32 $0x17000;
	s12 =	simm.s32 $0x15000;
	[smem:$0x7D9] =	sst s26  }
0x37: {  	s30 =	simm.s32 $0x19000;
	s13 =	simm.s32 $0x16700;
	[smem:$0x7DB] =	sst s12  }
0x38: {  	s31 =	simm.s32 $0x1B000;
	s16 =	simm.s32 $0x15080;
	[smem:$0x7DD] =	sst s13  }
0x39: {  	s10 =	stileid.u32;
	[smem:$0x7DE] =	sst s16;
	s18 =	simm.s32 $0x16780  }
0x3a: {  	s4 =	sadd.s32 $0x75C00, s0;
	s20 =	simm.s32 $0x15100;
	[smem:$0x7E0] =	sst s18  }
0x3b: {  	s5 =	srdreg.scid;
	s22 =	simm.s32 $0x15180;
	[smem:$0x7E1] =	sst s20  }
0x3c: {  	s7 =	smul.u32 $0x14000, s10;
	s25 =	simm.s32 $0x15200;
	[smem:$0x7E6] =	sst s22  }
0x3d: {  	s1 =	sand.u32 $0x1, s5;
	s5 =	simm.s32 $0x16900;
	[smem:$0x7EA] =	sst s25  }
0x3e: {  	s8 =	smul.u32 $0x50000, s10;
	s12 =	simm.s32 $0x16A00;
	[smem:$0x7EB] =	sst s5  }
0x3f: {  	s13 =	simm.s32 $0x15380;
	s16 =	simm.s32 $0x16A80;
	[smem:$0x7F0] =	sst s12  }
0x40: {  	s9 =	smul.u32 $0x140000, s1;
	s19 =	ssub.s32 $0x2, s1;
	[smem:$0x7F1] =	sst s13  }
0x41: {  	s24 =	sshll.u32 s1, $0x4;
	[smem:$0x7F2] =	sst s16;
	s18 =	simm.s32 $0x16B00  }
0x42: {  	s8 =	sshrl.u32 s8, $0x2;
	s20 =	simm.s32 $0x16B80;
	[smem:$0x7F4] =	sst s18  }
0x43: {  	s1 =	smul.u32 $0x60000, s1;
	s22 =	simm.s32 $0x16C00;
	[smem:$0x7F6] =	sst s20  }
0x44: {  	s25 =	simm.s32 $0x16D00;
	s12 =	simm.s32 $0xA;
	[smem:$0x7F8] =	sst s22  }
0x45: {  	[smem:$0x7FB] =	sst s25;
	s6 =	sadd.s32 s7, s9;
	s7 =	simm.s32 $0x16680  }
0x46: {  	s9 =	sor.u32 s10, s24;
	s24 =	simm.s32 $0x16880;
	[smem:$0x7DA] =	sst s7  }
0x47: {  	s17 =	smul.u32 $0x6000, s9;
	[smem:$0x7E8] =	sst s24;
	s9 =	simm.s32 $0x16980  }
0x48: {  	s21 =	sshrl.u32 s19, $0x1;
	s24 =	simm.s32 $0x16C80;
	[smem:$0x7EE] =	sst s9  }
0x49: {  	s6 =	sshrl.u32 s6, $0x3;
	s7 =	sadd.s32 s8, s2;
	[smem:$0x7FA] =	sst s24  }
0x4a: {  	s0 =	sadd.s32 s6, s0;
	s15 =	sadd.s32 $0x800, s7;
	[smem:$0x7FD] =	sst s7  }
0x4b: {  	s6 =	ssub.s32 s19, s21;
	s19 =	sadd.s32 $0x1000, s7;
	[smem:$0x7DC] =	sst s15  }
0x4c: {  	s18 =	simm.s32 $0x1;
	s21 =	simm.s32 $0x16800;
	[smem:$0x7DF] =	sst s19  }
0x4d: {  	s20 =	simm.s32 $0x3;
	[smem:$0x7E3] =	sst s21;
	s0 =	sadd.s32 $0x9DC00, s0  }
0x4e: {  	s22 =	simm.s32 $0x14000;
	s26 =	smax.u32 s6, $0x1;
	[smem:$0x7E7] =	sst s0  }
0x4f: {  	s25 =	simm.s32 $0x16400;
	s6 =	simm.s32 $0x15280;
	[smem:$0x7E9] =	sst s26  }
0x50: {  	s8 =	sshrl.u32 s17, $0x3;
	s17 =	simm.s32 $0x15400;
	[smem:$0x7EC] =	sst s6  }
0x51: {  	s24 =	simm.s32 $0x15800;
	s19 =	simm.s32 $0x15480;
	[smem:$0x7F3] =	sst s17  }
0x52: {  	s9 =	simm.s32 $0x7;
	s21 =	simm.s32 $0x15500;
	[smem:$0x7F5] =	sst s19  }
0x53: {  	s3 =	sadd.s32 s3, s8;
	s23 =	sadd.s32 s11, s8;
	[smem:$0x7F7] =	sst s21  }
0x54: {  	s8 =	smul.u32 $0x6000, s10;
	s10 =	sadd.s32 $0x1800, s7;
	[smem:$0x7E2] =	sst s3  }
0x55: {  	s11 =	simm.s32 $0x15300;
	s17 =	simm.s32 $0x1F000;
	[smem:$0x7E5] =	sst s23  }
0x56: {  	s19 =	simm.s32 $0x2;
	s21 =	simm.s32 $0x4;
	[smem:$0x7ED] =	sst s10  }
0x57: {  	s26 =	simm.s32 $0x16D80;
	s0 =	simm.s32 $0x1D000;
	[smem:$0x7EF] =	sst s11  }
0x58: {  	s23 =	simm.s32 $0x15580;
	[smem:$0x7FC] =	sst s26;
	s26 =	simm.s32 $0x14C00  }
0x59: {  	s10 =	simm.s32 $0x8;
	s11 =	simm.s32 $0x9;
	s3 =	simm.s32 $0x0  }
0x5a: {  	s1 =	sadd.s32 s8, s1;
	[smem:$0x7F9] =	sst s23;
	s23 =	simm.s32 $0xB  }
0x5b: {  	s8 =	simm.s32 $0x6;
	s5 =	sor.u32 $0x1800, s1;
	s1 =	sor.u32 $0xC00, s1  }
0x5c: {  	v0 =	vimm.f32 $0.0e+00;
	s15 =	sshrl.u32 s5, $0x3;
	s16 =	sshrl.u32 s1, $0x3;
	s5 =	simm.s32 $0x5  }
.LBB2_1:
0x5d: {  	s1 =	simm.s32 $0x0;
	s6 =	simm.s32 $0x200  }
.LBB2_2:
0x5e: {  	p0 =	sne.s32 s6, $0x1E00;
	[tilespmem:s1+$0x1F070] =	vst v0  }
0x5f: {  	[tilespmem:s1+$0x1F000] =	vst v0  }
0x60: {  	[tilespmem:s1+$0x1F010] =	vst v0  }
.Ltmp0:
0x61: {  	[tilespmem:s1+$0x1F020] =	vst v0;
	(pc) =	sbr.rel @p0 .LBB2_2-.Ltmp0, $4  }
0x62: {  	[tilespmem:s1+$0x1F030] =	vst v0  }
0x63: {  	[tilespmem:s1+$0x1F040] =	vst v0  }
0x64: {  	[tilespmem:s1+$0x1F050] =	vst v0  }
0x65: {  	[tilespmem:s1+$0x1F060] =	vst v0;
	s1 =	sshra.s32 s6, $0x2;
	s6 =	sadd.s32 $0x200, s6  }
0x66: {  	[tilespmem:s1+$0x1F070] =	vst v0  }
0x67: {  	[tilespmem:s1+$0x1F000] =	vst v0  }
0x68: {  	[tilespmem:s1+$0x1F010] =	vst v0  }
0x69: {  	[tilespmem:s1+$0x1F020] =	vst v0  }
0x6a: {  	[tilespmem:s1+$0x1F030] =	vst v0  }
0x6b: {  	[tilespmem:s1+$0x1F040] =	vst v0  }
0x6c: {  	[smem:$0x7C4] =	sst s3;
	[tilespmem:s1+$0x1F050] =	vst v0  }
0x6d: {  	[tilespmem:s1+$0x1F060] =	vst v0;
	s13 =	sld [smem:$0x7DC]  }
0x6e: {  	[spmem:s7] =	stream.linear.scatter [tilespmem:s17], [sflag:$0x1], $0x800, $0x38;
	[tilespmem:$0x1F800] =	vst v63  }
0x6f: {  	s3 =	sld [smem:$0x7DF]  }
0x70: {  	[spmem:s13] =	stream.linear.scatter [tilespmem:s17], [sflag:$0x2], $0x800, $0x38;
	[tilespmem:$0x1F800] =	vst v63  }
0x71: {  	s6 =	sld [smem:$0x7ED]  }
0x72: {  	[spmem:s3] =	stream.linear.scatter [tilespmem:s17], [sflag:$0x3], $0x800, $0x38;
	[tilespmem:$0x1F800] =	vst v63  }
0x73: {  	_ = 	snop  }
0x74: {  	[spmem:s6] =	stream.linear.scatter [tilespmem:s17], [sflag:$0x4], $0x800, $0x38;
	[tilespmem:$0x1F800] =	vst v63  }
0x75: {  	_ =	swait.ge [sflag:s18], $0x800  }
0x76: {  	s6 =	sadd.s32 $0xFFFEE000, s7;
	[sflag:s18] =	ssyncset.done $0x0  }
0x77: {  	s13 =	sadd.s32 $0x14000, s6;
	[sflag:s18] =	ssyncadd.s32 $0xFFFFF800  }
0x78: {  	[spmem:s13] =	stream.linear.scatter [tilespmem:s17], [sflag:$0x1], $0x800, $0x38;
	[tilespmem:$0x1F800] =	vst v63  }
0x79: {  	_ =	swait.ge [sflag:s19], $0x800  }
0x7a: {  	[sflag:s19] =	ssyncset.done $0x0  }
0x7b: {  	s3 =	sadd.s32 $0x14800, s6;
	[sflag:s19] =	ssyncadd.s32 $0xFFFFF800  }
0x7c: {  	[spmem:s3] =	stream.linear.scatter [tilespmem:s17], [sflag:$0x2], $0x800, $0x38;
	[tilespmem:$0x1F800] =	vst v63  }
0x7d: {  	_ =	swait.ge [sflag:s20], $0x800  }
0x7e: {  	[sflag:s20] =	ssyncset.done $0x0  }
0x7f: {  	s13 =	sadd.s32 $0x15000, s6;
	[sflag:s20] =	ssyncadd.s32 $0xFFFFF800  }
0x80: {  	[spmem:s13] =	stream.linear.scatter [tilespmem:s17], [sflag:$0x3], $0x800, $0x38;
	[tilespmem:$0x1F800] =	vst v63  }
0x81: {  	_ =	swait.ge [sflag:s21], $0x800  }
0x82: {  	[sflag:s21] =	ssyncset.done $0x0  }
0x83: {  	s1 =	simm.s32 $0xFFFC0000;
	s6 =	sadd.s32 $0x15800, s6;
	[sflag:s21] =	ssyncadd.s32 $0xFFFFF800  }
.LBB2_4:
0x84: {  	[spmem:s6] =	stream.linear.scatter [tilespmem:s17], [sflag:$0x4], $0x800, $0x38;
	[tilespmem:$0x1F800] =	vst v63  }
0x85: {  	s6 =	sshra.s32 s1, $0x2;
	p0 =	sne.s32 s1, $0xFFFF8000;
	_ =	swait.ge [sflag:s18], $0x800  }
0x86: {  	s1 =	sadd.s32 $0x8000, s1;
	s6 =	sadd.s32 s6, s7;
	[sflag:s18] =	ssyncset.done $0x0  }
0x87: {  	s13 =	sadd.s32 $0x14000, s6;
	[sflag:s18] =	ssyncadd.s32 $0xFFFFF800  }
0x88: {  	[spmem:s13] =	stream.linear.scatter [tilespmem:s17], [sflag:$0x1], $0x800, $0x38;
	[tilespmem:$0x1F800] =	vst v63  }
0x89: {  	_ =	swait.ge [sflag:s19], $0x800  }
0x8a: {  	[sflag:s19] =	ssyncset.done $0x0  }
0x8b: {  	s13 =	sadd.s32 $0x14800, s6;
	[sflag:s19] =	ssyncadd.s32 $0xFFFFF800  }
0x8c: {  	[spmem:s13] =	stream.linear.scatter [tilespmem:s17], [sflag:$0x2], $0x800, $0x38;
	[tilespmem:$0x1F800] =	vst v63  }
0x8d: {  	_ =	swait.ge [sflag:s20], $0x800  }
0x8e: {  	[sflag:s20] =	ssyncset.done $0x0  }
.Ltmp1:
0x8f: {  	s13 =	sadd.s32 $0x15000, s6;
	[sflag:s20] =	ssyncadd.s32 $0xFFFFF800;
	(pc) =	sbr.rel @p0 .LBB2_4-.Ltmp1, $4  }
0x90: {  	[spmem:s13] =	stream.linear.scatter [tilespmem:s17], [sflag:$0x3], $0x800, $0x38;
	[tilespmem:$0x1F800] =	vst v63  }
0x91: {  	_ =	swait.ge [sflag:s21], $0x800  }
0x92: {  	[sflag:s21] =	ssyncset.done $0x0  }
0x93: {  	s6 =	sadd.s32 $0x15800, s6;
	[sflag:s21] =	ssyncadd.s32 $0xFFFFF800  }
0x94: {  	[spmem:s6] =	stream.linear.scatter [tilespmem:s17], [sflag:$0x4], $0x800, $0x38;
	[tilespmem:$0x1F800] =	vst v63  }
0x95: {  	_ =	swait.ge [sflag:s18], $0x800  }
0x96: {  	[sflag:s18] =	ssyncset.done $0x0  }
0x97: {  	[sflag:s18] =	ssyncadd.s32 $0xFFFFF800  }
0x98: {  	_ =	swait.ge [sflag:s19], $0x800  }
0x99: {  	[sflag:s19] =	ssyncset.done $0x0  }
0x9a: {  	[sflag:s19] =	ssyncadd.s32 $0xFFFFF800  }
0x9b: {  	_ =	swait.ge [sflag:s20], $0x800  }
0x9c: {  	[sflag:s20] =	ssyncset.done $0x0  }
0x9d: {  	[sflag:s20] =	ssyncadd.s32 $0xFFFFF800  }
0x9e: {  	_ =	swait.ge [sflag:s21], $0x800  }
0x9f: {  	[sflag:s21] =	ssyncset.done $0x0  }
0xa0: {  	[sflag:s21] =	ssyncadd.s32 $0xFFFFF800  }
0xa1: {  	[bflag:$0x0] =	sbarrier.arrive $0xFFFF  }
0xa2: {  	s3 =	sld [smem:$0x7E2];
	_ =	sdelay $0x1  }
0xa3: {  	s1 =	simm.s32 $0x0  }
0xa4: {  	[tilespmem:s22], [sflag:$0xB] =	stream.linear.gather [hbm4b:s3+s1], $0xA00, $0x38;
	[tilespmem:$0x1F800] =	vst v63  }
0xa5: {  	_ =	swait.ge [sflag:s23], $0xA00  }
0xa6: {  	s13 =	sld [smem:$0x7E5]  }
0xa7: {  	[sflag:s23] =	ssyncset.done $0x0  }
0xa8: {  	[sflag:s23] =	ssyncadd.s32 $0xFFFFF600  }
0xa9: {  	[tilespmem:s24], [sflag:$0xB] =	stream.linear.gather [hbm4b:s13+s1], $0xA00, $0x38;
	[tilespmem:$0x1F800] =	vst v63  }
0xaa: {  	_ =	swait.ge [sflag:s23], $0xA00  }
0xab: {  	[sflag:s23] =	ssyncset.done $0x0  }
0xac: {  	[sflag:s23] =	ssyncadd.s32 $0xFFFFF600  }
0xad: {  	s7 =	rddreg [dreg:$0x1]  }
0xae: {  	s3 =	sadd.s32 s7, s16  }
0xaf: {  	[tilespmem:s26], [sflag:$0x9] =	stream.linear.gather [hbm4b:s3+s14], $0xA00, $0x38;
	[tilespmem:$0x1F800] =	vst v63  }
0xb0: {  	s3 =	sld [smem:$0x7E4];
	_ =	sdelay $0x2  }
0xb1: {  	s6 =	sadd.s32 s3, s16  }
0xb2: {  	[tilespmem:s25], [sflag:$0xA] =	stream.linear.gather [hbm4b:s6+s14], $0xA00, $0x38;
	[tilespmem:$0x1F800] =	vst v63  }
0xb3: {  	_ = 	snop  }
0xb4: {  	[tilespmem:s29], [sflag:$0x1] =	stream.indirect.gather [hbm4b:s4+s28], $0x80, s22, s28, $0xb8;
	[tilespmem:$0x1F800] =	vst v63  }
0xb5: {  	s13 =	rddreg [dreg:$0x4]  }
0xb6: {  	[tilespmem:s30], [sflag:$0x2] =	stream.indirect.gather [hbm4b:s4+s28], $0x80, s13, s28, $0xb8;
	[tilespmem:$0x1F800] =	vst v63  }
0xb7: {  	s14 =	rddreg [dreg:$0x5]  }
0xb8: {  	[tilespmem:s31], [sflag:$0x3] =	stream.indirect.gather [hbm4b:s4+s28], $0x80, s14, s28, $0xb8;
	[tilespmem:$0x1F800] =	vst v63  }
0xb9: {  	_ =	swait.ge [sflag:s18], $0x2000  }
0xba: {  	[sflag:s18] =	ssyncset.done $0x0  }
0xbb: {  	[sflag:s18] =	ssyncadd.s32 $0xFFFFE000  }
0xbc: {  	[spmem:s2] =	stream.indirect.scatter.add.f32 [tilespmem:s29], [sflag:$0x5], $0x80, s24, s28, $0xb8;
	[tilespmem:$0x1F800] =	vst v63  }
0xbd: {  	s22 =	rddreg [dreg:$0x6]  }
0xbe: {  	[tilespmem:s0], [sflag:$0x4] =	stream.indirect.gather [hbm4b:s4+s28], $0x80, s22, s28, $0xb8;
	[tilespmem:$0x1F800] =	vst v63  }
0xbf: {  	_ =	swait.ge [sflag:s19], $0x2000  }
0xc0: {  	[sflag:s19] =	ssyncset.done $0x0  }
0xc1: {  	s23 =	rddreg [dreg:$0x7];
	[sflag:s19] =	ssyncadd.s32 $0xFFFFE000  }
0xc2: {  	[spmem:s2] =	stream.indirect.scatter.add.f32 [tilespmem:s30], [sflag:$0x6], $0x80, s23, s28, $0xb8;
	[tilespmem:$0x1F800] =	vst v63  }
0xc3: {  	_ =	swait.ge [sflag:s5], $0x2000  }
0xc4: {  	[sflag:s5] =	ssyncset.done $0x0  }
0xc5: {  	s24 =	rddreg [dreg:$0x8];
	[sflag:s5] =	ssyncadd.s32 $0xFFFFE000  }
0xc6: {  	[tilespmem:s29], [sflag:$0x1] =	stream.indirect.gather [hbm4b:s4+s28], $0x80, s24, s28, $0xb8;
	[tilespmem:$0x1F800] =	vst v63  }
0xc7: {  	_ =	swait.ge [sflag:s20], $0x2000  }
0xc8: {  	[sflag:s20] =	ssyncset.done $0x0  }
0xc9: {  	s6 =	rddreg [dreg:$0x9];
	[sflag:s20] =	ssyncadd.s32 $0xFFFFE000  }
0xca: {  	[spmem:s2] =	stream.indirect.scatter.add.f32 [tilespmem:s31], [sflag:$0x7], $0x80, s6, s28, $0xb8;
	[tilespmem:$0x1F800] =	vst v63  }
0xcb: {  	_ =	swait.ge [sflag:s8], $0x2000  }
0xcc: {  	[sflag:s8] =	ssyncset.done $0x0  }
0xcd: {  	s13 =	rddreg [dreg:$0xa];
	[sflag:s8] =	ssyncadd.s32 $0xFFFFE000  }
0xce: {  	[tilespmem:s30], [sflag:$0x2] =	stream.indirect.gather [hbm4b:s4+s28], $0x80, s13, s28, $0xb8;
	[tilespmem:$0x1F800] =	vst v63  }
0xcf: {  	_ =	swait.ge [sflag:s21], $0x2000  }
0xd0: {  	[sflag:s21] =	ssyncset.done $0x0  }
0xd1: {  	s14 =	rddreg [dreg:$0xb];
	[sflag:s21] =	ssyncadd.s32 $0xFFFFE000  }
0xd2: {  	[spmem:s2] =	stream.indirect.scatter.add.f32 [tilespmem:s0], [sflag:$0x8], $0x80, s14, s28, $0xb8;
	[tilespmem:$0x1F800] =	vst v63  }
0xd3: {  	_ =	swait.ge [sflag:s9], $0x2000  }
0xd4: {  	[sflag:s9] =	ssyncset.done $0x0  }
0xd5: {  	s22 =	rddreg [dreg:$0xc];
	[sflag:s9] =	ssyncadd.s32 $0xFFFFE000  }
0xd6: {  	[tilespmem:s31], [sflag:$0x3] =	stream.indirect.gather [hbm4b:s4+s28], $0x80, s22, s28, $0xb8;
	[tilespmem:$0x1F800] =	vst v63  }
0xd7: {  	_ =	swait.ge [sflag:s18], $0x2000  }
0xd8: {  	[sflag:s18] =	ssyncset.done $0x0  }
0xd9: {  	s23 =	rddreg [dreg:$0xd];
	[sflag:s18] =	ssyncadd.s32 $0xFFFFE000  }
0xda: {  	[spmem:s2] =	stream.indirect.scatter.add.f32 [tilespmem:s29], [sflag:$0x5], $0x80, s23, s28, $0xb8;
	[tilespmem:$0x1F800] =	vst v63  }
0xdb: {  	_ =	swait.ge [sflag:s10], $0x2000  }
0xdc: {  	[sflag:s10] =	ssyncset.done $0x0  }
0xdd: {  	s24 =	rddreg [dreg:$0xe];
	[sflag:s10] =	ssyncadd.s32 $0xFFFFE000  }
0xde: {  	[tilespmem:s0], [sflag:$0x4] =	stream.indirect.gather [hbm4b:s4+s28], $0x80, s24, s28, $0xb8;
	[tilespmem:$0x1F800] =	vst v63  }
0xdf: {  	_ =	swait.ge [sflag:s19], $0x2000  }
0xe0: {  	[sflag:s19] =	ssyncset.done $0x0  }
0xe1: {  	s6 =	rddreg [dreg:$0xf];
	[sflag:s19] =	ssyncadd.s32 $0xFFFFE000  }
0xe2: {  	[spmem:s2] =	stream.indirect.scatter.add.f32 [tilespmem:s30], [sflag:$0x6], $0x80, s6, s28, $0xb8;
	[tilespmem:$0x1F800] =	vst v63  }
0xe3: {  	_ =	swait.ge [sflag:s5], $0x2000  }
0xe4: {  	[sflag:s5] =	ssyncset.done $0x0  }
0xe5: {  	s13 =	rddreg [dreg:$0x10];
	[sflag:s5] =	ssyncadd.s32 $0xFFFFE000  }
0xe6: {  	[tilespmem:s29], [sflag:$0x1] =	stream.indirect.gather [hbm4b:s4+s28], $0x80, s13, s28, $0xb8;
	[tilespmem:$0x1F800] =	vst v63  }
0xe7: {  	_ =	swait.ge [sflag:s20], $0x2000  }
0xe8: {  	[sflag:s20] =	ssyncset.done $0x0  }
0xe9: {  	s14 =	rddreg [dreg:$0x11];
	[sflag:s20] =	ssyncadd.s32 $0xFFFFE000  }
0xea: {  	[spmem:s2] =	stream.indirect.scatter.add.f32 [tilespmem:s31], [sflag:$0x7], $0x80, s14, s28, $0xb8;
	[tilespmem:$0x1F800] =	vst v63  }
0xeb: {  	_ =	swait.ge [sflag:s8], $0x2000  }
0xec: {  	[sflag:s8] =	ssyncset.done $0x0  }
0xed: {  	s22 =	rddreg [dreg:$0x12];
	[sflag:s8] =	ssyncadd.s32 $0xFFFFE000  }
0xee: {  	[tilespmem:s30], [sflag:$0x2] =	stream.indirect.gather [hbm4b:s4+s28], $0x80, s22, s28, $0xb8;
	[tilespmem:$0x1F800] =	vst v63  }
0xef: {  	_ =	swait.ge [sflag:s21], $0x2000  }
0xf0: {  	[sflag:s21] =	ssyncset.done $0x0  }
0xf1: {  	s23 =	rddreg [dreg:$0x13];
	[sflag:s21] =	ssyncadd.s32 $0xFFFFE000  }
0xf2: {  	[spmem:s2] =	stream.indirect.scatter.add.f32 [tilespmem:s0], [sflag:$0x8], $0x80, s23, s28, $0xb8;
	[tilespmem:$0x1F800] =	vst v63  }
0xf3: {  	_ =	swait.ge [sflag:s9], $0x2000  }
0xf4: {  	[sflag:s9] =	ssyncset.done $0x0  }
0xf5: {  	s24 =	rddreg [dreg:$0x14];
	[sflag:s9] =	ssyncadd.s32 $0xFFFFE000  }
0xf6: {  	[tilespmem:s31], [sflag:$0x3] =	stream.indirect.gather [hbm4b:s4+s28], $0x80, s24, s28, $0xb8;
	[tilespmem:$0x1F800] =	vst v63  }
0xf7: {  	_ =	swait.ge [sflag:s18], $0x2000  }
0xf8: {  	[sflag:s18] =	ssyncset.done $0x0  }
0xf9: {  	s6 =	rddreg [dreg:$0x15];
	[sflag:s18] =	ssyncadd.s32 $0xFFFFE000  }
0xfa: {  	[spmem:s2] =	stream.indirect.scatter.add.f32 [tilespmem:s29], [sflag:$0x5], $0x80, s6, s28, $0xb8;
	[tilespmem:$0x1F800] =	vst v63  }
0xfb: {  	_ =	swait.ge [sflag:s10], $0x2000  }
0xfc: {  	[sflag:s10] =	ssyncset.done $0x0  }
0xfd: {  	s13 =	rddreg [dreg:$0x16];
	[sflag:s10] =	ssyncadd.s32 $0xFFFFE000  }
0xfe: {  	[tilespmem:s0], [sflag:$0x4] =	stream.indirect.gather [hbm4b:s4+s28], $0x80, s13, s28, $0xb8;
	[tilespmem:$0x1F800] =	vst v63  }
0xff: {  	_ =	swait.ge [sflag:s19], $0x2000  }
0x100: {  	[sflag:s19] =	ssyncset.done $0x0  }
0x101: {  	s14 =	rddreg [dreg:$0x17];
	[sflag:s19] =	ssyncadd.s32 $0xFFFFE000  }
0x102: {  	[spmem:s2] =	stream.indirect.scatter.add.f32 [tilespmem:s30], [sflag:$0x6], $0x80, s14, s28, $0xb8;
	[tilespmem:$0x1F800] =	vst v63  }
0x103: {  	_ =	swait.ge [sflag:s5], $0x2000  }
0x104: {  	[sflag:s5] =	ssyncset.done $0x0  }
0x105: {  	s22 =	rddreg [dreg:$0x18];
	[sflag:s5] =	ssyncadd.s32 $0xFFFFE000  }
0x106: {  	[tilespmem:s29], [sflag:$0x1] =	stream.indirect.gather [hbm4b:s4+s28], $0x80, s22, s28, $0xb8;
	[tilespmem:$0x1F800] =	vst v63  }
0x107: {  	_ =	swait.ge [sflag:s20], $0x2000  }
0x108: {  	[sflag:s20] =	ssyncset.done $0x0  }
0x109: {  	s23 =	rddreg [dreg:$0x19];
	[sflag:s20] =	ssyncadd.s32 $0xFFFFE000  }
0x10a: {  	[spmem:s2] =	stream.indirect.scatter.add.f32 [tilespmem:s31], [sflag:$0x7], $0x80, s23, s28, $0xb8;
	[tilespmem:$0x1F800] =	vst v63  }
0x10b: {  	_ =	swait.ge [sflag:s8], $0x2000  }
0x10c: {  	[sflag:s8] =	ssyncset.done $0x0  }
0x10d: {  	s24 =	rddreg [dreg:$0x1a];
	[sflag:s8] =	ssyncadd.s32 $0xFFFFE000  }
0x10e: {  	[tilespmem:s30], [sflag:$0x2] =	stream.indirect.gather [hbm4b:s4+s28], $0x80, s24, s28, $0xb8;
	[tilespmem:$0x1F800] =	vst v63  }
0x10f: {  	_ =	swait.ge [sflag:s21], $0x2000  }
0x110: {  	[sflag:s21] =	ssyncset.done $0x0  }
0x111: {  	s6 =	rddreg [dreg:$0x1b];
	[sflag:s21] =	ssyncadd.s32 $0xFFFFE000  }
0x112: {  	[spmem:s2] =	stream.indirect.scatter.add.f32 [tilespmem:s0], [sflag:$0x8], $0x80, s6, s28, $0xb8;
	[tilespmem:$0x1F800] =	vst v63  }
0x113: {  	_ =	swait.ge [sflag:s9], $0x2000  }
0x114: {  	[sflag:s9] =	ssyncset.done $0x0  }
0x115: {  	s13 =	rddreg [dreg:$0x1c];
	[sflag:s9] =	ssyncadd.s32 $0xFFFFE000  }
0x116: {  	[tilespmem:s31], [sflag:$0x3] =	stream.indirect.gather [hbm4b:s4+s28], $0x80, s13, s28, $0xb8;
	[tilespmem:$0x1F800] =	vst v63  }
0x117: {  	_ =	swait.ge [sflag:s18], $0x2000  }
0x118: {  	[sflag:s18] =	ssyncset.done $0x0  }
0x119: {  	s14 =	rddreg [dreg:$0x1d];
	[sflag:s18] =	ssyncadd.s32 $0xFFFFE000  }
0x11a: {  	[spmem:s2] =	stream.indirect.scatter.add.f32 [tilespmem:s29], [sflag:$0x5], $0x80, s14, s28, $0xb8;
	[tilespmem:$0x1F800] =	vst v63  }
0x11b: {  	_ =	swait.ge [sflag:s10], $0x2000  }
0x11c: {  	[sflag:s10] =	ssyncset.done $0x0  }
0x11d: {  	s22 =	rddreg [dreg:$0x1e];
	[sflag:s10] =	ssyncadd.s32 $0xFFFFE000  }
0x11e: {  	[tilespmem:s0], [sflag:$0x4] =	stream.indirect.gather [hbm4b:s4+s28], $0x80, s22, s28, $0xb8;
	[tilespmem:$0x1F800] =	vst v63  }
0x11f: {  	_ =	swait.ge [sflag:s19], $0x2000  }
0x120: {  	[sflag:s19] =	ssyncset.done $0x0  }
0x121: {  	s23 =	rddreg [dreg:$0x1f];
	[sflag:s19] =	ssyncadd.s32 $0xFFFFE000  }
0x122: {  	[spmem:s2] =	stream.indirect.scatter.add.f32 [tilespmem:s30], [sflag:$0x6], $0x80, s23, s28, $0xb8;
	[tilespmem:$0x1F800] =	vst v63  }
0x123: {  	_ =	swait.ge [sflag:s5], $0x2000  }
0x124: {  	s24 =	sld [smem:$0x7C5]  }
0x125: {  	[sflag:s5] =	ssyncset.done $0x0  }
0x126: {  	[sflag:s5] =	ssyncadd.s32 $0xFFFFE000  }
0x127: {  	[tilespmem:s29], [sflag:$0x1] =	stream.indirect.gather [hbm4b:s4+s28], $0x80, s24, s28, $0xb8;
	[tilespmem:$0x1F800] =	vst v63  }
0x128: {  	_ =	swait.ge [sflag:s20], $0x2000  }
0x129: {  	s6 =	sld [smem:$0x7C6]  }
0x12a: {  	[sflag:s20] =	ssyncset.done $0x0  }
0x12b: {  	[sflag:s20] =	ssyncadd.s32 $0xFFFFE000  }
0x12c: {  	[spmem:s2] =	stream.indirect.scatter.add.f32 [tilespmem:s31], [sflag:$0x7], $0x80, s6, s28, $0xb8;
	[tilespmem:$0x1F800] =	vst v63  }
0x12d: {  	_ =	swait.ge [sflag:s8], $0x2000  }
0x12e: {  	s13 =	sld [smem:$0x7C7]  }
0x12f: {  	[sflag:s8] =	ssyncset.done $0x0  }
0x130: {  	[sflag:s8] =	ssyncadd.s32 $0xFFFFE000  }
0x131: {  	[tilespmem:s30], [sflag:$0x2] =	stream.indirect.gather [hbm4b:s4+s28], $0x80, s13, s28, $0xb8;
	[tilespmem:$0x1F800] =	vst v63  }
0x132: {  	_ =	swait.ge [sflag:s21], $0x2000  }
0x133: {  	s14 =	sld [smem:$0x7C8]  }
0x134: {  	[sflag:s21] =	ssyncset.done $0x0  }
0x135: {  	[sflag:s21] =	ssyncadd.s32 $0xFFFFE000  }
0x136: {  	[spmem:s2] =	stream.indirect.scatter.add.f32 [tilespmem:s0], [sflag:$0x8], $0x80, s14, s28, $0xb8;
	[tilespmem:$0x1F800] =	vst v63  }
0x137: {  	_ =	swait.ge [sflag:s9], $0x2000  }
0x138: {  	s22 =	sld [smem:$0x7C9]  }
0x139: {  	[sflag:s9] =	ssyncset.done $0x0  }
0x13a: {  	[sflag:s9] =	ssyncadd.s32 $0xFFFFE000  }
0x13b: {  	[tilespmem:s31], [sflag:$0x3] =	stream.indirect.gather [hbm4b:s4+s28], $0x80, s22, s28, $0xb8;
	[tilespmem:$0x1F800] =	vst v63  }
0x13c: {  	_ =	swait.ge [sflag:s18], $0x2000  }
0x13d: {  	s23 =	sld [smem:$0x7CA]  }
0x13e: {  	[sflag:s18] =	ssyncset.done $0x0  }
0x13f: {  	[sflag:s18] =	ssyncadd.s32 $0xFFFFE000  }
0x140: {  	[spmem:s2] =	stream.indirect.scatter.add.f32 [tilespmem:s29], [sflag:$0x5], $0x80, s23, s28, $0xb8;
	[tilespmem:$0x1F800] =	vst v63  }
0x141: {  	_ =	swait.ge [sflag:s10], $0x2000  }
0x142: {  	s24 =	sld [smem:$0x7CB]  }
0x143: {  	[sflag:s10] =	ssyncset.done $0x0  }
0x144: {  	[sflag:s10] =	ssyncadd.s32 $0xFFFFE000  }
0x145: {  	[tilespmem:s0], [sflag:$0x4] =	stream.indirect.gather [hbm4b:s4+s28], $0x80, s24, s28, $0xb8;
	[tilespmem:$0x1F800] =	vst v63  }
0x146: {  	_ =	swait.ge [sflag:s19], $0x2000  }
0x147: {  	s6 =	sld [smem:$0x7CC]  }
0x148: {  	[sflag:s19] =	ssyncset.done $0x0  }
0x149: {  	[sflag:s19] =	ssyncadd.s32 $0xFFFFE000  }
0x14a: {  	[spmem:s2] =	stream.indirect.scatter.add.f32 [tilespmem:s30], [sflag:$0x6], $0x80, s6, s28, $0xb8;
	[tilespmem:$0x1F800] =	vst v63  }
0x14b: {  	_ =	swait.ge [sflag:s20], $0x2000  }
0x14c: {  	s13 =	sld [smem:$0x7CD]  }
0x14d: {  	[sflag:s20] =	ssyncset.done $0x0  }
0x14e: {  	[sflag:s20] =	ssyncadd.s32 $0xFFFFE000  }
0x14f: {  	[spmem:s2] =	stream.indirect.scatter.add.f32 [tilespmem:s31], [sflag:$0x7], $0x80, s13, s28, $0xb8;
	[tilespmem:$0x1F800] =	vst v63  }
0x150: {  	_ =	swait.ge [sflag:s21], $0x2000  }
0x151: {  	s14 =	sld [smem:$0x7CE]  }
0x152: {  	[sflag:s21] =	ssyncset.done $0x0  }
0x153: {  	[sflag:s21] =	ssyncadd.s32 $0xFFFFE000  }
0x154: {  	[spmem:s2] =	stream.indirect.scatter.add.f32 [tilespmem:s0], [sflag:$0x8], $0x80, s14, s28, $0xb8;
	[tilespmem:$0x1F800] =	vst v63  }
0x155: {  	_ =	swait.ge [sflag:s5], $0x2000  }
0x156: {  	[sflag:s5] =	ssyncset.done $0x0  }
0x157: {  	[sflag:s5] =	ssyncadd.s32 $0xFFFFE000  }
0x158: {  	_ =	swait.ge [sflag:s8], $0x2000  }
0x159: {  	[sflag:s8] =	ssyncset.done $0x0  }
0x15a: {  	[sflag:s8] =	ssyncadd.s32 $0xFFFFE000  }
0x15b: {  	_ =	swait.ge [sflag:s9], $0x2000  }
0x15c: {  	[sflag:s9] =	ssyncset.done $0x0  }
0x15d: {  	[sflag:s9] =	ssyncadd.s32 $0xFFFFE000  }
0x15e: {  	_ =	swait.ge [sflag:s10], $0x2000  }
0x15f: {  	[sflag:s10] =	ssyncset.done $0x0  }
0x160: {  	[sflag:s10] =	ssyncadd.s32 $0xFFFFE000  }
0x161: {  	_ =	swait.ge [sflag:s11], $0xA00  }
0x162: {  	[sflag:s11] =	ssyncset.done $0x0  }
0x163: {  	[sflag:s11] =	ssyncadd.s32 $0xFFFFF600  }
0x164: {  	p1 =	por $0x0, $0x0;
	_ =	swait.ge [sflag:s12], $0xA00  }
0x165: {  	s1 =	sadd.s32 @!p1 s7, s15;
	[sflag:s12] =	ssyncset.done $0x0  }
0x166: {  	s6 =	simm.s32 @!p1 $0x0;
	s13 =	simm.s32 @!p1 $0x14000;
	[sflag:s12] =	ssyncadd.s32 $0xFFFFF600  }
0x167: {  	[tilespmem:s13], [sflag:$0x9] =	stream.linear.gather @!p1 [hbm4b:s1+s6], $0xA00, $0x38;
	[tilespmem:$0x1F800] =	vst v63  }
0x168: {  	s1 =	sadd.s32 @!p1 s3, s15;
	s13 =	simm.s32 @!p1 $0x15800  }
0x169: {  	[tilespmem:s13], [sflag:$0xA] =	stream.linear.gather @!p1 [hbm4b:s1+s6], $0xA00, $0x38;
	[tilespmem:$0x1F800] =	vst v63  }
0x16a: {  	s22 =	sld [smem:$0x7CF]  }
0x16b: {  	[tilespmem:s29], [sflag:$0x1] =	stream.indirect.gather [hbm4b:s4+s28], $0x80, s26, s28, $0xb8;
	[tilespmem:$0x1F800] =	vst v63  }
0x16c: {  	s23 =	sld [smem:$0x7D0]  }
0x16d: {  	[tilespmem:s30], [sflag:$0x2] =	stream.indirect.gather [hbm4b:s4+s28], $0x80, s22, s28, $0xb8;
	[tilespmem:$0x1F800] =	vst v63  }
0x16e: {  	_ = 	snop  }
0x16f: {  	[tilespmem:s31], [sflag:$0x3] =	stream.indirect.gather [hbm4b:s4+s28], $0x80, s23, s28, $0xb8;
	[tilespmem:$0x1F800] =	vst v63  }
0x170: {  	_ =	swait.ge [sflag:s18], $0x2000  }
0x171: {  	[sflag:s18] =	ssyncset.done $0x0  }
0x172: {  	s26 =	sld [smem:$0x7D1];
	[sflag:s18] =	ssyncadd.s32 $0xFFFFE000  }
0x173: {  	[spmem:s2] =	stream.indirect.scatter.add.f32 [tilespmem:s29], [sflag:$0x5], $0x80, s25, s28, $0xb8;
	[tilespmem:$0x1F800] =	vst v63  }
0x174: {  	_ = 	snop  }
0x175: {  	[tilespmem:s0], [sflag:$0x4] =	stream.indirect.gather [hbm4b:s4+s28], $0x80, s26, s28, $0xb8;
	[tilespmem:$0x1F800] =	vst v63  }
0x176: {  	_ =	swait.ge [sflag:s19], $0x2000  }
0x177: {  	s6 =	sld [smem:$0x7D2]  }
0x178: {  	[sflag:s19] =	ssyncset.done $0x0  }
0x179: {  	[sflag:s19] =	ssyncadd.s32 $0xFFFFE000  }
0x17a: {  	[spmem:s2] =	stream.indirect.scatter.add.f32 [tilespmem:s30], [sflag:$0x6], $0x80, s6, s28, $0xb8;
	[tilespmem:$0x1F800] =	vst v63  }
0x17b: {  	_ =	swait.ge [sflag:s5], $0x2000  }
0x17c: {  	s24 =	smov.u32 s7;
	s7 =	sld [smem:$0x7D3]  }
0x17d: {  	[sflag:s5] =	ssyncset.done $0x0  }
0x17e: {  	[sflag:s5] =	ssyncadd.s32 $0xFFFFE000  }
0x17f: {  	[tilespmem:s29], [sflag:$0x1] =	stream.indirect.gather [hbm4b:s4+s28], $0x80, s7, s28, $0xb8;
	[tilespmem:$0x1F800] =	vst v63  }
0x180: {  	_ =	swait.ge [sflag:s20], $0x2000  }
0x181: {  	s13 =	sld [smem:$0x7D4]  }
0x182: {  	[sflag:s20] =	ssyncset.done $0x0  }
0x183: {  	[sflag:s20] =	ssyncadd.s32 $0xFFFFE000  }
0x184: {  	[spmem:s2] =	stream.indirect.scatter.add.f32 [tilespmem:s31], [sflag:$0x7], $0x80, s13, s28, $0xb8;
	[tilespmem:$0x1F800] =	vst v63  }
0x185: {  	_ =	swait.ge [sflag:s8], $0x2000  }
0x186: {  	s14 =	sld [smem:$0x7D5]  }
0x187: {  	[sflag:s8] =	ssyncset.done $0x0  }
0x188: {  	[sflag:s8] =	ssyncadd.s32 $0xFFFFE000  }
0x189: {  	[tilespmem:s30], [sflag:$0x2] =	stream.indirect.gather [hbm4b:s4+s28], $0x80, s14, s28, $0xb8;
	[tilespmem:$0x1F800] =	vst v63  }
0x18a: {  	_ =	swait.ge [sflag:s21], $0x2000  }
0x18b: {  	s22 =	sld [smem:$0x7D6]  }
0x18c: {  	[sflag:s21] =	ssyncset.done $0x0  }
0x18d: {  	[sflag:s21] =	ssyncadd.s32 $0xFFFFE000  }
0x18e: {  	[spmem:s2] =	stream.indirect.scatter.add.f32 [tilespmem:s0], [sflag:$0x8], $0x80, s22, s28, $0xb8;
	[tilespmem:$0x1F800] =	vst v63  }
0x18f: {  	_ =	swait.ge [sflag:s9], $0x2000  }
0x190: {  	s23 =	sld [smem:$0x7D7]  }
0x191: {  	[sflag:s9] =	ssyncset.done $0x0  }
0x192: {  	[sflag:s9] =	ssyncadd.s32 $0xFFFFE000  }
0x193: {  	[tilespmem:s31], [sflag:$0x3] =	stream.indirect.gather [hbm4b:s4+s28], $0x80, s23, s28, $0xb8;
	[tilespmem:$0x1F800] =	vst v63  }
0x194: {  	_ =	swait.ge [sflag:s18], $0x2000  }
0x195: {  	s26 =	sld [smem:$0x7D8]  }
0x196: {  	[sflag:s18] =	ssyncset.done $0x0  }
0x197: {  	[sflag:s18] =	ssyncadd.s32 $0xFFFFE000  }
0x198: {  	[spmem:s2] =	stream.indirect.scatter.add.f32 [tilespmem:s29], [sflag:$0x5], $0x80, s26, s28, $0xb8;
	[tilespmem:$0x1F800] =	vst v63  }
0x199: {  	_ =	swait.ge [sflag:s10], $0x2000  }
0x19a: {  	s6 =	sld [smem:$0x7D9]  }
0x19b: {  	[sflag:s10] =	ssyncset.done $0x0  }
0x19c: {  	[sflag:s10] =	ssyncadd.s32 $0xFFFFE000  }
0x19d: {  	[tilespmem:s0], [sflag:$0x4] =	stream.indirect.gather [hbm4b:s4+s28], $0x80, s6, s28, $0xb8;
	[tilespmem:$0x1F800] =	vst v63  }
0x19e: {  	_ =	swait.ge [sflag:s19], $0x2000  }
0x19f: {  	s7 =	sld [smem:$0x7DA]  }
0x1a0: {  	[sflag:s19] =	ssyncset.done $0x0  }
0x1a1: {  	[sflag:s19] =	ssyncadd.s32 $0xFFFFE000  }
0x1a2: {  	[spmem:s2] =	stream.indirect.scatter.add.f32 [tilespmem:s30], [sflag:$0x6], $0x80, s7, s28, $0xb8;
	[tilespmem:$0x1F800] =	vst v63  }
0x1a3: {  	_ =	swait.ge [sflag:s5], $0x2000  }
0x1a4: {  	s13 =	sld [smem:$0x7DB]  }
0x1a5: {  	[sflag:s5] =	ssyncset.done $0x0  }
0x1a6: {  	[sflag:s5] =	ssyncadd.s32 $0xFFFFE000  }
0x1a7: {  	[tilespmem:s29], [sflag:$0x1] =	stream.indirect.gather [hbm4b:s4+s28], $0x80, s13, s28, $0xb8;
	[tilespmem:$0x1F800] =	vst v63  }
0x1a8: {  	_ =	swait.ge [sflag:s20], $0x2000  }
0x1a9: {  	s14 =	sld [smem:$0x7DD]  }
0x1aa: {  	[sflag:s20] =	ssyncset.done $0x0  }
0x1ab: {  	[sflag:s20] =	ssyncadd.s32 $0xFFFFE000  }
0x1ac: {  	[spmem:s2] =	stream.indirect.scatter.add.f32 [tilespmem:s31], [sflag:$0x7], $0x80, s14, s28, $0xb8;
	[tilespmem:$0x1F800] =	vst v63  }
0x1ad: {  	_ =	swait.ge [sflag:s8], $0x2000  }
0x1ae: {  	s22 =	sld [smem:$0x7DE]  }
0x1af: {  	[sflag:s8] =	ssyncset.done $0x0  }
0x1b0: {  	[sflag:s8] =	ssyncadd.s32 $0xFFFFE000  }
0x1b1: {  	[tilespmem:s30], [sflag:$0x2] =	stream.indirect.gather [hbm4b:s4+s28], $0x80, s22, s28, $0xb8;
	[tilespmem:$0x1F800] =	vst v63  }
0x1b2: {  	_ =	swait.ge [sflag:s21], $0x2000  }
0x1b3: {  	s23 =	sld [smem:$0x7E0]  }
0x1b4: {  	[sflag:s21] =	ssyncset.done $0x0  }
0x1b5: {  	[sflag:s21] =	ssyncadd.s32 $0xFFFFE000  }
0x1b6: {  	[spmem:s2] =	stream.indirect.scatter.add.f32 [tilespmem:s0], [sflag:$0x8], $0x80, s23, s28, $0xb8;
	[tilespmem:$0x1F800] =	vst v63  }
0x1b7: {  	_ =	swait.ge [sflag:s9], $0x2000  }
0x1b8: {  	s26 =	sld [smem:$0x7E1]  }
0x1b9: {  	[sflag:s9] =	ssyncset.done $0x0  }
0x1ba: {  	[sflag:s9] =	ssyncadd.s32 $0xFFFFE000  }
0x1bb: {  	[tilespmem:s31], [sflag:$0x3] =	stream.indirect.gather [hbm4b:s4+s28], $0x80, s26, s28, $0xb8;
	[tilespmem:$0x1F800] =	vst v63  }
0x1bc: {  	_ =	swait.ge [sflag:s18], $0x2000  }
0x1bd: {  	s6 =	sld [smem:$0x7E3]  }
0x1be: {  	[sflag:s18] =	ssyncset.done $0x0  }
0x1bf: {  	[sflag:s18] =	ssyncadd.s32 $0xFFFFE000  }
0x1c0: {  	[spmem:s2] =	stream.indirect.scatter.add.f32 [tilespmem:s29], [sflag:$0x5], $0x80, s6, s28, $0xb8;
	[tilespmem:$0x1F800] =	vst v63  }
0x1c1: {  	_ =	swait.ge [sflag:s10], $0x2000  }
0x1c2: {  	s7 =	sld [smem:$0x7E6]  }
0x1c3: {  	[sflag:s10] =	ssyncset.done $0x0  }
0x1c4: {  	[sflag:s10] =	ssyncadd.s32 $0xFFFFE000  }
0x1c5: {  	[tilespmem:s0], [sflag:$0x4] =	stream.indirect.gather [hbm4b:s4+s28], $0x80, s7, s28, $0xb8;
	[tilespmem:$0x1F800] =	vst v63  }
0x1c6: {  	_ =	swait.ge [sflag:s19], $0x2000  }
0x1c7: {  	s13 =	sld [smem:$0x7E8]  }
0x1c8: {  	[sflag:s19] =	ssyncset.done $0x0  }
0x1c9: {  	[sflag:s19] =	ssyncadd.s32 $0xFFFFE000  }
0x1ca: {  	[spmem:s2] =	stream.indirect.scatter.add.f32 [tilespmem:s30], [sflag:$0x6], $0x80, s13, s28, $0xb8;
	[tilespmem:$0x1F800] =	vst v63  }
0x1cb: {  	_ =	swait.ge [sflag:s5], $0x2000  }
0x1cc: {  	s14 =	sld [smem:$0x7EA]  }
0x1cd: {  	[sflag:s5] =	ssyncset.done $0x0  }
0x1ce: {  	[sflag:s5] =	ssyncadd.s32 $0xFFFFE000  }
0x1cf: {  	[tilespmem:s29], [sflag:$0x1] =	stream.indirect.gather [hbm4b:s4+s28], $0x80, s14, s28, $0xb8;
	[tilespmem:$0x1F800] =	vst v63  }
0x1d0: {  	_ =	swait.ge [sflag:s20], $0x2000  }
0x1d1: {  	s22 =	sld [smem:$0x7EB]  }
0x1d2: {  	[sflag:s20] =	ssyncset.done $0x0  }
0x1d3: {  	[sflag:s20] =	ssyncadd.s32 $0xFFFFE000  }
0x1d4: {  	[spmem:s2] =	stream.indirect.scatter.add.f32 [tilespmem:s31], [sflag:$0x7], $0x80, s22, s28, $0xb8;
	[tilespmem:$0x1F800] =	vst v63  }
0x1d5: {  	_ =	swait.ge [sflag:s8], $0x2000  }
0x1d6: {  	s23 =	sld [smem:$0x7EC]  }
0x1d7: {  	[sflag:s8] =	ssyncset.done $0x0  }
0x1d8: {  	[sflag:s8] =	ssyncadd.s32 $0xFFFFE000  }
0x1d9: {  	[tilespmem:s30], [sflag:$0x2] =	stream.indirect.gather [hbm4b:s4+s28], $0x80, s23, s28, $0xb8;
	[tilespmem:$0x1F800] =	vst v63  }
0x1da: {  	_ =	swait.ge [sflag:s21], $0x2000  }
0x1db: {  	s26 =	sld [smem:$0x7EE]  }
0x1dc: {  	[sflag:s21] =	ssyncset.done $0x0  }
0x1dd: {  	[sflag:s21] =	ssyncadd.s32 $0xFFFFE000  }
0x1de: {  	[spmem:s2] =	stream.indirect.scatter.add.f32 [tilespmem:s0], [sflag:$0x8], $0x80, s26, s28, $0xb8;
	[tilespmem:$0x1F800] =	vst v63  }
0x1df: {  	_ =	swait.ge [sflag:s9], $0x2000  }
0x1e0: {  	s6 =	sld [smem:$0x7EF]  }
0x1e1: {  	[sflag:s9] =	ssyncset.done $0x0  }
0x1e2: {  	[sflag:s9] =	ssyncadd.s32 $0xFFFFE000  }
0x1e3: {  	[tilespmem:s31], [sflag:$0x3] =	stream.indirect.gather [hbm4b:s4+s28], $0x80, s6, s28, $0xb8;
	[tilespmem:$0x1F800] =	vst v63  }
0x1e4: {  	_ =	swait.ge [sflag:s18], $0x2000  }
0x1e5: {  	s7 =	sld [smem:$0x7F0]  }
0x1e6: {  	[sflag:s18] =	ssyncset.done $0x0  }
0x1e7: {  	[sflag:s18] =	ssyncadd.s32 $0xFFFFE000  }
0x1e8: {  	[spmem:s2] =	stream.indirect.scatter.add.f32 [tilespmem:s29], [sflag:$0x5], $0x80, s7, s28, $0xb8;
	[tilespmem:$0x1F800] =	vst v63  }
0x1e9: {  	_ =	swait.ge [sflag:s10], $0x2000  }
0x1ea: {  	s13 =	sld [smem:$0x7F1]  }
0x1eb: {  	[sflag:s10] =	ssyncset.done $0x0  }
0x1ec: {  	[sflag:s10] =	ssyncadd.s32 $0xFFFFE000  }
0x1ed: {  	[tilespmem:s0], [sflag:$0x4] =	stream.indirect.gather [hbm4b:s4+s28], $0x80, s13, s28, $0xb8;
	[tilespmem:$0x1F800] =	vst v63  }
0x1ee: {  	_ =	swait.ge [sflag:s19], $0x2000  }
0x1ef: {  	s14 =	sld [smem:$0x7F2]  }
0x1f0: {  	[sflag:s19] =	ssyncset.done $0x0  }
0x1f1: {  	[sflag:s19] =	ssyncadd.s32 $0xFFFFE000  }
0x1f2: {  	[spmem:s2] =	stream.indirect.scatter.add.f32 [tilespmem:s30], [sflag:$0x6], $0x80, s14, s28, $0xb8;
	[tilespmem:$0x1F800] =	vst v63  }
0x1f3: {  	_ =	swait.ge [sflag:s5], $0x2000  }
0x1f4: {  	s22 =	sld [smem:$0x7F3]  }
0x1f5: {  	[sflag:s5] =	ssyncset.done $0x0  }
0x1f6: {  	[sflag:s5] =	ssyncadd.s32 $0xFFFFE000  }
0x1f7: {  	[tilespmem:s29], [sflag:$0x1] =	stream.indirect.gather [hbm4b:s4+s28], $0x80, s22, s28, $0xb8;
	[tilespmem:$0x1F800] =	vst v63  }
0x1f8: {  	_ =	swait.ge [sflag:s20], $0x2000  }
0x1f9: {  	s23 =	sld [smem:$0x7F4]  }
0x1fa: {  	[sflag:s20] =	ssyncset.done $0x0  }
0x1fb: {  	[sflag:s20] =	ssyncadd.s32 $0xFFFFE000  }
0x1fc: {  	[spmem:s2] =	stream.indirect.scatter.add.f32 [tilespmem:s31], [sflag:$0x7], $0x80, s23, s28, $0xb8;
	[tilespmem:$0x1F800] =	vst v63  }
0x1fd: {  	_ =	swait.ge [sflag:s8], $0x2000  }
0x1fe: {  	s26 =	sld [smem:$0x7F5]  }
0x1ff: {  	[sflag:s8] =	ssyncset.done $0x0  }
0x200: {  	[sflag:s8] =	ssyncadd.s32 $0xFFFFE000  }
0x201: {  	[tilespmem:s30], [sflag:$0x2] =	stream.indirect.gather [hbm4b:s4+s28], $0x80, s26, s28, $0xb8;
	[tilespmem:$0x1F800] =	vst v63  }
0x202: {  	_ =	swait.ge [sflag:s21], $0x2000  }
0x203: {  	s6 =	sld [smem:$0x7F6]  }
0x204: {  	[sflag:s21] =	ssyncset.done $0x0  }
0x205: {  	[sflag:s21] =	ssyncadd.s32 $0xFFFFE000  }
0x206: {  	[spmem:s2] =	stream.indirect.scatter.add.f32 [tilespmem:s0], [sflag:$0x8], $0x80, s6, s28, $0xb8;
	[tilespmem:$0x1F800] =	vst v63  }
0x207: {  	_ =	swait.ge [sflag:s9], $0x2000  }
0x208: {  	s7 =	sld [smem:$0x7F7]  }
0x209: {  	[sflag:s9] =	ssyncset.done $0x0  }
0x20a: {  	[sflag:s9] =	ssyncadd.s32 $0xFFFFE000  }
0x20b: {  	[tilespmem:s31], [sflag:$0x3] =	stream.indirect.gather [hbm4b:s4+s28], $0x80, s7, s28, $0xb8;
	[tilespmem:$0x1F800] =	vst v63  }
0x20c: {  	_ =	swait.ge [sflag:s18], $0x2000  }
0x20d: {  	s13 =	sld [smem:$0x7F8]  }
0x20e: {  	[sflag:s18] =	ssyncset.done $0x0  }
0x20f: {  	[sflag:s18] =	ssyncadd.s32 $0xFFFFE000  }
0x210: {  	[spmem:s2] =	stream.indirect.scatter.add.f32 [tilespmem:s29], [sflag:$0x5], $0x80, s13, s28, $0xb8;
	[tilespmem:$0x1F800] =	vst v63  }
0x211: {  	_ =	swait.ge [sflag:s10], $0x2000  }
0x212: {  	s14 =	sld [smem:$0x7F9]  }
0x213: {  	[sflag:s10] =	ssyncset.done $0x0  }
0x214: {  	[sflag:s10] =	ssyncadd.s32 $0xFFFFE000  }
0x215: {  	[tilespmem:s0], [sflag:$0x4] =	stream.indirect.gather [hbm4b:s4+s28], $0x80, s14, s28, $0xb8;
	[tilespmem:$0x1F800] =	vst v63  }
0x216: {  	_ =	swait.ge [sflag:s19], $0x2000  }
0x217: {  	s22 =	sld [smem:$0x7FA]  }
0x218: {  	[sflag:s19] =	ssyncset.done $0x0  }
0x219: {  	[sflag:s19] =	ssyncadd.s32 $0xFFFFE000  }
0x21a: {  	[spmem:s2] =	stream.indirect.scatter.add.f32 [tilespmem:s30], [sflag:$0x6], $0x80, s22, s28, $0xb8;
	[tilespmem:$0x1F800] =	vst v63  }
0x21b: {  	_ =	swait.ge [sflag:s20], $0x2000  }
0x21c: {  	s23 =	sld [smem:$0x7FB]  }
0x21d: {  	[sflag:s20] =	ssyncset.done $0x0  }
0x21e: {  	[sflag:s20] =	ssyncadd.s32 $0xFFFFE000  }
0x21f: {  	[spmem:s2] =	stream.indirect.scatter.add.f32 [tilespmem:s31], [sflag:$0x7], $0x80, s23, s28, $0xb8;
	[tilespmem:$0x1F800] =	vst v63  }
0x220: {  	_ =	swait.ge [sflag:s21], $0x2000  }
0x221: {  	s26 =	sld [smem:$0x7FC]  }
0x222: {  	[sflag:s21] =	ssyncset.done $0x0  }
0x223: {  	[sflag:s21] =	ssyncadd.s32 $0xFFFFE000  }
0x224: {  	[spmem:s2] =	stream.indirect.scatter.add.f32 [tilespmem:s0], [sflag:$0x8], $0x80, s26, s28, $0xb8;
	[tilespmem:$0x1F800] =	vst v63  }
0x225: {  	_ =	swait.ge [sflag:s5], $0x2000  }
0x226: {  	[sflag:s5] =	ssyncset.done $0x0  }
0x227: {  	[sflag:s5] =	ssyncadd.s32 $0xFFFFE000  }
0x228: {  	_ =	swait.ge [sflag:s8], $0x2000  }
0x229: {  	[sflag:s8] =	ssyncset.done $0x0  }
0x22a: {  	[sflag:s8] =	ssyncadd.s32 $0xFFFFE000  }
0x22b: {  	_ =	swait.ge [sflag:s9], $0x2000  }
0x22c: {  	[sflag:s9] =	ssyncset.done $0x0  }
0x22d: {  	[sflag:s9] =	ssyncadd.s32 $0xFFFFE000  }
0x22e: {  	_ =	swait.ge [sflag:s10], $0x2000  }
0x22f: {  	[sflag:s10] =	ssyncset.done $0x0  }
0x230: {  	s6 =	simm.s32 @!p1 $0x9;
	[sflag:s10] =	ssyncadd.s32 $0xFFFFE000  }
0x231: {  	s1 =	simm.s32 $0x1;
	_ =	swait.ge @!p1 [sflag:s6], $0xA00  }
0x232: {  	s7 =	simm.s32 $0x0;
	s14 =	sadd.s32 $0x300, s3;
	[sflag:s6] =	ssyncset.done @!p1 $0x0  }
0x233: {  	s22 =	simm.s32 @!p1 $0xA;
	s23 =	simm.s32 $0x2;
	[sflag:s6] =	ssyncadd.s32 @!p1 $0xFFFFF600  }
0x234: {  	s26 =	simm.s32 $0x14C00;
	s6 =	sadd.s32 $0x300, s24;
	_ =	swait.ge @!p1 [sflag:s22], $0xA00  }
.LBB2_6:
0x235: {  	[sflag:s22] =	ssyncset.done @!p1 $0x0  }
0x236: {  	s24 =	sadd.s32 s6, s16;
	[sflag:s22] =	ssyncadd.s32 @!p1 $0xFFFFF600  }
0x237: {  	[tilespmem:s26], [sflag:$0x9] =	stream.linear.gather [hbm4b:s24+s7], $0xA00, $0x38;
	[tilespmem:$0x1F800] =	vst v63  }
0x238: {  	s3 =	sadd.s32 s14, s16  }
0x239: {  	[tilespmem:s25], [sflag:$0xA] =	stream.linear.gather [hbm4b:s3+s7], $0xA00, $0x38;
	[tilespmem:$0x1F800] =	vst v63  }
0x23a: {  	s3 =	simm.s32 $0x14000  }
0x23b: {  	[tilespmem:s29], [sflag:$0x1] =	stream.indirect.gather [hbm4b:s4+s28], $0x80, s3, s28, $0xb8;
	[tilespmem:$0x1F800] =	vst v63  }
0x23c: {  	s24 =	rddreg [dreg:$0x4]  }
0x23d: {  	[tilespmem:s30], [sflag:$0x2] =	stream.indirect.gather [hbm4b:s4+s28], $0x80, s24, s28, $0xb8;
	[tilespmem:$0x1F800] =	vst v63  }
0x23e: {  	s3 =	rddreg [dreg:$0x5]  }
0x23f: {  	[tilespmem:s31], [sflag:$0x3] =	stream.indirect.gather [hbm4b:s4+s28], $0x80, s3, s28, $0xb8;
	[tilespmem:$0x1F800] =	vst v63  }
0x240: {  	_ =	swait.ge [sflag:s18], $0x2000  }
0x241: {  	[sflag:s18] =	ssyncset.done $0x0  }
0x242: {  	s24 =	simm.s32 $0x15800;
	[sflag:s18] =	ssyncadd.s32 $0xFFFFE000  }
0x243: {  	[spmem:s2] =	stream.indirect.scatter.add.f32 [tilespmem:s29], [sflag:$0x5], $0x80, s24, s28, $0xb8;
	[tilespmem:$0x1F800] =	vst v63  }
0x244: {  	s22 =	rddreg [dreg:$0x6]  }
0x245: {  	[tilespmem:s0], [sflag:$0x4] =	stream.indirect.gather [hbm4b:s4+s28], $0x80, s22, s28, $0xb8;
	[tilespmem:$0x1F800] =	vst v63  }
0x246: {  	_ =	swait.ge [sflag:s19], $0x2000  }
0x247: {  	[sflag:s19] =	ssyncset.done $0x0  }
0x248: {  	s3 =	rddreg [dreg:$0x7];
	[sflag:s19] =	ssyncadd.s32 $0xFFFFE000  }
0x249: {  	[spmem:s2] =	stream.indirect.scatter.add.f32 [tilespmem:s30], [sflag:$0x6], $0x80, s3, s28, $0xb8;
	[tilespmem:$0x1F800] =	vst v63  }
0x24a: {  	_ =	swait.ge [sflag:s5], $0x2000  }
0x24b: {  	[sflag:s5] =	ssyncset.done $0x0  }
0x24c: {  	s24 =	rddreg [dreg:$0x8];
	[sflag:s5] =	ssyncadd.s32 $0xFFFFE000  }
0x24d: {  	[tilespmem:s29], [sflag:$0x1] =	stream.indirect.gather [hbm4b:s4+s28], $0x80, s24, s28, $0xb8;
	[tilespmem:$0x1F800] =	vst v63  }
0x24e: {  	_ =	swait.ge [sflag:s20], $0x2000  }
0x24f: {  	[sflag:s20] =	ssyncset.done $0x0  }
0x250: {  	s3 =	rddreg [dreg:$0x9];
	[sflag:s20] =	ssyncadd.s32 $0xFFFFE000  }
0x251: {  	[spmem:s2] =	stream.indirect.scatter.add.f32 [tilespmem:s31], [sflag:$0x7], $0x80, s3, s28, $0xb8;
	[tilespmem:$0x1F800] =	vst v63  }
0x252: {  	_ =	swait.ge [sflag:s8], $0x2000  }
0x253: {  	[sflag:s8] =	ssyncset.done $0x0  }
0x254: {  	s24 =	rddreg [dreg:$0xa];
	[sflag:s8] =	ssyncadd.s32 $0xFFFFE000  }
0x255: {  	[tilespmem:s30], [sflag:$0x2] =	stream.indirect.gather [hbm4b:s4+s28], $0x80, s24, s28, $0xb8;
	[tilespmem:$0x1F800] =	vst v63  }
0x256: {  	_ =	swait.ge [sflag:s21], $0x2000  }
0x257: {  	[sflag:s21] =	ssyncset.done $0x0  }
0x258: {  	s3 =	rddreg [dreg:$0xb];
	[sflag:s21] =	ssyncadd.s32 $0xFFFFE000  }
0x259: {  	[spmem:s2] =	stream.indirect.scatter.add.f32 [tilespmem:s0], [sflag:$0x8], $0x80, s3, s28, $0xb8;
	[tilespmem:$0x1F800] =	vst v63  }
0x25a: {  	_ =	swait.ge [sflag:s9], $0x2000  }
0x25b: {  	[sflag:s9] =	ssyncset.done $0x0  }
0x25c: {  	s24 =	rddreg [dreg:$0xc];
	[sflag:s9] =	ssyncadd.s32 $0xFFFFE000  }
0x25d: {  	[tilespmem:s31], [sflag:$0x3] =	stream.indirect.gather [hbm4b:s4+s28], $0x80, s24, s28, $0xb8;
	[tilespmem:$0x1F800] =	vst v63  }
0x25e: {  	_ =	swait.ge [sflag:s18], $0x2000  }
0x25f: {  	[sflag:s18] =	ssyncset.done $0x0  }
0x260: {  	s3 =	rddreg [dreg:$0xd];
	[sflag:s18] =	ssyncadd.s32 $0xFFFFE000  }
0x261: {  	[spmem:s2] =	stream.indirect.scatter.add.f32 [tilespmem:s29], [sflag:$0x5], $0x80, s3, s28, $0xb8;
	[tilespmem:$0x1F800] =	vst v63  }
0x262: {  	_ =	swait.ge [sflag:s10], $0x2000  }
0x263: {  	[sflag:s10] =	ssyncset.done $0x0  }
0x264: {  	s24 =	rddreg [dreg:$0xe];
	[sflag:s10] =	ssyncadd.s32 $0xFFFFE000  }
0x265: {  	[tilespmem:s0], [sflag:$0x4] =	stream.indirect.gather [hbm4b:s4+s28], $0x80, s24, s28, $0xb8;
	[tilespmem:$0x1F800] =	vst v63  }
0x266: {  	_ =	swait.ge [sflag:s19], $0x2000  }
0x267: {  	[sflag:s19] =	ssyncset.done $0x0  }
0x268: {  	s3 =	rddreg [dreg:$0xf];
	[sflag:s19] =	ssyncadd.s32 $0xFFFFE000  }
0x269: {  	[spmem:s2] =	stream.indirect.scatter.add.f32 [tilespmem:s30], [sflag:$0x6], $0x80, s3, s28, $0xb8;
	[tilespmem:$0x1F800] =	vst v63  }
0x26a: {  	_ =	swait.ge [sflag:s5], $0x2000  }
0x26b: {  	[sflag:s5] =	ssyncset.done $0x0  }
0x26c: {  	s24 =	rddreg [dreg:$0x10];
	[sflag:s5] =	ssyncadd.s32 $0xFFFFE000  }
0x26d: {  	[tilespmem:s29], [sflag:$0x1] =	stream.indirect.gather [hbm4b:s4+s28], $0x80, s24, s28, $0xb8;
	[tilespmem:$0x1F800] =	vst v63  }
0x26e: {  	_ =	swait.ge [sflag:s20], $0x2000  }
0x26f: {  	[sflag:s20] =	ssyncset.done $0x0  }
0x270: {  	s3 =	rddreg [dreg:$0x11];
	[sflag:s20] =	ssyncadd.s32 $0xFFFFE000  }
0x271: {  	[spmem:s2] =	stream.indirect.scatter.add.f32 [tilespmem:s31], [sflag:$0x7], $0x80, s3, s28, $0xb8;
	[tilespmem:$0x1F800] =	vst v63  }
0x272: {  	_ =	swait.ge [sflag:s8], $0x2000  }
0x273: {  	[sflag:s8] =	ssyncset.done $0x0  }
0x274: {  	s24 =	rddreg [dreg:$0x12];
	[sflag:s8] =	ssyncadd.s32 $0xFFFFE000  }
0x275: {  	[tilespmem:s30], [sflag:$0x2] =	stream.indirect.gather [hbm4b:s4+s28], $0x80, s24, s28, $0xb8;
	[tilespmem:$0x1F800] =	vst v63  }
0x276: {  	_ =	swait.ge [sflag:s21], $0x2000  }
0x277: {  	[sflag:s21] =	ssyncset.done $0x0  }
0x278: {  	s3 =	rddreg [dreg:$0x13];
	[sflag:s21] =	ssyncadd.s32 $0xFFFFE000  }
0x279: {  	[spmem:s2] =	stream.indirect.scatter.add.f32 [tilespmem:s0], [sflag:$0x8], $0x80, s3, s28, $0xb8;
	[tilespmem:$0x1F800] =	vst v63  }
0x27a: {  	_ =	swait.ge [sflag:s9], $0x2000  }
0x27b: {  	[sflag:s9] =	ssyncset.done $0x0  }
0x27c: {  	s24 =	rddreg [dreg:$0x14];
	[sflag:s9] =	ssyncadd.s32 $0xFFFFE000  }
0x27d: {  	[tilespmem:s31], [sflag:$0x3] =	stream.indirect.gather [hbm4b:s4+s28], $0x80, s24, s28, $0xb8;
	[tilespmem:$0x1F800] =	vst v63  }
0x27e: {  	_ =	swait.ge [sflag:s18], $0x2000  }
0x27f: {  	[sflag:s18] =	ssyncset.done $0x0  }
0x280: {  	s3 =	rddreg [dreg:$0x15];
	[sflag:s18] =	ssyncadd.s32 $0xFFFFE000  }
0x281: {  	[spmem:s2] =	stream.indirect.scatter.add.f32 [tilespmem:s29], [sflag:$0x5], $0x80, s3, s28, $0xb8;
	[tilespmem:$0x1F800] =	vst v63  }
0x282: {  	_ =	swait.ge [sflag:s10], $0x2000  }
0x283: {  	[sflag:s10] =	ssyncset.done $0x0  }
0x284: {  	s24 =	rddreg [dreg:$0x16];
	[sflag:s10] =	ssyncadd.s32 $0xFFFFE000  }
0x285: {  	[tilespmem:s0], [sflag:$0x4] =	stream.indirect.gather [hbm4b:s4+s28], $0x80, s24, s28, $0xb8;
	[tilespmem:$0x1F800] =	vst v63  }
0x286: {  	_ =	swait.ge [sflag:s19], $0x2000  }
0x287: {  	[sflag:s19] =	ssyncset.done $0x0  }
0x288: {  	s3 =	rddreg [dreg:$0x17];
	[sflag:s19] =	ssyncadd.s32 $0xFFFFE000  }
0x289: {  	[spmem:s2] =	stream.indirect.scatter.add.f32 [tilespmem:s30], [sflag:$0x6], $0x80, s3, s28, $0xb8;
	[tilespmem:$0x1F800] =	vst v63  }
0x28a: {  	_ =	swait.ge [sflag:s5], $0x2000  }
0x28b: {  	[sflag:s5] =	ssyncset.done $0x0  }
0x28c: {  	s24 =	rddreg [dreg:$0x18];
	[sflag:s5] =	ssyncadd.s32 $0xFFFFE000  }
0x28d: {  	[tilespmem:s29], [sflag:$0x1] =	stream.indirect.gather [hbm4b:s4+s28], $0x80, s24, s28, $0xb8;
	[tilespmem:$0x1F800] =	vst v63  }
0x28e: {  	_ =	swait.ge [sflag:s20], $0x2000  }
0x28f: {  	[sflag:s20] =	ssyncset.done $0x0  }
0x290: {  	s3 =	rddreg [dreg:$0x19];
	[sflag:s20] =	ssyncadd.s32 $0xFFFFE000  }
0x291: {  	[spmem:s2] =	stream.indirect.scatter.add.f32 [tilespmem:s31], [sflag:$0x7], $0x80, s3, s28, $0xb8;
	[tilespmem:$0x1F800] =	vst v63  }
0x292: {  	_ =	swait.ge [sflag:s8], $0x2000  }
0x293: {  	[sflag:s8] =	ssyncset.done $0x0  }
0x294: {  	s24 =	rddreg [dreg:$0x1a];
	[sflag:s8] =	ssyncadd.s32 $0xFFFFE000  }
0x295: {  	[tilespmem:s30], [sflag:$0x2] =	stream.indirect.gather [hbm4b:s4+s28], $0x80, s24, s28, $0xb8;
	[tilespmem:$0x1F800] =	vst v63  }
0x296: {  	_ =	swait.ge [sflag:s21], $0x2000  }
0x297: {  	[sflag:s21] =	ssyncset.done $0x0  }
0x298: {  	s3 =	rddreg [dreg:$0x1b];
	[sflag:s21] =	ssyncadd.s32 $0xFFFFE000  }
0x299: {  	[spmem:s2] =	stream.indirect.scatter.add.f32 [tilespmem:s0], [sflag:$0x8], $0x80, s3, s28, $0xb8;
	[tilespmem:$0x1F800] =	vst v63  }
0x29a: {  	_ =	swait.ge [sflag:s9], $0x2000  }
0x29b: {  	[sflag:s9] =	ssyncset.done $0x0  }
0x29c: {  	s24 =	rddreg [dreg:$0x1c];
	[sflag:s9] =	ssyncadd.s32 $0xFFFFE000  }
0x29d: {  	[tilespmem:s31], [sflag:$0x3] =	stream.indirect.gather [hbm4b:s4+s28], $0x80, s24, s28, $0xb8;
	[tilespmem:$0x1F800] =	vst v63  }
0x29e: {  	_ =	swait.ge [sflag:s18], $0x2000  }
0x29f: {  	[sflag:s18] =	ssyncset.done $0x0  }
0x2a0: {  	s3 =	rddreg [dreg:$0x1d];
	[sflag:s18] =	ssyncadd.s32 $0xFFFFE000  }
0x2a1: {  	[spmem:s2] =	stream.indirect.scatter.add.f32 [tilespmem:s29], [sflag:$0x5], $0x80, s3, s28, $0xb8;
	[tilespmem:$0x1F800] =	vst v63  }
0x2a2: {  	_ =	swait.ge [sflag:s10], $0x2000  }
0x2a3: {  	[sflag:s10] =	ssyncset.done $0x0  }
0x2a4: {  	s24 =	rddreg [dreg:$0x1e];
	[sflag:s10] =	ssyncadd.s32 $0xFFFFE000  }
0x2a5: {  	[tilespmem:s0], [sflag:$0x4] =	stream.indirect.gather [hbm4b:s4+s28], $0x80, s24, s28, $0xb8;
	[tilespmem:$0x1F800] =	vst v63  }
0x2a6: {  	_ =	swait.ge [sflag:s19], $0x2000  }
0x2a7: {  	[sflag:s19] =	ssyncset.done $0x0  }
0x2a8: {  	s3 =	rddreg [dreg:$0x1f];
	[sflag:s19] =	ssyncadd.s32 $0xFFFFE000  }
0x2a9: {  	[spmem:s2] =	stream.indirect.scatter.add.f32 [tilespmem:s30], [sflag:$0x6], $0x80, s3, s28, $0xb8;
	[tilespmem:$0x1F800] =	vst v63  }
0x2aa: {  	_ =	swait.ge [sflag:s5], $0x2000  }
0x2ab: {  	s24 =	sld [smem:$0x7C5]  }
0x2ac: {  	[sflag:s5] =	ssyncset.done $0x0  }
0x2ad: {  	[sflag:s5] =	ssyncadd.s32 $0xFFFFE000  }
0x2ae: {  	[tilespmem:s29], [sflag:$0x1] =	stream.indirect.gather [hbm4b:s4+s28], $0x80, s24, s28, $0xb8;
	[tilespmem:$0x1F800] =	vst v63  }
0x2af: {  	_ =	swait.ge [sflag:s20], $0x2000  }
0x2b0: {  	s3 =	sld [smem:$0x7C6]  }
0x2b1: {  	[sflag:s20] =	ssyncset.done $0x0  }
0x2b2: {  	[sflag:s20] =	ssyncadd.s32 $0xFFFFE000  }
0x2b3: {  	[spmem:s2] =	stream.indirect.scatter.add.f32 [tilespmem:s31], [sflag:$0x7], $0x80, s3, s28, $0xb8;
	[tilespmem:$0x1F800] =	vst v63  }
0x2b4: {  	_ =	swait.ge [sflag:s8], $0x2000  }
0x2b5: {  	s24 =	sld [smem:$0x7C7]  }
0x2b6: {  	[sflag:s8] =	ssyncset.done $0x0  }
0x2b7: {  	[sflag:s8] =	ssyncadd.s32 $0xFFFFE000  }
0x2b8: {  	[tilespmem:s30], [sflag:$0x2] =	stream.indirect.gather [hbm4b:s4+s28], $0x80, s24, s28, $0xb8;
	[tilespmem:$0x1F800] =	vst v63  }
0x2b9: {  	_ =	swait.ge [sflag:s21], $0x2000  }
0x2ba: {  	s3 =	sld [smem:$0x7C8]  }
0x2bb: {  	[sflag:s21] =	ssyncset.done $0x0  }
0x2bc: {  	[sflag:s21] =	ssyncadd.s32 $0xFFFFE000  }
0x2bd: {  	[spmem:s2] =	stream.indirect.scatter.add.f32 [tilespmem:s0], [sflag:$0x8], $0x80, s3, s28, $0xb8;
	[tilespmem:$0x1F800] =	vst v63  }
0x2be: {  	_ =	swait.ge [sflag:s9], $0x2000  }
0x2bf: {  	s24 =	sld [smem:$0x7C9]  }
0x2c0: {  	[sflag:s9] =	ssyncset.done $0x0  }
0x2c1: {  	[sflag:s9] =	ssyncadd.s32 $0xFFFFE000  }
0x2c2: {  	[tilespmem:s31], [sflag:$0x3] =	stream.indirect.gather [hbm4b:s4+s28], $0x80, s24, s28, $0xb8;
	[tilespmem:$0x1F800] =	vst v63  }
0x2c3: {  	_ =	swait.ge [sflag:s18], $0x2000  }
0x2c4: {  	s3 =	sld [smem:$0x7CA]  }
0x2c5: {  	[sflag:s18] =	ssyncset.done $0x0  }
0x2c6: {  	[sflag:s18] =	ssyncadd.s32 $0xFFFFE000  }
0x2c7: {  	[spmem:s2] =	stream.indirect.scatter.add.f32 [tilespmem:s29], [sflag:$0x5], $0x80, s3, s28, $0xb8;
	[tilespmem:$0x1F800] =	vst v63  }
0x2c8: {  	_ =	swait.ge [sflag:s10], $0x2000  }
0x2c9: {  	s24 =	sld [smem:$0x7CB]  }
0x2ca: {  	[sflag:s10] =	ssyncset.done $0x0  }
0x2cb: {  	[sflag:s10] =	ssyncadd.s32 $0xFFFFE000  }
0x2cc: {  	[tilespmem:s0], [sflag:$0x4] =	stream.indirect.gather [hbm4b:s4+s28], $0x80, s24, s28, $0xb8;
	[tilespmem:$0x1F800] =	vst v63  }
0x2cd: {  	_ =	swait.ge [sflag:s19], $0x2000  }
0x2ce: {  	s3 =	sld [smem:$0x7CC]  }
0x2cf: {  	[sflag:s19] =	ssyncset.done $0x0  }
0x2d0: {  	[sflag:s19] =	ssyncadd.s32 $0xFFFFE000  }
0x2d1: {  	[spmem:s2] =	stream.indirect.scatter.add.f32 [tilespmem:s30], [sflag:$0x6], $0x80, s3, s28, $0xb8;
	[tilespmem:$0x1F800] =	vst v63  }
0x2d2: {  	_ =	swait.ge [sflag:s20], $0x2000  }
0x2d3: {  	s24 =	sld [smem:$0x7CD]  }
0x2d4: {  	[sflag:s20] =	ssyncset.done $0x0  }
0x2d5: {  	[sflag:s20] =	ssyncadd.s32 $0xFFFFE000  }
0x2d6: {  	[spmem:s2] =	stream.indirect.scatter.add.f32 [tilespmem:s31], [sflag:$0x7], $0x80, s24, s28, $0xb8;
	[tilespmem:$0x1F800] =	vst v63  }
0x2d7: {  	_ =	swait.ge [sflag:s21], $0x2000  }
0x2d8: {  	s3 =	sld [smem:$0x7CE]  }
0x2d9: {  	[sflag:s21] =	ssyncset.done $0x0  }
0x2da: {  	[sflag:s21] =	ssyncadd.s32 $0xFFFFE000  }
0x2db: {  	[spmem:s2] =	stream.indirect.scatter.add.f32 [tilespmem:s0], [sflag:$0x8], $0x80, s3, s28, $0xb8;
	[tilespmem:$0x1F800] =	vst v63  }
0x2dc: {  	_ =	swait.ge [sflag:s5], $0x2000  }
0x2dd: {  	[sflag:s5] =	ssyncset.done $0x0  }
0x2de: {  	[sflag:s5] =	ssyncadd.s32 $0xFFFFE000  }
0x2df: {  	_ =	swait.ge [sflag:s8], $0x2000  }
0x2e0: {  	[sflag:s8] =	ssyncset.done $0x0  }
0x2e1: {  	[sflag:s8] =	ssyncadd.s32 $0xFFFFE000  }
0x2e2: {  	_ =	swait.ge [sflag:s9], $0x2000  }
0x2e3: {  	[sflag:s9] =	ssyncset.done $0x0  }
0x2e4: {  	[sflag:s9] =	ssyncadd.s32 $0xFFFFE000  }
0x2e5: {  	_ =	swait.ge [sflag:s10], $0x2000  }
0x2e6: {  	[sflag:s10] =	ssyncset.done $0x0  }
0x2e7: {  	[sflag:s10] =	ssyncadd.s32 $0xFFFFE000  }
0x2e8: {  	_ =	swait.ge [sflag:s11], $0xA00  }
0x2e9: {  	[sflag:s11] =	ssyncset.done $0x0  }
0x2ea: {  	[sflag:s11] =	ssyncadd.s32 $0xFFFFF600  }
0x2eb: {  	s13 =	smov.u32 s23;
	p1 =	sgt.u32 s1, $0x2;
	_ =	swait.ge [sflag:s12], $0xA00  }
0x2ec: {  	s1 =	smov.u32 s13;
	s13 =	sadd.s32 @!p1 s6, s15;
	[sflag:s12] =	ssyncset.done $0x0  }
0x2ed: {  	s22 =	simm.s32 @!p1 $0x0;
	s24 =	simm.s32 @!p1 $0x14000;
	[sflag:s12] =	ssyncadd.s32 $0xFFFFF600  }
0x2ee: {  	[tilespmem:s24], [sflag:$0x9] =	stream.linear.gather @!p1 [hbm4b:s13+s22], $0xA00, $0x38;
	[tilespmem:$0x1F800] =	vst v63  }
0x2ef: {  	s3 =	sadd.s32 @!p1 s14, s15;
	s13 =	simm.s32 @!p1 $0x15800  }
0x2f0: {  	[tilespmem:s13], [sflag:$0xA] =	stream.linear.gather @!p1 [hbm4b:s3+s22], $0xA00, $0x38;
	[tilespmem:$0x1F800] =	vst v63  }
0x2f1: {  	s22 =	sld [smem:$0x7CF]  }
0x2f2: {  	[tilespmem:s29], [sflag:$0x1] =	stream.indirect.gather [hbm4b:s4+s28], $0x80, s26, s28, $0xb8;
	[tilespmem:$0x1F800] =	vst v63  }
0x2f3: {  	s24 =	sld [smem:$0x7D0]  }
0x2f4: {  	[tilespmem:s30], [sflag:$0x2] =	stream.indirect.gather [hbm4b:s4+s28], $0x80, s22, s28, $0xb8;
	[tilespmem:$0x1F800] =	vst v63  }
0x2f5: {  	_ = 	snop  }
0x2f6: {  	[tilespmem:s31], [sflag:$0x3] =	stream.indirect.gather [hbm4b:s4+s28], $0x80, s24, s28, $0xb8;
	[tilespmem:$0x1F800] =	vst v63  }
0x2f7: {  	_ =	swait.ge [sflag:s18], $0x2000  }
0x2f8: {  	[sflag:s18] =	ssyncset.done $0x0  }
0x2f9: {  	s13 =	sld [smem:$0x7D1];
	[sflag:s18] =	ssyncadd.s32 $0xFFFFE000  }
0x2fa: {  	[spmem:s2] =	stream.indirect.scatter.add.f32 [tilespmem:s29], [sflag:$0x5], $0x80, s25, s28, $0xb8;
	[tilespmem:$0x1F800] =	vst v63  }
0x2fb: {  	_ = 	snop  }
0x2fc: {  	[tilespmem:s0], [sflag:$0x4] =	stream.indirect.gather [hbm4b:s4+s28], $0x80, s13, s28, $0xb8;
	[tilespmem:$0x1F800] =	vst v63  }
0x2fd: {  	_ =	swait.ge [sflag:s19], $0x2000  }
0x2fe: {  	s22 =	sld [smem:$0x7D2]  }
0x2ff: {  	[sflag:s19] =	ssyncset.done $0x0  }
0x300: {  	[sflag:s19] =	ssyncadd.s32 $0xFFFFE000  }
0x301: {  	[spmem:s2] =	stream.indirect.scatter.add.f32 [tilespmem:s30], [sflag:$0x6], $0x80, s22, s28, $0xb8;
	[tilespmem:$0x1F800] =	vst v63  }
0x302: {  	_ =	swait.ge [sflag:s5], $0x2000  }
0x303: {  	s24 =	sld [smem:$0x7D3]  }
0x304: {  	[sflag:s5] =	ssyncset.done $0x0  }
0x305: {  	[sflag:s5] =	ssyncadd.s32 $0xFFFFE000  }
0x306: {  	[tilespmem:s29], [sflag:$0x1] =	stream.indirect.gather [hbm4b:s4+s28], $0x80, s24, s28, $0xb8;
	[tilespmem:$0x1F800] =	vst v63  }
0x307: {  	_ =	swait.ge [sflag:s20], $0x2000  }
0x308: {  	s13 =	sld [smem:$0x7D4]  }
0x309: {  	[sflag:s20] =	ssyncset.done $0x0  }
0x30a: {  	[sflag:s20] =	ssyncadd.s32 $0xFFFFE000  }
0x30b: {  	[spmem:s2] =	stream.indirect.scatter.add.f32 [tilespmem:s31], [sflag:$0x7], $0x80, s13, s28, $0xb8;
	[tilespmem:$0x1F800] =	vst v63  }
0x30c: {  	_ =	swait.ge [sflag:s8], $0x2000  }
0x30d: {  	s22 =	sld [smem:$0x7D5]  }
0x30e: {  	[sflag:s8] =	ssyncset.done $0x0  }
0x30f: {  	[sflag:s8] =	ssyncadd.s32 $0xFFFFE000  }
0x310: {  	[tilespmem:s30], [sflag:$0x2] =	stream.indirect.gather [hbm4b:s4+s28], $0x80, s22, s28, $0xb8;
	[tilespmem:$0x1F800] =	vst v63  }
0x311: {  	_ =	swait.ge [sflag:s21], $0x2000  }
0x312: {  	s24 =	sld [smem:$0x7D6]  }
0x313: {  	[sflag:s21] =	ssyncset.done $0x0  }
0x314: {  	[sflag:s21] =	ssyncadd.s32 $0xFFFFE000  }
0x315: {  	[spmem:s2] =	stream.indirect.scatter.add.f32 [tilespmem:s0], [sflag:$0x8], $0x80, s24, s28, $0xb8;
	[tilespmem:$0x1F800] =	vst v63  }
0x316: {  	_ =	swait.ge [sflag:s9], $0x2000  }
0x317: {  	s13 =	sld [smem:$0x7D7]  }
0x318: {  	[sflag:s9] =	ssyncset.done $0x0  }
0x319: {  	[sflag:s9] =	ssyncadd.s32 $0xFFFFE000  }
0x31a: {  	[tilespmem:s31], [sflag:$0x3] =	stream.indirect.gather [hbm4b:s4+s28], $0x80, s13, s28, $0xb8;
	[tilespmem:$0x1F800] =	vst v63  }
0x31b: {  	_ =	swait.ge [sflag:s18], $0x2000  }
0x31c: {  	s22 =	sld [smem:$0x7D8]  }
0x31d: {  	[sflag:s18] =	ssyncset.done $0x0  }
0x31e: {  	[sflag:s18] =	ssyncadd.s32 $0xFFFFE000  }
0x31f: {  	[spmem:s2] =	stream.indirect.scatter.add.f32 [tilespmem:s29], [sflag:$0x5], $0x80, s22, s28, $0xb8;
	[tilespmem:$0x1F800] =	vst v63  }
0x320: {  	_ =	swait.ge [sflag:s10], $0x2000  }
0x321: {  	s24 =	sld [smem:$0x7D9]  }
0x322: {  	[sflag:s10] =	ssyncset.done $0x0  }
0x323: {  	[sflag:s10] =	ssyncadd.s32 $0xFFFFE000  }
0x324: {  	[tilespmem:s0], [sflag:$0x4] =	stream.indirect.gather [hbm4b:s4+s28], $0x80, s24, s28, $0xb8;
	[tilespmem:$0x1F800] =	vst v63  }
0x325: {  	_ =	swait.ge [sflag:s19], $0x2000  }
0x326: {  	s13 =	sld [smem:$0x7DA]  }
0x327: {  	[sflag:s19] =	ssyncset.done $0x0  }
0x328: {  	[sflag:s19] =	ssyncadd.s32 $0xFFFFE000  }
0x329: {  	[spmem:s2] =	stream.indirect.scatter.add.f32 [tilespmem:s30], [sflag:$0x6], $0x80, s13, s28, $0xb8;
	[tilespmem:$0x1F800] =	vst v63  }
0x32a: {  	_ =	swait.ge [sflag:s5], $0x2000  }
0x32b: {  	s22 =	sld [smem:$0x7DB]  }
0x32c: {  	[sflag:s5] =	ssyncset.done $0x0  }
0x32d: {  	[sflag:s5] =	ssyncadd.s32 $0xFFFFE000  }
0x32e: {  	[tilespmem:s29], [sflag:$0x1] =	stream.indirect.gather [hbm4b:s4+s28], $0x80, s22, s28, $0xb8;
	[tilespmem:$0x1F800] =	vst v63  }
0x32f: {  	_ =	swait.ge [sflag:s20], $0x2000  }
0x330: {  	s24 =	sld [smem:$0x7DD]  }
0x331: {  	[sflag:s20] =	ssyncset.done $0x0  }
0x332: {  	[sflag:s20] =	ssyncadd.s32 $0xFFFFE000  }
0x333: {  	[spmem:s2] =	stream.indirect.scatter.add.f32 [tilespmem:s31], [sflag:$0x7], $0x80, s24, s28, $0xb8;
	[tilespmem:$0x1F800] =	vst v63  }
0x334: {  	_ =	swait.ge [sflag:s8], $0x2000  }
0x335: {  	s13 =	sld [smem:$0x7DE]  }
0x336: {  	[sflag:s8] =	ssyncset.done $0x0  }
0x337: {  	[sflag:s8] =	ssyncadd.s32 $0xFFFFE000  }
0x338: {  	[tilespmem:s30], [sflag:$0x2] =	stream.indirect.gather [hbm4b:s4+s28], $0x80, s13, s28, $0xb8;
	[tilespmem:$0x1F800] =	vst v63  }
0x339: {  	_ =	swait.ge [sflag:s21], $0x2000  }
0x33a: {  	s22 =	sld [smem:$0x7E0]  }
0x33b: {  	[sflag:s21] =	ssyncset.done $0x0  }
0x33c: {  	[sflag:s21] =	ssyncadd.s32 $0xFFFFE000  }
0x33d: {  	[spmem:s2] =	stream.indirect.scatter.add.f32 [tilespmem:s0], [sflag:$0x8], $0x80, s22, s28, $0xb8;
	[tilespmem:$0x1F800] =	vst v63  }
0x33e: {  	_ =	swait.ge [sflag:s9], $0x2000  }
0x33f: {  	s24 =	sld [smem:$0x7E1]  }
0x340: {  	[sflag:s9] =	ssyncset.done $0x0  }
0x341: {  	[sflag:s9] =	ssyncadd.s32 $0xFFFFE000  }
0x342: {  	[tilespmem:s31], [sflag:$0x3] =	stream.indirect.gather [hbm4b:s4+s28], $0x80, s24, s28, $0xb8;
	[tilespmem:$0x1F800] =	vst v63  }
0x343: {  	_ =	swait.ge [sflag:s18], $0x2000  }
0x344: {  	s13 =	sld [smem:$0x7E3]  }
0x345: {  	[sflag:s18] =	ssyncset.done $0x0  }
0x346: {  	[sflag:s18] =	ssyncadd.s32 $0xFFFFE000  }
0x347: {  	[spmem:s2] =	stream.indirect.scatter.add.f32 [tilespmem:s29], [sflag:$0x5], $0x80, s13, s28, $0xb8;
	[tilespmem:$0x1F800] =	vst v63  }
0x348: {  	_ =	swait.ge [sflag:s10], $0x2000  }
0x349: {  	s22 =	sld [smem:$0x7E6]  }
0x34a: {  	[sflag:s10] =	ssyncset.done $0x0  }
0x34b: {  	[sflag:s10] =	ssyncadd.s32 $0xFFFFE000  }
0x34c: {  	[tilespmem:s0], [sflag:$0x4] =	stream.indirect.gather [hbm4b:s4+s28], $0x80, s22, s28, $0xb8;
	[tilespmem:$0x1F800] =	vst v63  }
0x34d: {  	_ =	swait.ge [sflag:s19], $0x2000  }
0x34e: {  	s24 =	sld [smem:$0x7E8]  }
0x34f: {  	[sflag:s19] =	ssyncset.done $0x0  }
0x350: {  	[sflag:s19] =	ssyncadd.s32 $0xFFFFE000  }
0x351: {  	[spmem:s2] =	stream.indirect.scatter.add.f32 [tilespmem:s30], [sflag:$0x6], $0x80, s24, s28, $0xb8;
	[tilespmem:$0x1F800] =	vst v63  }
0x352: {  	_ =	swait.ge [sflag:s5], $0x2000  }
0x353: {  	s13 =	sld [smem:$0x7EA]  }
0x354: {  	[sflag:s5] =	ssyncset.done $0x0  }
0x355: {  	[sflag:s5] =	ssyncadd.s32 $0xFFFFE000  }
0x356: {  	[tilespmem:s29], [sflag:$0x1] =	stream.indirect.gather [hbm4b:s4+s28], $0x80, s13, s28, $0xb8;
	[tilespmem:$0x1F800] =	vst v63  }
0x357: {  	_ =	swait.ge [sflag:s20], $0x2000  }
0x358: {  	s22 =	sld [smem:$0x7EB]  }
0x359: {  	[sflag:s20] =	ssyncset.done $0x0  }
0x35a: {  	[sflag:s20] =	ssyncadd.s32 $0xFFFFE000  }
0x35b: {  	[spmem:s2] =	stream.indirect.scatter.add.f32 [tilespmem:s31], [sflag:$0x7], $0x80, s22, s28, $0xb8;
	[tilespmem:$0x1F800] =	vst v63  }
0x35c: {  	_ =	swait.ge [sflag:s8], $0x2000  }
0x35d: {  	s24 =	sld [smem:$0x7EC]  }
0x35e: {  	[sflag:s8] =	ssyncset.done $0x0  }
0x35f: {  	[sflag:s8] =	ssyncadd.s32 $0xFFFFE000  }
0x360: {  	[tilespmem:s30], [sflag:$0x2] =	stream.indirect.gather [hbm4b:s4+s28], $0x80, s24, s28, $0xb8;
	[tilespmem:$0x1F800] =	vst v63  }
0x361: {  	_ =	swait.ge [sflag:s21], $0x2000  }
0x362: {  	s13 =	sld [smem:$0x7EE]  }
0x363: {  	[sflag:s21] =	ssyncset.done $0x0  }
0x364: {  	[sflag:s21] =	ssyncadd.s32 $0xFFFFE000  }
0x365: {  	[spmem:s2] =	stream.indirect.scatter.add.f32 [tilespmem:s0], [sflag:$0x8], $0x80, s13, s28, $0xb8;
	[tilespmem:$0x1F800] =	vst v63  }
0x366: {  	_ =	swait.ge [sflag:s9], $0x2000  }
0x367: {  	s22 =	sld [smem:$0x7EF]  }
0x368: {  	[sflag:s9] =	ssyncset.done $0x0  }
0x369: {  	[sflag:s9] =	ssyncadd.s32 $0xFFFFE000  }
0x36a: {  	[tilespmem:s31], [sflag:$0x3] =	stream.indirect.gather [hbm4b:s4+s28], $0x80, s22, s28, $0xb8;
	[tilespmem:$0x1F800] =	vst v63  }
0x36b: {  	_ =	swait.ge [sflag:s18], $0x2000  }
0x36c: {  	s24 =	sld [smem:$0x7F0]  }
0x36d: {  	[sflag:s18] =	ssyncset.done $0x0  }
0x36e: {  	[sflag:s18] =	ssyncadd.s32 $0xFFFFE000  }
0x36f: {  	[spmem:s2] =	stream.indirect.scatter.add.f32 [tilespmem:s29], [sflag:$0x5], $0x80, s24, s28, $0xb8;
	[tilespmem:$0x1F800] =	vst v63  }
0x370: {  	_ =	swait.ge [sflag:s10], $0x2000  }
0x371: {  	s13 =	sld [smem:$0x7F1]  }
0x372: {  	[sflag:s10] =	ssyncset.done $0x0  }
0x373: {  	[sflag:s10] =	ssyncadd.s32 $0xFFFFE000  }
0x374: {  	[tilespmem:s0], [sflag:$0x4] =	stream.indirect.gather [hbm4b:s4+s28], $0x80, s13, s28, $0xb8;
	[tilespmem:$0x1F800] =	vst v63  }
0x375: {  	_ =	swait.ge [sflag:s19], $0x2000  }
0x376: {  	s22 =	sld [smem:$0x7F2]  }
0x377: {  	[sflag:s19] =	ssyncset.done $0x0  }
0x378: {  	[sflag:s19] =	ssyncadd.s32 $0xFFFFE000  }
0x379: {  	[spmem:s2] =	stream.indirect.scatter.add.f32 [tilespmem:s30], [sflag:$0x6], $0x80, s22, s28, $0xb8;
	[tilespmem:$0x1F800] =	vst v63  }
0x37a: {  	_ =	swait.ge [sflag:s5], $0x2000  }
0x37b: {  	s24 =	sld [smem:$0x7F3]  }
0x37c: {  	[sflag:s5] =	ssyncset.done $0x0  }
0x37d: {  	[sflag:s5] =	ssyncadd.s32 $0xFFFFE000  }
0x37e: {  	[tilespmem:s29], [sflag:$0x1] =	stream.indirect.gather [hbm4b:s4+s28], $0x80, s24, s28, $0xb8;
	[tilespmem:$0x1F800] =	vst v63  }
0x37f: {  	_ =	swait.ge [sflag:s20], $0x2000  }
0x380: {  	s13 =	sld [smem:$0x7F4]  }
0x381: {  	[sflag:s20] =	ssyncset.done $0x0  }
0x382: {  	[sflag:s20] =	ssyncadd.s32 $0xFFFFE000  }
0x383: {  	[spmem:s2] =	stream.indirect.scatter.add.f32 [tilespmem:s31], [sflag:$0x7], $0x80, s13, s28, $0xb8;
	[tilespmem:$0x1F800] =	vst v63  }
0x384: {  	_ =	swait.ge [sflag:s8], $0x2000  }
0x385: {  	s22 =	sld [smem:$0x7F5]  }
0x386: {  	[sflag:s8] =	ssyncset.done $0x0  }
0x387: {  	[sflag:s8] =	ssyncadd.s32 $0xFFFFE000  }
0x388: {  	[tilespmem:s30], [sflag:$0x2] =	stream.indirect.gather [hbm4b:s4+s28], $0x80, s22, s28, $0xb8;
	[tilespmem:$0x1F800] =	vst v63  }
0x389: {  	_ =	swait.ge [sflag:s21], $0x2000  }
0x38a: {  	s24 =	sld [smem:$0x7F6]  }
0x38b: {  	[sflag:s21] =	ssyncset.done $0x0  }
0x38c: {  	[sflag:s21] =	ssyncadd.s32 $0xFFFFE000  }
0x38d: {  	[spmem:s2] =	stream.indirect.scatter.add.f32 [tilespmem:s0], [sflag:$0x8], $0x80, s24, s28, $0xb8;
	[tilespmem:$0x1F800] =	vst v63  }
0x38e: {  	_ =	swait.ge [sflag:s9], $0x2000  }
0x38f: {  	s13 =	sld [smem:$0x7F7]  }
0x390: {  	[sflag:s9] =	ssyncset.done $0x0  }
0x391: {  	[sflag:s9] =	ssyncadd.s32 $0xFFFFE000  }
0x392: {  	[tilespmem:s31], [sflag:$0x3] =	stream.indirect.gather [hbm4b:s4+s28], $0x80, s13, s28, $0xb8;
	[tilespmem:$0x1F800] =	vst v63  }
0x393: {  	_ =	swait.ge [sflag:s18], $0x2000  }
0x394: {  	s22 =	sld [smem:$0x7F8]  }
0x395: {  	[sflag:s18] =	ssyncset.done $0x0  }
0x396: {  	[sflag:s18] =	ssyncadd.s32 $0xFFFFE000  }
0x397: {  	[spmem:s2] =	stream.indirect.scatter.add.f32 [tilespmem:s29], [sflag:$0x5], $0x80, s22, s28, $0xb8;
	[tilespmem:$0x1F800] =	vst v63  }
0x398: {  	_ =	swait.ge [sflag:s10], $0x2000  }
0x399: {  	s24 =	sld [smem:$0x7F9]  }
0x39a: {  	[sflag:s10] =	ssyncset.done $0x0  }
0x39b: {  	[sflag:s10] =	ssyncadd.s32 $0xFFFFE000  }
0x39c: {  	[tilespmem:s0], [sflag:$0x4] =	stream.indirect.gather [hbm4b:s4+s28], $0x80, s24, s28, $0xb8;
	[tilespmem:$0x1F800] =	vst v63  }
0x39d: {  	_ =	swait.ge [sflag:s19], $0x2000  }
0x39e: {  	s13 =	sld [smem:$0x7FA]  }
0x39f: {  	[sflag:s19] =	ssyncset.done $0x0  }
0x3a0: {  	[sflag:s19] =	ssyncadd.s32 $0xFFFFE000  }
0x3a1: {  	[spmem:s2] =	stream.indirect.scatter.add.f32 [tilespmem:s30], [sflag:$0x6], $0x80, s13, s28, $0xb8;
	[tilespmem:$0x1F800] =	vst v63  }
0x3a2: {  	_ =	swait.ge [sflag:s20], $0x2000  }
0x3a3: {  	s22 =	sld [smem:$0x7FB]  }
0x3a4: {  	[sflag:s20] =	ssyncset.done $0x0  }
0x3a5: {  	[sflag:s20] =	ssyncadd.s32 $0xFFFFE000  }
0x3a6: {  	[spmem:s2] =	stream.indirect.scatter.add.f32 [tilespmem:s31], [sflag:$0x7], $0x80, s22, s28, $0xb8;
	[tilespmem:$0x1F800] =	vst v63  }
0x3a7: {  	_ =	swait.ge [sflag:s21], $0x2000  }
0x3a8: {  	s24 =	sld [smem:$0x7FC]  }
0x3a9: {  	[sflag:s21] =	ssyncset.done $0x0  }
0x3aa: {  	[sflag:s21] =	ssyncadd.s32 $0xFFFFE000  }
0x3ab: {  	[spmem:s2] =	stream.indirect.scatter.add.f32 [tilespmem:s0], [sflag:$0x8], $0x80, s24, s28, $0xb8;
	[tilespmem:$0x1F800] =	vst v63  }
0x3ac: {  	_ =	swait.ge [sflag:s5], $0x2000  }
0x3ad: {  	[sflag:s5] =	ssyncset.done $0x0  }
0x3ae: {  	[sflag:s5] =	ssyncadd.s32 $0xFFFFE000  }
0x3af: {  	_ =	swait.ge [sflag:s8], $0x2000  }
0x3b0: {  	[sflag:s8] =	ssyncset.done $0x0  }
0x3b1: {  	[sflag:s8] =	ssyncadd.s32 $0xFFFFE000  }
0x3b2: {  	_ =	swait.ge [sflag:s9], $0x2000  }
0x3b3: {  	[sflag:s9] =	ssyncset.done $0x0  }
0x3b4: {  	[sflag:s9] =	ssyncadd.s32 $0xFFFFE000  }
0x3b5: {  	s23 =	sadd.s32 $0x1, s23;
	_ =	swait.ge [sflag:s10], $0x2000  }
0x3b6: {  	p0 =	sne.s32 s23, $0x4;
	[sflag:s10] =	ssyncset.done $0x0  }
.Ltmp2:
0x3b7: {  	s3 =	simm.s32 @!p1 $0x9;
	[sflag:s10] =	ssyncadd.s32 $0xFFFFE000;
	(pc) =	sbr.rel @p0 .LBB2_6-.Ltmp2, $4  }
0x3b8: {  	_ =	swait.ge @!p1 [sflag:s3], $0xA00  }
0x3b9: {  	[sflag:s3] =	ssyncset.done @!p1 $0x0  }
0x3ba: {  	s22 =	simm.s32 @!p1 $0xA;
	[sflag:s3] =	ssyncadd.s32 @!p1 $0xFFFFF600  }
0x3bb: {  	s6 =	sadd.s32 $0x300, s6;
	s14 =	sadd.s32 $0x300, s14;
	_ =	swait.ge @!p1 [sflag:s22], $0xA00  }
0x3bc: {  	[sflag:s22] =	ssyncset.done @!p1 $0x0  }
0x3bd: {  	s3 =	sadd.s32 s6, s16;
	[sflag:s22] =	ssyncadd.s32 @!p1 $0xFFFFF600  }
0x3be: {  	[tilespmem:s26], [sflag:$0x9] =	stream.linear.gather [hbm4b:s3+s7], $0xA00, $0x38;
	[tilespmem:$0x1F800] =	vst v63  }
0x3bf: {  	s23 =	sadd.s32 s14, s16  }
0x3c0: {  	[tilespmem:s25], [sflag:$0xA] =	stream.linear.gather [hbm4b:s23+s7], $0xA00, $0x38;
	[tilespmem:$0x1F800] =	vst v63  }
0x3c1: {  	s22 =	simm.s32 $0x14000  }
0x3c2: {  	[tilespmem:s29], [sflag:$0x1] =	stream.indirect.gather [hbm4b:s4+s28], $0x80, s22, s28, $0xb8;
	[tilespmem:$0x1F800] =	vst v63  }
0x3c3: {  	s24 =	rddreg [dreg:$0x4]  }
0x3c4: {  	[tilespmem:s30], [sflag:$0x2] =	stream.indirect.gather [hbm4b:s4+s28], $0x80, s24, s28, $0xb8;
	[tilespmem:$0x1F800] =	vst v63  }
0x3c5: {  	s13 =	rddreg [dreg:$0x5]  }
0x3c6: {  	[tilespmem:s31], [sflag:$0x3] =	stream.indirect.gather [hbm4b:s4+s28], $0x80, s13, s28, $0xb8;
	[tilespmem:$0x1F800] =	vst v63  }
0x3c7: {  	_ =	swait.ge [sflag:s18], $0x2000  }
0x3c8: {  	[sflag:s18] =	ssyncset.done $0x0  }
0x3c9: {  	s24 =	simm.s32 $0x15800;
	[sflag:s18] =	ssyncadd.s32 $0xFFFFE000  }
0x3ca: {  	[spmem:s2] =	stream.indirect.scatter.add.f32 [tilespmem:s29], [sflag:$0x5], $0x80, s24, s28, $0xb8;
	[tilespmem:$0x1F800] =	vst v63  }
0x3cb: {  	s23 =	rddreg [dreg:$0x6]  }
0x3cc: {  	[tilespmem:s0], [sflag:$0x4] =	stream.indirect.gather [hbm4b:s4+s28], $0x80, s23, s28, $0xb8;
	[tilespmem:$0x1F800] =	vst v63  }
0x3cd: {  	_ =	swait.ge [sflag:s19], $0x2000  }
0x3ce: {  	[sflag:s19] =	ssyncset.done $0x0  }
0x3cf: {  	s7 =	rddreg [dreg:$0x7];
	[sflag:s19] =	ssyncadd.s32 $0xFFFFE000  }
0x3d0: {  	[spmem:s2] =	stream.indirect.scatter.add.f32 [tilespmem:s30], [sflag:$0x6], $0x80, s7, s28, $0xb8;
	[tilespmem:$0x1F800] =	vst v63  }
0x3d1: {  	_ =	swait.ge [sflag:s5], $0x2000  }
0x3d2: {  	[sflag:s5] =	ssyncset.done $0x0  }
0x3d3: {  	s13 =	rddreg [dreg:$0x8];
	[sflag:s5] =	ssyncadd.s32 $0xFFFFE000  }
0x3d4: {  	[tilespmem:s29], [sflag:$0x1] =	stream.indirect.gather [hbm4b:s4+s28], $0x80, s13, s28, $0xb8;
	[tilespmem:$0x1F800] =	vst v63  }
0x3d5: {  	_ =	swait.ge [sflag:s20], $0x2000  }
0x3d6: {  	[sflag:s20] =	ssyncset.done $0x0  }
0x3d7: {  	s22 =	rddreg [dreg:$0x9];
	[sflag:s20] =	ssyncadd.s32 $0xFFFFE000  }
0x3d8: {  	[spmem:s2] =	stream.indirect.scatter.add.f32 [tilespmem:s31], [sflag:$0x7], $0x80, s22, s28, $0xb8;
	[tilespmem:$0x1F800] =	vst v63  }
0x3d9: {  	_ =	swait.ge [sflag:s8], $0x2000  }
0x3da: {  	[sflag:s8] =	ssyncset.done $0x0  }
0x3db: {  	s23 =	rddreg [dreg:$0xa];
	[sflag:s8] =	ssyncadd.s32 $0xFFFFE000  }
0x3dc: {  	[tilespmem:s30], [sflag:$0x2] =	stream.indirect.gather [hbm4b:s4+s28], $0x80, s23, s28, $0xb8;
	[tilespmem:$0x1F800] =	vst v63  }
0x3dd: {  	_ =	swait.ge [sflag:s21], $0x2000  }
0x3de: {  	[sflag:s21] =	ssyncset.done $0x0  }
0x3df: {  	s24 =	rddreg [dreg:$0xb];
	[sflag:s21] =	ssyncadd.s32 $0xFFFFE000  }
0x3e0: {  	[spmem:s2] =	stream.indirect.scatter.add.f32 [tilespmem:s0], [sflag:$0x8], $0x80, s24, s28, $0xb8;
	[tilespmem:$0x1F800] =	vst v63  }
0x3e1: {  	_ =	swait.ge [sflag:s9], $0x2000  }
0x3e2: {  	[sflag:s9] =	ssyncset.done $0x0  }
0x3e3: {  	s7 =	rddreg [dreg:$0xc];
	[sflag:s9] =	ssyncadd.s32 $0xFFFFE000  }
0x3e4: {  	[tilespmem:s31], [sflag:$0x3] =	stream.indirect.gather [hbm4b:s4+s28], $0x80, s7, s28, $0xb8;
	[tilespmem:$0x1F800] =	vst v63  }
0x3e5: {  	_ =	swait.ge [sflag:s18], $0x2000  }
0x3e6: {  	[sflag:s18] =	ssyncset.done $0x0  }
0x3e7: {  	s13 =	rddreg [dreg:$0xd];
	[sflag:s18] =	ssyncadd.s32 $0xFFFFE000  }
0x3e8: {  	[spmem:s2] =	stream.indirect.scatter.add.f32 [tilespmem:s29], [sflag:$0x5], $0x80, s13, s28, $0xb8;
	[tilespmem:$0x1F800] =	vst v63  }
0x3e9: {  	_ =	swait.ge [sflag:s10], $0x2000  }
0x3ea: {  	[sflag:s10] =	ssyncset.done $0x0  }
0x3eb: {  	s22 =	rddreg [dreg:$0xe];
	[sflag:s10] =	ssyncadd.s32 $0xFFFFE000  }
0x3ec: {  	[tilespmem:s0], [sflag:$0x4] =	stream.indirect.gather [hbm4b:s4+s28], $0x80, s22, s28, $0xb8;
	[tilespmem:$0x1F800] =	vst v63  }
0x3ed: {  	_ =	swait.ge [sflag:s19], $0x2000  }
0x3ee: {  	[sflag:s19] =	ssyncset.done $0x0  }
0x3ef: {  	s23 =	rddreg [dreg:$0xf];
	[sflag:s19] =	ssyncadd.s32 $0xFFFFE000  }
0x3f0: {  	[spmem:s2] =	stream.indirect.scatter.add.f32 [tilespmem:s30], [sflag:$0x6], $0x80, s23, s28, $0xb8;
	[tilespmem:$0x1F800] =	vst v63  }
0x3f1: {  	_ =	swait.ge [sflag:s5], $0x2000  }
0x3f2: {  	[sflag:s5] =	ssyncset.done $0x0  }
0x3f3: {  	s24 =	rddreg [dreg:$0x10];
	[sflag:s5] =	ssyncadd.s32 $0xFFFFE000  }
0x3f4: {  	[tilespmem:s29], [sflag:$0x1] =	stream.indirect.gather [hbm4b:s4+s28], $0x80, s24, s28, $0xb8;
	[tilespmem:$0x1F800] =	vst v63  }
0x3f5: {  	_ =	swait.ge [sflag:s20], $0x2000  }
0x3f6: {  	[sflag:s20] =	ssyncset.done $0x0  }
0x3f7: {  	s7 =	rddreg [dreg:$0x11];
	[sflag:s20] =	ssyncadd.s32 $0xFFFFE000  }
0x3f8: {  	[spmem:s2] =	stream.indirect.scatter.add.f32 [tilespmem:s31], [sflag:$0x7], $0x80, s7, s28, $0xb8;
	[tilespmem:$0x1F800] =	vst v63  }
0x3f9: {  	_ =	swait.ge [sflag:s8], $0x2000  }
0x3fa: {  	[sflag:s8] =	ssyncset.done $0x0  }
0x3fb: {  	s13 =	rddreg [dreg:$0x12];
	[sflag:s8] =	ssyncadd.s32 $0xFFFFE000  }
0x3fc: {  	[tilespmem:s30], [sflag:$0x2] =	stream.indirect.gather [hbm4b:s4+s28], $0x80, s13, s28, $0xb8;
	[tilespmem:$0x1F800] =	vst v63  }
0x3fd: {  	_ =	swait.ge [sflag:s21], $0x2000  }
0x3fe: {  	[sflag:s21] =	ssyncset.done $0x0  }
0x3ff: {  	s22 =	rddreg [dreg:$0x13];
	[sflag:s21] =	ssyncadd.s32 $0xFFFFE000  }
0x400: {  	[spmem:s2] =	stream.indirect.scatter.add.f32 [tilespmem:s0], [sflag:$0x8], $0x80, s22, s28, $0xb8;
	[tilespmem:$0x1F800] =	vst v63  }
0x401: {  	_ =	swait.ge [sflag:s9], $0x2000  }
0x402: {  	[sflag:s9] =	ssyncset.done $0x0  }
0x403: {  	s23 =	rddreg [dreg:$0x14];
	[sflag:s9] =	ssyncadd.s32 $0xFFFFE000  }
0x404: {  	[tilespmem:s31], [sflag:$0x3] =	stream.indirect.gather [hbm4b:s4+s28], $0x80, s23, s28, $0xb8;
	[tilespmem:$0x1F800] =	vst v63  }
0x405: {  	_ =	swait.ge [sflag:s18], $0x2000  }
0x406: {  	[sflag:s18] =	ssyncset.done $0x0  }
0x407: {  	s24 =	rddreg [dreg:$0x15];
	[sflag:s18] =	ssyncadd.s32 $0xFFFFE000  }
0x408: {  	[spmem:s2] =	stream.indirect.scatter.add.f32 [tilespmem:s29], [sflag:$0x5], $0x80, s24, s28, $0xb8;
	[tilespmem:$0x1F800] =	vst v63  }
0x409: {  	_ =	swait.ge [sflag:s10], $0x2000  }
0x40a: {  	[sflag:s10] =	ssyncset.done $0x0  }
0x40b: {  	s7 =	rddreg [dreg:$0x16];
	[sflag:s10] =	ssyncadd.s32 $0xFFFFE000  }
0x40c: {  	[tilespmem:s0], [sflag:$0x4] =	stream.indirect.gather [hbm4b:s4+s28], $0x80, s7, s28, $0xb8;
	[tilespmem:$0x1F800] =	vst v63  }
0x40d: {  	_ =	swait.ge [sflag:s19], $0x2000  }
0x40e: {  	[sflag:s19] =	ssyncset.done $0x0  }
0x40f: {  	s13 =	rddreg [dreg:$0x17];
	[sflag:s19] =	ssyncadd.s32 $0xFFFFE000  }
0x410: {  	[spmem:s2] =	stream.indirect.scatter.add.f32 [tilespmem:s30], [sflag:$0x6], $0x80, s13, s28, $0xb8;
	[tilespmem:$0x1F800] =	vst v63  }
0x411: {  	_ =	swait.ge [sflag:s5], $0x2000  }
0x412: {  	[sflag:s5] =	ssyncset.done $0x0  }
0x413: {  	s22 =	rddreg [dreg:$0x18];
	[sflag:s5] =	ssyncadd.s32 $0xFFFFE000  }
0x414: {  	[tilespmem:s29], [sflag:$0x1] =	stream.indirect.gather [hbm4b:s4+s28], $0x80, s22, s28, $0xb8;
	[tilespmem:$0x1F800] =	vst v63  }
0x415: {  	_ =	swait.ge [sflag:s20], $0x2000  }
0x416: {  	[sflag:s20] =	ssyncset.done $0x0  }
0x417: {  	s23 =	rddreg [dreg:$0x19];
	[sflag:s20] =	ssyncadd.s32 $0xFFFFE000  }
0x418: {  	[spmem:s2] =	stream.indirect.scatter.add.f32 [tilespmem:s31], [sflag:$0x7], $0x80, s23, s28, $0xb8;
	[tilespmem:$0x1F800] =	vst v63  }
0x419: {  	_ =	swait.ge [sflag:s8], $0x2000  }
0x41a: {  	[sflag:s8] =	ssyncset.done $0x0  }
0x41b: {  	s24 =	rddreg [dreg:$0x1a];
	[sflag:s8] =	ssyncadd.s32 $0xFFFFE000  }
0x41c: {  	[tilespmem:s30], [sflag:$0x2] =	stream.indirect.gather [hbm4b:s4+s28], $0x80, s24, s28, $0xb8;
	[tilespmem:$0x1F800] =	vst v63  }
0x41d: {  	_ =	swait.ge [sflag:s21], $0x2000  }
0x41e: {  	[sflag:s21] =	ssyncset.done $0x0  }
0x41f: {  	s7 =	rddreg [dreg:$0x1b];
	[sflag:s21] =	ssyncadd.s32 $0xFFFFE000  }
0x420: {  	[spmem:s2] =	stream.indirect.scatter.add.f32 [tilespmem:s0], [sflag:$0x8], $0x80, s7, s28, $0xb8;
	[tilespmem:$0x1F800] =	vst v63  }
0x421: {  	_ =	swait.ge [sflag:s9], $0x2000  }
0x422: {  	[sflag:s9] =	ssyncset.done $0x0  }
0x423: {  	s13 =	rddreg [dreg:$0x1c];
	[sflag:s9] =	ssyncadd.s32 $0xFFFFE000  }
0x424: {  	[tilespmem:s31], [sflag:$0x3] =	stream.indirect.gather [hbm4b:s4+s28], $0x80, s13, s28, $0xb8;
	[tilespmem:$0x1F800] =	vst v63  }
0x425: {  	_ =	swait.ge [sflag:s18], $0x2000  }
0x426: {  	[sflag:s18] =	ssyncset.done $0x0  }
0x427: {  	s22 =	rddreg [dreg:$0x1d];
	[sflag:s18] =	ssyncadd.s32 $0xFFFFE000  }
0x428: {  	[spmem:s2] =	stream.indirect.scatter.add.f32 [tilespmem:s29], [sflag:$0x5], $0x80, s22, s28, $0xb8;
	[tilespmem:$0x1F800] =	vst v63  }
0x429: {  	_ =	swait.ge [sflag:s10], $0x2000  }
0x42a: {  	[sflag:s10] =	ssyncset.done $0x0  }
0x42b: {  	s23 =	rddreg [dreg:$0x1e];
	[sflag:s10] =	ssyncadd.s32 $0xFFFFE000  }
0x42c: {  	[tilespmem:s0], [sflag:$0x4] =	stream.indirect.gather [hbm4b:s4+s28], $0x80, s23, s28, $0xb8;
	[tilespmem:$0x1F800] =	vst v63  }
0x42d: {  	_ =	swait.ge [sflag:s19], $0x2000  }
0x42e: {  	[sflag:s19] =	ssyncset.done $0x0  }
0x42f: {  	s24 =	rddreg [dreg:$0x1f];
	[sflag:s19] =	ssyncadd.s32 $0xFFFFE000  }
0x430: {  	[spmem:s2] =	stream.indirect.scatter.add.f32 [tilespmem:s30], [sflag:$0x6], $0x80, s24, s28, $0xb8;
	[tilespmem:$0x1F800] =	vst v63  }
0x431: {  	_ =	swait.ge [sflag:s5], $0x2000  }
0x432: {  	s7 =	sld [smem:$0x7C5]  }
0x433: {  	[sflag:s5] =	ssyncset.done $0x0  }
0x434: {  	[sflag:s5] =	ssyncadd.s32 $0xFFFFE000  }
0x435: {  	[tilespmem:s29], [sflag:$0x1] =	stream.indirect.gather [hbm4b:s4+s28], $0x80, s7, s28, $0xb8;
	[tilespmem:$0x1F800] =	vst v63  }
0x436: {  	_ =	swait.ge [sflag:s20], $0x2000  }
0x437: {  	s13 =	sld [smem:$0x7C6]  }
0x438: {  	[sflag:s20] =	ssyncset.done $0x0  }
0x439: {  	[sflag:s20] =	ssyncadd.s32 $0xFFFFE000  }
0x43a: {  	[spmem:s2] =	stream.indirect.scatter.add.f32 [tilespmem:s31], [sflag:$0x7], $0x80, s13, s28, $0xb8;
	[tilespmem:$0x1F800] =	vst v63  }
0x43b: {  	_ =	swait.ge [sflag:s8], $0x2000  }
0x43c: {  	s22 =	sld [smem:$0x7C7]  }
0x43d: {  	[sflag:s8] =	ssyncset.done $0x0  }
0x43e: {  	[sflag:s8] =	ssyncadd.s32 $0xFFFFE000  }
0x43f: {  	[tilespmem:s30], [sflag:$0x2] =	stream.indirect.gather [hbm4b:s4+s28], $0x80, s22, s28, $0xb8;
	[tilespmem:$0x1F800] =	vst v63  }
0x440: {  	_ =	swait.ge [sflag:s21], $0x2000  }
0x441: {  	s23 =	sld [smem:$0x7C8]  }
0x442: {  	[sflag:s21] =	ssyncset.done $0x0  }
0x443: {  	[sflag:s21] =	ssyncadd.s32 $0xFFFFE000  }
0x444: {  	[spmem:s2] =	stream.indirect.scatter.add.f32 [tilespmem:s0], [sflag:$0x8], $0x80, s23, s28, $0xb8;
	[tilespmem:$0x1F800] =	vst v63  }
0x445: {  	_ =	swait.ge [sflag:s9], $0x2000  }
0x446: {  	s24 =	sld [smem:$0x7C9]  }
0x447: {  	[sflag:s9] =	ssyncset.done $0x0  }
0x448: {  	[sflag:s9] =	ssyncadd.s32 $0xFFFFE000  }
0x449: {  	[tilespmem:s31], [sflag:$0x3] =	stream.indirect.gather [hbm4b:s4+s28], $0x80, s24, s28, $0xb8;
	[tilespmem:$0x1F800] =	vst v63  }
0x44a: {  	_ =	swait.ge [sflag:s18], $0x2000  }
0x44b: {  	s7 =	sld [smem:$0x7CA]  }
0x44c: {  	[sflag:s18] =	ssyncset.done $0x0  }
0x44d: {  	[sflag:s18] =	ssyncadd.s32 $0xFFFFE000  }
0x44e: {  	[spmem:s2] =	stream.indirect.scatter.add.f32 [tilespmem:s29], [sflag:$0x5], $0x80, s7, s28, $0xb8;
	[tilespmem:$0x1F800] =	vst v63  }
0x44f: {  	_ =	swait.ge [sflag:s10], $0x2000  }
0x450: {  	s13 =	sld [smem:$0x7CB]  }
0x451: {  	[sflag:s10] =	ssyncset.done $0x0  }
0x452: {  	[sflag:s10] =	ssyncadd.s32 $0xFFFFE000  }
0x453: {  	[tilespmem:s0], [sflag:$0x4] =	stream.indirect.gather [hbm4b:s4+s28], $0x80, s13, s28, $0xb8;
	[tilespmem:$0x1F800] =	vst v63  }
0x454: {  	_ =	swait.ge [sflag:s19], $0x2000  }
0x455: {  	s22 =	sld [smem:$0x7CC]  }
0x456: {  	[sflag:s19] =	ssyncset.done $0x0  }
0x457: {  	[sflag:s19] =	ssyncadd.s32 $0xFFFFE000  }
0x458: {  	[spmem:s2] =	stream.indirect.scatter.add.f32 [tilespmem:s30], [sflag:$0x6], $0x80, s22, s28, $0xb8;
	[tilespmem:$0x1F800] =	vst v63  }
0x459: {  	_ =	swait.ge [sflag:s20], $0x2000  }
0x45a: {  	s23 =	sld [smem:$0x7CD]  }
0x45b: {  	[sflag:s20] =	ssyncset.done $0x0  }
0x45c: {  	[sflag:s20] =	ssyncadd.s32 $0xFFFFE000  }
0x45d: {  	[spmem:s2] =	stream.indirect.scatter.add.f32 [tilespmem:s31], [sflag:$0x7], $0x80, s23, s28, $0xb8;
	[tilespmem:$0x1F800] =	vst v63  }
0x45e: {  	_ =	swait.ge [sflag:s21], $0x2000  }
0x45f: {  	s24 =	sld [smem:$0x7CE]  }
0x460: {  	[sflag:s21] =	ssyncset.done $0x0  }
0x461: {  	[sflag:s21] =	ssyncadd.s32 $0xFFFFE000  }
0x462: {  	[spmem:s2] =	stream.indirect.scatter.add.f32 [tilespmem:s0], [sflag:$0x8], $0x80, s24, s28, $0xb8;
	[tilespmem:$0x1F800] =	vst v63  }
0x463: {  	_ =	swait.ge [sflag:s5], $0x2000  }
0x464: {  	[sflag:s5] =	ssyncset.done $0x0  }
0x465: {  	[sflag:s5] =	ssyncadd.s32 $0xFFFFE000  }
0x466: {  	_ =	swait.ge [sflag:s8], $0x2000  }
0x467: {  	[sflag:s8] =	ssyncset.done $0x0  }
0x468: {  	[sflag:s8] =	ssyncadd.s32 $0xFFFFE000  }
0x469: {  	_ =	swait.ge [sflag:s9], $0x2000  }
0x46a: {  	[sflag:s9] =	ssyncset.done $0x0  }
0x46b: {  	[sflag:s9] =	ssyncadd.s32 $0xFFFFE000  }
0x46c: {  	_ =	swait.ge [sflag:s10], $0x2000  }
0x46d: {  	[sflag:s10] =	ssyncset.done $0x0  }
0x46e: {  	[sflag:s10] =	ssyncadd.s32 $0xFFFFE000  }
0x46f: {  	_ =	swait.ge [sflag:s11], $0xA00  }
0x470: {  	[sflag:s11] =	ssyncset.done $0x0  }
0x471: {  	[sflag:s11] =	ssyncadd.s32 $0xFFFFF600  }
0x472: {  	p0 =	sgt.u32 s1, $0x2;
	_ =	swait.ge [sflag:s12], $0xA00  }
0x473: {  	s1 =	sadd.s32 @!p0 s6, s15;
	[sflag:s12] =	ssyncset.done $0x0  }
0x474: {  	s6 =	simm.s32 @!p0 $0x14000;
	s3 =	simm.s32 @!p0 $0x0;
	[sflag:s12] =	ssyncadd.s32 $0xFFFFF600  }
0x475: {  	[tilespmem:s6], [sflag:$0x9] =	stream.linear.gather @!p0 [hbm4b:s1+s3], $0xA00, $0x38;
	[tilespmem:$0x1F800] =	vst v63  }
0x476: {  	s1 =	sadd.s32 @!p0 s14, s15;
	s6 =	simm.s32 @!p0 $0x15800  }
0x477: {  	[tilespmem:s6], [sflag:$0xA] =	stream.linear.gather @!p0 [hbm4b:s1+s3], $0xA00, $0x38;
	[tilespmem:$0x1F800] =	vst v63  }
0x478: {  	s7 =	sld [smem:$0x7CF]  }
0x479: {  	[tilespmem:s29], [sflag:$0x1] =	stream.indirect.gather [hbm4b:s4+s28], $0x80, s26, s28, $0xb8;
	[tilespmem:$0x1F800] =	vst v63  }
0x47a: {  	s13 =	sld [smem:$0x7D0]  }
0x47b: {  	[tilespmem:s30], [sflag:$0x2] =	stream.indirect.gather [hbm4b:s4+s28], $0x80, s7, s28, $0xb8;
	[tilespmem:$0x1F800] =	vst v63  }
0x47c: {  	_ = 	snop  }
0x47d: {  	[tilespmem:s31], [sflag:$0x3] =	stream.indirect.gather [hbm4b:s4+s28], $0x80, s13, s28, $0xb8;
	[tilespmem:$0x1F800] =	vst v63  }
0x47e: {  	_ =	swait.ge [sflag:s18], $0x2000  }
0x47f: {  	[sflag:s18] =	ssyncset.done $0x0  }
0x480: {  	s14 =	sld [smem:$0x7D1];
	[sflag:s18] =	ssyncadd.s32 $0xFFFFE000  }
0x481: {  	[spmem:s2] =	stream.indirect.scatter.add.f32 [tilespmem:s29], [sflag:$0x5], $0x80, s25, s28, $0xb8;
	[tilespmem:$0x1F800] =	vst v63  }
0x482: {  	_ = 	snop  }
0x483: {  	[tilespmem:s0], [sflag:$0x4] =	stream.indirect.gather [hbm4b:s4+s28], $0x80, s14, s28, $0xb8;
	[tilespmem:$0x1F800] =	vst v63  }
0x484: {  	_ =	swait.ge [sflag:s19], $0x2000  }
0x485: {  	s22 =	sld [smem:$0x7D2]  }
0x486: {  	[sflag:s19] =	ssyncset.done $0x0  }
0x487: {  	[sflag:s19] =	ssyncadd.s32 $0xFFFFE000  }
0x488: {  	[spmem:s2] =	stream.indirect.scatter.add.f32 [tilespmem:s30], [sflag:$0x6], $0x80, s22, s28, $0xb8;
	[tilespmem:$0x1F800] =	vst v63  }
0x489: {  	_ =	swait.ge [sflag:s5], $0x2000  }
0x48a: {  	s23 =	sld [smem:$0x7D3]  }
0x48b: {  	[sflag:s5] =	ssyncset.done $0x0  }
0x48c: {  	[sflag:s5] =	ssyncadd.s32 $0xFFFFE000  }
0x48d: {  	[tilespmem:s29], [sflag:$0x1] =	stream.indirect.gather [hbm4b:s4+s28], $0x80, s23, s28, $0xb8;
	[tilespmem:$0x1F800] =	vst v63  }
0x48e: {  	_ =	swait.ge [sflag:s20], $0x2000  }
0x48f: {  	s24 =	sld [smem:$0x7D4]  }
0x490: {  	[sflag:s20] =	ssyncset.done $0x0  }
0x491: {  	[sflag:s20] =	ssyncadd.s32 $0xFFFFE000  }
0x492: {  	[spmem:s2] =	stream.indirect.scatter.add.f32 [tilespmem:s31], [sflag:$0x7], $0x80, s24, s28, $0xb8;
	[tilespmem:$0x1F800] =	vst v63  }
0x493: {  	_ =	swait.ge [sflag:s8], $0x2000  }
0x494: {  	s26 =	sld [smem:$0x7D5]  }
0x495: {  	[sflag:s8] =	ssyncset.done $0x0  }
0x496: {  	[sflag:s8] =	ssyncadd.s32 $0xFFFFE000  }
0x497: {  	[tilespmem:s30], [sflag:$0x2] =	stream.indirect.gather [hbm4b:s4+s28], $0x80, s26, s28, $0xb8;
	[tilespmem:$0x1F800] =	vst v63  }
0x498: {  	_ =	swait.ge [sflag:s21], $0x2000  }
0x499: {  	s3 =	sld [smem:$0x7D6]  }
0x49a: {  	[sflag:s21] =	ssyncset.done $0x0  }
0x49b: {  	[sflag:s21] =	ssyncadd.s32 $0xFFFFE000  }
0x49c: {  	[spmem:s2] =	stream.indirect.scatter.add.f32 [tilespmem:s0], [sflag:$0x8], $0x80, s3, s28, $0xb8;
	[tilespmem:$0x1F800] =	vst v63  }
0x49d: {  	_ =	swait.ge [sflag:s9], $0x2000  }
0x49e: {  	s6 =	sld [smem:$0x7D7]  }
0x49f: {  	[sflag:s9] =	ssyncset.done $0x0  }
0x4a0: {  	[sflag:s9] =	ssyncadd.s32 $0xFFFFE000  }
0x4a1: {  	[tilespmem:s31], [sflag:$0x3] =	stream.indirect.gather [hbm4b:s4+s28], $0x80, s6, s28, $0xb8;
	[tilespmem:$0x1F800] =	vst v63  }
0x4a2: {  	_ =	swait.ge [sflag:s18], $0x2000  }
0x4a3: {  	s7 =	sld [smem:$0x7D8]  }
0x4a4: {  	[sflag:s18] =	ssyncset.done $0x0  }
0x4a5: {  	[sflag:s18] =	ssyncadd.s32 $0xFFFFE000  }
0x4a6: {  	[spmem:s2] =	stream.indirect.scatter.add.f32 [tilespmem:s29], [sflag:$0x5], $0x80, s7, s28, $0xb8;
	[tilespmem:$0x1F800] =	vst v63  }
0x4a7: {  	_ =	swait.ge [sflag:s10], $0x2000  }
0x4a8: {  	s13 =	sld [smem:$0x7D9]  }
0x4a9: {  	[sflag:s10] =	ssyncset.done $0x0  }
0x4aa: {  	[sflag:s10] =	ssyncadd.s32 $0xFFFFE000  }
0x4ab: {  	[tilespmem:s0], [sflag:$0x4] =	stream.indirect.gather [hbm4b:s4+s28], $0x80, s13, s28, $0xb8;
	[tilespmem:$0x1F800] =	vst v63  }
0x4ac: {  	_ =	swait.ge [sflag:s19], $0x2000  }
0x4ad: {  	s14 =	sld [smem:$0x7DA]  }
0x4ae: {  	[sflag:s19] =	ssyncset.done $0x0  }
0x4af: {  	[sflag:s19] =	ssyncadd.s32 $0xFFFFE000  }
0x4b0: {  	[spmem:s2] =	stream.indirect.scatter.add.f32 [tilespmem:s30], [sflag:$0x6], $0x80, s14, s28, $0xb8;
	[tilespmem:$0x1F800] =	vst v63  }
0x4b1: {  	_ =	swait.ge [sflag:s5], $0x2000  }
0x4b2: {  	s22 =	sld [smem:$0x7DB]  }
0x4b3: {  	[sflag:s5] =	ssyncset.done $0x0  }
0x4b4: {  	[sflag:s5] =	ssyncadd.s32 $0xFFFFE000  }
0x4b5: {  	[tilespmem:s29], [sflag:$0x1] =	stream.indirect.gather [hbm4b:s4+s28], $0x80, s22, s28, $0xb8;
	[tilespmem:$0x1F800] =	vst v63  }
0x4b6: {  	_ =	swait.ge [sflag:s20], $0x2000  }
0x4b7: {  	s23 =	sld [smem:$0x7DD]  }
0x4b8: {  	[sflag:s20] =	ssyncset.done $0x0  }
0x4b9: {  	[sflag:s20] =	ssyncadd.s32 $0xFFFFE000  }
0x4ba: {  	[spmem:s2] =	stream.indirect.scatter.add.f32 [tilespmem:s31], [sflag:$0x7], $0x80, s23, s28, $0xb8;
	[tilespmem:$0x1F800] =	vst v63  }
0x4bb: {  	_ =	swait.ge [sflag:s8], $0x2000  }
0x4bc: {  	s24 =	sld [smem:$0x7DE]  }
0x4bd: {  	[sflag:s8] =	ssyncset.done $0x0  }
0x4be: {  	[sflag:s8] =	ssyncadd.s32 $0xFFFFE000  }
0x4bf: {  	[tilespmem:s30], [sflag:$0x2] =	stream.indirect.gather [hbm4b:s4+s28], $0x80, s24, s28, $0xb8;
	[tilespmem:$0x1F800] =	vst v63  }
0x4c0: {  	_ =	swait.ge [sflag:s21], $0x2000  }
0x4c1: {  	s26 =	sld [smem:$0x7E0]  }
0x4c2: {  	[sflag:s21] =	ssyncset.done $0x0  }
0x4c3: {  	[sflag:s21] =	ssyncadd.s32 $0xFFFFE000  }
0x4c4: {  	[spmem:s2] =	stream.indirect.scatter.add.f32 [tilespmem:s0], [sflag:$0x8], $0x80, s26, s28, $0xb8;
	[tilespmem:$0x1F800] =	vst v63  }
0x4c5: {  	_ =	swait.ge [sflag:s9], $0x2000  }
0x4c6: {  	s3 =	sld [smem:$0x7E1]  }
0x4c7: {  	[sflag:s9] =	ssyncset.done $0x0  }
0x4c8: {  	[sflag:s9] =	ssyncadd.s32 $0xFFFFE000  }
0x4c9: {  	[tilespmem:s31], [sflag:$0x3] =	stream.indirect.gather [hbm4b:s4+s28], $0x80, s3, s28, $0xb8;
	[tilespmem:$0x1F800] =	vst v63  }
0x4ca: {  	_ =	swait.ge [sflag:s18], $0x2000  }
0x4cb: {  	s6 =	sld [smem:$0x7E3]  }
0x4cc: {  	[sflag:s18] =	ssyncset.done $0x0  }
0x4cd: {  	[sflag:s18] =	ssyncadd.s32 $0xFFFFE000  }
0x4ce: {  	[spmem:s2] =	stream.indirect.scatter.add.f32 [tilespmem:s29], [sflag:$0x5], $0x80, s6, s28, $0xb8;
	[tilespmem:$0x1F800] =	vst v63  }
0x4cf: {  	_ =	swait.ge [sflag:s10], $0x2000  }
0x4d0: {  	s7 =	sld [smem:$0x7E6]  }
0x4d1: {  	[sflag:s10] =	ssyncset.done $0x0  }
0x4d2: {  	[sflag:s10] =	ssyncadd.s32 $0xFFFFE000  }
0x4d3: {  	[tilespmem:s0], [sflag:$0x4] =	stream.indirect.gather [hbm4b:s4+s28], $0x80, s7, s28, $0xb8;
	[tilespmem:$0x1F800] =	vst v63  }
0x4d4: {  	_ =	swait.ge [sflag:s19], $0x2000  }
0x4d5: {  	s13 =	sld [smem:$0x7E8]  }
0x4d6: {  	[sflag:s19] =	ssyncset.done $0x0  }
0x4d7: {  	[sflag:s19] =	ssyncadd.s32 $0xFFFFE000  }
0x4d8: {  	[spmem:s2] =	stream.indirect.scatter.add.f32 [tilespmem:s30], [sflag:$0x6], $0x80, s13, s28, $0xb8;
	[tilespmem:$0x1F800] =	vst v63  }
0x4d9: {  	_ =	swait.ge [sflag:s5], $0x2000  }
0x4da: {  	s14 =	sld [smem:$0x7EA]  }
0x4db: {  	[sflag:s5] =	ssyncset.done $0x0  }
0x4dc: {  	[sflag:s5] =	ssyncadd.s32 $0xFFFFE000  }
0x4dd: {  	[tilespmem:s29], [sflag:$0x1] =	stream.indirect.gather [hbm4b:s4+s28], $0x80, s14, s28, $0xb8;
	[tilespmem:$0x1F800] =	vst v63  }
0x4de: {  	_ =	swait.ge [sflag:s20], $0x2000  }
0x4df: {  	s22 =	sld [smem:$0x7EB]  }
0x4e0: {  	[sflag:s20] =	ssyncset.done $0x0  }
0x4e1: {  	[sflag:s20] =	ssyncadd.s32 $0xFFFFE000  }
0x4e2: {  	[spmem:s2] =	stream.indirect.scatter.add.f32 [tilespmem:s31], [sflag:$0x7], $0x80, s22, s28, $0xb8;
	[tilespmem:$0x1F800] =	vst v63  }
0x4e3: {  	_ =	swait.ge [sflag:s8], $0x2000  }
0x4e4: {  	s23 =	sld [smem:$0x7EC]  }
0x4e5: {  	[sflag:s8] =	ssyncset.done $0x0  }
0x4e6: {  	[sflag:s8] =	ssyncadd.s32 $0xFFFFE000  }
0x4e7: {  	[tilespmem:s30], [sflag:$0x2] =	stream.indirect.gather [hbm4b:s4+s28], $0x80, s23, s28, $0xb8;
	[tilespmem:$0x1F800] =	vst v63  }
0x4e8: {  	_ =	swait.ge [sflag:s21], $0x2000  }
0x4e9: {  	s24 =	sld [smem:$0x7EE]  }
0x4ea: {  	[sflag:s21] =	ssyncset.done $0x0  }
0x4eb: {  	[sflag:s21] =	ssyncadd.s32 $0xFFFFE000  }
0x4ec: {  	[spmem:s2] =	stream.indirect.scatter.add.f32 [tilespmem:s0], [sflag:$0x8], $0x80, s24, s28, $0xb8;
	[tilespmem:$0x1F800] =	vst v63  }
0x4ed: {  	_ =	swait.ge [sflag:s9], $0x2000  }
0x4ee: {  	s26 =	sld [smem:$0x7EF]  }
0x4ef: {  	[sflag:s9] =	ssyncset.done $0x0  }
0x4f0: {  	[sflag:s9] =	ssyncadd.s32 $0xFFFFE000  }
0x4f1: {  	[tilespmem:s31], [sflag:$0x3] =	stream.indirect.gather [hbm4b:s4+s28], $0x80, s26, s28, $0xb8;
	[tilespmem:$0x1F800] =	vst v63  }
0x4f2: {  	_ =	swait.ge [sflag:s18], $0x2000  }
0x4f3: {  	s3 =	sld [smem:$0x7F0]  }
0x4f4: {  	[sflag:s18] =	ssyncset.done $0x0  }
0x4f5: {  	[sflag:s18] =	ssyncadd.s32 $0xFFFFE000  }
0x4f6: {  	[spmem:s2] =	stream.indirect.scatter.add.f32 [tilespmem:s29], [sflag:$0x5], $0x80, s3, s28, $0xb8;
	[tilespmem:$0x1F800] =	vst v63  }
0x4f7: {  	_ =	swait.ge [sflag:s10], $0x2000  }
0x4f8: {  	s6 =	sld [smem:$0x7F1]  }
0x4f9: {  	[sflag:s10] =	ssyncset.done $0x0  }
0x4fa: {  	[sflag:s10] =	ssyncadd.s32 $0xFFFFE000  }
0x4fb: {  	[tilespmem:s0], [sflag:$0x4] =	stream.indirect.gather [hbm4b:s4+s28], $0x80, s6, s28, $0xb8;
	[tilespmem:$0x1F800] =	vst v63  }
0x4fc: {  	_ =	swait.ge [sflag:s19], $0x2000  }
0x4fd: {  	s7 =	sld [smem:$0x7F2]  }
0x4fe: {  	[sflag:s19] =	ssyncset.done $0x0  }
0x4ff: {  	[sflag:s19] =	ssyncadd.s32 $0xFFFFE000  }
0x500: {  	[spmem:s2] =	stream.indirect.scatter.add.f32 [tilespmem:s30], [sflag:$0x6], $0x80, s7, s28, $0xb8;
	[tilespmem:$0x1F800] =	vst v63  }
0x501: {  	_ =	swait.ge [sflag:s5], $0x2000  }
0x502: {  	s13 =	sld [smem:$0x7F3]  }
0x503: {  	[sflag:s5] =	ssyncset.done $0x0  }
0x504: {  	[sflag:s5] =	ssyncadd.s32 $0xFFFFE000  }
0x505: {  	[tilespmem:s29], [sflag:$0x1] =	stream.indirect.gather [hbm4b:s4+s28], $0x80, s13, s28, $0xb8;
	[tilespmem:$0x1F800] =	vst v63  }
0x506: {  	_ =	swait.ge [sflag:s20], $0x2000  }
0x507: {  	s14 =	sld [smem:$0x7F4]  }
0x508: {  	[sflag:s20] =	ssyncset.done $0x0  }
0x509: {  	[sflag:s20] =	ssyncadd.s32 $0xFFFFE000  }
0x50a: {  	[spmem:s2] =	stream.indirect.scatter.add.f32 [tilespmem:s31], [sflag:$0x7], $0x80, s14, s28, $0xb8;
	[tilespmem:$0x1F800] =	vst v63  }
0x50b: {  	_ =	swait.ge [sflag:s8], $0x2000  }
0x50c: {  	s22 =	sld [smem:$0x7F5]  }
0x50d: {  	[sflag:s8] =	ssyncset.done $0x0  }
0x50e: {  	[sflag:s8] =	ssyncadd.s32 $0xFFFFE000  }
0x50f: {  	[tilespmem:s30], [sflag:$0x2] =	stream.indirect.gather [hbm4b:s4+s28], $0x80, s22, s28, $0xb8;
	[tilespmem:$0x1F800] =	vst v63  }
0x510: {  	_ =	swait.ge [sflag:s21], $0x2000  }
0x511: {  	s23 =	sld [smem:$0x7F6]  }
0x512: {  	[sflag:s21] =	ssyncset.done $0x0  }
0x513: {  	[sflag:s21] =	ssyncadd.s32 $0xFFFFE000  }
0x514: {  	[spmem:s2] =	stream.indirect.scatter.add.f32 [tilespmem:s0], [sflag:$0x8], $0x80, s23, s28, $0xb8;
	[tilespmem:$0x1F800] =	vst v63  }
0x515: {  	_ =	swait.ge [sflag:s9], $0x2000  }
0x516: {  	s24 =	sld [smem:$0x7F7]  }
0x517: {  	[sflag:s9] =	ssyncset.done $0x0  }
0x518: {  	[sflag:s9] =	ssyncadd.s32 $0xFFFFE000  }
0x519: {  	[tilespmem:s31], [sflag:$0x3] =	stream.indirect.gather [hbm4b:s4+s28], $0x80, s24, s28, $0xb8;
	[tilespmem:$0x1F800] =	vst v63  }
0x51a: {  	_ =	swait.ge [sflag:s18], $0x2000  }
0x51b: {  	s26 =	sld [smem:$0x7F8]  }
0x51c: {  	[sflag:s18] =	ssyncset.done $0x0  }
0x51d: {  	[sflag:s18] =	ssyncadd.s32 $0xFFFFE000  }
0x51e: {  	[spmem:s2] =	stream.indirect.scatter.add.f32 [tilespmem:s29], [sflag:$0x5], $0x80, s26, s28, $0xb8;
	[tilespmem:$0x1F800] =	vst v63  }
0x51f: {  	_ =	swait.ge [sflag:s10], $0x2000  }
0x520: {  	s3 =	sld [smem:$0x7F9]  }
0x521: {  	[sflag:s10] =	ssyncset.done $0x0  }
0x522: {  	[sflag:s10] =	ssyncadd.s32 $0xFFFFE000  }
0x523: {  	[tilespmem:s0], [sflag:$0x4] =	stream.indirect.gather [hbm4b:s4+s28], $0x80, s3, s28, $0xb8;
	[tilespmem:$0x1F800] =	vst v63  }
0x524: {  	_ =	swait.ge [sflag:s19], $0x2000  }
0x525: {  	s6 =	sld [smem:$0x7FA]  }
0x526: {  	[sflag:s19] =	ssyncset.done $0x0  }
0x527: {  	[sflag:s19] =	ssyncadd.s32 $0xFFFFE000  }
0x528: {  	[spmem:s2] =	stream.indirect.scatter.add.f32 [tilespmem:s30], [sflag:$0x6], $0x80, s6, s28, $0xb8;
	[tilespmem:$0x1F800] =	vst v63  }
0x529: {  	_ =	swait.ge [sflag:s20], $0x2000  }
0x52a: {  	s7 =	sld [smem:$0x7FB]  }
0x52b: {  	[sflag:s20] =	ssyncset.done $0x0  }
0x52c: {  	[sflag:s20] =	ssyncadd.s32 $0xFFFFE000  }
0x52d: {  	[spmem:s2] =	stream.indirect.scatter.add.f32 [tilespmem:s31], [sflag:$0x7], $0x80, s7, s28, $0xb8;
	[tilespmem:$0x1F800] =	vst v63  }
0x52e: {  	_ =	swait.ge [sflag:s21], $0x2000  }
0x52f: {  	s13 =	sld [smem:$0x7FC]  }
0x530: {  	[sflag:s21] =	ssyncset.done $0x0  }
0x531: {  	[sflag:s21] =	ssyncadd.s32 $0xFFFFE000  }
0x532: {  	[spmem:s2] =	stream.indirect.scatter.add.f32 [tilespmem:s0], [sflag:$0x8], $0x80, s13, s28, $0xb8;
	[tilespmem:$0x1F800] =	vst v63  }
0x533: {  	_ =	swait.ge [sflag:s5], $0x2000  }
0x534: {  	[sflag:s5] =	ssyncset.done $0x0  }
0x535: {  	[sflag:s5] =	ssyncadd.s32 $0xFFFFE000  }
0x536: {  	_ =	swait.ge [sflag:s8], $0x2000  }
0x537: {  	[sflag:s8] =	ssyncset.done $0x0  }
0x538: {  	[sflag:s8] =	ssyncadd.s32 $0xFFFFE000  }
0x539: {  	_ =	swait.ge [sflag:s9], $0x2000  }
0x53a: {  	[sflag:s9] =	ssyncset.done $0x0  }
0x53b: {  	[sflag:s9] =	ssyncadd.s32 $0xFFFFE000  }
0x53c: {  	_ =	swait.ge [sflag:s10], $0x2000  }
0x53d: {  	[sflag:s10] =	ssyncset.done $0x0  }
0x53e: {  	s1 =	simm.s32 @!p0 $0x9;
	[sflag:s10] =	ssyncadd.s32 $0xFFFFE000  }
0x53f: {  	_ =	swait.ge @!p0 [sflag:s1], $0xA00  }
0x540: {  	[sflag:s1] =	ssyncset.done @!p0 $0x0  }
0x541: {  	s3 =	simm.s32 @!p0 $0xA;
	[sflag:s1] =	ssyncadd.s32 @!p0 $0xFFFFF600  }
0x542: {  	_ =	swait.ge @!p0 [sflag:s3], $0xA00  }
0x543: {  	[sflag:s3] =	ssyncset.done @!p0 $0x0  }
0x544: {  	[sflag:s3] =	ssyncadd.s32 @!p0 $0xFFFFF600  }
0x545: {  	[bflag:$0x0] =	sbarrier.arrive $0xFFFF  }
0x546: {  	s7 =	sld [smem:$0x7FD]  }
0x547: {  	s14 =	stileid.u32;
	s23 =	sld [smem:$0x7E7]  }
0x548: {  	s1 =	sshll.u32 s14, $0x6  }
0x549: {  	s1 =	sor.u32 $0x1C0B, s1;
	s22 =	sshrl.u32 s7, $0x3  }
0x54a: {  	[hbm:s23], [sflag:s1] =	dma.local [spmem:s22], $0x2800  }
0x54b: {  	s23 =	simm.s32 $0xB  }
0x54c: {  	_ =	swait.ge [sflag:s23], $0x2800  }
0x54d: {  	s24 =	sld [smem:$0x7C4]  }
0x54e: {  	s26 =	sld [smem:$0x7E9];
	_ =	sdelay $0x1  }
0x54f: {  	s3 =	sadd.s32 $0x1, s24  }
0x550: {  	p0 =	sne.s32 s3, s26  }
.Ltmp3:
0x551: {  	_ = 	snop;
	(pc) =	sbr.rel @p0 .LBB2_1-.Ltmp3, $3  }
0x552: {  	_ =	sdelay $0x1  }
0x553: {  	s14 =	simm.s32 $0x0;
	s22 =	simm.s32 $0x14000;
	[sflag:s23] =	ssyncset.done $0x0  }
0x554: {  	[sflag:s23] =	ssyncadd.s32 $0xFFFFD800;
	s24 =	simm.s32 $0x15800;
	s26 =	simm.s32 $0x14C00  }
0x555: {  	_ =	sfence.sel $0x180000  }
0x556: {  	[bflag:$0x0] =	sbarrier.arrive $0xFFFF  }
0x557: {  	_ =	strace $0x9000004D  }
0x558: {  	s0 =	stileid.u32;
	[bflag:$0x2] =	sbarrier.arrive $0xFFFF  }
0x559: {  	p0 =	sne.s32 s0, $0x0;
	s0 =	rddreg [dreg:$0x3]  }
0x55a: {  	s0 =	sadd.s32 @!p0 $0x100000, s0  }
0x55b: {  	[sflag:s0] =	ssyncadd.tile.s32 @!p0 $0x1;
	_ =	shalt  }
.Lfunc_end2:
_tile_overlayer_lowered:
.L_overlay_start_2:
0x55c: {  	(tag) =	ssettag $0x2  }
0x55d: {  	s0 =	rddreg [dreg:$0x0];
	s2 =	stileid.u32  }
0x55e: {  	s1 =	rddreg [dreg:$0x1];
	p0 =	sne.s32 s2, $0x0  }
0x55f: {  	s3 =	rddreg [dreg:$0x2];
	[bflag:$0x3] =	sbarrier.arrive $0xFFFF;
	s2 =	simm.s32 @!p0 $0x1C0B  }
0x560: {  	[timem:s3], [sflag:s2] =	dma.local @!p0 [hbm:s0], s1  }
0x561: {  	s0 =	simm.s32 @!p0 $0xB  }
0x562: {  	_ =	swait.ge @!p0 [sflag:s0], s1  }
0x563: {  	s1 =	ssub.s32 @!p0 $0x0, s1;
	[sflag:s0] =	ssyncset.done @!p0 $0x0  }
0x564: {  	[sflag:s0] =	ssyncadd.s32 @!p0 s1  }
0x565: {  	[bflag:$0x3] =	sbarrier.arrive $0xFFFF  }
0x566: {  	_ =	shalt  }

// kernel: kernel.8.cloned.1.call-start
scs
__scs_entry_jumppad:
0x0: {  	(pc) =	sbr.rel $0x88, $3  }
0x1: {  	(tag) =	ssettag $0x0;
	lr =	simm.s32 $0x1  }
0x2: {  	[smem:$0x3F9B] =	sst lr;
	_ =	strace $0xD0000000  }
0x3: {  	_ = 	snop  }
0x4: {  	_ = 	snop  }
0x5: {  	_ = 	snop  }
0x6: {  	_ = 	snop  }
0x7: {  	_ = 	snop  }
__scs_overlays_trampoline_lowered:
0x8: {  	[smem:$0x3FAA] =	sst s0  }
0x9: {  	[smem:$0x3FAB] =	sst s1  }
0xa: {  	[smem:$0x3FAC] =	sst s2  }
0xb: {  	[smem:$0x3FAD] =	sst s3  }
0xc: {  	[smem:$0x3FAE] =	sst s4  }
0xd: {  	[smem:$0x3FAF] =	sst s5  }
0xe: {  	[smem:$0x3FB0] =	sst s6  }
0xf: {  	[smem:$0x3FB1] =	sst s7  }
0x10: {  	[smem:$0x3FB2] =	sst s8  }
0x11: {  	[smem:$0x3FB3] =	sst s9;
	s0 =	simm.s32 @!p0 $0x0  }
0x12: {  	s1 =	sld [smem:$0x3F99];
	s0 =	simm.s32 @p0 $0x1  }
0x13: {  	[smem:$0x3FB4] =	sst s0;
	s0 =	simm.s32 @!p1 $0x0  }
0x14: {  	s2 =	sld [smem:$0x3F98];
	s0 =	simm.s32 @p1 $0x1  }
0x15: {  	[smem:$0x3FB5] =	sst s0;
	s0 =	simm.s32 @!p2 $0x0  }
0x16: {  	s3 =	sld [smem:$0x3FDB];
	s0 =	simm.s32 @p2 $0x1  }
0x17: {  	s4 =	simm.s32 $0x1BF5;
	[smem:$0x3FB7] =	sst s0  }
0x18: {  	s0 =	sld [smem:$0x3F9A];
	_ =	swait.ge [sflag:s4], $0x0  }
0x19: {  	s7 =	sld [smem:$0x3F9B]  }
0x1a: {  	s8 =	sadd.s32 $0xFFFFE003, lr  }
0x1b: {  	s9 =	sadd.s32 $0xFFFFFEF7, lr;
	s5 =	simm.s32 $0xFFFFFFFF;
	p2 =	slt.u32 s8, $0xFFFFF086  }
0x1c: {  	p1 =	slt.u32 s9, $0xF7A;
	s5 =	simm.s32 @!p2 $0x0  }
0x1d: {  	s5 =	simm.s32 @p1 $0x1;
	p0 =	seq.s32 s7, s2  }
0x1e: {  	s7 =	smul.u32 @!p0 $0xF7A, s2;
	p2 =	seq.s32 @!p0 s5, $0x0  }
0x1f: {  	s9 =	smul.u32 $0xF7A, s1;
	s8 =	simm.s32 @!p0 $0x1BF5;
	p2 =	por !p2, p0  }
0x20: {  	[sflag:s8] =	ssyncset.s32 @!p0 $0xFFFFF086;
	s6 =	sadd.s32 @!p0 s3, s7;
	s7 =	simm.s32 @!p0 $0x108  }
0x21: {  	s3 =	sadd.s32 s3, s9;
	s6 =	sadd.s32 @!p0 $0x88, s6;
	s7 =	simm.s32 @p2 $0x1082  }
0x22: {  	[simem:s7], [sflag:s8] =	dma.local @!p0 [hbm:s6], $0xF7A  }
0x23: {  	s9 =	sor.u32 $0xD0000000, s2;
	s6 =	simm.s32 $0x108;
	_ =	swait.ge @!p0 [sflag:s8], $0x0  }
0x24: {  	s3 =	sadd.s32 $0x88, s3;
	s6 =	simm.s32 @!p1 $0x1082;
	[sflag:s4] =	ssyncset.s32 $0xFFFFF086  }
0x25: {  	[simem:s6], [sflag:s4] =	dma.local [hbm:s3], $0xF7A  }
0x26: {  	[smem:$0x3F9B] =	sst s1;
	(tag) =	ssettag s2;
	_ =	strace s9  }
0x27: {  	s1 =	sld [smem:$0x3FAB]  }
0x28: {  	s2 =	sld [smem:$0x3FAC]  }
0x29: {  	s4 =	sld [smem:$0x3FAE]  }
0x2a: {  	p0 =	seq.s32 s5, $0x0;
	s5 =	sld [smem:$0x3FAF]  }
0x2b: {  	s6 =	sld [smem:$0x3FB0]  }
0x2c: {  	s7 =	sld [smem:$0x3FB1]  }
0x2d: {  	s3 =	simm.s32 $0x108;
	s8 =	sld [smem:$0x3FB2]  }
0x2e: {  	s3 =	simm.s32 @!p0 $0x1082;
	s9 =	sld [smem:$0x3FB3]  }
0x2f: {  	lr =	sadd.s32 s0, s3;
	s0 =	sld [smem:$0x3FAA]  }
0x30: {  	s3 =	sld [smem:$0x3FAD]  }
0x31: {  	[smem:$0x3FB6] =	sst s10  }
0x32: {  	s10 =	sld [smem:$0x3FB4];
	_ =	sdelay $0x3  }
0x33: {  	p0 =	seq.s32 s10, $0x1;
	s10 =	sld [smem:$0x3FB6];
	_ =	sdelay $0x3  }
0x34: {  	[smem:$0x3FB6] =	sst s10  }
0x35: {  	s10 =	sld [smem:$0x3FB5];
	_ =	sdelay $0x3  }
0x36: {  	p1 =	seq.s32 s10, $0x1;
	s10 =	sld [smem:$0x3FB6];
	_ =	sdelay $0x3  }
0x37: {  	[smem:$0x3FB6] =	sst s10  }
0x38: {  	s10 =	sld [smem:$0x3FB7]  }
0x39: {  	_ = 	snop;
	(pc) =	sbr.ind lr, $3  }
0x3a: {  	_ = 	snop  }
0x3b: {  	_ = 	snop  }
0x3c: {  	p2 =	seq.s32 s10, $0x1;
	s10 =	sld [smem:$0x3FB6]  }
0x3d: {  	_ =	shalt  }
0x3e: {  	_ =	shalt  }
0x3f: {  	_ =	shalt  }
0x40: {  	_ =	shalt  }
0x41: {  	_ =	shalt  }
0x42: {  	_ =	shalt  }
0x43: {  	_ =	shalt  }
0x44: {  	_ =	shalt  }
0x45: {  	_ =	shalt  }
0x46: {  	_ =	shalt  }
0x47: {  	_ =	shalt  }
0x48: {  	_ =	shalt  }
0x49: {  	_ =	shalt  }
0x4a: {  	_ =	shalt  }
0x4b: {  	_ =	shalt  }
0x4c: {  	_ =	shalt  }
0x4d: {  	_ =	shalt  }
0x4e: {  	_ =	shalt  }
0x4f: {  	_ =	shalt  }
0x50: {  	_ =	shalt  }
0x51: {  	_ =	shalt  }
0x52: {  	_ =	shalt  }
0x53: {  	_ =	shalt  }
0x54: {  	_ =	shalt  }
0x55: {  	_ =	shalt  }
0x56: {  	_ =	shalt  }
0x57: {  	_ =	shalt  }
0x58: {  	_ =	shalt  }
0x59: {  	_ =	shalt  }
0x5a: {  	_ =	shalt  }
0x5b: {  	_ =	shalt  }
0x5c: {  	_ =	shalt  }
0x5d: {  	_ =	shalt  }
0x5e: {  	_ =	shalt  }
0x5f: {  	_ =	shalt  }
0x60: {  	_ =	shalt  }
0x61: {  	_ =	shalt  }
0x62: {  	_ =	shalt  }
0x63: {  	_ =	shalt  }
0x64: {  	_ =	shalt  }
0x65: {  	_ =	shalt  }
0x66: {  	_ =	shalt  }
0x67: {  	_ =	shalt  }
0x68: {  	_ =	shalt  }
0x69: {  	_ =	shalt  }
0x6a: {  	_ =	shalt  }
0x6b: {  	_ =	shalt  }
0x6c: {  	_ =	shalt  }
0x6d: {  	_ =	shalt  }
0x6e: {  	_ =	shalt  }
0x6f: {  	_ =	shalt  }
0x70: {  	_ =	shalt  }
0x71: {  	_ =	shalt  }
0x72: {  	_ =	shalt  }
0x73: {  	_ =	shalt  }
0x74: {  	_ =	shalt  }
0x75: {  	_ =	shalt  }
0x76: {  	_ =	shalt  }
0x77: {  	_ =	shalt  }
0x78: {  	_ =	shalt  }
0x79: {  	_ =	shalt  }
0x7a: {  	_ =	shalt  }
0x7b: {  	_ =	shalt  }
0x7c: {  	_ =	shalt  }
0x7d: {  	_ =	shalt  }
0x7e: {  	_ =	shalt  }
0x7f: {  	_ =	shalt  }
0x80: {  	_ =	shalt  }
0x81: {  	_ =	shalt  }
0x82: {  	_ =	shalt  }
0x83: {  	_ =	shalt  }
0x84: {  	_ =	shalt  }
0x85: {  	_ =	shalt  }
0x86: {  	_ =	shalt  }
0x87: {  	_ =	shalt  }
.Lfunc_end0:
.L_simem_size_0:
called_computation_lowered:
.L_overlay_start_0:
0x88: {  	s2 =	sld [smem:$0x3FD9]  }
0x89: {  	s3 =	sld [smem:$0x3FFE];
	_ =	sdelay $0x1  }
0x8a: {  	s1 =	srdreg.scid  }
0x8b: {  	s0 =	sand.u32 $0x1, s1  }
0x8c: {  	s16 =	sshll.u32 s0, $0xA;
	s2 =	sadd.s32 s3, s2  }
0x8d: {  	s2 =	sadd.s32 s2, s16  }
0x8e: {  	[smem:$0x3FC2] =	sst s2  }
0x8f: {  	_ = 	snop  }
0x90: {  	(tm) =	ssettm $0x1  }
0x91: {  	s17 =	sld [smem:$0x3FFB];
	_ =	sdelay $0x3  }
0x92: {  	_ =	strace s17  }
0x93: {  	s2 =	sld [smem:$0x3FFC];
	_ =	sdelay $0x3  }
0x94: {  	_ =	strace s2  }
0x95: {  	s2 =	sld [smem:$0x3FFD];
	_ =	sdelay $0x3  }
0x96: {  	_ =	strace s2  }
0x97: {  	_ =	strace $0x8FFFFFFF  }
0x98: {  	s18 =	sld [smem:$0x3FDB];
	_ =	sdelay $0x1  }
0x99: {  	s19 =	simm.s32 $_scs_section_size  }
0x9a: {  	s4 =	simm.s32 $_size__tile_overlayer_lowered;
	s5 =	simm.s32 $_tile_overlayer_lowered  }
0x9b: {  	s22 =	simm.s32 $0x1BFF;
	s21 =	sshll.u32 s5, $0x1;
	s2 =	sadd.s32 s19, s18  }
0x9c: {  	s6 =	simm.s32 $0x0;
	s20 =	sshll.u32 s4, $0x1;
	s4 =	sadd.s32 s21, s2  }
0x9d: {  	[timem:s6], [sflag:s22] =	dma.local [hbm:s4], s20  }
0x9e: {  	_ =	swait.ge [sflag:s22], s20  }
0x9f: {  	s3 =	ssub.s32 $0x0, s20;
	[sflag:s22] =	ssyncset.done $0x0  }
0xa0: {  	[sflag:s22] =	ssyncadd.s32 s3;
	_ =	sdelay $0x1  }
0xa1: {  	s23 =	simm.s32 $0x1B8B  }
0xa2: {  	_ =	swait.ge [sflag:s23], $0x1  }
0xa3: {  	[sflag:s23] =	ssyncset.done $0x0  }
0xa4: {  	s25 =	simm.s32 $0x1B8E;
	s24 =	sld [smem:$0x3FFE];
	[sflag:s23] =	ssyncadd.s32 $0xFFFFFFFF  }
0xa5: {  	s26 =	simm.s32 $execute0_lowered;
	[smem:$0x3FD2] =	sst s25  }
0xa6: {  	s4 =	sshll.u32 s26, $0x1;
	_ =	strace $0x80000046;
	[dreg:$0x1] =	wrdreg $0xFFFFFFFF  }
0xa7: {  	s28 =	simm.s32 $_size_execute0_lowered;
	s2 =	sadd.s32 s2, s4;
	[dreg:$0x0] =	wrdreg $0x0  }
0xa8: {  	s4 =	sshll.u32 s28, $0x1;
	[dreg:$0x2] =	wrdreg s2  }
0xa9: {  	[dreg:$0x3] =	wrdreg s4  }
0xaa: {  	[dreg:$0x4] =	wrdreg $0xC0  }
0xab: {  	_ =	task [dreg:s6], $0x5FFFF  }
0xac: {  	[dreg:$0x1] =	wrdreg $0xFFFFFFFF  }
0xad: {  	[dreg:$0x0] =	wrdreg $0x60  }
0xae: {  	[dreg:$0x2] =	wrdreg s24  }
0xaf: {  	[dreg:$0x3] =	wrdreg $0x0  }
0xb0: {  	[dreg:$0x4] =	wrdreg $0x9  }
0xb1: {  	_ =	task.clear_ibuf [dreg:s6], $0x5FFFF;
	_ =	strace $0x90000046  }
0xb2: {  	s29 =	simm.s32 $0x9;
	_ =	strace $0x80000048  }
0xb3: {  	_ =	swait.ge [sflag:s29], $0x1  }
0xb4: {  	[sflag:s29] =	ssyncadd.s32 $0xFFFFFFFF  }
0xb5: {  	_ =	strace $0x90000048  }
0xb6: {  	_ =	sfence  }
0xb7: {  	s30 =	sld [smem:$0x0];
	_ =	sdelay $0x2  }
0xb8: {  	s31 =	sshll.u32 s1, $0xD;
	s1 =	sshrl.u32 s1, $0x2  }
0xb9: {  	s3 =	sand.u32 $0x4000, s31;
	s1 =	sadd.s32 s1, s30  }
0xba: {  	s0 =	sor.u32 s3, s0;
	s1 =	sshll.u32 s1, $0x11  }
0xbb: {  	s0 =	sor.u32 s1, s0  }
0xbc: {  	s0 =	sadd.s32 $0x8F2B, s0  }
0xbd: {  	[sflag:s0] =	ssyncadd.remote.s32 $0x1  }
0xbe: {  	_ =	sfence.sel $0xFFFF  }
0xbf: {  	[dreg:$0x0] =	wrdreg $0xFFFFFFFF;
	(pc) =	sbr.abs _section_cstart, $3  }
0xc0: {  	[dreg:$0x1] =	wrdreg $0xFFFFFFFF  }
0xc1: {  	_ =	task.clear_ibuf [dreg:s6], $0x2FFFF;
	_ =	strace $0x9FFFFFFF  }
0xc2: {  	(tm) =	ssettm $0x7FFFFFFF  }
0xc3: {  	_ =	shalt  }
tec
execute0_lowered:
.L_overlay_start_1:
0x0: {  	(tag) =	ssettag $0x1  }
0x1: {  	s4 =	rddreg [dreg:$0x0]  }
0x2: {  	s2 =	rddreg [dreg:$0x1];
	s3 =	srdreg.scid  }
0x3: {  	s0 =	rddreg [dreg:$0x2];
	s1 =	stileid.u32;
	s10 =	simm.s32 $0x2B00  }
0x4: {  	s11 =	simm.s32 $0x80;
	s12 =	simm.s32 $0x2A80;
	s13 =	simm.s32 $0x300  }
0x5: {  	s14 =	simm.s32 $0x380;
	s15 =	simm.s32 $0x400;
	s16 =	simm.s32 $0x1  }
0x6: {  	s17 =	simm.s32 $0x2;
	s18 =	simm.s32 $0x3;
	s19 =	simm.s32 $0x4  }
0x7: {  	s22 =	simm.s32 $0x20;
	s23 =	simm.s32 $0x10;
	s24 =	simm.s32 $0x0  }
0x8: {  	s5 =	sand.u32 $0x1, s3;
	s3 =	simm.s32 $0x0;
	s7 =	smul.u32 $0x500, s1  }
0x9: {  	s29 =	smul.u32 $0xA00, s1;
	s20 =	sshll.u32 s1, $0x6;
	s6 =	sshll.u32 s5, $0x4  }
0xa: {  	[smem:$0x7FF] =	sst s3;
	s8 =	sshll.u32 s5, $0x7;
	s5 =	ssub.s32 $0x2, s5  }
0xb: {  	s20 =	sor.u32 $0x1C05, s20;
	s6 =	sor.u32 s1, s6;
	_ =	strace $0x80000047  }
0xc: {  	s7 =	sor.u32 s8, s7;
	s30 =	sshrl.u32 s5, $0x1;
	s6 =	smul.u32 $0x500, s6  }
0xd: {  	s31 =	sshrl.u32 s29, $0x2;
	s8 =	simm.s32 $0x280;
	s7 =	sshrl.u32 s7, $0x3  }
0xe: {  	s9 =	ssub.s32 s5, s30;
	s5 =	sadd.s32 s31, s2;
	s6 =	sadd.s32 s6, s4  }
0xf: {  	s7 =	sadd.s32 s7, s4;
	s21 =	sshrl.u32 s5, $0x3;
	s4 =	sadd.s32 $0x3200, s6  }
0x10: {  	v0 =	vimm.f32 $0.0e+00;
	v1 =	vimm.f32 $1.000000000e+00;
	s6 =	sadd.s32 $0xD200, s7;
	s7 =	smax.u32 s9, $0x1;
	s9 =	simm.s32 $0x5  }
.LBB2_1:
0x11: {  	[tilespmem:$0x2B00] =	vst v0  }
0x12: {  	[tilespmem:$0x2B10] =	vst v0  }
0x13: {  	[tilespmem:$0x2B20] =	vst v0  }
0x14: {  	[tilespmem:$0x2B30] =	vst v0  }
0x15: {  	[tilespmem:$0x2B40] =	vst v0  }
0x16: {  	[tilespmem:$0x2B50] =	vst v0  }
0x17: {  	[tilespmem:$0x2B60] =	vst v0  }
0x18: {  	[tilespmem:$0x2B70] =	vst v0  }
0x19: {  	[tilespmem:$0x2B80] =	vst v0  }
0x1a: {  	[tilespmem:$0x2B90] =	vst v0  }
0x1b: {  	[tilespmem:$0x2BA0] =	vst v0  }
0x1c: {  	[tilespmem:$0x2BB0] =	vst v0  }
0x1d: {  	[tilespmem:$0x2BC0] =	vst v0  }
0x1e: {  	[tilespmem:$0x2BD0] =	vst v0  }
0x1f: {  	[tilespmem:$0x2BE0] =	vst v0  }
0x20: {  	[tilespmem:$0x2BF0] =	vst v0  }
0x21: {  	[tilespmem:$0x2C00] =	vst v0  }
0x22: {  	[tilespmem:$0x2C10] =	vst v0  }
0x23: {  	[tilespmem:$0x2C20] =	vst v0  }
0x24: {  	[tilespmem:$0x2C30] =	vst v0  }
0x25: {  	[tilespmem:$0x2C40] =	vst v0  }
0x26: {  	[tilespmem:$0x2C50] =	vst v0  }
0x27: {  	[tilespmem:$0x2C60] =	vst v0  }
0x28: {  	[tilespmem:$0x2C70] =	vst v0  }
0x29: {  	[tilespmem:$0x2C80] =	vst v0  }
0x2a: {  	[tilespmem:$0x2C90] =	vst v0  }
0x2b: {  	[tilespmem:$0x2CA0] =	vst v0  }
0x2c: {  	[tilespmem:$0x2CB0] =	vst v0  }
0x2d: {  	[tilespmem:$0x2CC0] =	vst v0  }
0x2e: {  	[tilespmem:$0x2CD0] =	vst v0  }
0x2f: {  	[tilespmem:$0x2CE0] =	vst v0  }
0x30: {  	[tilespmem:$0x2CF0] =	vst v0  }
0x31: {  	[tilespmem:$0x2D00] =	vst v0  }
0x32: {  	[tilespmem:$0x2D10] =	vst v0  }
0x33: {  	[tilespmem:$0x2D20] =	vst v0  }
0x34: {  	[tilespmem:$0x2D30] =	vst v0  }
0x35: {  	[tilespmem:$0x2D40] =	vst v0  }
0x36: {  	[tilespmem:$0x2D50] =	vst v0  }
0x37: {  	[tilespmem:$0x2D60] =	vst v0  }
0x38: {  	[tilespmem:$0x2D70] =	vst v0  }
0x39: {  	[tilespmem:$0x2A80] =	vst v1  }
0x3a: {  	[tilespmem:$0x2A90] =	vst v1  }
0x3b: {  	[tilespmem:$0x2AA0] =	vst v1  }
0x3c: {  	[tilespmem:$0x2AB0] =	vst v1  }
0x3d: {  	[tilespmem:$0x2AC0] =	vst v1  }
0x3e: {  	[tilespmem:$0x2AD0] =	vst v1  }
0x3f: {  	[tilespmem:$0x2AE0] =	vst v1  }
0x40: {  	[tilespmem:$0x2AF0] =	vst v1  }
0x41: {  	[tilespmem:s8], [sflag:$0x5] =	stream.linear.gather [hbm4b:s4+s3], $0x2800, $0x38;
	[tilespmem:$0x2D80] =	vst v63  }
0x42: {  	_ =	swait.ge [sflag:s9], $0x2800  }
0x43: {  	[sflag:s9] =	ssyncset.done $0x0  }
0x44: {  	[sflag:s9] =	ssyncadd.s32 $0xFFFFD800  }
0x45: {  	[spmem:s5] =	stream.linear.scatter [tilespmem:s10], [sflag:$0x5], $0x280, $0x38;
	[tilespmem:$0x2D80] =	vst v63  }
0x46: {  	_ =	swait.ge [sflag:s9], $0x280  }
0x47: {  	[sflag:s9] =	ssyncset.done $0x0  }
0x48: {  	[sflag:s9] =	ssyncadd.s32 $0xFFFFFD80  }
0x49: {  	[bflag:$0x0] =	sbarrier.arrive $0xFFFF  }
0x4a: {  	[spmem:s2] =	stream.indirect.scatter.add.f32 [tilespmem:s12], [sflag:$0x1], $0x1, s8, s11, $0xb8;
	[tilespmem:$0x2D80] =	vst v63  }
0x4b: {  	_ = 	snop  }
0x4c: {  	[spmem:s2] =	stream.indirect.scatter.add.f32 [tilespmem:s12], [sflag:$0x2], $0x1, s13, s11, $0xb8;
	[tilespmem:$0x2D80] =	vst v63  }
0x4d: {  	_ = 	snop  }
0x4e: {  	[spmem:s2] =	stream.indirect.scatter.add.f32 [tilespmem:s12], [sflag:$0x3], $0x1, s14, s11, $0xb8;
	[tilespmem:$0x2D80] =	vst v63  }
0x4f: {  	_ = 	snop  }
0x50: {  	[spmem:s2] =	stream.indirect.scatter.add.f32 [tilespmem:s12], [sflag:$0x4], $0x1, s15, s11, $0xb8;
	[tilespmem:$0x2D80] =	vst v63  }
0x51: {  	_ =	swait.ge [sflag:s16], $0x80  }
0x52: {  	[sflag:s16] =	ssyncset.done $0x0  }
0x53: {  	s25 =	simm.s32 $0x480;
	[sflag:s16] =	ssyncadd.s32 $0xFFFFFF80  }
0x54: {  	[spmem:s2] =	stream.indirect.scatter.add.f32 [tilespmem:s12], [sflag:$0x1], $0x1, s25, s11, $0xb8;
	[tilespmem:$0x2D80] =	vst v63  }
0x55: {  	_ =	swait.ge [sflag:s17], $0x80  }
0x56: {  	[sflag:s17] =	ssyncset.done $0x0  }
0x57: {  	s30 =	simm.s32 $0x500;
	[sflag:s17] =	ssyncadd.s32 $0xFFFFFF80  }
0x58: {  	[spmem:s2] =	stream.indirect.scatter.add.f32 [tilespmem:s12], [sflag:$0x2], $0x1, s30, s11, $0xb8;
	[tilespmem:$0x2D80] =	vst v63  }
0x59: {  	_ =	swait.ge [sflag:s18], $0x80  }
0x5a: {  	[sflag:s18] =	ssyncset.done $0x0  }
0x5b: {  	s31 =	simm.s32 $0x580;
	[sflag:s18] =	ssyncadd.s32 $0xFFFFFF80  }
0x5c: {  	[spmem:s2] =	stream.indirect.scatter.add.f32 [tilespmem:s12], [sflag:$0x3], $0x1, s31, s11, $0xb8;
	[tilespmem:$0x2D80] =	vst v63  }
0x5d: {  	_ =	swait.ge [sflag:s19], $0x80  }
0x5e: {  	[sflag:s19] =	ssyncset.done $0x0  }
0x5f: {  	s26 =	simm.s32 $0x600;
	s25 =	simm.s32 $0xFFFF7000;
	[sflag:s19] =	ssyncadd.s32 $0xFFFFFF80  }
.LBB2_2:
0x60: {  	[spmem:s2] =	stream.indirect.scatter.add.f32 [tilespmem:s12], [sflag:$0x4], $0x1, s26, s11, $0xb8;
	[tilespmem:$0x2D80] =	vst v63  }
0x61: {  	s26 =	smov.u32 s25  }
0x62: {  	p0 =	sne.s32 s25, $0xFFFFF800;
	s25 =	sadd.s32 $0x800, s25;
	_ =	swait.ge [sflag:s16], $0x80  }
0x63: {  	s26 =	sshra.s32 s26, $0x2;
	[sflag:s16] =	ssyncset.done $0x0  }
0x64: {  	s28 =	sadd.s32 $0x2A80, s26;
	[sflag:s16] =	ssyncadd.s32 $0xFFFFFF80  }
0x65: {  	[spmem:s2] =	stream.indirect.scatter.add.f32 [tilespmem:s12], [sflag:$0x1], $0x1, s28, s11, $0xb8;
	[tilespmem:$0x2D80] =	vst v63  }
0x66: {  	_ =	swait.ge [sflag:s17], $0x80  }
0x67: {  	[sflag:s17] =	ssyncset.done $0x0  }
0x68: {  	s28 =	sadd.s32 $0x2B00, s26;
	[sflag:s17] =	ssyncadd.s32 $0xFFFFFF80  }
0x69: {  	[spmem:s2] =	stream.indirect.scatter.add.f32 [tilespmem:s12], [sflag:$0x2], $0x1, s28, s11, $0xb8;
	[tilespmem:$0x2D80] =	vst v63  }
0x6a: {  	_ =	swait.ge [sflag:s18], $0x80  }
0x6b: {  	[sflag:s18] =	ssyncset.done $0x0  }
.Ltmp0:
0x6c: {  	s28 =	sadd.s32 $0x2B80, s26;
	[sflag:s18] =	ssyncadd.s32 $0xFFFFFF80;
	(pc) =	sbr.rel @p0 .LBB2_2-.Ltmp0, $4  }
0x6d: {  	[spmem:s2] =	stream.indirect.scatter.add.f32 [tilespmem:s12], [sflag:$0x3], $0x1, s28, s11, $0xb8;
	[tilespmem:$0x2D80] =	vst v63  }
0x6e: {  	_ =	swait.ge [sflag:s19], $0x80  }
0x6f: {  	[sflag:s19] =	ssyncset.done $0x0  }
0x70: {  	s26 =	sadd.s32 $0x2C00, s26;
	[sflag:s19] =	ssyncadd.s32 $0xFFFFFF80  }
0x71: {  	[spmem:s2] =	stream.indirect.scatter.add.f32 [tilespmem:s12], [sflag:$0x4], $0x1, s26, s11, $0xb8;
	[tilespmem:$0x2D80] =	vst v63  }
0x72: {  	_ =	swait.ge [sflag:s16], $0x80  }
0x73: {  	[sflag:s16] =	ssyncset.done $0x0  }
0x74: {  	[sflag:s16] =	ssyncadd.s32 $0xFFFFFF80  }
0x75: {  	_ =	swait.ge [sflag:s17], $0x80  }
0x76: {  	[sflag:s17] =	ssyncset.done $0x0  }
0x77: {  	[sflag:s17] =	ssyncadd.s32 $0xFFFFFF80  }
0x78: {  	_ =	swait.ge [sflag:s18], $0x80  }
0x79: {  	[sflag:s18] =	ssyncset.done $0x0  }
0x7a: {  	[sflag:s18] =	ssyncadd.s32 $0xFFFFFF80  }
0x7b: {  	_ =	swait.ge [sflag:s19], $0x80  }
0x7c: {  	s24 =	sadd.s32 $0x1, s24;
	[sflag:s19] =	ssyncset.done $0x0  }
0x7d: {  	p0 =	sne.s32 s24, s7;
	[sflag:s19] =	ssyncadd.s32 $0xFFFFFF80  }
.Ltmp1:
0x7e: {  	[bflag:$0x0] =	sbarrier.arrive $0xFFFF;
	(pc) =	sbr.rel @p0 .LBB2_1-.Ltmp1, $4  }
0x7f: {  	[hbm:s6@s22], [sflag:s20] =	dma.strided [spmem:s21@s23], $0x50, s16, $0x10   }
0x80: {  	_ =	swait.ge [sflag:s9], $0x50  }
0x81: {  	[sflag:s9] =	ssyncset.done $0x0  }
0x82: {  	[sflag:s9] =	ssyncadd.s32 $0xFFFFFFB0  }
0x83: {  	_ =	sfence.sel $0x180000  }
0x84: {  	[bflag:$0x0] =	sbarrier.arrive $0xFFFF  }
0x85: {  	p0 =	sne.s32 s1, $0x0;
	_ =	strace $0x90000047  }
0x86: {  	s0 =	sadd.s32 @!p0 $0x100000, s0;
	[bflag:$0x2] =	sbarrier.arrive $0xFFFF  }
0x87: {  	[sflag:s0] =	ssyncadd.tile.s32 @!p0 $0x1;
	_ =	shalt  }
.Lfunc_end2:
_tile_overlayer_lowered:
.L_overlay_start_2:
0x88: {  	(tag) =	ssettag $0x2  }
0x89: {  	s0 =	rddreg [dreg:$0x0];
	s2 =	stileid.u32  }
0x8a: {  	s1 =	rddreg [dreg:$0x1];
	p0 =	sne.s32 s2, $0x0  }
0x8b: {  	s3 =	rddreg [dreg:$0x2];
	[bflag:$0x3] =	sbarrier.arrive $0xFFFF;
	s2 =	simm.s32 @!p0 $0x1C05  }
0x8c: {  	[timem:s3], [sflag:s2] =	dma.local @!p0 [hbm:s0], s1  }
0x8d: {  	s0 =	simm.s32 @!p0 $0x5  }
0x8e: {  	_ =	swait.ge @!p0 [sflag:s0], s1  }
0x8f: {  	s1 =	ssub.s32 @!p0 $0x0, s1;
	[sflag:s0] =	ssyncset.done @!p0 $0x0  }
0x90: {  	[sflag:s0] =	ssyncadd.s32 @!p0 s1  }
0x91: {  	[bflag:$0x3] =	sbarrier.arrive $0xFFFF  }
0x92: {  	_ =	shalt  }

</sc_bundles>
